<compile_context>
chip_gen: v7x
topology: tpu7x:2x2x1
jax: 0.10.2.dev20260603
libtpu: 0.0.44.dev20260713+nightly
codegen_flags: <defaults>
</compile_context>

<pallas_src>
import jax
import jax.numpy as jnp
from jax import lax
from jax.experimental import pallas as pl
from jax.experimental.pallas import tpu as pltpu
from jax.experimental.pallas import tpu_sc as plsc

NUM_CORES = 2
NUM_SUBCORES = 16
NUM_WORKERS = NUM_CORES * NUM_SUBCORES

BATCH = 16384
SEQ = 50
SEQ_PAD = 56
DIM = 64
DIM_PAD = 128
ROWS_PER_WORKER = BATCH // NUM_WORKERS
CHUNK_ROWS = 8
CHUNK = CHUNK_ROWS * SEQ
NCHUNK = ROWS_PER_WORKER // CHUNK_ROWS
NBUF = 4


def _make_kernel():
    mesh = plsc.VectorSubcoreMesh(
        core_axis_name="c", subcore_axis_name="s")

    @pl.kernel(
        out_type=jax.ShapeDtypeStruct((BATCH, SEQ_PAD, DIM_PAD), jnp.float32),
        mesh=mesh,
        scratch_types=(
            [pltpu.VMEM((CHUNK,), jnp.int32) for _ in range(NBUF)]
            + [pltpu.VMEM((CHUNK, DIM), jnp.float32) for _ in range(NBUF)]
            + [pltpu.SemaphoreType.DMA for _ in range(2 * NBUF)]
        ),
        compiler_params=pltpu.CompilerParams(use_tc_tiling_on_sc=False),
    )
    def emb_kernel(table_hbm, idx_hbm, out_hbm, *bufs):
        idxs = bufs[:NBUF]
        rows = bufs[NBUF:2 * NBUF]
        gsem = bufs[2 * NBUF:3 * NBUF]
        osem = bufs[3 * NBUF:4 * NBUF]
        wid = lax.axis_index("s") * NUM_CORES + lax.axis_index("c")
        wrow = wid * ROWS_PER_WORKER
        wbase = wrow * SEQ

        def store_chunk(b, brow):
            for k in range(CHUNK_ROWS):
                pltpu.async_copy(
                    rows[b].at[pl.ds(k * SEQ, SEQ)],
                    out_hbm.at[brow + k, pl.ds(0, SEQ), pl.ds(0, DIM)],
                    osem[b])

        def wait_store(b):
            for k in range(CHUNK_ROWS):
                pltpu.make_async_copy(
                    rows[b].at[pl.ds(k * SEQ, SEQ)],
                    out_hbm.at[0, pl.ds(0, SEQ), pl.ds(0, DIM)],
                    osem[b]).wait()

        for b in range(NBUF):
            pltpu.sync_copy(idx_hbm.at[pl.ds(wbase + b * CHUNK, CHUNK)], idxs[b])
            pltpu.async_copy(table_hbm.at[idxs[b]], rows[b], gsem[b])

        @pl.loop(0, NCHUNK - NBUF, step=NBUF)
        def _steady(g):
            for b in range(NBUF):
                base = wbase + (g + b) * CHUNK
                brow = wrow + (g + b) * CHUNK_ROWS
                pltpu.make_async_copy(table_hbm.at[idxs[b]], rows[b], gsem[b]).wait()
                store_chunk(b, brow)
                pltpu.sync_copy(
                    idx_hbm.at[pl.ds(base + NBUF * CHUNK, CHUNK)], idxs[b])
                wait_store(b)
                pltpu.async_copy(table_hbm.at[idxs[b]], rows[b], gsem[b])

        for b in range(NBUF):
            brow = wrow + (NCHUNK - NBUF + b) * CHUNK_ROWS
            pltpu.make_async_copy(table_hbm.at[idxs[b]], rows[b], gsem[b]).wait()
            store_chunk(b, brow)
        for b in range(NBUF):
            wait_store(b)

    return emb_kernel


_emb_kernel = _make_kernel()


@jax.jit
def kernel(token_ids, embedding_mat):
    idx_flat = token_ids.reshape(-1).astype(jnp.int32)
    padded = _emb_kernel(embedding_mat, idx_flat)
    return padded[:, :SEQ, :DIM]

# --- scband reference (transcript-rebuilt; emitter-appended) ---
"""Pipeline reference for scband-embedding-90314572301135 (READ-ONLY COPY).

The authoritative reference and input builder live on the scoring server;
editing this copy changes nothing except your own understanding.
"""

import jax, jax.numpy as jnp
import numpy as np

NUM_EMBEDDINGS = 1000000
EMBEDDING_DIM = 64

def setup_inputs(seed: int = 0) -> dict:
    key = jax.random.key(seed)
    k_idx, k_tab = jax.random.split(key)
    token_ids = jax.random.randint(k_idx, (16384, 50), 0, NUM_EMBEDDINGS, dtype=jnp.int64 if jax.config.jax_enable_x64 else jnp.int32)
    # truncated-normal init like torch.nn.init.trunc_normal_ (std=1, trunc at +-2)
    embedding_mat = jax.random.truncated_normal(k_tab, -2.0, 2.0, (NUM_EMBEDDINGS, EMBEDDING_DIM), dtype=jnp.float32)
    return {"token_ids": token_ids, "embedding_mat": embedding_mat}

def reference(token_ids, embedding_mat):
    # Faithful translation of: self.embedding_mat[token_ids]
    return jnp.take(embedding_mat, token_ids, axis=0)

if __name__ == "__main__":
    import jax
    _d = setup_inputs()
    print(jax.jit(kernel)(*tuple(_d.values())))

</pallas_src>

<mosaic_0001>
#map = affine_map<(d0, d1) -> (0, 0)>
#map1 = affine_map<(d0, d1) -> (0)>
#map2 = affine_map<(d0, d1) -> (0, 0, 0)>
module attributes {stable_mosaic.version = 14 : i64} {
  func.func @emb_kernel(%arg0: i32, %arg1: i32, %arg2: memref<1000000x64xf32, #tpu.memory_space<hbm>>, %arg3: memref<819200xi32, #tpu.memory_space<hbm>>, %arg4: memref<16384x56x128xf32, #tpu.memory_space<hbm>>, %arg5: memref<400xi32, #tpu.memory_space<vmem>>, %arg6: memref<400xi32, #tpu.memory_space<vmem>>, %arg7: memref<400xi32, #tpu.memory_space<vmem>>, %arg8: memref<400xi32, #tpu.memory_space<vmem>>, %arg9: memref<400x64xf32, #tpu.memory_space<vmem>>, %arg10: memref<400x64xf32, #tpu.memory_space<vmem>>, %arg11: memref<400x64xf32, #tpu.memory_space<vmem>>, %arg12: memref<400x64xf32, #tpu.memory_space<vmem>>, %arg13: memref<!tpu.dma_semaphore, #tpu.memory_space<semaphore_mem>>, %arg14: memref<!tpu.dma_semaphore, #tpu.memory_space<semaphore_mem>>, %arg15: memref<!tpu.dma_semaphore, #tpu.memory_space<semaphore_mem>>, %arg16: memref<!tpu.dma_semaphore, #tpu.memory_space<semaphore_mem>>, %arg17: memref<!tpu.dma_semaphore, #tpu.memory_space<semaphore_mem>>, %arg18: memref<!tpu.dma_semaphore, #tpu.memory_space<semaphore_mem>>, %arg19: memref<!tpu.dma_semaphore, #tpu.memory_space<semaphore_mem>>, %arg20: memref<!tpu.dma_semaphore, #tpu.memory_space<semaphore_mem>>) attributes {dimension_semantics = [#tpu.dimension_semantics<core_parallel>, #tpu.dimension_semantics<subcore_parallel>], iteration_bounds = array<i64: 2, 16>, scalar_prefetch = 0 : i64, scratch_operands = 16 : i64, tpu.core_type = #tpu.core_type<sc_vector_subcore>, window_params = [{transform_indices = #map}, {transform_indices = #map1}, {transform_indices = #map2}]} {
    %mul3A = arith.constant 2 : i32
    %mul3A_0 = arith.muli %arg1, %mul3A : i32
    %add3A = arith.addi %mul3A_0, %arg0 : i32
    %mul3A_1 = arith.constant 512 : i32
    %mul3A_2 = arith.muli %add3A, %mul3A_1 : i32
    %mul3A_3 = arith.constant 50 : i32
    %mul3A_4 = arith.muli %mul3A_2, %mul3A_3 : i32
    %add3A_5 = arith.constant 0 : i32
    %add3A_6 = arith.addi %mul3A_4, %add3A_5 : i32
    "tpu.region"() ({
      %run_scoped3A = tpu.sem_alloc : memref<!tpu.dma_semaphore, #tpu.memory_space<semaphore_mem>>
      %dma_start3A_1039 = tpu.memref_slice %arg3[%add3A_6] : memref<819200xi32, #tpu.memory_space<hbm>> -> memref<400xi32, #tpu.memory_space<hbm>>
      %dma_start3A_1040 = tpu.memref_slice %arg3[%add3A_6] : memref<819200xi32, #tpu.memory_space<hbm>> -> memref<400xi32, #tpu.memory_space<hbm>>
      tpu.enqueue_dma source(%dma_start3A_1040 : memref<400xi32, #tpu.memory_space<hbm>>) target(%arg5 : memref<400xi32, #tpu.memory_space<vmem>>) target_semaphore(%run_scoped3A : memref<!tpu.dma_semaphore, #tpu.memory_space<semaphore_mem>>)
      %dma_wait3A_1041 = tpu.memref_slice %arg3[%add3A_6] : memref<819200xi32, #tpu.memory_space<hbm>> -> memref<400xi32, #tpu.memory_space<hbm>>
      %dma_wait3A_1042 = tpu.memref_slice %arg3[%add3A_6] : memref<819200xi32, #tpu.memory_space<hbm>> -> memref<400xi32, #tpu.memory_space<hbm>>
      tpu.wait_dma2 semaphore(%run_scoped3A : memref<!tpu.dma_semaphore, #tpu.memory_space<semaphore_mem>>) src(%dma_wait3A_1042 : memref<400xi32, #tpu.memory_space<hbm>>) dst(%arg5 : memref<400xi32, #tpu.memory_space<vmem>>)
      tpu.yield
    }) : () -> ()
    %dma_start3A = arith.constant 0 : i32
    %dma_start3A_7 = arith.constant 0 : i32
    %dma_start3A_8 = tpu.memref_slice %arg2[%dma_start3A, %dma_start3A_7] : memref<1000000x64xf32, #tpu.memory_space<hbm>> -> memref<1000000x64xf32, #tpu.memory_space<hbm>>
    tpu.enqueue_indirect_dma source(%dma_start3A_8 : memref<1000000x64xf32, #tpu.memory_space<hbm>>) target(%arg9 : memref<400x64xf32, #tpu.memory_space<vmem>>) offsets(%arg5 : memref<400xi32, #tpu.memory_space<vmem>>) semaphore(%arg13 : memref<!tpu.dma_semaphore, #tpu.memory_space<semaphore_mem>>)
    %add3A_9 = arith.constant 400 : i32
    %add3A_10 = arith.addi %mul3A_4, %add3A_9 : i32
    "tpu.region"() ({
      %run_scoped3A = tpu.sem_alloc : memref<!tpu.dma_semaphore, #tpu.memory_space<semaphore_mem>>
      %dma_start3A_1039 = tpu.memref_slice %arg3[%add3A_10] : memref<819200xi32, #tpu.memory_space<hbm>> -> memref<400xi32, #tpu.memory_space<hbm>>
      %dma_start3A_1040 = tpu.memref_slice %arg3[%add3A_10] : memref<819200xi32, #tpu.memory_space<hbm>> -> memref<400xi32, #tpu.memory_space<hbm>>
      tpu.enqueue_dma source(%dma_start3A_1040 : memref<400xi32, #tpu.memory_space<hbm>>) target(%arg6 : memref<400xi32, #tpu.memory_space<vmem>>) target_semaphore(%run_scoped3A : memref<!tpu.dma_semaphore, #tpu.memory_space<semaphore_mem>>)
      %dma_wait3A_1041 = tpu.memref_slice %arg3[%add3A_10] : memref<819200xi32, #tpu.memory_space<hbm>> -> memref<400xi32, #tpu.memory_space<hbm>>
      %dma_wait3A_1042 = tpu.memref_slice %arg3[%add3A_10] : memref<819200xi32, #tpu.memory_space<hbm>> -> memref<400xi32, #tpu.memory_space<hbm>>
      tpu.wait_dma2 semaphore(%run_scoped3A : memref<!tpu.dma_semaphore, #tpu.memory_space<semaphore_mem>>) src(%dma_wait3A_1042 : memref<400xi32, #tpu.memory_space<hbm>>) dst(%arg6 : memref<400xi32, #tpu.memory_space<vmem>>)
      tpu.yield
    }) : () -> ()
    %dma_start3A_11 = arith.constant 0 : i32
    %dma_start3A_12 = arith.constant 0 : i32
    %dma_start3A_13 = tpu.memref_slice %arg2[%dma_start3A_11, %dma_start3A_12] : memref<1000000x64xf32, #tpu.memory_space<hbm>> -> memref<1000000x64xf32, #tpu.memory_space<hbm>>
    tpu.enqueue_indirect_dma source(%dma_start3A_13 : memref<1000000x64xf32, #tpu.memory_space<hbm>>) target(%arg10 : memref<400x64xf32, #tpu.memory_space<vmem>>) offsets(%arg6 : memref<400xi32, #tpu.memory_space<vmem>>) semaphore(%arg14 : memref<!tpu.dma_semaphore, #tpu.memory_space<semaphore_mem>>)
    %add3A_14 = arith.constant 800 : i32
    %add3A_15 = arith.addi %mul3A_4, %add3A_14 : i32
    "tpu.region"() ({
      %run_scoped3A = tpu.sem_alloc : memref<!tpu.dma_semaphore, #tpu.memory_space<semaphore_mem>>
      %dma_start3A_1039 = tpu.memref_slice %arg3[%add3A_15] : memref<819200xi32, #tpu.memory_space<hbm>> -> memref<400xi32, #tpu.memory_space<hbm>>
      %dma_start3A_1040 = tpu.memref_slice %arg3[%add3A_15] : memref<819200xi32, #tpu.memory_space<hbm>> -> memref<400xi32, #tpu.memory_space<hbm>>
      tpu.enqueue_dma source(%dma_start3A_1040 : memref<400xi32, #tpu.memory_space<hbm>>) target(%arg7 : memref<400xi32, #tpu.memory_space<vmem>>) target_semaphore(%run_scoped3A : memref<!tpu.dma_semaphore, #tpu.memory_space<semaphore_mem>>)
      %dma_wait3A_1041 = tpu.memref_slice %arg3[%add3A_15] : memref<819200xi32, #tpu.memory_space<hbm>> -> memref<400xi32, #tpu.memory_space<hbm>>
      %dma_wait3A_1042 = tpu.memref_slice %arg3[%add3A_15] : memref<819200xi32, #tpu.memory_space<hbm>> -> memref<400xi32, #tpu.memory_space<hbm>>
      tpu.wait_dma2 semaphore(%run_scoped3A : memref<!tpu.dma_semaphore, #tpu.memory_space<semaphore_mem>>) src(%dma_wait3A_1042 : memref<400xi32, #tpu.memory_space<hbm>>) dst(%arg7 : memref<400xi32, #tpu.memory_space<vmem>>)
      tpu.yield
    }) : () -> ()
    %dma_start3A_16 = arith.constant 0 : i32
    %dma_start3A_17 = arith.constant 0 : i32
    %dma_start3A_18 = tpu.memref_slice %arg2[%dma_start3A_16, %dma_start3A_17] : memref<1000000x64xf32, #tpu.memory_space<hbm>> -> memref<1000000x64xf32, #tpu.memory_space<hbm>>
    tpu.enqueue_indirect_dma source(%dma_start3A_18 : memref<1000000x64xf32, #tpu.memory_space<hbm>>) target(%arg11 : memref<400x64xf32, #tpu.memory_space<vmem>>) offsets(%arg7 : memref<400xi32, #tpu.memory_space<vmem>>) semaphore(%arg15 : memref<!tpu.dma_semaphore, #tpu.memory_space<semaphore_mem>>)
    %add3A_19 = arith.constant 1200 : i32
    %add3A_20 = arith.addi %mul3A_4, %add3A_19 : i32
    "tpu.region"() ({
      %run_scoped3A = tpu.sem_alloc : memref<!tpu.dma_semaphore, #tpu.memory_space<semaphore_mem>>
      %dma_start3A_1039 = tpu.memref_slice %arg3[%add3A_20] : memref<819200xi32, #tpu.memory_space<hbm>> -> memref<400xi32, #tpu.memory_space<hbm>>
      %dma_start3A_1040 = tpu.memref_slice %arg3[%add3A_20] : memref<819200xi32, #tpu.memory_space<hbm>> -> memref<400xi32, #tpu.memory_space<hbm>>
      tpu.enqueue_dma source(%dma_start3A_1040 : memref<400xi32, #tpu.memory_space<hbm>>) target(%arg8 : memref<400xi32, #tpu.memory_space<vmem>>) target_semaphore(%run_scoped3A : memref<!tpu.dma_semaphore, #tpu.memory_space<semaphore_mem>>)
      %dma_wait3A_1041 = tpu.memref_slice %arg3[%add3A_20] : memref<819200xi32, #tpu.memory_space<hbm>> -> memref<400xi32, #tpu.memory_space<hbm>>
      %dma_wait3A_1042 = tpu.memref_slice %arg3[%add3A_20] : memref<819200xi32, #tpu.memory_space<hbm>> -> memref<400xi32, #tpu.memory_space<hbm>>
      tpu.wait_dma2 semaphore(%run_scoped3A : memref<!tpu.dma_semaphore, #tpu.memory_space<semaphore_mem>>) src(%dma_wait3A_1042 : memref<400xi32, #tpu.memory_space<hbm>>) dst(%arg8 : memref<400xi32, #tpu.memory_space<vmem>>)
      tpu.yield
    }) : () -> ()
    %dma_start3A_21 = arith.constant 0 : i32
    %dma_start3A_22 = arith.constant 0 : i32
    %dma_start3A_23 = tpu.memref_slice %arg2[%dma_start3A_21, %dma_start3A_22] : memref<1000000x64xf32, #tpu.memory_space<hbm>> -> memref<1000000x64xf32, #tpu.memory_space<hbm>>
    tpu.enqueue_indirect_dma source(%dma_start3A_23 : memref<1000000x64xf32, #tpu.memory_space<hbm>>) target(%arg12 : memref<400x64xf32, #tpu.memory_space<vmem>>) offsets(%arg8 : memref<400xi32, #tpu.memory_space<vmem>>) semaphore(%arg16 : memref<!tpu.dma_semaphore, #tpu.memory_space<semaphore_mem>>)
    %scan3A = arith.constant 0 : i32
    %scan3A_24 = arith.constant 15 : i32
    %scan3A_25 = arith.addi %scan3A, %scan3A_24 : i32
    %scan3A_26 = arith.constant 1 : i32
    scf.for %scan3A_1039 = %scan3A to %scan3A_25 step %scan3A_26  : i32 {
      %mul3A_1040 = arith.constant 4 : i32
      %mul3A_1041 = arith.muli %scan3A_1039, %mul3A_1040 : i32
      %add3A_1042 = arith.constant 0 : i32
      %add3A_1043 = arith.addi %add3A_1042, %mul3A_1041 : i32
      %add3A_1044 = arith.constant 0 : i32
      %add3A_1045 = arith.addi %add3A_1043, %add3A_1044 : i32
      %mul3A_1046 = arith.constant 400 : i32
      %mul3A_1047 = arith.muli %add3A_1045, %mul3A_1046 : i32
      %add3A_1048 = arith.addi %mul3A_4, %mul3A_1047 : i32
      %add3A_1049 = arith.constant 0 : i32
      %add3A_1050 = arith.addi %add3A_1043, %add3A_1049 : i32
      %mul3A_1051 = arith.constant 8 : i32
      %mul3A_1052 = arith.muli %add3A_1050, %mul3A_1051 : i32
      %add3A_1053 = arith.addi %mul3A_2, %mul3A_1052 : i32
      %dma_wait3A_1054 = arith.constant 0 : i32
      %dma_wait3A_1055 = arith.constant 0 : i32
      %dma_wait3A_1056 = tpu.memref_slice %arg2[%dma_wait3A_1054, %dma_wait3A_1055] : memref<1000000x64xf32, #tpu.memory_space<hbm>> -> memref<1000000x64xf32, #tpu.memory_space<hbm>>
      tpu.wait_indirect_dma semaphore(%arg13 : memref<!tpu.dma_semaphore, #tpu.memory_space<semaphore_mem>>) src(%dma_wait3A_1056 : memref<1000000x64xf32, #tpu.memory_space<hbm>>) dst(%arg9 : memref<400x64xf32, #tpu.memory_space<vmem>>)
      %add3A_1057 = arith.constant 0 : i32
      %add3A_1058 = arith.addi %add3A_1053, %add3A_1057 : i32
      %dma_start3A_1059 = arith.constant 0 : i32
      %dma_start3A_1060 = arith.constant 0 : i32
      %dma_start3A_1061 = tpu.memref_slice %arg9[%dma_start3A_1059, %dma_start3A_1060] : memref<400x64xf32, #tpu.memory_space<vmem>> -> memref<50x64xf32, #tpu.memory_space<vmem>>
      %dma_start3A_1062 = arith.constant 0 : i32
      %dma_start3A_1063 = arith.constant 0 : i32
      %dma_start3A_1064 = tpu.memref_slice %arg4[%add3A_1058, %dma_start3A_1062, %dma_start3A_1063] : memref<16384x56x128xf32, #tpu.memory_space<hbm>> -> memref<1x50x64xf32, #tpu.memory_space<hbm>>
      %dma_start3A_1065 = tpu.memref_squeeze %dma_start3A_1064 : memref<1x50x64xf32, #tpu.memory_space<hbm>> -> memref<50x64xf32, #tpu.memory_space<hbm>>
      %dma_start3A_1066 = arith.constant 0 : i32
      %dma_start3A_1067 = arith.constant 0 : i32
      %dma_start3A_1068 = tpu.memref_slice %arg4[%add3A_1058, %dma_start3A_1066, %dma_start3A_1067] : memref<16384x56x128xf32, #tpu.memory_space<hbm>> -> memref<1x50x64xf32, #tpu.memory_space<hbm>>
      %dma_start3A_1069 = tpu.memref_squeeze %dma_start3A_1068 : memref<1x50x64xf32, #tpu.memory_space<hbm>> -> memref<50x64xf32, #tpu.memory_space<hbm>>
      %dma_start3A_1070 = arith.constant 0 : i32
      %dma_start3A_1071 = arith.constant 0 : i32
      %dma_start3A_1072 = tpu.memref_slice %arg9[%dma_start3A_1070, %dma_start3A_1071] : memref<400x64xf32, #tpu.memory_space<vmem>> -> memref<50x64xf32, #tpu.memory_space<vmem>>
      tpu.enqueue_dma source(%dma_start3A_1072 : memref<50x64xf32, #tpu.memory_space<vmem>>) target(%dma_start3A_1069 : memref<50x64xf32, #tpu.memory_space<hbm>>) target_semaphore(%arg17 : memref<!tpu.dma_semaphore, #tpu.memory_space<semaphore_mem>>)
      %add3A_1073 = arith.constant 1 : i32
      %add3A_1074 = arith.addi %add3A_1053, %add3A_1073 : i32
      %dma_start3A_1075 = arith.constant 50 : i32
      %dma_start3A_1076 = arith.constant 0 : i32
      %dma_start3A_1077 = tpu.memref_slice %arg9[%dma_start3A_1075, %dma_start3A_1076] : memref<400x64xf32, #tpu.memory_space<vmem>> -> memref<50x64xf32, #tpu.memory_space<vmem>>
      %dma_start3A_1078 = arith.constant 0 : i32
      %dma_start3A_1079 = arith.constant 0 : i32
      %dma_start3A_1080 = tpu.memref_slice %arg4[%add3A_1074, %dma_start3A_1078, %dma_start3A_1079] : memref<16384x56x128xf32, #tpu.memory_space<hbm>> -> memref<1x50x64xf32, #tpu.memory_space<hbm>>
      %dma_start3A_1081 = tpu.memref_squeeze %dma_start3A_1080 : memref<1x50x64xf32, #tpu.memory_space<hbm>> -> memref<50x64xf32, #tpu.memory_space<hbm>>
      %dma_start3A_1082 = arith.constant 0 : i32
      %dma_start3A_1083 = arith.constant 0 : i32
      %dma_start3A_1084 = tpu.memref_slice %arg4[%add3A_1074, %dma_start3A_1082, %dma_start3A_1083] : memref<16384x56x128xf32, #tpu.memory_space<hbm>> -> memref<1x50x64xf32, #tpu.memory_space<hbm>>
      %dma_start3A_1085 = tpu.memref_squeeze %dma_start3A_1084 : memref<1x50x64xf32, #tpu.memory_space<hbm>> -> memref<50x64xf32, #tpu.memory_space<hbm>>
      %dma_start3A_1086 = arith.constant 50 : i32
      %dma_start3A_1087 = arith.constant 0 : i32
      %dma_start3A_1088 = tpu.memref_slice %arg9[%dma_start3A_1086, %dma_start3A_1087] : memref<400x64xf32, #tpu.memory_space<vmem>> -> memref<50x64xf32, #tpu.memory_space<vmem>>
      tpu.enqueue_dma source(%dma_start3A_1088 : memref<50x64xf32, #tpu.memory_space<vmem>>) target(%dma_start3A_1085 : memref<50x64xf32, #tpu.memory_space<hbm>>) target_semaphore(%arg17 : memref<!tpu.dma_semaphore, #tpu.memory_space<semaphore_mem>>)
      %add3A_1089 = arith.constant 2 : i32
      %add3A_1090 = arith.addi %add3A_1053, %add3A_1089 : i32
      %dma_start3A_1091 = arith.constant 100 : i32
      %dma_start3A_1092 = arith.constant 0 : i32
      %dma_start3A_1093 = tpu.memref_slice %arg9[%dma_start3A_1091, %dma_start3A_1092] : memref<400x64xf32, #tpu.memory_space<vmem>> -> memref<50x64xf32, #tpu.memory_space<vmem>>
      %dma_start3A_1094 = arith.constant 0 : i32
      %dma_start3A_1095 = arith.constant 0 : i32
      %dma_start3A_1096 = tpu.memref_slice %arg4[%add3A_1090, %dma_start3A_1094, %dma_start3A_1095] : memref<16384x56x128xf32, #tpu.memory_space<hbm>> -> memref<1x50x64xf32, #tpu.memory_space<hbm>>
      %dma_start3A_1097 = tpu.memref_squeeze %dma_start3A_1096 : memref<1x50x64xf32, #tpu.memory_space<hbm>> -> memref<50x64xf32, #tpu.memory_space<hbm>>
      %dma_start3A_1098 = arith.constant 0 : i32
      %dma_start3A_1099 = arith.constant 0 : i32
      %dma_start3A_1100 = tpu.memref_slice %arg4[%add3A_1090, %dma_start3A_1098, %dma_start3A_1099] : memref<16384x56x128xf32, #tpu.memory_space<hbm>> -> memref<1x50x64xf32, #tpu.memory_space<hbm>>
      %dma_start3A_1101 = tpu.memref_squeeze %dma_start3A_1100 : memref<1x50x64xf32, #tpu.memory_space<hbm>> -> memref<50x64xf32, #tpu.memory_space<hbm>>
      %dma_start3A_1102 = arith.constant 100 : i32
      %dma_start3A_1103 = arith.constant 0 : i32
      %dma_start3A_1104 = tpu.memref_slice %arg9[%dma_start3A_1102, %dma_start3A_1103] : memref<400x64xf32, #tpu.memory_space<vmem>> -> memref<50x64xf32, #tpu.memory_space<vmem>>
      tpu.enqueue_dma source(%dma_start3A_1104 : memref<50x64xf32, #tpu.memory_space<vmem>>) target(%dma_start3A_1101 : memref<50x64xf32, #tpu.memory_space<hbm>>) target_semaphore(%arg17 : memref<!tpu.dma_semaphore, #tpu.memory_space<semaphore_mem>>)
      %add3A_1105 = arith.constant 3 : i32
      %add3A_1106 = arith.addi %add3A_1053, %add3A_1105 : i32
      %dma_start3A_1107 = arith.constant 150 : i32
      %dma_start3A_1108 = arith.constant 0 : i32
      %dma_start3A_1109 = tpu.memref_slice %arg9[%dma_start3A_1107, %dma_start3A_1108] : memref<400x64xf32, #tpu.memory_space<vmem>> -> memref<50x64xf32, #tpu.memory_space<vmem>>
      %dma_start3A_1110 = arith.constant 0 : i32
      %dma_start3A_1111 = arith.constant 0 : i32
      %dma_start3A_1112 = tpu.memref_slice %arg4[%add3A_1106, %dma_start3A_1110, %dma_start3A_1111] : memref<16384x56x128xf32, #tpu.memory_space<hbm>> -> memref<1x50x64xf32, #tpu.memory_space<hbm>>
      %dma_start3A_1113 = tpu.memref_squeeze %dma_start3A_1112 : memref<1x50x64xf32, #tpu.memory_space<hbm>> -> memref<50x64xf32, #tpu.memory_space<hbm>>
      %dma_start3A_1114 = arith.constant 0 : i32
      %dma_start3A_1115 = arith.constant 0 : i32
      %dma_start3A_1116 = tpu.memref_slice %arg4[%add3A_1106, %dma_start3A_1114, %dma_start3A_1115] : memref<16384x56x128xf32, #tpu.memory_space<hbm>> -> memref<1x50x64xf32, #tpu.memory_space<hbm>>
      %dma_start3A_1117 = tpu.memref_squeeze %dma_start3A_1116 : memref<1x50x64xf32, #tpu.memory_space<hbm>> -> memref<50x64xf32, #tpu.memory_space<hbm>>
      %dma_start3A_1118 = arith.constant 150 : i32
      %dma_start3A_1119 = arith.constant 0 : i32
      %dma_start3A_1120 = tpu.memref_slice %arg9[%dma_start3A_1118, %dma_start3A_1119] : memref<400x64xf32, #tpu.memory_space<vmem>> -> memref<50x64xf32, #tpu.memory_space<vmem>>
      tpu.enqueue_dma source(%dma_start3A_1120 : memref<50x64xf32, #tpu.memory_space<vmem>>) target(%dma_start3A_1117 : memref<50x64xf32, #tpu.memory_space<hbm>>) target_semaphore(%arg17 : memref<!tpu.dma_semaphore, #tpu.memory_space<semaphore_mem>>)
      %add3A_1121 = arith.constant 4 : i32
      %add3A_1122 = arith.addi %add3A_1053, %add3A_1121 : i32
      %dma_start3A_1123 = arith.constant 200 : i32
      %dma_start3A_1124 = arith.constant 0 : i32
      %dma_start3A_1125 = tpu.memref_slice %arg9[%dma_start3A_1123, %dma_start3A_1124] : memref<400x64xf32, #tpu.memory_space<vmem>> -> memref<50x64xf32, #tpu.memory_space<vmem>>
      %dma_start3A_1126 = arith.constant 0 : i32
      %dma_start3A_1127 = arith.constant 0 : i32
      %dma_start3A_1128 = tpu.memref_slice %arg4[%add3A_1122, %dma_start3A_1126, %dma_start3A_1127] : memref<16384x56x128xf32, #tpu.memory_space<hbm>> -> memref<1x50x64xf32, #tpu.memory_space<hbm>>
      %dma_start3A_1129 = tpu.memref_squeeze %dma_start3A_1128 : memref<1x50x64xf32, #tpu.memory_space<hbm>> -> memref<50x64xf32, #tpu.memory_space<hbm>>
      %dma_start3A_1130 = arith.constant 0 : i32
      %dma_start3A_1131 = arith.constant 0 : i32
      %dma_start3A_1132 = tpu.memref_slice %arg4[%add3A_1122, %dma_start3A_1130, %dma_start3A_1131] : memref<16384x56x128xf32, #tpu.memory_space<hbm>> -> memref<1x50x64xf32, #tpu.memory_space<hbm>>
      %dma_start3A_1133 = tpu.memref_squeeze %dma_start3A_1132 : memref<1x50x64xf32, #tpu.memory_space<hbm>> -> memref<50x64xf32, #tpu.memory_space<hbm>>
      %dma_start3A_1134 = arith.constant 200 : i32
      %dma_start3A_1135 = arith.constant 0 : i32
      %dma_start3A_1136 = tpu.memref_slice %arg9[%dma_start3A_1134, %dma_start3A_1135] : memref<400x64xf32, #tpu.memory_space<vmem>> -> memref<50x64xf32, #tpu.memory_space<vmem>>
      tpu.enqueue_dma source(%dma_start3A_1136 : memref<50x64xf32, #tpu.memory_space<vmem>>) target(%dma_start3A_1133 : memref<50x64xf32, #tpu.memory_space<hbm>>) target_semaphore(%arg17 : memref<!tpu.dma_semaphore, #tpu.memory_space<semaphore_mem>>)
      %add3A_1137 = arith.constant 5 : i32
      %add3A_1138 = arith.addi %add3A_1053, %add3A_1137 : i32
      %dma_start3A_1139 = arith.constant 250 : i32
      %dma_start3A_1140 = arith.constant 0 : i32
      %dma_start3A_1141 = tpu.memref_slice %arg9[%dma_start3A_1139, %dma_start3A_1140] : memref<400x64xf32, #tpu.memory_space<vmem>> -> memref<50x64xf32, #tpu.memory_space<vmem>>
      %dma_start3A_1142 = arith.constant 0 : i32
      %dma_start3A_1143 = arith.constant 0 : i32
      %dma_start3A_1144 = tpu.memref_slice %arg4[%add3A_1138, %dma_start3A_1142, %dma_start3A_1143] : memref<16384x56x128xf32, #tpu.memory_space<hbm>> -> memref<1x50x64xf32, #tpu.memory_space<hbm>>
      %dma_start3A_1145 = tpu.memref_squeeze %dma_start3A_1144 : memref<1x50x64xf32, #tpu.memory_space<hbm>> -> memref<50x64xf32, #tpu.memory_space<hbm>>
      %dma_start3A_1146 = arith.constant 0 : i32
      %dma_start3A_1147 = arith.constant 0 : i32
      %dma_start3A_1148 = tpu.memref_slice %arg4[%add3A_1138, %dma_start3A_1146, %dma_start3A_1147] : memref<16384x56x128xf32, #tpu.memory_space<hbm>> -> memref<1x50x64xf32, #tpu.memory_space<hbm>>
      %dma_start3A_1149 = tpu.memref_squeeze %dma_start3A_1148 : memref<1x50x64xf32, #tpu.memory_space<hbm>> -> memref<50x64xf32, #tpu.memory_space<hbm>>
      %dma_start3A_1150 = arith.constant 250 : i32
      %dma_start3A_1151 = arith.constant 0 : i32
      %dma_start3A_1152 = tpu.memref_slice %arg9[%dma_start3A_1150, %dma_start3A_1151] : memref<400x64xf32, #tpu.memory_space<vmem>> -> memref<50x64xf32, #tpu.memory_space<vmem>>
      tpu.enqueue_dma source(%dma_start3A_1152 : memref<50x64xf32, #tpu.memory_space<vmem>>) target(%dma_start3A_1149 : memref<50x64xf32, #tpu.memory_space<hbm>>) target_semaphore(%arg17 : memref<!tpu.dma_semaphore, #tpu.memory_space<semaphore_mem>>)
      %add3A_1153 = arith.constant 6 : i32
      %add3A_1154 = arith.addi %add3A_1053, %add3A_1153 : i32
      %dma_start3A_1155 = arith.constant 300 : i32
      %dma_start3A_1156 = arith.constant 0 : i32
      %dma_start3A_1157 = tpu.memref_slice %arg9[%dma_start3A_1155, %dma_start3A_1156] : memref<400x64xf32, #tpu.memory_space<vmem>> -> memref<50x64xf32, #tpu.memory_space<vmem>>
      %dma_start3A_1158 = arith.constant 0 : i32
      %dma_start3A_1159 = arith.constant 0 : i32
      %dma_start3A_1160 = tpu.memref_slice %arg4[%add3A_1154, %dma_start3A_1158, %dma_start3A_1159] : memref<16384x56x128xf32, #tpu.memory_space<hbm>> -> memref<1x50x64xf32, #tpu.memory_space<hbm>>
      %dma_start3A_1161 = tpu.memref_squeeze %dma_start3A_1160 : memref<1x50x64xf32, #tpu.memory_space<hbm>> -> memref<50x64xf32, #tpu.memory_space<hbm>>
      %dma_start3A_1162 = arith.constant 0 : i32
      %dma_start3A_1163 = arith.constant 0 : i32
      %dma_start3A_1164 = tpu.memref_slice %arg4[%add3A_1154, %dma_start3A_1162, %dma_start3A_1163] : memref<16384x56x128xf32, #tpu.memory_space<hbm>> -> memref<1x50x64xf32, #tpu.memory_space<hbm>>
      %dma_start3A_1165 = tpu.memref_squeeze %dma_start3A_1164 : memref<1x50x64xf32, #tpu.memory_space<hbm>> -> memref<50x64xf32, #tpu.memory_space<hbm>>
      %dma_start3A_1166 = arith.constant 300 : i32
      %dma_start3A_1167 = arith.constant 0 : i32
      %dma_start3A_1168 = tpu.memref_slice %arg9[%dma_start3A_1166, %dma_start3A_1167] : memref<400x64xf32, #tpu.memory_space<vmem>> -> memref<50x64xf32, #tpu.memory_space<vmem>>
      tpu.enqueue_dma source(%dma_start3A_1168 : memref<50x64xf32, #tpu.memory_space<vmem>>) target(%dma_start3A_1165 : memref<50x64xf32, #tpu.memory_space<hbm>>) target_semaphore(%arg17 : memref<!tpu.dma_semaphore, #tpu.memory_space<semaphore_mem>>)
      %add3A_1169 = arith.constant 7 : i32
      %add3A_1170 = arith.addi %add3A_1053, %add3A_1169 : i32
      %dma_start3A_1171 = arith.constant 350 : i32
      %dma_start3A_1172 = arith.constant 0 : i32
      %dma_start3A_1173 = tpu.memref_slice %arg9[%dma_start3A_1171, %dma_start3A_1172] : memref<400x64xf32, #tpu.memory_space<vmem>> -> memref<50x64xf32, #tpu.memory_space<vmem>>
      %dma_start3A_1174 = arith.constant 0 : i32
      %dma_start3A_1175 = arith.constant 0 : i32
      %dma_start3A_1176 = tpu.memref_slice %arg4[%add3A_1170, %dma_start3A_1174, %dma_start3A_1175] : memref<16384x56x128xf32, #tpu.memory_space<hbm>> -> memref<1x50x64xf32, #tpu.memory_space<hbm>>
      %dma_start3A_1177 = tpu.memref_squeeze %dma_start3A_1176 : memref<1x50x64xf32, #tpu.memory_space<hbm>> -> memref<50x64xf32, #tpu.memory_space<hbm>>
      %dma_start3A_1178 = arith.constant 0 : i32
      %dma_start3A_1179 = arith.constant 0 : i32
      %dma_start3A_1180 = tpu.memref_slice %arg4[%add3A_1170, %dma_start3A_1178, %dma_start3A_1179] : memref<16384x56x128xf32, #tpu.memory_space<hbm>> -> memref<1x50x64xf32, #tpu.memory_space<hbm>>
      %dma_start3A_1181 = tpu.memref_squeeze %dma_start3A_1180 : memref<1x50x64xf32, #tpu.memory_space<hbm>> -> memref<50x64xf32, #tpu.memory_space<hbm>>
      %dma_start3A_1182 = arith.constant 350 : i32
      %dma_start3A_1183 = arith.constant 0 : i32
      %dma_start3A_1184 = tpu.memref_slice %arg9[%dma_start3A_1182, %dma_start3A_1183] : memref<400x64xf32, #tpu.memory_space<vmem>> -> memref<50x64xf32, #tpu.memory_space<vmem>>
      tpu.enqueue_dma source(%dma_start3A_1184 : memref<50x64xf32, #tpu.memory_space<vmem>>) target(%dma_start3A_1181 : memref<50x64xf32, #tpu.memory_space<hbm>>) target_semaphore(%arg17 : memref<!tpu.dma_semaphore, #tpu.memory_space<semaphore_mem>>)
      %add3A_1185 = arith.constant 1600 : i32
      %add3A_1186 = arith.addi %add3A_1048, %add3A_1185 : i32
      "tpu.region"() ({
        %run_scoped3A = tpu.sem_alloc : memref<!tpu.dma_semaphore, #tpu.memory_space<semaphore_mem>>
        %dma_start3A_2108 = tpu.memref_slice %arg3[%add3A_1186] : memref<819200xi32, #tpu.memory_space<hbm>> -> memref<400xi32, #tpu.memory_space<hbm>>
        %dma_start3A_2109 = tpu.memref_slice %arg3[%add3A_1186] : memref<819200xi32, #tpu.memory_space<hbm>> -> memref<400xi32, #tpu.memory_space<hbm>>
        tpu.enqueue_dma source(%dma_start3A_2109 : memref<400xi32, #tpu.memory_space<hbm>>) target(%arg5 : memref<400xi32, #tpu.memory_space<vmem>>) target_semaphore(%run_scoped3A : memref<!tpu.dma_semaphore, #tpu.memory_space<semaphore_mem>>)
        %dma_wait3A_2110 = tpu.memref_slice %arg3[%add3A_1186] : memref<819200xi32, #tpu.memory_space<hbm>> -> memref<400xi32, #tpu.memory_space<hbm>>
        %dma_wait3A_2111 = tpu.memref_slice %arg3[%add3A_1186] : memref<819200xi32, #tpu.memory_space<hbm>> -> memref<400xi32, #tpu.memory_space<hbm>>
        tpu.wait_dma2 semaphore(%run_scoped3A : memref<!tpu.dma_semaphore, #tpu.memory_space<semaphore_mem>>) src(%dma_wait3A_2111 : memref<400xi32, #tpu.memory_space<hbm>>) dst(%arg5 : memref<400xi32, #tpu.memory_space<vmem>>)
        tpu.yield
      }) : () -> ()
      %dma_wait3A_1187 = arith.constant 0 : i32
      %dma_wait3A_1188 = arith.constant 0 : i32
      %dma_wait3A_1189 = arith.constant 0 : i32
      %dma_wait3A_1190 = tpu.memref_slice %arg9[%dma_wait3A_1188, %dma_wait3A_1189] : memref<400x64xf32, #tpu.memory_space<vmem>> -> memref<50x64xf32, #tpu.memory_space<vmem>>
      %dma_wait3A_1191 = arith.constant 0 : i32
      %dma_wait3A_1192 = arith.constant 0 : i32
      %dma_wait3A_1193 = tpu.memref_slice %arg4[%dma_wait3A_1187, %dma_wait3A_1191, %dma_wait3A_1192] : memref<16384x56x128xf32, #tpu.memory_space<hbm>> -> memref<1x50x64xf32, #tpu.memory_space<hbm>>
      %dma_wait3A_1194 = tpu.memref_squeeze %dma_wait3A_1193 : memref<1x50x64xf32, #tpu.memory_space<hbm>> -> memref<50x64xf32, #tpu.memory_space<hbm>>
      %dma_wait3A_1195 = arith.constant 0 : i32
      %dma_wait3A_1196 = arith.constant 0 : i32
      %dma_wait3A_1197 = tpu.memref_slice %arg4[%dma_wait3A_1187, %dma_wait3A_1195, %dma_wait3A_1196] : memref<16384x56x128xf32, #tpu.memory_space<hbm>> -> memref<1x50x64xf32, #tpu.memory_space<hbm>>
      %dma_wait3A_1198 = tpu.memref_squeeze %dma_wait3A_1197 : memref<1x50x64xf32, #tpu.memory_space<hbm>> -> memref<50x64xf32, #tpu.memory_space<hbm>>
      %dma_wait3A_1199 = arith.constant 0 : i32
      %dma_wait3A_1200 = arith.constant 0 : i32
      %dma_wait3A_1201 = tpu.memref_slice %arg9[%dma_wait3A_1199, %dma_wait3A_1200] : memref<400x64xf32, #tpu.memory_space<vmem>> -> memref<50x64xf32, #tpu.memory_space<vmem>>
      tpu.wait_dma2 semaphore(%arg17 : memref<!tpu.dma_semaphore, #tpu.memory_space<semaphore_mem>>) src(%dma_wait3A_1201 : memref<50x64xf32, #tpu.memory_space<vmem>>) dst(%dma_wait3A_1198 : memref<50x64xf32, #tpu.memory_space<hbm>>)
      %dma_wait3A_1202 = arith.constant 0 : i32
      %dma_wait3A_1203 = arith.constant 50 : i32
      %dma_wait3A_1204 = arith.constant 0 : i32
      %dma_wait3A_1205 = tpu.memref_slice %arg9[%dma_wait3A_1203, %dma_wait3A_1204] : memref<400x64xf32, #tpu.memory_space<vmem>> -> memref<50x64xf32, #tpu.memory_space<vmem>>
      %dma_wait3A_1206 = arith.constant 0 : i32
      %dma_wait3A_1207 = arith.constant 0 : i32
      %dma_wait3A_1208 = tpu.memref_slice %arg4[%dma_wait3A_1202, %dma_wait3A_1206, %dma_wait3A_1207] : memref<16384x56x128xf32, #tpu.memory_space<hbm>> -> memref<1x50x64xf32, #tpu.memory_space<hbm>>
      %dma_wait3A_1209 = tpu.memref_squeeze %dma_wait3A_1208 : memref<1x50x64xf32, #tpu.memory_space<hbm>> -> memref<50x64xf32, #tpu.memory_space<hbm>>
      %dma_wait3A_1210 = arith.constant 0 : i32
      %dma_wait3A_1211 = arith.constant 0 : i32
      %dma_wait3A_1212 = tpu.memref_slice %arg4[%dma_wait3A_1202, %dma_wait3A_1210, %dma_wait3A_1211] : memref<16384x56x128xf32, #tpu.memory_space<hbm>> -> memref<1x50x64xf32, #tpu.memory_space<hbm>>
      %dma_wait3A_1213 = tpu.memref_squeeze %dma_wait3A_1212 : memref<1x50x64xf32, #tpu.memory_space<hbm>> -> memref<50x64xf32, #tpu.memory_space<hbm>>
      %dma_wait3A_1214 = arith.constant 50 : i32
      %dma_wait3A_1215 = arith.constant 0 : i32
      %dma_wait3A_1216 = tpu.memref_slice %arg9[%dma_wait3A_1214, %dma_wait3A_1215] : memref<400x64xf32, #tpu.memory_space<vmem>> -> memref<50x64xf32, #tpu.memory_space<vmem>>
      tpu.wait_dma2 semaphore(%arg17 : memref<!tpu.dma_semaphore, #tpu.memory_space<semaphore_mem>>) src(%dma_wait3A_1216 : memref<50x64xf32, #tpu.memory_space<vmem>>) dst(%dma_wait3A_1213 : memref<50x64xf32, #tpu.memory_space<hbm>>)
      %dma_wait3A_1217 = arith.constant 0 : i32
      %dma_wait3A_1218 = arith.constant 100 : i32
      %dma_wait3A_1219 = arith.constant 0 : i32
      %dma_wait3A_1220 = tpu.memref_slice %arg9[%dma_wait3A_1218, %dma_wait3A_1219] : memref<400x64xf32, #tpu.memory_space<vmem>> -> memref<50x64xf32, #tpu.memory_space<vmem>>
      %dma_wait3A_1221 = arith.constant 0 : i32
      %dma_wait3A_1222 = arith.constant 0 : i32
      %dma_wait3A_1223 = tpu.memref_slice %arg4[%dma_wait3A_1217, %dma_wait3A_1221, %dma_wait3A_1222] : memref<16384x56x128xf32, #tpu.memory_space<hbm>> -> memref<1x50x64xf32, #tpu.memory_space<hbm>>
      %dma_wait3A_1224 = tpu.memref_squeeze %dma_wait3A_1223 : memref<1x50x64xf32, #tpu.memory_space<hbm>> -> memref<50x64xf32, #tpu.memory_space<hbm>>
      %dma_wait3A_1225 = arith.constant 0 : i32
      %dma_wait3A_1226 = arith.constant 0 : i32
      %dma_wait3A_1227 = tpu.memref_slice %arg4[%dma_wait3A_1217, %dma_wait3A_1225, %dma_wait3A_1226] : memref<16384x56x128xf32, #tpu.memory_space<hbm>> -> memref<1x50x64xf32, #tpu.memory_space<hbm>>
      %dma_wait3A_1228 = tpu.memref_squeeze %dma_wait3A_1227 : memref<1x50x64xf32, #tpu.memory_space<hbm>> -> memref<50x64xf32, #tpu.memory_space<hbm>>
      %dma_wait3A_1229 = arith.constant 100 : i32
      %dma_wait3A_1230 = arith.constant 0 : i32
      %dma_wait3A_1231 = tpu.memref_slice %arg9[%dma_wait3A_1229, %dma_wait3A_1230] : memref<400x64xf32, #tpu.memory_space<vmem>> -> memref<50x64xf32, #tpu.memory_space<vmem>>
      tpu.wait_dma2 semaphore(%arg17 : memref<!tpu.dma_semaphore, #tpu.memory_space<semaphore_mem>>) src(%dma_wait3A_1231 : memref<50x64xf32, #tpu.memory_space<vmem>>) dst(%dma_wait3A_1228 : memref<50x64xf32, #tpu.memory_space<hbm>>)
      %dma_wait3A_1232 = arith.constant 0 : i32
      %dma_wait3A_1233 = arith.constant 150 : i32
      %dma_wait3A_1234 = arith.constant 0 : i32
      %dma_wait3A_1235 = tpu.memref_slice %arg9[%dma_wait3A_1233, %dma_wait3A_1234] : memref<400x64xf32, #tpu.memory_space<vmem>> -> memref<50x64xf32, #tpu.memory_space<vmem>>
      %dma_wait3A_1236 = arith.constant 0 : i32
      %dma_wait3A_1237 = arith.constant 0 : i32
      %dma_wait3A_1238 = tpu.memref_slice %arg4[%dma_wait3A_1232, %dma_wait3A_1236, %dma_wait3A_1237] : memref<16384x56x128xf32, #tpu.memory_space<hbm>> -> memref<1x50x64xf32, #tpu.memory_space<hbm>>
      %dma_wait3A_1239 = tpu.memref_squeeze %dma_wait3A_1238 : memref<1x50x64xf32, #tpu.memory_space<hbm>> -> memref<50x64xf32, #tpu.memory_space<hbm>>
      %dma_wait3A_1240 = arith.constant 0 : i32
      %dma_wait3A_1241 = arith.constant 0 : i32
      %dma_wait3A_1242 = tpu.memref_slice %arg4[%dma_wait3A_1232, %dma_wait3A_1240, %dma_wait3A_1241] : memref<16384x56x128xf32, #tpu.memory_space<hbm>> -> memref<1x50x64xf32, #tpu.memory_space<hbm>>
      %dma_wait3A_1243 = tpu.memref_squeeze %dma_wait3A_1242 : memref<1x50x64xf32, #tpu.memory_space<hbm>> -> memref<50x64xf32, #tpu.memory_space<hbm>>
      %dma_wait3A_1244 = arith.constant 150 : i32
      %dma_wait3A_1245 = arith.constant 0 : i32
      %dma_wait3A_1246 = tpu.memref_slice %arg9[%dma_wait3A_1244, %dma_wait3A_1245] : memref<400x64xf32, #tpu.memory_space<vmem>> -> memref<50x64xf32, #tpu.memory_space<vmem>>
      tpu.wait_dma2 semaphore(%arg17 : memref<!tpu.dma_semaphore, #tpu.memory_space<semaphore_mem>>) src(%dma_wait3A_1246 : memref<50x64xf32, #tpu.memory_space<vmem>>) dst(%dma_wait3A_1243 : memref<50x64xf32, #tpu.memory_space<hbm>>)
      %dma_wait3A_1247 = arith.constant 0 : i32
      %dma_wait3A_1248 = arith.constant 200 : i32
      %dma_wait3A_1249 = arith.constant 0 : i32
      %dma_wait3A_1250 = tpu.memref_slice %arg9[%dma_wait3A_1248, %dma_wait3A_1249] : memref<400x64xf32, #tpu.memory_space<vmem>> -> memref<50x64xf32, #tpu.memory_space<vmem>>
      %dma_wait3A_1251 = arith.constant 0 : i32
      %dma_wait3A_1252 = arith.constant 0 : i32
      %dma_wait3A_1253 = tpu.memref_slice %arg4[%dma_wait3A_1247, %dma_wait3A_1251, %dma_wait3A_1252] : memref<16384x56x128xf32, #tpu.memory_space<hbm>> -> memref<1x50x64xf32, #tpu.memory_space<hbm>>
      %dma_wait3A_1254 = tpu.memref_squeeze %dma_wait3A_1253 : memref<1x50x64xf32, #tpu.memory_space<hbm>> -> memref<50x64xf32, #tpu.memory_space<hbm>>
      %dma_wait3A_1255 = arith.constant 0 : i32
      %dma_wait3A_1256 = arith.constant 0 : i32
      %dma_wait3A_1257 = tpu.memref_slice %arg4[%dma_wait3A_1247, %dma_wait3A_1255, %dma_wait3A_1256] : memref<16384x56x128xf32, #tpu.memory_space<hbm>> -> memref<1x50x64xf32, #tpu.memory_space<hbm>>
      %dma_wait3A_1258 = tpu.memref_squeeze %dma_wait3A_1257 : memref<1x50x64xf32, #tpu.memory_space<hbm>> -> memref<50x64xf32, #tpu.memory_space<hbm>>
      %dma_wait3A_1259 = arith.constant 200 : i32
      %dma_wait3A_1260 = arith.constant 0 : i32
      %dma_wait3A_1261 = tpu.memref_slice %arg9[%dma_wait3A_1259, %dma_wait3A_1260] : memref<400x64xf32, #tpu.memory_space<vmem>> -> memref<50x64xf32, #tpu.memory_space<vmem>>
      tpu.wait_dma2 semaphore(%arg17 : memref<!tpu.dma_semaphore, #tpu.memory_space<semaphore_mem>>) src(%dma_wait3A_1261 : memref<50x64xf32, #tpu.memory_space<vmem>>) dst(%dma_wait3A_1258 : memref<50x64xf32, #tpu.memory_space<hbm>>)
      %dma_wait3A_1262 = arith.constant 0 : i32
      %dma_wait3A_1263 = arith.constant 250 : i32
      %dma_wait3A_1264 = arith.constant 0 : i32
      %dma_wait3A_1265 = tpu.memref_slice %arg9[%dma_wait3A_1263, %dma_wait3A_1264] : memref<400x64xf32, #tpu.memory_space<vmem>> -> memref<50x64xf32, #tpu.memory_space<vmem>>
      %dma_wait3A_1266 = arith.constant 0 : i32
      %dma_wait3A_1267 = arith.constant 0 : i32
      %dma_wait3A_1268 = tpu.memref_slice %arg4[%dma_wait3A_1262, %dma_wait3A_1266, %dma_wait3A_1267] : memref<16384x56x128xf32, #tpu.memory_space<hbm>> -> memref<1x50x64xf32, #tpu.memory_space<hbm>>
      %dma_wait3A_1269 = tpu.memref_squeeze %dma_wait3A_1268 : memref<1x50x64xf32, #tpu.memory_space<hbm>> -> memref<50x64xf32, #tpu.memory_space<hbm>>
      %dma_wait3A_1270 = arith.constant 0 : i32
      %dma_wait3A_1271 = arith.constant 0 : i32
      %dma_wait3A_1272 = tpu.memref_slice %arg4[%dma_wait3A_1262, %dma_wait3A_1270, %dma_wait3A_1271] : memref<16384x56x128xf32, #tpu.memory_space<hbm>> -> memref<1x50x64xf32, #tpu.memory_space<hbm>>
      %dma_wait3A_1273 = tpu.memref_squeeze %dma_wait3A_1272 : memref<1x50x64xf32, #tpu.memory_space<hbm>> -> memref<50x64xf32, #tpu.memory_space<hbm>>
      %dma_wait3A_1274 = arith.constant 250 : i32
      %dma_wait3A_1275 = arith.constant 0 : i32
      %dma_wait3A_1276 = tpu.memref_slice %arg9[%dma_wait3A_1274, %dma_wait3A_1275] : memref<400x64xf32, #tpu.memory_space<vmem>> -> memref<50x64xf32, #tpu.memory_space<vmem>>
      tpu.wait_dma2 semaphore(%arg17 : memref<!tpu.dma_semaphore, #tpu.memory_space<semaphore_mem>>) src(%dma_wait3A_1276 : memref<50x64xf32, #tpu.memory_space<vmem>>) dst(%dma_wait3A_1273 : memref<50x64xf32, #tpu.memory_space<hbm>>)
      %dma_wait3A_1277 = arith.constant 0 : i32
      %dma_wait3A_1278 = arith.constant 300 : i32
      %dma_wait3A_1279 = arith.constant 0 : i32
      %dma_wait3A_1280 = tpu.memref_slice %arg9[%dma_wait3A_1278, %dma_wait3A_1279] : memref<400x64xf32, #tpu.memory_space<vmem>> -> memref<50x64xf32, #tpu.memory_space<vmem>>
      %dma_wait3A_1281 = arith.constant 0 : i32
      %dma_wait3A_1282 = arith.constant 0 : i32
      %dma_wait3A_1283 = tpu.memref_slice %arg4[%dma_wait3A_1277, %dma_wait3A_1281, %dma_wait3A_1282] : memref<16384x56x128xf32, #tpu.memory_space<hbm>> -> memref<1x50x64xf32, #tpu.memory_space<hbm>>
      %dma_wait3A_1284 = tpu.memref_squeeze %dma_wait3A_1283 : memref<1x50x64xf32, #tpu.memory_space<hbm>> -> memref<50x64xf32, #tpu.memory_space<hbm>>
      %dma_wait3A_1285 = arith.constant 0 : i32
      %dma_wait3A_1286 = arith.constant 0 : i32
      %dma_wait3A_1287 = tpu.memref_slice %arg4[%dma_wait3A_1277, %dma_wait3A_1285, %dma_wait3A_1286] : memref<16384x56x128xf32, #tpu.memory_space<hbm>> -> memref<1x50x64xf32, #tpu.memory_space<hbm>>
      %dma_wait3A_1288 = tpu.memref_squeeze %dma_wait3A_1287 : memref<1x50x64xf32, #tpu.memory_space<hbm>> -> memref<50x64xf32, #tpu.memory_space<hbm>>
      %dma_wait3A_1289 = arith.constant 300 : i32
      %dma_wait3A_1290 = arith.constant 0 : i32
      %dma_wait3A_1291 = tpu.memref_slice %arg9[%dma_wait3A_1289, %dma_wait3A_1290] : memref<400x64xf32, #tpu.memory_space<vmem>> -> memref<50x64xf32, #tpu.memory_space<vmem>>
      tpu.wait_dma2 semaphore(%arg17 : memref<!tpu.dma_semaphore, #tpu.memory_space<semaphore_mem>>) src(%dma_wait3A_1291 : memref<50x64xf32, #tpu.memory_space<vmem>>) dst(%dma_wait3A_1288 : memref<50x64xf32, #tpu.memory_space<hbm>>)
      %dma_wait3A_1292 = arith.constant 0 : i32
      %dma_wait3A_1293 = arith.constant 350 : i32
      %dma_wait3A_1294 = arith.constant 0 : i32
      %dma_wait3A_1295 = tpu.memref_slice %arg9[%dma_wait3A_1293, %dma_wait3A_1294] : memref<400x64xf32, #tpu.memory_space<vmem>> -> memref<50x64xf32, #tpu.memory_space<vmem>>
      %dma_wait3A_1296 = arith.constant 0 : i32
      %dma_wait3A_1297 = arith.constant 0 : i32
      %dma_wait3A_1298 = tpu.memref_slice %arg4[%dma_wait3A_1292, %dma_wait3A_1296, %dma_wait3A_1297] : memref<16384x56x128xf32, #tpu.memory_space<hbm>> -> memref<1x50x64xf32, #tpu.memory_space<hbm>>
      %dma_wait3A_1299 = tpu.memref_squeeze %dma_wait3A_1298 : memref<1x50x64xf32, #tpu.memory_space<hbm>> -> memref<50x64xf32, #tpu.memory_space<hbm>>
      %dma_wait3A_1300 = arith.constant 0 : i32
      %dma_wait3A_1301 = arith.constant 0 : i32
      %dma_wait3A_1302 = tpu.memref_slice %arg4[%dma_wait3A_1292, %dma_wait3A_1300, %dma_wait3A_1301] : memref<16384x56x128xf32, #tpu.memory_space<hbm>> -> memref<1x50x64xf32, #tpu.memory_space<hbm>>
      %dma_wait3A_1303 = tpu.memref_squeeze %dma_wait3A_1302 : memref<1x50x64xf32, #tpu.memory_space<hbm>> -> memref<50x64xf32, #tpu.memory_space<hbm>>
      %dma_wait3A_1304 = arith.constant 350 : i32
      %dma_wait3A_1305 = arith.constant 0 : i32
      %dma_wait3A_1306 = tpu.memref_slice %arg9[%dma_wait3A_1304, %dma_wait3A_1305] : memref<400x64xf32, #tpu.memory_space<vmem>> -> memref<50x64xf32, #tpu.memory_space<vmem>>
      tpu.wait_dma2 semaphore(%arg17 : memref<!tpu.dma_semaphore, #tpu.memory_space<semaphore_mem>>) src(%dma_wait3A_1306 : memref<50x64xf32, #tpu.memory_space<vmem>>) dst(%dma_wait3A_1303 : memref<50x64xf32, #tpu.memory_space<hbm>>)
      %dma_start3A_1307 = arith.constant 0 : i32
      %dma_start3A_1308 = arith.constant 0 : i32
      %dma_start3A_1309 = tpu.memref_slice %arg2[%dma_start3A_1307, %dma_start3A_1308] : memref<1000000x64xf32, #tpu.memory_space<hbm>> -> memref<1000000x64xf32, #tpu.memory_space<hbm>>
      tpu.enqueue_indirect_dma source(%dma_start3A_1309 : memref<1000000x64xf32, #tpu.memory_space<hbm>>) target(%arg9 : memref<400x64xf32, #tpu.memory_space<vmem>>) offsets(%arg5 : memref<400xi32, #tpu.memory_space<vmem>>) semaphore(%arg13 : memref<!tpu.dma_semaphore, #tpu.memory_space<semaphore_mem>>)
      %add3A_1310 = arith.constant 1 : i32
      %add3A_1311 = arith.addi %add3A_1043, %add3A_1310 : i32
      %mul3A_1312 = arith.constant 400 : i32
      %mul3A_1313 = arith.muli %add3A_1311, %mul3A_1312 : i32
      %add3A_1314 = arith.addi %mul3A_4, %mul3A_1313 : i32
      %add3A_1315 = arith.constant 1 : i32
      %add3A_1316 = arith.addi %add3A_1043, %add3A_1315 : i32
      %mul3A_1317 = arith.constant 8 : i32
      %mul3A_1318 = arith.muli %add3A_1316, %mul3A_1317 : i32
      %add3A_1319 = arith.addi %mul3A_2, %mul3A_1318 : i32
      %dma_wait3A_1320 = arith.constant 0 : i32
      %dma_wait3A_1321 = arith.constant 0 : i32
      %dma_wait3A_1322 = tpu.memref_slice %arg2[%dma_wait3A_1320, %dma_wait3A_1321] : memref<1000000x64xf32, #tpu.memory_space<hbm>> -> memref<1000000x64xf32, #tpu.memory_space<hbm>>
      tpu.wait_indirect_dma semaphore(%arg14 : memref<!tpu.dma_semaphore, #tpu.memory_space<semaphore_mem>>) src(%dma_wait3A_1322 : memref<1000000x64xf32, #tpu.memory_space<hbm>>) dst(%arg10 : memref<400x64xf32, #tpu.memory_space<vmem>>)
      %add3A_1323 = arith.constant 0 : i32
      %add3A_1324 = arith.addi %add3A_1319, %add3A_1323 : i32
      %dma_start3A_1325 = arith.constant 0 : i32
      %dma_start3A_1326 = arith.constant 0 : i32
      %dma_start3A_1327 = tpu.memref_slice %arg10[%dma_start3A_1325, %dma_start3A_1326] : memref<400x64xf32, #tpu.memory_space<vmem>> -> memref<50x64xf32, #tpu.memory_space<vmem>>
      %dma_start3A_1328 = arith.constant 0 : i32
      %dma_start3A_1329 = arith.constant 0 : i32
      %dma_start3A_1330 = tpu.memref_slice %arg4[%add3A_1324, %dma_start3A_1328, %dma_start3A_1329] : memref<16384x56x128xf32, #tpu.memory_space<hbm>> -> memref<1x50x64xf32, #tpu.memory_space<hbm>>
      %dma_start3A_1331 = tpu.memref_squeeze %dma_start3A_1330 : memref<1x50x64xf32, #tpu.memory_space<hbm>> -> memref<50x64xf32, #tpu.memory_space<hbm>>
      %dma_start3A_1332 = arith.constant 0 : i32
      %dma_start3A_1333 = arith.constant 0 : i32
      %dma_start3A_1334 = tpu.memref_slice %arg4[%add3A_1324, %dma_start3A_1332, %dma_start3A_1333] : memref<16384x56x128xf32, #tpu.memory_space<hbm>> -> memref<1x50x64xf32, #tpu.memory_space<hbm>>
      %dma_start3A_1335 = tpu.memref_squeeze %dma_start3A_1334 : memref<1x50x64xf32, #tpu.memory_space<hbm>> -> memref<50x64xf32, #tpu.memory_space<hbm>>
      %dma_start3A_1336 = arith.constant 0 : i32
      %dma_start3A_1337 = arith.constant 0 : i32
      %dma_start3A_1338 = tpu.memref_slice %arg10[%dma_start3A_1336, %dma_start3A_1337] : memref<400x64xf32, #tpu.memory_space<vmem>> -> memref<50x64xf32, #tpu.memory_space<vmem>>
      tpu.enqueue_dma source(%dma_start3A_1338 : memref<50x64xf32, #tpu.memory_space<vmem>>) target(%dma_start3A_1335 : memref<50x64xf32, #tpu.memory_space<hbm>>) target_semaphore(%arg18 : memref<!tpu.dma_semaphore, #tpu.memory_space<semaphore_mem>>)
      %add3A_1339 = arith.constant 1 : i32
      %add3A_1340 = arith.addi %add3A_1319, %add3A_1339 : i32
      %dma_start3A_1341 = arith.constant 50 : i32
      %dma_start3A_1342 = arith.constant 0 : i32
      %dma_start3A_1343 = tpu.memref_slice %arg10[%dma_start3A_1341, %dma_start3A_1342] : memref<400x64xf32, #tpu.memory_space<vmem>> -> memref<50x64xf32, #tpu.memory_space<vmem>>
      %dma_start3A_1344 = arith.constant 0 : i32
      %dma_start3A_1345 = arith.constant 0 : i32
      %dma_start3A_1346 = tpu.memref_slice %arg4[%add3A_1340, %dma_start3A_1344, %dma_start3A_1345] : memref<16384x56x128xf32, #tpu.memory_space<hbm>> -> memref<1x50x64xf32, #tpu.memory_space<hbm>>
      %dma_start3A_1347 = tpu.memref_squeeze %dma_start3A_1346 : memref<1x50x64xf32, #tpu.memory_space<hbm>> -> memref<50x64xf32, #tpu.memory_space<hbm>>
      %dma_start3A_1348 = arith.constant 0 : i32
      %dma_start3A_1349 = arith.constant 0 : i32
      %dma_start3A_1350 = tpu.memref_slice %arg4[%add3A_1340, %dma_start3A_1348, %dma_start3A_1349] : memref<16384x56x128xf32, #tpu.memory_space<hbm>> -> memref<1x50x64xf32, #tpu.memory_space<hbm>>
      %dma_start3A_1351 = tpu.memref_squeeze %dma_start3A_1350 : memref<1x50x64xf32, #tpu.memory_space<hbm>> -> memref<50x64xf32, #tpu.memory_space<hbm>>
      %dma_start3A_1352 = arith.constant 50 : i32
      %dma_start3A_1353 = arith.constant 0 : i32
      %dma_start3A_1354 = tpu.memref_slice %arg10[%dma_start3A_1352, %dma_start3A_1353] : memref<400x64xf32, #tpu.memory_space<vmem>> -> memref<50x64xf32, #tpu.memory_space<vmem>>
      tpu.enqueue_dma source(%dma_start3A_1354 : memref<50x64xf32, #tpu.memory_space<vmem>>) target(%dma_start3A_1351 : memref<50x64xf32, #tpu.memory_space<hbm>>) target_semaphore(%arg18 : memref<!tpu.dma_semaphore, #tpu.memory_space<semaphore_mem>>)
      %add3A_1355 = arith.constant 2 : i32
      %add3A_1356 = arith.addi %add3A_1319, %add3A_1355 : i32
      %dma_start3A_1357 = arith.constant 100 : i32
      %dma_start3A_1358 = arith.constant 0 : i32
      %dma_start3A_1359 = tpu.memref_slice %arg10[%dma_start3A_1357, %dma_start3A_1358] : memref<400x64xf32, #tpu.memory_space<vmem>> -> memref<50x64xf32, #tpu.memory_space<vmem>>
      %dma_start3A_1360 = arith.constant 0 : i32
      %dma_start3A_1361 = arith.constant 0 : i32
      %dma_start3A_1362 = tpu.memref_slice %arg4[%add3A_1356, %dma_start3A_1360, %dma_start3A_1361] : memref<16384x56x128xf32, #tpu.memory_space<hbm>> -> memref<1x50x64xf32, #tpu.memory_space<hbm>>
      %dma_start3A_1363 = tpu.memref_squeeze %dma_start3A_1362 : memref<1x50x64xf32, #tpu.memory_space<hbm>> -> memref<50x64xf32, #tpu.memory_space<hbm>>
      %dma_start3A_1364 = arith.constant 0 : i32
      %dma_start3A_1365 = arith.constant 0 : i32
      %dma_start3A_1366 = tpu.memref_slice %arg4[%add3A_1356, %dma_start3A_1364, %dma_start3A_1365] : memref<16384x56x128xf32, #tpu.memory_space<hbm>> -> memref<1x50x64xf32, #tpu.memory_space<hbm>>
      %dma_start3A_1367 = tpu.memref_squeeze %dma_start3A_1366 : memref<1x50x64xf32, #tpu.memory_space<hbm>> -> memref<50x64xf32, #tpu.memory_space<hbm>>
      %dma_start3A_1368 = arith.constant 100 : i32
      %dma_start3A_1369 = arith.constant 0 : i32
      %dma_start3A_1370 = tpu.memref_slice %arg10[%dma_start3A_1368, %dma_start3A_1369] : memref<400x64xf32, #tpu.memory_space<vmem>> -> memref<50x64xf32, #tpu.memory_space<vmem>>
      tpu.enqueue_dma source(%dma_start3A_1370 : memref<50x64xf32, #tpu.memory_space<vmem>>) target(%dma_start3A_1367 : memref<50x64xf32, #tpu.memory_space<hbm>>) target_semaphore(%arg18 : memref<!tpu.dma_semaphore, #tpu.memory_space<semaphore_mem>>)
      %add3A_1371 = arith.constant 3 : i32
      %add3A_1372 = arith.addi %add3A_1319, %add3A_1371 : i32
      %dma_start3A_1373 = arith.constant 150 : i32
      %dma_start3A_1374 = arith.constant 0 : i32
      %dma_start3A_1375 = tpu.memref_slice %arg10[%dma_start3A_1373, %dma_start3A_1374] : memref<400x64xf32, #tpu.memory_space<vmem>> -> memref<50x64xf32, #tpu.memory_space<vmem>>
      %dma_start3A_1376 = arith.constant 0 : i32
      %dma_start3A_1377 = arith.constant 0 : i32
      %dma_start3A_1378 = tpu.memref_slice %arg4[%add3A_1372, %dma_start3A_1376, %dma_start3A_1377] : memref<16384x56x128xf32, #tpu.memory_space<hbm>> -> memref<1x50x64xf32, #tpu.memory_space<hbm>>
      %dma_start3A_1379 = tpu.memref_squeeze %dma_start3A_1378 : memref<1x50x64xf32, #tpu.memory_space<hbm>> -> memref<50x64xf32, #tpu.memory_space<hbm>>
      %dma_start3A_1380 = arith.constant 0 : i32
      %dma_start3A_1381 = arith.constant 0 : i32
      %dma_start3A_1382 = tpu.memref_slice %arg4[%add3A_1372, %dma_start3A_1380, %dma_start3A_1381] : memref<16384x56x128xf32, #tpu.memory_space<hbm>> -> memref<1x50x64xf32, #tpu.memory_space<hbm>>
      %dma_start3A_1383 = tpu.memref_squeeze %dma_start3A_1382 : memref<1x50x64xf32, #tpu.memory_space<hbm>> -> memref<50x64xf32, #tpu.memory_space<hbm>>
      %dma_start3A_1384 = arith.constant 150 : i32
      %dma_start3A_1385 = arith.constant 0 : i32
      %dma_start3A_1386 = tpu.memref_slice %arg10[%dma_start3A_1384, %dma_start3A_1385] : memref<400x64xf32, #tpu.memory_space<vmem>> -> memref<50x64xf32, #tpu.memory_space<vmem>>
      tpu.enqueue_dma source(%dma_start3A_1386 : memref<50x64xf32, #tpu.memory_space<vmem>>) target(%dma_start3A_1383 : memref<50x64xf32, #tpu.memory_space<hbm>>) target_semaphore(%arg18 : memref<!tpu.dma_semaphore, #tpu.memory_space<semaphore_mem>>)
      %add3A_1387 = arith.constant 4 : i32
      %add3A_1388 = arith.addi %add3A_1319, %add3A_1387 : i32
      %dma_start3A_1389 = arith.constant 200 : i32
      %dma_start3A_1390 = arith.constant 0 : i32
      %dma_start3A_1391 = tpu.memref_slice %arg10[%dma_start3A_1389, %dma_start3A_1390] : memref<400x64xf32, #tpu.memory_space<vmem>> -> memref<50x64xf32, #tpu.memory_space<vmem>>
      %dma_start3A_1392 = arith.constant 0 : i32
      %dma_start3A_1393 = arith.constant 0 : i32
      %dma_start3A_1394 = tpu.memref_slice %arg4[%add3A_1388, %dma_start3A_1392, %dma_start3A_1393] : memref<16384x56x128xf32, #tpu.memory_space<hbm>> -> memref<1x50x64xf32, #tpu.memory_space<hbm>>
      %dma_start3A_1395 = tpu.memref_squeeze %dma_start3A_1394 : memref<1x50x64xf32, #tpu.memory_space<hbm>> -> memref<50x64xf32, #tpu.memory_space<hbm>>
      %dma_start3A_1396 = arith.constant 0 : i32
      %dma_start3A_1397 = arith.constant 0 : i32
      %dma_start3A_1398 = tpu.memref_slice %arg4[%add3A_1388, %dma_start3A_1396, %dma_start3A_1397] : memref<16384x56x128xf32, #tpu.memory_space<hbm>> -> memref<1x50x64xf32, #tpu.memory_space<hbm>>
      %dma_start3A_1399 = tpu.memref_squeeze %dma_start3A_1398 : memref<1x50x64xf32, #tpu.memory_space<hbm>> -> memref<50x64xf32, #tpu.memory_space<hbm>>
      %dma_start3A_1400 = arith.constant 200 : i32
      %dma_start3A_1401 = arith.constant 0 : i32
      %dma_start3A_1402 = tpu.memref_slice %arg10[%dma_start3A_1400, %dma_start3A_1401] : memref<400x64xf32, #tpu.memory_space<vmem>> -> memref<50x64xf32, #tpu.memory_space<vmem>>
      tpu.enqueue_dma source(%dma_start3A_1402 : memref<50x64xf32, #tpu.memory_space<vmem>>) target(%dma_start3A_1399 : memref<50x64xf32, #tpu.memory_space<hbm>>) target_semaphore(%arg18 : memref<!tpu.dma_semaphore, #tpu.memory_space<semaphore_mem>>)
      %add3A_1403 = arith.constant 5 : i32
      %add3A_1404 = arith.addi %add3A_1319, %add3A_1403 : i32
      %dma_start3A_1405 = arith.constant 250 : i32
      %dma_start3A_1406 = arith.constant 0 : i32
      %dma_start3A_1407 = tpu.memref_slice %arg10[%dma_start3A_1405, %dma_start3A_1406] : memref<400x64xf32, #tpu.memory_space<vmem>> -> memref<50x64xf32, #tpu.memory_space<vmem>>
      %dma_start3A_1408 = arith.constant 0 : i32
      %dma_start3A_1409 = arith.constant 0 : i32
      %dma_start3A_1410 = tpu.memref_slice %arg4[%add3A_1404, %dma_start3A_1408, %dma_start3A_1409] : memref<16384x56x128xf32, #tpu.memory_space<hbm>> -> memref<1x50x64xf32, #tpu.memory_space<hbm>>
      %dma_start3A_1411 = tpu.memref_squeeze %dma_start3A_1410 : memref<1x50x64xf32, #tpu.memory_space<hbm>> -> memref<50x64xf32, #tpu.memory_space<hbm>>
      %dma_start3A_1412 = arith.constant 0 : i32
      %dma_start3A_1413 = arith.constant 0 : i32
      %dma_start3A_1414 = tpu.memref_slice %arg4[%add3A_1404, %dma_start3A_1412, %dma_start3A_1413] : memref<16384x56x128xf32, #tpu.memory_space<hbm>> -> memref<1x50x64xf32, #tpu.memory_space<hbm>>
      %dma_start3A_1415 = tpu.memref_squeeze %dma_start3A_1414 : memref<1x50x64xf32, #tpu.memory_space<hbm>> -> memref<50x64xf32, #tpu.memory_space<hbm>>
      %dma_start3A_1416 = arith.constant 250 : i32
      %dma_start3A_1417 = arith.constant 0 : i32
      %dma_start3A_1418 = tpu.memref_slice %arg10[%dma_start3A_1416, %dma_start3A_1417] : memref<400x64xf32, #tpu.memory_space<vmem>> -> memref<50x64xf32, #tpu.memory_space<vmem>>
      tpu.enqueue_dma source(%dma_start3A_1418 : memref<50x64xf32, #tpu.memory_space<vmem>>) target(%dma_start3A_1415 : memref<50x64xf32, #tpu.memory_space<hbm>>) target_semaphore(%arg18 : memref<!tpu.dma_semaphore, #tpu.memory_space<semaphore_mem>>)
      %add3A_1419 = arith.constant 6 : i32
      %add3A_1420 = arith.addi %add3A_1319, %add3A_1419 : i32
      %dma_start3A_1421 = arith.constant 300 : i32
      %dma_start3A_1422 = arith.constant 0 : i32
      %dma_start3A_1423 = tpu.memref_slice %arg10[%dma_start3A_1421, %dma_start3A_1422] : memref<400x64xf32, #tpu.memory_space<vmem>> -> memref<50x64xf32, #tpu.memory_space<vmem>>
      %dma_start3A_1424 = arith.constant 0 : i32
      %dma_start3A_1425 = arith.constant 0 : i32
      %dma_start3A_1426 = tpu.memref_slice %arg4[%add3A_1420, %dma_start3A_1424, %dma_start3A_1425] : memref<16384x56x128xf32, #tpu.memory_space<hbm>> -> memref<1x50x64xf32, #tpu.memory_space<hbm>>
      %dma_start3A_1427 = tpu.memref_squeeze %dma_start3A_1426 : memref<1x50x64xf32, #tpu.memory_space<hbm>> -> memref<50x64xf32, #tpu.memory_space<hbm>>
      %dma_start3A_1428 = arith.constant 0 : i32
      %dma_start3A_1429 = arith.constant 0 : i32
      %dma_start3A_1430 = tpu.memref_slice %arg4[%add3A_1420, %dma_start3A_1428, %dma_start3A_1429] : memref<16384x56x128xf32, #tpu.memory_space<hbm>> -> memref<1x50x64xf32, #tpu.memory_space<hbm>>
      %dma_start3A_1431 = tpu.memref_squeeze %dma_start3A_1430 : memref<1x50x64xf32, #tpu.memory_space<hbm>> -> memref<50x64xf32, #tpu.memory_space<hbm>>
      %dma_start3A_1432 = arith.constant 300 : i32
      %dma_start3A_1433 = arith.constant 0 : i32
      %dma_start3A_1434 = tpu.memref_slice %arg10[%dma_start3A_1432, %dma_start3A_1433] : memref<400x64xf32, #tpu.memory_space<vmem>> -> memref<50x64xf32, #tpu.memory_space<vmem>>
      tpu.enqueue_dma source(%dma_start3A_1434 : memref<50x64xf32, #tpu.memory_space<vmem>>) target(%dma_start3A_1431 : memref<50x64xf32, #tpu.memory_space<hbm>>) target_semaphore(%arg18 : memref<!tpu.dma_semaphore, #tpu.memory_space<semaphore_mem>>)
      %add3A_1435 = arith.constant 7 : i32
      %add3A_1436 = arith.addi %add3A_1319, %add3A_1435 : i32
      %dma_start3A_1437 = arith.constant 350 : i32
      %dma_start3A_1438 = arith.constant 0 : i32
      %dma_start3A_1439 = tpu.memref_slice %arg10[%dma_start3A_1437, %dma_start3A_1438] : memref<400x64xf32, #tpu.memory_space<vmem>> -> memref<50x64xf32, #tpu.memory_space<vmem>>
      %dma_start3A_1440 = arith.constant 0 : i32
      %dma_start3A_1441 = arith.constant 0 : i32
      %dma_start3A_1442 = tpu.memref_slice %arg4[%add3A_1436, %dma_start3A_1440, %dma_start3A_1441] : memref<16384x56x128xf32, #tpu.memory_space<hbm>> -> memref<1x50x64xf32, #tpu.memory_space<hbm>>
      %dma_start3A_1443 = tpu.memref_squeeze %dma_start3A_1442 : memref<1x50x64xf32, #tpu.memory_space<hbm>> -> memref<50x64xf32, #tpu.memory_space<hbm>>
      %dma_start3A_1444 = arith.constant 0 : i32
      %dma_start3A_1445 = arith.constant 0 : i32
      %dma_start3A_1446 = tpu.memref_slice %arg4[%add3A_1436, %dma_start3A_1444, %dma_start3A_1445] : memref<16384x56x128xf32, #tpu.memory_space<hbm>> -> memref<1x50x64xf32, #tpu.memory_space<hbm>>
      %dma_start3A_1447 = tpu.memref_squeeze %dma_start3A_1446 : memref<1x50x64xf32, #tpu.memory_space<hbm>> -> memref<50x64xf32, #tpu.memory_space<hbm>>
      %dma_start3A_1448 = arith.constant 350 : i32
      %dma_start3A_1449 = arith.constant 0 : i32
      %dma_start3A_1450 = tpu.memref_slice %arg10[%dma_start3A_1448, %dma_start3A_1449] : memref<400x64xf32, #tpu.memory_space<vmem>> -> memref<50x64xf32, #tpu.memory_space<vmem>>
      tpu.enqueue_dma source(%dma_start3A_1450 : memref<50x64xf32, #tpu.memory_space<vmem>>) target(%dma_start3A_1447 : memref<50x64xf32, #tpu.memory_space<hbm>>) target_semaphore(%arg18 : memref<!tpu.dma_semaphore, #tpu.memory_space<semaphore_mem>>)
      %add3A_1451 = arith.constant 1600 : i32
      %add3A_1452 = arith.addi %add3A_1314, %add3A_1451 : i32
      "tpu.region"() ({
        %run_scoped3A = tpu.sem_alloc : memref<!tpu.dma_semaphore, #tpu.memory_space<semaphore_mem>>
        %dma_start3A_2108 = tpu.memref_slice %arg3[%add3A_1452] : memref<819200xi32, #tpu.memory_space<hbm>> -> memref<400xi32, #tpu.memory_space<hbm>>
        %dma_start3A_2109 = tpu.memref_slice %arg3[%add3A_1452] : memref<819200xi32, #tpu.memory_space<hbm>> -> memref<400xi32, #tpu.memory_space<hbm>>
        tpu.enqueue_dma source(%dma_start3A_2109 : memref<400xi32, #tpu.memory_space<hbm>>) target(%arg6 : memref<400xi32, #tpu.memory_space<vmem>>) target_semaphore(%run_scoped3A : memref<!tpu.dma_semaphore, #tpu.memory_space<semaphore_mem>>)
        %dma_wait3A_2110 = tpu.memref_slice %arg3[%add3A_1452] : memref<819200xi32, #tpu.memory_space<hbm>> -> memref<400xi32, #tpu.memory_space<hbm>>
        %dma_wait3A_2111 = tpu.memref_slice %arg3[%add3A_1452] : memref<819200xi32, #tpu.memory_space<hbm>> -> memref<400xi32, #tpu.memory_space<hbm>>
        tpu.wait_dma2 semaphore(%run_scoped3A : memref<!tpu.dma_semaphore, #tpu.memory_space<semaphore_mem>>) src(%dma_wait3A_2111 : memref<400xi32, #tpu.memory_space<hbm>>) dst(%arg6 : memref<400xi32, #tpu.memory_space<vmem>>)
        tpu.yield
      }) : () -> ()
      %dma_wait3A_1453 = arith.constant 0 : i32
      %dma_wait3A_1454 = arith.constant 0 : i32
      %dma_wait3A_1455 = arith.constant 0 : i32
      %dma_wait3A_1456 = tpu.memref_slice %arg10[%dma_wait3A_1454, %dma_wait3A_1455] : memref<400x64xf32, #tpu.memory_space<vmem>> -> memref<50x64xf32, #tpu.memory_space<vmem>>
      %dma_wait3A_1457 = arith.constant 0 : i32
      %dma_wait3A_1458 = arith.constant 0 : i32
      %dma_wait3A_1459 = tpu.memref_slice %arg4[%dma_wait3A_1453, %dma_wait3A_1457, %dma_wait3A_1458] : memref<16384x56x128xf32, #tpu.memory_space<hbm>> -> memref<1x50x64xf32, #tpu.memory_space<hbm>>
      %dma_wait3A_1460 = tpu.memref_squeeze %dma_wait3A_1459 : memref<1x50x64xf32, #tpu.memory_space<hbm>> -> memref<50x64xf32, #tpu.memory_space<hbm>>
      %dma_wait3A_1461 = arith.constant 0 : i32
      %dma_wait3A_1462 = arith.constant 0 : i32
      %dma_wait3A_1463 = tpu.memref_slice %arg4[%dma_wait3A_1453, %dma_wait3A_1461, %dma_wait3A_1462] : memref<16384x56x128xf32, #tpu.memory_space<hbm>> -> memref<1x50x64xf32, #tpu.memory_space<hbm>>
      %dma_wait3A_1464 = tpu.memref_squeeze %dma_wait3A_1463 : memref<1x50x64xf32, #tpu.memory_space<hbm>> -> memref<50x64xf32, #tpu.memory_space<hbm>>
      %dma_wait3A_1465 = arith.constant 0 : i32
      %dma_wait3A_1466 = arith.constant 0 : i32
      %dma_wait3A_1467 = tpu.memref_slice %arg10[%dma_wait3A_1465, %dma_wait3A_1466] : memref<400x64xf32, #tpu.memory_space<vmem>> -> memref<50x64xf32, #tpu.memory_space<vmem>>
      tpu.wait_dma2 semaphore(%arg18 : memref<!tpu.dma_semaphore, #tpu.memory_space<semaphore_mem>>) src(%dma_wait3A_1467 : memref<50x64xf32, #tpu.memory_space<vmem>>) dst(%dma_wait3A_1464 : memref<50x64xf32, #tpu.memory_space<hbm>>)
      %dma_wait3A_1468 = arith.constant 0 : i32
      %dma_wait3A_1469 = arith.constant 50 : i32
      %dma_wait3A_1470 = arith.constant 0 : i32
      %dma_wait3A_1471 = tpu.memref_slice %arg10[%dma_wait3A_1469, %dma_wait3A_1470] : memref<400x64xf32, #tpu.memory_space<vmem>> -> memref<50x64xf32, #tpu.memory_space<vmem>>
      %dma_wait3A_1472 = arith.constant 0 : i32
      %dma_wait3A_1473 = arith.constant 0 : i32
      %dma_wait3A_1474 = tpu.memref_slice %arg4[%dma_wait3A_1468, %dma_wait3A_1472, %dma_wait3A_1473] : memref<16384x56x128xf32, #tpu.memory_space<hbm>> -> memref<1x50x64xf32, #tpu.memory_space<hbm>>
      %dma_wait3A_1475 = tpu.memref_squeeze %dma_wait3A_1474 : memref<1x50x64xf32, #tpu.memory_space<hbm>> -> memref<50x64xf32, #tpu.memory_space<hbm>>
      %dma_wait3A_1476 = arith.constant 0 : i32
      %dma_wait3A_1477 = arith.constant 0 : i32
      %dma_wait3A_1478 = tpu.memref_slice %arg4[%dma_wait3A_1468, %dma_wait3A_1476, %dma_wait3A_1477] : memref<16384x56x128xf32, #tpu.memory_space<hbm>> -> memref<1x50x64xf32, #tpu.memory_space<hbm>>
      %dma_wait3A_1479 = tpu.memref_squeeze %dma_wait3A_1478 : memref<1x50x64xf32, #tpu.memory_space<hbm>> -> memref<50x64xf32, #tpu.memory_space<hbm>>
      %dma_wait3A_1480 = arith.constant 50 : i32
      %dma_wait3A_1481 = arith.constant 0 : i32
      %dma_wait3A_1482 = tpu.memref_slice %arg10[%dma_wait3A_1480, %dma_wait3A_1481] : memref<400x64xf32, #tpu.memory_space<vmem>> -> memref<50x64xf32, #tpu.memory_space<vmem>>
      tpu.wait_dma2 semaphore(%arg18 : memref<!tpu.dma_semaphore, #tpu.memory_space<semaphore_mem>>) src(%dma_wait3A_1482 : memref<50x64xf32, #tpu.memory_space<vmem>>) dst(%dma_wait3A_1479 : memref<50x64xf32, #tpu.memory_space<hbm>>)
      %dma_wait3A_1483 = arith.constant 0 : i32
      %dma_wait3A_1484 = arith.constant 100 : i32
      %dma_wait3A_1485 = arith.constant 0 : i32
      %dma_wait3A_1486 = tpu.memref_slice %arg10[%dma_wait3A_1484, %dma_wait3A_1485] : memref<400x64xf32, #tpu.memory_space<vmem>> -> memref<50x64xf32, #tpu.memory_space<vmem>>
      %dma_wait3A_1487 = arith.constant 0 : i32
      %dma_wait3A_1488 = arith.constant 0 : i32
      %dma_wait3A_1489 = tpu.memref_slice %arg4[%dma_wait3A_1483, %dma_wait3A_1487, %dma_wait3A_1488] : memref<16384x56x128xf32, #tpu.memory_space<hbm>> -> memref<1x50x64xf32, #tpu.memory_space<hbm>>
      %dma_wait3A_1490 = tpu.memref_squeeze %dma_wait3A_1489 : memref<1x50x64xf32, #tpu.memory_space<hbm>> -> memref<50x64xf32, #tpu.memory_space<hbm>>
      %dma_wait3A_1491 = arith.constant 0 : i32
      %dma_wait3A_1492 = arith.constant 0 : i32
      %dma_wait3A_1493 = tpu.memref_slice %arg4[%dma_wait3A_1483, %dma_wait3A_1491, %dma_wait3A_1492] : memref<16384x56x128xf32, #tpu.memory_space<hbm>> -> memref<1x50x64xf32, #tpu.memory_space<hbm>>
      %dma_wait3A_1494 = tpu.memref_squeeze %dma_wait3A_1493 : memref<1x50x64xf32, #tpu.memory_space<hbm>> -> memref<50x64xf32, #tpu.memory_space<hbm>>
      %dma_wait3A_1495 = arith.constant 100 : i32
      %dma_wait3A_1496 = arith.constant 0 : i32
      %dma_wait3A_1497 = tpu.memref_slice %arg10[%dma_wait3A_1495, %dma_wait3A_1496] : memref<400x64xf32, #tpu.memory_space<vmem>> -> memref<50x64xf32, #tpu.memory_space<vmem>>
      tpu.wait_dma2 semaphore(%arg18 : memref<!tpu.dma_semaphore, #tpu.memory_space<semaphore_mem>>) src(%dma_wait3A_1497 : memref<50x64xf32, #tpu.memory_space<vmem>>) dst(%dma_wait3A_1494 : memref<50x64xf32, #tpu.memory_space<hbm>>)
      %dma_wait3A_1498 = arith.constant 0 : i32
      %dma_wait3A_1499 = arith.constant 150 : i32
      %dma_wait3A_1500 = arith.constant 0 : i32
      %dma_wait3A_1501 = tpu.memref_slice %arg10[%dma_wait3A_1499, %dma_wait3A_1500] : memref<400x64xf32, #tpu.memory_space<vmem>> -> memref<50x64xf32, #tpu.memory_space<vmem>>
      %dma_wait3A_1502 = arith.constant 0 : i32
      %dma_wait3A_1503 = arith.constant 0 : i32
      %dma_wait3A_1504 = tpu.memref_slice %arg4[%dma_wait3A_1498, %dma_wait3A_1502, %dma_wait3A_1503] : memref<16384x56x128xf32, #tpu.memory_space<hbm>> -> memref<1x50x64xf32, #tpu.memory_space<hbm>>
      %dma_wait3A_1505 = tpu.memref_squeeze %dma_wait3A_1504 : memref<1x50x64xf32, #tpu.memory_space<hbm>> -> memref<50x64xf32, #tpu.memory_space<hbm>>
      %dma_wait3A_1506 = arith.constant 0 : i32
      %dma_wait3A_1507 = arith.constant 0 : i32
      %dma_wait3A_1508 = tpu.memref_slice %arg4[%dma_wait3A_1498, %dma_wait3A_1506, %dma_wait3A_1507] : memref<16384x56x128xf32, #tpu.memory_space<hbm>> -> memref<1x50x64xf32, #tpu.memory_space<hbm>>
      %dma_wait3A_1509 = tpu.memref_squeeze %dma_wait3A_1508 : memref<1x50x64xf32, #tpu.memory_space<hbm>> -> memref<50x64xf32, #tpu.memory_space<hbm>>
      %dma_wait3A_1510 = arith.constant 150 : i32
      %dma_wait3A_1511 = arith.constant 0 : i32
      %dma_wait3A_1512 = tpu.memref_slice %arg10[%dma_wait3A_1510, %dma_wait3A_1511] : memref<400x64xf32, #tpu.memory_space<vmem>> -> memref<50x64xf32, #tpu.memory_space<vmem>>
      tpu.wait_dma2 semaphore(%arg18 : memref<!tpu.dma_semaphore, #tpu.memory_space<semaphore_mem>>) src(%dma_wait3A_1512 : memref<50x64xf32, #tpu.memory_space<vmem>>) dst(%dma_wait3A_1509 : memref<50x64xf32, #tpu.memory_space<hbm>>)
      %dma_wait3A_1513 = arith.constant 0 : i32
      %dma_wait3A_1514 = arith.constant 200 : i32
      %dma_wait3A_1515 = arith.constant 0 : i32
      %dma_wait3A_1516 = tpu.memref_slice %arg10[%dma_wait3A_1514, %dma_wait3A_1515] : memref<400x64xf32, #tpu.memory_space<vmem>> -> memref<50x64xf32, #tpu.memory_space<vmem>>
      %dma_wait3A_1517 = arith.constant 0 : i32
      %dma_wait3A_1518 = arith.constant 0 : i32
      %dma_wait3A_1519 = tpu.memref_slice %arg4[%dma_wait3A_1513, %dma_wait3A_1517, %dma_wait3A_1518] : memref<16384x56x128xf32, #tpu.memory_space<hbm>> -> memref<1x50x64xf32, #tpu.memory_space<hbm>>
      %dma_wait3A_1520 = tpu.memref_squeeze %dma_wait3A_1519 : memref<1x50x64xf32, #tpu.memory_space<hbm>> -> memref<50x64xf32, #tpu.memory_space<hbm>>
      %dma_wait3A_1521 = arith.constant 0 : i32
      %dma_wait3A_1522 = arith.constant 0 : i32
      %dma_wait3A_1523 = tpu.memref_slice %arg4[%dma_wait3A_1513, %dma_wait3A_1521, %dma_wait3A_1522] : memref<16384x56x128xf32, #tpu.memory_space<hbm>> -> memref<1x50x64xf32, #tpu.memory_space<hbm>>
      %dma_wait3A_1524 = tpu.memref_squeeze %dma_wait3A_1523 : memref<1x50x64xf32, #tpu.memory_space<hbm>> -> memref<50x64xf32, #tpu.memory_space<hbm>>
      %dma_wait3A_1525 = arith.constant 200 : i32
      %dma_wait3A_1526 = arith.constant 0 : i32
      %dma_wait3A_1527 = tpu.memref_slice %arg10[%dma_wait3A_1525, %dma_wait3A_1526] : memref<400x64xf32, #tpu.memory_space<vmem>> -> memref<50x64xf32, #tpu.memory_space<vmem>>
      tpu.wait_dma2 semaphore(%arg18 : memref<!tpu.dma_semaphore, #tpu.memory_space<semaphore_mem>>) src(%dma_wait3A_1527 : memref<50x64xf32, #tpu.memory_space<vmem>>) dst(%dma_wait3A_1524 : memref<50x64xf32, #tpu.memory_space<hbm>>)
      %dma_wait3A_1528 = arith.constant 0 : i32
      %dma_wait3A_1529 = arith.constant 250 : i32
      %dma_wait3A_1530 = arith.constant 0 : i32
      %dma_wait3A_1531 = tpu.memref_slice %arg10[%dma_wait3A_1529, %dma_wait3A_1530] : memref<400x64xf32, #tpu.memory_space<vmem>> -> memref<50x64xf32, #tpu.memory_space<vmem>>
      %dma_wait3A_1532 = arith.constant 0 : i32
      %dma_wait3A_1533 = arith.constant 0 : i32
      %dma_wait3A_1534 = tpu.memref_slice %arg4[%dma_wait3A_1528, %dma_wait3A_1532, %dma_wait3A_1533] : memref<16384x56x128xf32, #tpu.memory_space<hbm>> -> memref<1x50x64xf32, #tpu.memory_space<hbm>>
      %dma_wait3A_1535 = tpu.memref_squeeze %dma_wait3A_1534 : memref<1x50x64xf32, #tpu.memory_space<hbm>> -> memref<50x64xf32, #tpu.memory_space<hbm>>
      %dma_wait3A_1536 = arith.constant 0 : i32
      %dma_wait3A_1537 = arith.constant 0 : i32
      %dma_wait3A_1538 = tpu.memref_slice %arg4[%dma_wait3A_1528, %dma_wait3A_1536, %dma_wait3A_1537] : memref<16384x56x128xf32, #tpu.memory_space<hbm>> -> memref<1x50x64xf32, #tpu.memory_space<hbm>>
      %dma_wait3A_1539 = tpu.memref_squeeze %dma_wait3A_1538 : memref<1x50x64xf32, #tpu.memory_space<hbm>> -> memref<50x64xf32, #tpu.memory_space<hbm>>
      %dma_wait3A_1540 = arith.constant 250 : i32
      %dma_wait3A_1541 = arith.constant 0 : i32
      %dma_wait3A_1542 = tpu.memref_slice %arg10[%dma_wait3A_1540, %dma_wait3A_1541] : memref<400x64xf32, #tpu.memory_space<vmem>> -> memref<50x64xf32, #tpu.memory_space<vmem>>
      tpu.wait_dma2 semaphore(%arg18 : memref<!tpu.dma_semaphore, #tpu.memory_space<semaphore_mem>>) src(%dma_wait3A_1542 : memref<50x64xf32, #tpu.memory_space<vmem>>) dst(%dma_wait3A_1539 : memref<50x64xf32, #tpu.memory_space<hbm>>)
      %dma_wait3A_1543 = arith.constant 0 : i32
      %dma_wait3A_1544 = arith.constant 300 : i32
      %dma_wait3A_1545 = arith.constant 0 : i32
      %dma_wait3A_1546 = tpu.memref_slice %arg10[%dma_wait3A_1544, %dma_wait3A_1545] : memref<400x64xf32, #tpu.memory_space<vmem>> -> memref<50x64xf32, #tpu.memory_space<vmem>>
      %dma_wait3A_1547 = arith.constant 0 : i32
      %dma_wait3A_1548 = arith.constant 0 : i32
      %dma_wait3A_1549 = tpu.memref_slice %arg4[%dma_wait3A_1543, %dma_wait3A_1547, %dma_wait3A_1548] : memref<16384x56x128xf32, #tpu.memory_space<hbm>> -> memref<1x50x64xf32, #tpu.memory_space<hbm>>
      %dma_wait3A_1550 = tpu.memref_squeeze %dma_wait3A_1549 : memref<1x50x64xf32, #tpu.memory_space<hbm>> -> memref<50x64xf32, #tpu.memory_space<hbm>>
      %dma_wait3A_1551 = arith.constant 0 : i32
      %dma_wait3A_1552 = arith.constant 0 : i32
      %dma_wait3A_1553 = tpu.memref_slice %arg4[%dma_wait3A_1543, %dma_wait3A_1551, %dma_wait3A_1552] : memref<16384x56x128xf32, #tpu.memory_space<hbm>> -> memref<1x50x64xf32, #tpu.memory_space<hbm>>
      %dma_wait3A_1554 = tpu.memref_squeeze %dma_wait3A_1553 : memref<1x50x64xf32, #tpu.memory_space<hbm>> -> memref<50x64xf32, #tpu.memory_space<hbm>>
      %dma_wait3A_1555 = arith.constant 300 : i32
      %dma_wait3A_1556 = arith.constant 0 : i32
      %dma_wait3A_1557 = tpu.memref_slice %arg10[%dma_wait3A_1555, %dma_wait3A_1556] : memref<400x64xf32, #tpu.memory_space<vmem>> -> memref<50x64xf32, #tpu.memory_space<vmem>>
      tpu.wait_dma2 semaphore(%arg18 : memref<!tpu.dma_semaphore, #tpu.memory_space<semaphore_mem>>) src(%dma_wait3A_1557 : memref<50x64xf32, #tpu.memory_space<vmem>>) dst(%dma_wait3A_1554 : memref<50x64xf32, #tpu.memory_space<hbm>>)
      %dma_wait3A_1558 = arith.constant 0 : i32
      %dma_wait3A_1559 = arith.constant 350 : i32
      %dma_wait3A_1560 = arith.constant 0 : i32
      %dma_wait3A_1561 = tpu.memref_slice %arg10[%dma_wait3A_1559, %dma_wait3A_1560] : memref<400x64xf32, #tpu.memory_space<vmem>> -> memref<50x64xf32, #tpu.memory_space<vmem>>
      %dma_wait3A_1562 = arith.constant 0 : i32
      %dma_wait3A_1563 = arith.constant 0 : i32
      %dma_wait3A_1564 = tpu.memref_slice %arg4[%dma_wait3A_1558, %dma_wait3A_1562, %dma_wait3A_1563] : memref<16384x56x128xf32, #tpu.memory_space<hbm>> -> memref<1x50x64xf32, #tpu.memory_space<hbm>>
      %dma_wait3A_1565 = tpu.memref_squeeze %dma_wait3A_1564 : memref<1x50x64xf32, #tpu.memory_space<hbm>> -> memref<50x64xf32, #tpu.memory_space<hbm>>
      %dma_wait3A_1566 = arith.constant 0 : i32
      %dma_wait3A_1567 = arith.constant 0 : i32
      %dma_wait3A_1568 = tpu.memref_slice %arg4[%dma_wait3A_1558, %dma_wait3A_1566, %dma_wait3A_1567] : memref<16384x56x128xf32, #tpu.memory_space<hbm>> -> memref<1x50x64xf32, #tpu.memory_space<hbm>>
      %dma_wait3A_1569 = tpu.memref_squeeze %dma_wait3A_1568 : memref<1x50x64xf32, #tpu.memory_space<hbm>> -> memref<50x64xf32, #tpu.memory_space<hbm>>
      %dma_wait3A_1570 = arith.constant 350 : i32
      %dma_wait3A_1571 = arith.constant 0 : i32
      %dma_wait3A_1572 = tpu.memref_slice %arg10[%dma_wait3A_1570, %dma_wait3A_1571] : memref<400x64xf32, #tpu.memory_space<vmem>> -> memref<50x64xf32, #tpu.memory_space<vmem>>
      tpu.wait_dma2 semaphore(%arg18 : memref<!tpu.dma_semaphore, #tpu.memory_space<semaphore_mem>>) src(%dma_wait3A_1572 : memref<50x64xf32, #tpu.memory_space<vmem>>) dst(%dma_wait3A_1569 : memref<50x64xf32, #tpu.memory_space<hbm>>)
      %dma_start3A_1573 = arith.constant 0 : i32
      %dma_start3A_1574 = arith.constant 0 : i32
      %dma_start3A_1575 = tpu.memref_slice %arg2[%dma_start3A_1573, %dma_start3A_1574] : memref<1000000x64xf32, #tpu.memory_space<hbm>> -> memref<1000000x64xf32, #tpu.memory_space<hbm>>
      tpu.enqueue_indirect_dma source(%dma_start3A_1575 : memref<1000000x64xf32, #tpu.memory_space<hbm>>) target(%arg10 : memref<400x64xf32, #tpu.memory_space<vmem>>) offsets(%arg6 : memref<400xi32, #tpu.memory_space<vmem>>) semaphore(%arg14 : memref<!tpu.dma_semaphore, #tpu.memory_space<semaphore_mem>>)
      %add3A_1576 = arith.constant 2 : i32
      %add3A_1577 = arith.addi %add3A_1043, %add3A_1576 : i32
      %mul3A_1578 = arith.constant 400 : i32
      %mul3A_1579 = arith.muli %add3A_1577, %mul3A_1578 : i32
      %add3A_1580 = arith.addi %mul3A_4, %mul3A_1579 : i32
      %add3A_1581 = arith.constant 2 : i32
      %add3A_1582 = arith.addi %add3A_1043, %add3A_1581 : i32
      %mul3A_1583 = arith.constant 8 : i32
      %mul3A_1584 = arith.muli %add3A_1582, %mul3A_1583 : i32
      %add3A_1585 = arith.addi %mul3A_2, %mul3A_1584 : i32
      %dma_wait3A_1586 = arith.constant 0 : i32
      %dma_wait3A_1587 = arith.constant 0 : i32
      %dma_wait3A_1588 = tpu.memref_slice %arg2[%dma_wait3A_1586, %dma_wait3A_1587] : memref<1000000x64xf32, #tpu.memory_space<hbm>> -> memref<1000000x64xf32, #tpu.memory_space<hbm>>
      tpu.wait_indirect_dma semaphore(%arg15 : memref<!tpu.dma_semaphore, #tpu.memory_space<semaphore_mem>>) src(%dma_wait3A_1588 : memref<1000000x64xf32, #tpu.memory_space<hbm>>) dst(%arg11 : memref<400x64xf32, #tpu.memory_space<vmem>>)
      %add3A_1589 = arith.constant 0 : i32
      %add3A_1590 = arith.addi %add3A_1585, %add3A_1589 : i32
      %dma_start3A_1591 = arith.constant 0 : i32
      %dma_start3A_1592 = arith.constant 0 : i32
      %dma_start3A_1593 = tpu.memref_slice %arg11[%dma_start3A_1591, %dma_start3A_1592] : memref<400x64xf32, #tpu.memory_space<vmem>> -> memref<50x64xf32, #tpu.memory_space<vmem>>
      %dma_start3A_1594 = arith.constant 0 : i32
      %dma_start3A_1595 = arith.constant 0 : i32
      %dma_start3A_1596 = tpu.memref_slice %arg4[%add3A_1590, %dma_start3A_1594, %dma_start3A_1595] : memref<16384x56x128xf32, #tpu.memory_space<hbm>> -> memref<1x50x64xf32, #tpu.memory_space<hbm>>
      %dma_start3A_1597 = tpu.memref_squeeze %dma_start3A_1596 : memref<1x50x64xf32, #tpu.memory_space<hbm>> -> memref<50x64xf32, #tpu.memory_space<hbm>>
      %dma_start3A_1598 = arith.constant 0 : i32
      %dma_start3A_1599 = arith.constant 0 : i32
      %dma_start3A_1600 = tpu.memref_slice %arg4[%add3A_1590, %dma_start3A_1598, %dma_start3A_1599] : memref<16384x56x128xf32, #tpu.memory_space<hbm>> -> memref<1x50x64xf32, #tpu.memory_space<hbm>>
      %dma_start3A_1601 = tpu.memref_squeeze %dma_start3A_1600 : memref<1x50x64xf32, #tpu.memory_space<hbm>> -> memref<50x64xf32, #tpu.memory_space<hbm>>
      %dma_start3A_1602 = arith.constant 0 : i32
      %dma_start3A_1603 = arith.constant 0 : i32
      %dma_start3A_1604 = tpu.memref_slice %arg11[%dma_start3A_1602, %dma_start3A_1603] : memref<400x64xf32, #tpu.memory_space<vmem>> -> memref<50x64xf32, #tpu.memory_space<vmem>>
      tpu.enqueue_dma source(%dma_start3A_1604 : memref<50x64xf32, #tpu.memory_space<vmem>>) target(%dma_start3A_1601 : memref<50x64xf32, #tpu.memory_space<hbm>>) target_semaphore(%arg19 : memref<!tpu.dma_semaphore, #tpu.memory_space<semaphore_mem>>)
      %add3A_1605 = arith.constant 1 : i32
      %add3A_1606 = arith.addi %add3A_1585, %add3A_1605 : i32
      %dma_start3A_1607 = arith.constant 50 : i32
      %dma_start3A_1608 = arith.constant 0 : i32
      %dma_start3A_1609 = tpu.memref_slice %arg11[%dma_start3A_1607, %dma_start3A_1608] : memref<400x64xf32, #tpu.memory_space<vmem>> -> memref<50x64xf32, #tpu.memory_space<vmem>>
      %dma_start3A_1610 = arith.constant 0 : i32
      %dma_start3A_1611 = arith.constant 0 : i32
      %dma_start3A_1612 = tpu.memref_slice %arg4[%add3A_1606, %dma_start3A_1610, %dma_start3A_1611] : memref<16384x56x128xf32, #tpu.memory_space<hbm>> -> memref<1x50x64xf32, #tpu.memory_space<hbm>>
      %dma_start3A_1613 = tpu.memref_squeeze %dma_start3A_1612 : memref<1x50x64xf32, #tpu.memory_space<hbm>> -> memref<50x64xf32, #tpu.memory_space<hbm>>
      %dma_start3A_1614 = arith.constant 0 : i32
      %dma_start3A_1615 = arith.constant 0 : i32
      %dma_start3A_1616 = tpu.memref_slice %arg4[%add3A_1606, %dma_start3A_1614, %dma_start3A_1615] : memref<16384x56x128xf32, #tpu.memory_space<hbm>> -> memref<1x50x64xf32, #tpu.memory_space<hbm>>
      %dma_start3A_1617 = tpu.memref_squeeze %dma_start3A_1616 : memref<1x50x64xf32, #tpu.memory_space<hbm>> -> memref<50x64xf32, #tpu.memory_space<hbm>>
      %dma_start3A_1618 = arith.constant 50 : i32
      %dma_start3A_1619 = arith.constant 0 : i32
      %dma_start3A_1620 = tpu.memref_slice %arg11[%dma_start3A_1618, %dma_start3A_1619] : memref<400x64xf32, #tpu.memory_space<vmem>> -> memref<50x64xf32, #tpu.memory_space<vmem>>
      tpu.enqueue_dma source(%dma_start3A_1620 : memref<50x64xf32, #tpu.memory_space<vmem>>) target(%dma_start3A_1617 : memref<50x64xf32, #tpu.memory_space<hbm>>) target_semaphore(%arg19 : memref<!tpu.dma_semaphore, #tpu.memory_space<semaphore_mem>>)
      %add3A_1621 = arith.constant 2 : i32
      %add3A_1622 = arith.addi %add3A_1585, %add3A_1621 : i32
      %dma_start3A_1623 = arith.constant 100 : i32
      %dma_start3A_1624 = arith.constant 0 : i32
      %dma_start3A_1625 = tpu.memref_slice %arg11[%dma_start3A_1623, %dma_start3A_1624] : memref<400x64xf32, #tpu.memory_space<vmem>> -> memref<50x64xf32, #tpu.memory_space<vmem>>
      %dma_start3A_1626 = arith.constant 0 : i32
      %dma_start3A_1627 = arith.constant 0 : i32
      %dma_start3A_1628 = tpu.memref_slice %arg4[%add3A_1622, %dma_start3A_1626, %dma_start3A_1627] : memref<16384x56x128xf32, #tpu.memory_space<hbm>> -> memref<1x50x64xf32, #tpu.memory_space<hbm>>
      %dma_start3A_1629 = tpu.memref_squeeze %dma_start3A_1628 : memref<1x50x64xf32, #tpu.memory_space<hbm>> -> memref<50x64xf32, #tpu.memory_space<hbm>>
      %dma_start3A_1630 = arith.constant 0 : i32
      %dma_start3A_1631 = arith.constant 0 : i32
      %dma_start3A_1632 = tpu.memref_slice %arg4[%add3A_1622, %dma_start3A_1630, %dma_start3A_1631] : memref<16384x56x128xf32, #tpu.memory_space<hbm>> -> memref<1x50x64xf32, #tpu.memory_space<hbm>>
      %dma_start3A_1633 = tpu.memref_squeeze %dma_start3A_1632 : memref<1x50x64xf32, #tpu.memory_space<hbm>> -> memref<50x64xf32, #tpu.memory_space<hbm>>
      %dma_start3A_1634 = arith.constant 100 : i32
      %dma_start3A_1635 = arith.constant 0 : i32
      %dma_start3A_1636 = tpu.memref_slice %arg11[%dma_start3A_1634, %dma_start3A_1635] : memref<400x64xf32, #tpu.memory_space<vmem>> -> memref<50x64xf32, #tpu.memory_space<vmem>>
      tpu.enqueue_dma source(%dma_start3A_1636 : memref<50x64xf32, #tpu.memory_space<vmem>>) target(%dma_start3A_1633 : memref<50x64xf32, #tpu.memory_space<hbm>>) target_semaphore(%arg19 : memref<!tpu.dma_semaphore, #tpu.memory_space<semaphore_mem>>)
      %add3A_1637 = arith.constant 3 : i32
      %add3A_1638 = arith.addi %add3A_1585, %add3A_1637 : i32
      %dma_start3A_1639 = arith.constant 150 : i32
      %dma_start3A_1640 = arith.constant 0 : i32
      %dma_start3A_1641 = tpu.memref_slice %arg11[%dma_start3A_1639, %dma_start3A_1640] : memref<400x64xf32, #tpu.memory_space<vmem>> -> memref<50x64xf32, #tpu.memory_space<vmem>>
      %dma_start3A_1642 = arith.constant 0 : i32
      %dma_start3A_1643 = arith.constant 0 : i32
      %dma_start3A_1644 = tpu.memref_slice %arg4[%add3A_1638, %dma_start3A_1642, %dma_start3A_1643] : memref<16384x56x128xf32, #tpu.memory_space<hbm>> -> memref<1x50x64xf32, #tpu.memory_space<hbm>>
      %dma_start3A_1645 = tpu.memref_squeeze %dma_start3A_1644 : memref<1x50x64xf32, #tpu.memory_space<hbm>> -> memref<50x64xf32, #tpu.memory_space<hbm>>
      %dma_start3A_1646 = arith.constant 0 : i32
      %dma_start3A_1647 = arith.constant 0 : i32
      %dma_start3A_1648 = tpu.memref_slice %arg4[%add3A_1638, %dma_start3A_1646, %dma_start3A_1647] : memref<16384x56x128xf32, #tpu.memory_space<hbm>> -> memref<1x50x64xf32, #tpu.memory_space<hbm>>
      %dma_start3A_1649 = tpu.memref_squeeze %dma_start3A_1648 : memref<1x50x64xf32, #tpu.memory_space<hbm>> -> memref<50x64xf32, #tpu.memory_space<hbm>>
      %dma_start3A_1650 = arith.constant 150 : i32
      %dma_start3A_1651 = arith.constant 0 : i32
      %dma_start3A_1652 = tpu.memref_slice %arg11[%dma_start3A_1650, %dma_start3A_1651] : memref<400x64xf32, #tpu.memory_space<vmem>> -> memref<50x64xf32, #tpu.memory_space<vmem>>
      tpu.enqueue_dma source(%dma_start3A_1652 : memref<50x64xf32, #tpu.memory_space<vmem>>) target(%dma_start3A_1649 : memref<50x64xf32, #tpu.memory_space<hbm>>) target_semaphore(%arg19 : memref<!tpu.dma_semaphore, #tpu.memory_space<semaphore_mem>>)
      %add3A_1653 = arith.constant 4 : i32
      %add3A_1654 = arith.addi %add3A_1585, %add3A_1653 : i32
      %dma_start3A_1655 = arith.constant 200 : i32
      %dma_start3A_1656 = arith.constant 0 : i32
      %dma_start3A_1657 = tpu.memref_slice %arg11[%dma_start3A_1655, %dma_start3A_1656] : memref<400x64xf32, #tpu.memory_space<vmem>> -> memref<50x64xf32, #tpu.memory_space<vmem>>
      %dma_start3A_1658 = arith.constant 0 : i32
      %dma_start3A_1659 = arith.constant 0 : i32
      %dma_start3A_1660 = tpu.memref_slice %arg4[%add3A_1654, %dma_start3A_1658, %dma_start3A_1659] : memref<16384x56x128xf32, #tpu.memory_space<hbm>> -> memref<1x50x64xf32, #tpu.memory_space<hbm>>
      %dma_start3A_1661 = tpu.memref_squeeze %dma_start3A_1660 : memref<1x50x64xf32, #tpu.memory_space<hbm>> -> memref<50x64xf32, #tpu.memory_space<hbm>>
      %dma_start3A_1662 = arith.constant 0 : i32
      %dma_start3A_1663 = arith.constant 0 : i32
      %dma_start3A_1664 = tpu.memref_slice %arg4[%add3A_1654, %dma_start3A_1662, %dma_start3A_1663] : memref<16384x56x128xf32, #tpu.memory_space<hbm>> -> memref<1x50x64xf32, #tpu.memory_space<hbm>>
      %dma_start3A_1665 = tpu.memref_squeeze %dma_start3A_1664 : memref<1x50x64xf32, #tpu.memory_space<hbm>> -> memref<50x64xf32, #tpu.memory_space<hbm>>
      %dma_start3A_1666 = arith.constant 200 : i32
      %dma_start3A_1667 = arith.constant 0 : i32
      %dma_start3A_1668 = tpu.memref_slice %arg11[%dma_start3A_1666, %dma_start3A_1667] : memref<400x64xf32, #tpu.memory_space<vmem>> -> memref<50x64xf32, #tpu.memory_space<vmem>>
      tpu.enqueue_dma source(%dma_start3A_1668 : memref<50x64xf32, #tpu.memory_space<vmem>>) target(%dma_start3A_1665 : memref<50x64xf32, #tpu.memory_space<hbm>>) target_semaphore(%arg19 : memref<!tpu.dma_semaphore, #tpu.memory_space<semaphore_mem>>)
      %add3A_1669 = arith.constant 5 : i32
      %add3A_1670 = arith.addi %add3A_1585, %add3A_1669 : i32
      %dma_start3A_1671 = arith.constant 250 : i32
      %dma_start3A_1672 = arith.constant 0 : i32
      %dma_start3A_1673 = tpu.memref_slice %arg11[%dma_start3A_1671, %dma_start3A_1672] : memref<400x64xf32, #tpu.memory_space<vmem>> -> memref<50x64xf32, #tpu.memory_space<vmem>>
      %dma_start3A_1674 = arith.constant 0 : i32
      %dma_start3A_1675 = arith.constant 0 : i32
      %dma_start3A_1676 = tpu.memref_slice %arg4[%add3A_1670, %dma_start3A_1674, %dma_start3A_1675] : memref<16384x56x128xf32, #tpu.memory_space<hbm>> -> memref<1x50x64xf32, #tpu.memory_space<hbm>>
      %dma_start3A_1677 = tpu.memref_squeeze %dma_start3A_1676 : memref<1x50x64xf32, #tpu.memory_space<hbm>> -> memref<50x64xf32, #tpu.memory_space<hbm>>
      %dma_start3A_1678 = arith.constant 0 : i32
      %dma_start3A_1679 = arith.constant 0 : i32
      %dma_start3A_1680 = tpu.memref_slice %arg4[%add3A_1670, %dma_start3A_1678, %dma_start3A_1679] : memref<16384x56x128xf32, #tpu.memory_space<hbm>> -> memref<1x50x64xf32, #tpu.memory_space<hbm>>
      %dma_start3A_1681 = tpu.memref_squeeze %dma_start3A_1680 : memref<1x50x64xf32, #tpu.memory_space<hbm>> -> memref<50x64xf32, #tpu.memory_space<hbm>>
      %dma_start3A_1682 = arith.constant 250 : i32
      %dma_start3A_1683 = arith.constant 0 : i32
      %dma_start3A_1684 = tpu.memref_slice %arg11[%dma_start3A_1682, %dma_start3A_1683] : memref<400x64xf32, #tpu.memory_space<vmem>> -> memref<50x64xf32, #tpu.memory_space<vmem>>
      tpu.enqueue_dma source(%dma_start3A_1684 : memref<50x64xf32, #tpu.memory_space<vmem>>) target(%dma_start3A_1681 : memref<50x64xf32, #tpu.memory_space<hbm>>) target_semaphore(%arg19 : memref<!tpu.dma_semaphore, #tpu.memory_space<semaphore_mem>>)
      %add3A_1685 = arith.constant 6 : i32
      %add3A_1686 = arith.addi %add3A_1585, %add3A_1685 : i32
      %dma_start3A_1687 = arith.constant 300 : i32
      %dma_start3A_1688 = arith.constant 0 : i32
      %dma_start3A_1689 = tpu.memref_slice %arg11[%dma_start3A_1687, %dma_start3A_1688] : memref<400x64xf32, #tpu.memory_space<vmem>> -> memref<50x64xf32, #tpu.memory_space<vmem>>
      %dma_start3A_1690 = arith.constant 0 : i32
      %dma_start3A_1691 = arith.constant 0 : i32
      %dma_start3A_1692 = tpu.memref_slice %arg4[%add3A_1686, %dma_start3A_1690, %dma_start3A_1691] : memref<16384x56x128xf32, #tpu.memory_space<hbm>> -> memref<1x50x64xf32, #tpu.memory_space<hbm>>
      %dma_start3A_1693 = tpu.memref_squeeze %dma_start3A_1692 : memref<1x50x64xf32, #tpu.memory_space<hbm>> -> memref<50x64xf32, #tpu.memory_space<hbm>>
      %dma_start3A_1694 = arith.constant 0 : i32
      %dma_start3A_1695 = arith.constant 0 : i32
      %dma_start3A_1696 = tpu.memref_slice %arg4[%add3A_1686, %dma_start3A_1694, %dma_start3A_1695] : memref<16384x56x128xf32, #tpu.memory_space<hbm>> -> memref<1x50x64xf32, #tpu.memory_space<hbm>>
      %dma_start3A_1697 = tpu.memref_squeeze %dma_start3A_1696 : memref<1x50x64xf32, #tpu.memory_space<hbm>> -> memref<50x64xf32, #tpu.memory_space<hbm>>
      %dma_start3A_1698 = arith.constant 300 : i32
      %dma_start3A_1699 = arith.constant 0 : i32
      %dma_start3A_1700 = tpu.memref_slice %arg11[%dma_start3A_1698, %dma_start3A_1699] : memref<400x64xf32, #tpu.memory_space<vmem>> -> memref<50x64xf32, #tpu.memory_space<vmem>>
      tpu.enqueue_dma source(%dma_start3A_1700 : memref<50x64xf32, #tpu.memory_space<vmem>>) target(%dma_start3A_1697 : memref<50x64xf32, #tpu.memory_space<hbm>>) target_semaphore(%arg19 : memref<!tpu.dma_semaphore, #tpu.memory_space<semaphore_mem>>)
      %add3A_1701 = arith.constant 7 : i32
      %add3A_1702 = arith.addi %add3A_1585, %add3A_1701 : i32
      %dma_start3A_1703 = arith.constant 350 : i32
      %dma_start3A_1704 = arith.constant 0 : i32
      %dma_start3A_1705 = tpu.memref_slice %arg11[%dma_start3A_1703, %dma_start3A_1704] : memref<400x64xf32, #tpu.memory_space<vmem>> -> memref<50x64xf32, #tpu.memory_space<vmem>>
      %dma_start3A_1706 = arith.constant 0 : i32
      %dma_start3A_1707 = arith.constant 0 : i32
      %dma_start3A_1708 = tpu.memref_slice %arg4[%add3A_1702, %dma_start3A_1706, %dma_start3A_1707] : memref<16384x56x128xf32, #tpu.memory_space<hbm>> -> memref<1x50x64xf32, #tpu.memory_space<hbm>>
      %dma_start3A_1709 = tpu.memref_squeeze %dma_start3A_1708 : memref<1x50x64xf32, #tpu.memory_space<hbm>> -> memref<50x64xf32, #tpu.memory_space<hbm>>
      %dma_start3A_1710 = arith.constant 0 : i32
      %dma_start3A_1711 = arith.constant 0 : i32
      %dma_start3A_1712 = tpu.memref_slice %arg4[%add3A_1702, %dma_start3A_1710, %dma_start3A_1711] : memref<16384x56x128xf32, #tpu.memory_space<hbm>> -> memref<1x50x64xf32, #tpu.memory_space<hbm>>
      %dma_start3A_1713 = tpu.memref_squeeze %dma_start3A_1712 : memref<1x50x64xf32, #tpu.memory_space<hbm>> -> memref<50x64xf32, #tpu.memory_space<hbm>>
      %dma_start3A_1714 = arith.constant 350 : i32
      %dma_start3A_1715 = arith.constant 0 : i32
      %dma_start3A_1716 = tpu.memref_slice %arg11[%dma_start3A_1714, %dma_start3A_1715] : memref<400x64xf32, #tpu.memory_space<vmem>> -> memref<50x64xf32, #tpu.memory_space<vmem>>
      tpu.enqueue_dma source(%dma_start3A_1716 : memref<50x64xf32, #tpu.memory_space<vmem>>) target(%dma_start3A_1713 : memref<50x64xf32, #tpu.memory_space<hbm>>) target_semaphore(%arg19 : memref<!tpu.dma_semaphore, #tpu.memory_space<semaphore_mem>>)
      %add3A_1717 = arith.constant 1600 : i32
      %add3A_1718 = arith.addi %add3A_1580, %add3A_1717 : i32
      "tpu.region"() ({
        %run_scoped3A = tpu.sem_alloc : memref<!tpu.dma_semaphore, #tpu.memory_space<semaphore_mem>>
        %dma_start3A_2108 = tpu.memref_slice %arg3[%add3A_1718] : memref<819200xi32, #tpu.memory_space<hbm>> -> memref<400xi32, #tpu.memory_space<hbm>>
        %dma_start3A_2109 = tpu.memref_slice %arg3[%add3A_1718] : memref<819200xi32, #tpu.memory_space<hbm>> -> memref<400xi32, #tpu.memory_space<hbm>>
        tpu.enqueue_dma source(%dma_start3A_2109 : memref<400xi32, #tpu.memory_space<hbm>>) target(%arg7 : memref<400xi32, #tpu.memory_space<vmem>>) target_semaphore(%run_scoped3A : memref<!tpu.dma_semaphore, #tpu.memory_space<semaphore_mem>>)
        %dma_wait3A_2110 = tpu.memref_slice %arg3[%add3A_1718] : memref<819200xi32, #tpu.memory_space<hbm>> -> memref<400xi32, #tpu.memory_space<hbm>>
        %dma_wait3A_2111 = tpu.memref_slice %arg3[%add3A_1718] : memref<819200xi32, #tpu.memory_space<hbm>> -> memref<400xi32, #tpu.memory_space<hbm>>
        tpu.wait_dma2 semaphore(%run_scoped3A : memref<!tpu.dma_semaphore, #tpu.memory_space<semaphore_mem>>) src(%dma_wait3A_2111 : memref<400xi32, #tpu.memory_space<hbm>>) dst(%arg7 : memref<400xi32, #tpu.memory_space<vmem>>)
        tpu.yield
      }) : () -> ()
      %dma_wait3A_1719 = arith.constant 0 : i32
      %dma_wait3A_1720 = arith.constant 0 : i32
      %dma_wait3A_1721 = arith.constant 0 : i32
      %dma_wait3A_1722 = tpu.memref_slice %arg11[%dma_wait3A_1720, %dma_wait3A_1721] : memref<400x64xf32, #tpu.memory_space<vmem>> -> memref<50x64xf32, #tpu.memory_space<vmem>>
      %dma_wait3A_1723 = arith.constant 0 : i32
      %dma_wait3A_1724 = arith.constant 0 : i32
      %dma_wait3A_1725 = tpu.memref_slice %arg4[%dma_wait3A_1719, %dma_wait3A_1723, %dma_wait3A_1724] : memref<16384x56x128xf32, #tpu.memory_space<hbm>> -> memref<1x50x64xf32, #tpu.memory_space<hbm>>
      %dma_wait3A_1726 = tpu.memref_squeeze %dma_wait3A_1725 : memref<1x50x64xf32, #tpu.memory_space<hbm>> -> memref<50x64xf32, #tpu.memory_space<hbm>>
      %dma_wait3A_1727 = arith.constant 0 : i32
      %dma_wait3A_1728 = arith.constant 0 : i32
      %dma_wait3A_1729 = tpu.memref_slice %arg4[%dma_wait3A_1719, %dma_wait3A_1727, %dma_wait3A_1728] : memref<16384x56x128xf32, #tpu.memory_space<hbm>> -> memref<1x50x64xf32, #tpu.memory_space<hbm>>
      %dma_wait3A_1730 = tpu.memref_squeeze %dma_wait3A_1729 : memref<1x50x64xf32, #tpu.memory_space<hbm>> -> memref<50x64xf32, #tpu.memory_space<hbm>>
      %dma_wait3A_1731 = arith.constant 0 : i32
      %dma_wait3A_1732 = arith.constant 0 : i32
      %dma_wait3A_1733 = tpu.memref_slice %arg11[%dma_wait3A_1731, %dma_wait3A_1732] : memref<400x64xf32, #tpu.memory_space<vmem>> -> memref<50x64xf32, #tpu.memory_space<vmem>>
      tpu.wait_dma2 semaphore(%arg19 : memref<!tpu.dma_semaphore, #tpu.memory_space<semaphore_mem>>) src(%dma_wait3A_1733 : memref<50x64xf32, #tpu.memory_space<vmem>>) dst(%dma_wait3A_1730 : memref<50x64xf32, #tpu.memory_space<hbm>>)
      %dma_wait3A_1734 = arith.constant 0 : i32
      %dma_wait3A_1735 = arith.constant 50 : i32
      %dma_wait3A_1736 = arith.constant 0 : i32
      %dma_wait3A_1737 = tpu.memref_slice %arg11[%dma_wait3A_1735, %dma_wait3A_1736] : memref<400x64xf32, #tpu.memory_space<vmem>> -> memref<50x64xf32, #tpu.memory_space<vmem>>
      %dma_wait3A_1738 = arith.constant 0 : i32
      %dma_wait3A_1739 = arith.constant 0 : i32
      %dma_wait3A_1740 = tpu.memref_slice %arg4[%dma_wait3A_1734, %dma_wait3A_1738, %dma_wait3A_1739] : memref<16384x56x128xf32, #tpu.memory_space<hbm>> -> memref<1x50x64xf32, #tpu.memory_space<hbm>>
      %dma_wait3A_1741 = tpu.memref_squeeze %dma_wait3A_1740 : memref<1x50x64xf32, #tpu.memory_space<hbm>> -> memref<50x64xf32, #tpu.memory_space<hbm>>
      %dma_wait3A_1742 = arith.constant 0 : i32
      %dma_wait3A_1743 = arith.constant 0 : i32
      %dma_wait3A_1744 = tpu.memref_slice %arg4[%dma_wait3A_1734, %dma_wait3A_1742, %dma_wait3A_1743] : memref<16384x56x128xf32, #tpu.memory_space<hbm>> -> memref<1x50x64xf32, #tpu.memory_space<hbm>>
      %dma_wait3A_1745 = tpu.memref_squeeze %dma_wait3A_1744 : memref<1x50x64xf32, #tpu.memory_space<hbm>> -> memref<50x64xf32, #tpu.memory_space<hbm>>
      %dma_wait3A_1746 = arith.constant 50 : i32
      %dma_wait3A_1747 = arith.constant 0 : i32
      %dma_wait3A_1748 = tpu.memref_slice %arg11[%dma_wait3A_1746, %dma_wait3A_1747] : memref<400x64xf32, #tpu.memory_space<vmem>> -> memref<50x64xf32, #tpu.memory_space<vmem>>
      tpu.wait_dma2 semaphore(%arg19 : memref<!tpu.dma_semaphore, #tpu.memory_space<semaphore_mem>>) src(%dma_wait3A_1748 : memref<50x64xf32, #tpu.memory_space<vmem>>) dst(%dma_wait3A_1745 : memref<50x64xf32, #tpu.memory_space<hbm>>)
      %dma_wait3A_1749 = arith.constant 0 : i32
      %dma_wait3A_1750 = arith.constant 100 : i32
      %dma_wait3A_1751 = arith.constant 0 : i32
      %dma_wait3A_1752 = tpu.memref_slice %arg11[%dma_wait3A_1750, %dma_wait3A_1751] : memref<400x64xf32, #tpu.memory_space<vmem>> -> memref<50x64xf32, #tpu.memory_space<vmem>>
      %dma_wait3A_1753 = arith.constant 0 : i32
      %dma_wait3A_1754 = arith.constant 0 : i32
      %dma_wait3A_1755 = tpu.memref_slice %arg4[%dma_wait3A_1749, %dma_wait3A_1753, %dma_wait3A_1754] : memref<16384x56x128xf32, #tpu.memory_space<hbm>> -> memref<1x50x64xf32, #tpu.memory_space<hbm>>
      %dma_wait3A_1756 = tpu.memref_squeeze %dma_wait3A_1755 : memref<1x50x64xf32, #tpu.memory_space<hbm>> -> memref<50x64xf32, #tpu.memory_space<hbm>>
      %dma_wait3A_1757 = arith.constant 0 : i32
      %dma_wait3A_1758 = arith.constant 0 : i32
      %dma_wait3A_1759 = tpu.memref_slice %arg4[%dma_wait3A_1749, %dma_wait3A_1757, %dma_wait3A_1758] : memref<16384x56x128xf32, #tpu.memory_space<hbm>> -> memref<1x50x64xf32, #tpu.memory_space<hbm>>
      %dma_wait3A_1760 = tpu.memref_squeeze %dma_wait3A_1759 : memref<1x50x64xf32, #tpu.memory_space<hbm>> -> memref<50x64xf32, #tpu.memory_space<hbm>>
      %dma_wait3A_1761 = arith.constant 100 : i32
      %dma_wait3A_1762 = arith.constant 0 : i32
      %dma_wait3A_1763 = tpu.memref_slice %arg11[%dma_wait3A_1761, %dma_wait3A_1762] : memref<400x64xf32, #tpu.memory_space<vmem>> -> memref<50x64xf32, #tpu.memory_space<vmem>>
      tpu.wait_dma2 semaphore(%arg19 : memref<!tpu.dma_semaphore, #tpu.memory_space<semaphore_mem>>) src(%dma_wait3A_1763 : memref<50x64xf32, #tpu.memory_space<vmem>>) dst(%dma_wait3A_1760 : memref<50x64xf32, #tpu.memory_space<hbm>>)
      %dma_wait3A_1764 = arith.constant 0 : i32
      %dma_wait3A_1765 = arith.constant 150 : i32
      %dma_wait3A_1766 = arith.constant 0 : i32
      %dma_wait3A_1767 = tpu.memref_slice %arg11[%dma_wait3A_1765, %dma_wait3A_1766] : memref<400x64xf32, #tpu.memory_space<vmem>> -> memref<50x64xf32, #tpu.memory_space<vmem>>
      %dma_wait3A_1768 = arith.constant 0 : i32
      %dma_wait3A_1769 = arith.constant 0 : i32
      %dma_wait3A_1770 = tpu.memref_slice %arg4[%dma_wait3A_1764, %dma_wait3A_1768, %dma_wait3A_1769] : memref<16384x56x128xf32, #tpu.memory_space<hbm>> -> memref<1x50x64xf32, #tpu.memory_space<hbm>>
      %dma_wait3A_1771 = tpu.memref_squeeze %dma_wait3A_1770 : memref<1x50x64xf32, #tpu.memory_space<hbm>> -> memref<50x64xf32, #tpu.memory_space<hbm>>
      %dma_wait3A_1772 = arith.constant 0 : i32
      %dma_wait3A_1773 = arith.constant 0 : i32
      %dma_wait3A_1774 = tpu.memref_slice %arg4[%dma_wait3A_1764, %dma_wait3A_1772, %dma_wait3A_1773] : memref<16384x56x128xf32, #tpu.memory_space<hbm>> -> memref<1x50x64xf32, #tpu.memory_space<hbm>>
      %dma_wait3A_1775 = tpu.memref_squeeze %dma_wait3A_1774 : memref<1x50x64xf32, #tpu.memory_space<hbm>> -> memref<50x64xf32, #tpu.memory_space<hbm>>
      %dma_wait3A_1776 = arith.constant 150 : i32
      %dma_wait3A_1777 = arith.constant 0 : i32
      %dma_wait3A_1778 = tpu.memref_slice %arg11[%dma_wait3A_1776, %dma_wait3A_1777] : memref<400x64xf32, #tpu.memory_space<vmem>> -> memref<50x64xf32, #tpu.memory_space<vmem>>
      tpu.wait_dma2 semaphore(%arg19 : memref<!tpu.dma_semaphore, #tpu.memory_space<semaphore_mem>>) src(%dma_wait3A_1778 : memref<50x64xf32, #tpu.memory_space<vmem>>) dst(%dma_wait3A_1775 : memref<50x64xf32, #tpu.memory_space<hbm>>)
      %dma_wait3A_1779 = arith.constant 0 : i32
      %dma_wait3A_1780 = arith.constant 200 : i32
      %dma_wait3A_1781 = arith.constant 0 : i32
      %dma_wait3A_1782 = tpu.memref_slice %arg11[%dma_wait3A_1780, %dma_wait3A_1781] : memref<400x64xf32, #tpu.memory_space<vmem>> -> memref<50x64xf32, #tpu.memory_space<vmem>>
      %dma_wait3A_1783 = arith.constant 0 : i32
      %dma_wait3A_1784 = arith.constant 0 : i32
      %dma_wait3A_1785 = tpu.memref_slice %arg4[%dma_wait3A_1779, %dma_wait3A_1783, %dma_wait3A_1784] : memref<16384x56x128xf32, #tpu.memory_space<hbm>> -> memref<1x50x64xf32, #tpu.memory_space<hbm>>
      %dma_wait3A_1786 = tpu.memref_squeeze %dma_wait3A_1785 : memref<1x50x64xf32, #tpu.memory_space<hbm>> -> memref<50x64xf32, #tpu.memory_space<hbm>>
      %dma_wait3A_1787 = arith.constant 0 : i32
      %dma_wait3A_1788 = arith.constant 0 : i32
      %dma_wait3A_1789 = tpu.memref_slice %arg4[%dma_wait3A_1779, %dma_wait3A_1787, %dma_wait3A_1788] : memref<16384x56x128xf32, #tpu.memory_space<hbm>> -> memref<1x50x64xf32, #tpu.memory_space<hbm>>
      %dma_wait3A_1790 = tpu.memref_squeeze %dma_wait3A_1789 : memref<1x50x64xf32, #tpu.memory_space<hbm>> -> memref<50x64xf32, #tpu.memory_space<hbm>>
      %dma_wait3A_1791 = arith.constant 200 : i32
      %dma_wait3A_1792 = arith.constant 0 : i32
      %dma_wait3A_1793 = tpu.memref_slice %arg11[%dma_wait3A_1791, %dma_wait3A_1792] : memref<400x64xf32, #tpu.memory_space<vmem>> -> memref<50x64xf32, #tpu.memory_space<vmem>>
      tpu.wait_dma2 semaphore(%arg19 : memref<!tpu.dma_semaphore, #tpu.memory_space<semaphore_mem>>) src(%dma_wait3A_1793 : memref<50x64xf32, #tpu.memory_space<vmem>>) dst(%dma_wait3A_1790 : memref<50x64xf32, #tpu.memory_space<hbm>>)
      %dma_wait3A_1794 = arith.constant 0 : i32
      %dma_wait3A_1795 = arith.constant 250 : i32
      %dma_wait3A_1796 = arith.constant 0 : i32
      %dma_wait3A_1797 = tpu.memref_slice %arg11[%dma_wait3A_1795, %dma_wait3A_1796] : memref<400x64xf32, #tpu.memory_space<vmem>> -> memref<50x64xf32, #tpu.memory_space<vmem>>
      %dma_wait3A_1798 = arith.constant 0 : i32
      %dma_wait3A_1799 = arith.constant 0 : i32
      %dma_wait3A_1800 = tpu.memref_slice %arg4[%dma_wait3A_1794, %dma_wait3A_1798, %dma_wait3A_1799] : memref<16384x56x128xf32, #tpu.memory_space<hbm>> -> memref<1x50x64xf32, #tpu.memory_space<hbm>>
      %dma_wait3A_1801 = tpu.memref_squeeze %dma_wait3A_1800 : memref<1x50x64xf32, #tpu.memory_space<hbm>> -> memref<50x64xf32, #tpu.memory_space<hbm>>
      %dma_wait3A_1802 = arith.constant 0 : i32
      %dma_wait3A_1803 = arith.constant 0 : i32
      %dma_wait3A_1804 = tpu.memref_slice %arg4[%dma_wait3A_1794, %dma_wait3A_1802, %dma_wait3A_1803] : memref<16384x56x128xf32, #tpu.memory_space<hbm>> -> memref<1x50x64xf32, #tpu.memory_space<hbm>>
      %dma_wait3A_1805 = tpu.memref_squeeze %dma_wait3A_1804 : memref<1x50x64xf32, #tpu.memory_space<hbm>> -> memref<50x64xf32, #tpu.memory_space<hbm>>
      %dma_wait3A_1806 = arith.constant 250 : i32
      %dma_wait3A_1807 = arith.constant 0 : i32
      %dma_wait3A_1808 = tpu.memref_slice %arg11[%dma_wait3A_1806, %dma_wait3A_1807] : memref<400x64xf32, #tpu.memory_space<vmem>> -> memref<50x64xf32, #tpu.memory_space<vmem>>
      tpu.wait_dma2 semaphore(%arg19 : memref<!tpu.dma_semaphore, #tpu.memory_space<semaphore_mem>>) src(%dma_wait3A_1808 : memref<50x64xf32, #tpu.memory_space<vmem>>) dst(%dma_wait3A_1805 : memref<50x64xf32, #tpu.memory_space<hbm>>)
      %dma_wait3A_1809 = arith.constant 0 : i32
      %dma_wait3A_1810 = arith.constant 300 : i32
      %dma_wait3A_1811 = arith.constant 0 : i32
      %dma_wait3A_1812 = tpu.memref_slice %arg11[%dma_wait3A_1810, %dma_wait3A_1811] : memref<400x64xf32, #tpu.memory_space<vmem>> -> memref<50x64xf32, #tpu.memory_space<vmem>>
      %dma_wait3A_1813 = arith.constant 0 : i32
      %dma_wait3A_1814 = arith.constant 0 : i32
      %dma_wait3A_1815 = tpu.memref_slice %arg4[%dma_wait3A_1809, %dma_wait3A_1813, %dma_wait3A_1814] : memref<16384x56x128xf32, #tpu.memory_space<hbm>> -> memref<1x50x64xf32, #tpu.memory_space<hbm>>
      %dma_wait3A_1816 = tpu.memref_squeeze %dma_wait3A_1815 : memref<1x50x64xf32, #tpu.memory_space<hbm>> -> memref<50x64xf32, #tpu.memory_space<hbm>>
      %dma_wait3A_1817 = arith.constant 0 : i32
      %dma_wait3A_1818 = arith.constant 0 : i32
      %dma_wait3A_1819 = tpu.memref_slice %arg4[%dma_wait3A_1809, %dma_wait3A_1817, %dma_wait3A_1818] : memref<16384x56x128xf32, #tpu.memory_space<hbm>> -> memref<1x50x64xf32, #tpu.memory_space<hbm>>
      %dma_wait3A_1820 = tpu.memref_squeeze %dma_wait3A_1819 : memref<1x50x64xf32, #tpu.memory_space<hbm>> -> memref<50x64xf32, #tpu.memory_space<hbm>>
      %dma_wait3A_1821 = arith.constant 300 : i32
      %dma_wait3A_1822 = arith.constant 0 : i32
      %dma_wait3A_1823 = tpu.memref_slice %arg11[%dma_wait3A_1821, %dma_wait3A_1822] : memref<400x64xf32, #tpu.memory_space<vmem>> -> memref<50x64xf32, #tpu.memory_space<vmem>>
      tpu.wait_dma2 semaphore(%arg19 : memref<!tpu.dma_semaphore, #tpu.memory_space<semaphore_mem>>) src(%dma_wait3A_1823 : memref<50x64xf32, #tpu.memory_space<vmem>>) dst(%dma_wait3A_1820 : memref<50x64xf32, #tpu.memory_space<hbm>>)
      %dma_wait3A_1824 = arith.constant 0 : i32
      %dma_wait3A_1825 = arith.constant 350 : i32
      %dma_wait3A_1826 = arith.constant 0 : i32
      %dma_wait3A_1827 = tpu.memref_slice %arg11[%dma_wait3A_1825, %dma_wait3A_1826] : memref<400x64xf32, #tpu.memory_space<vmem>> -> memref<50x64xf32, #tpu.memory_space<vmem>>
      %dma_wait3A_1828 = arith.constant 0 : i32
      %dma_wait3A_1829 = arith.constant 0 : i32
      %dma_wait3A_1830 = tpu.memref_slice %arg4[%dma_wait3A_1824, %dma_wait3A_1828, %dma_wait3A_1829] : memref<16384x56x128xf32, #tpu.memory_space<hbm>> -> memref<1x50x64xf32, #tpu.memory_space<hbm>>
      %dma_wait3A_1831 = tpu.memref_squeeze %dma_wait3A_1830 : memref<1x50x64xf32, #tpu.memory_space<hbm>> -> memref<50x64xf32, #tpu.memory_space<hbm>>
      %dma_wait3A_1832 = arith.constant 0 : i32
      %dma_wait3A_1833 = arith.constant 0 : i32
      %dma_wait3A_1834 = tpu.memref_slice %arg4[%dma_wait3A_1824, %dma_wait3A_1832, %dma_wait3A_1833] : memref<16384x56x128xf32, #tpu.memory_space<hbm>> -> memref<1x50x64xf32, #tpu.memory_space<hbm>>
      %dma_wait3A_1835 = tpu.memref_squeeze %dma_wait3A_1834 : memref<1x50x64xf32, #tpu.memory_space<hbm>> -> memref<50x64xf32, #tpu.memory_space<hbm>>
      %dma_wait3A_1836 = arith.constant 350 : i32
      %dma_wait3A_1837 = arith.constant 0 : i32
      %dma_wait3A_1838 = tpu.memref_slice %arg11[%dma_wait3A_1836, %dma_wait3A_1837] : memref<400x64xf32, #tpu.memory_space<vmem>> -> memref<50x64xf32, #tpu.memory_space<vmem>>
      tpu.wait_dma2 semaphore(%arg19 : memref<!tpu.dma_semaphore, #tpu.memory_space<semaphore_mem>>) src(%dma_wait3A_1838 : memref<50x64xf32, #tpu.memory_space<vmem>>) dst(%dma_wait3A_1835 : memref<50x64xf32, #tpu.memory_space<hbm>>)
      %dma_start3A_1839 = arith.constant 0 : i32
      %dma_start3A_1840 = arith.constant 0 : i32
      %dma_start3A_1841 = tpu.memref_slice %arg2[%dma_start3A_1839, %dma_start3A_1840] : memref<1000000x64xf32, #tpu.memory_space<hbm>> -> memref<1000000x64xf32, #tpu.memory_space<hbm>>
      tpu.enqueue_indirect_dma source(%dma_start3A_1841 : memref<1000000x64xf32, #tpu.memory_space<hbm>>) target(%arg11 : memref<400x64xf32, #tpu.memory_space<vmem>>) offsets(%arg7 : memref<400xi32, #tpu.memory_space<vmem>>) semaphore(%arg15 : memref<!tpu.dma_semaphore, #tpu.memory_space<semaphore_mem>>)
      %add3A_1842 = arith.constant 3 : i32
      %add3A_1843 = arith.addi %add3A_1043, %add3A_1842 : i32
      %mul3A_1844 = arith.constant 400 : i32
      %mul3A_1845 = arith.muli %add3A_1843, %mul3A_1844 : i32
      %add3A_1846 = arith.addi %mul3A_4, %mul3A_1845 : i32
      %add3A_1847 = arith.constant 3 : i32
      %add3A_1848 = arith.addi %add3A_1043, %add3A_1847 : i32
      %mul3A_1849 = arith.constant 8 : i32
      %mul3A_1850 = arith.muli %add3A_1848, %mul3A_1849 : i32
      %add3A_1851 = arith.addi %mul3A_2, %mul3A_1850 : i32
      %dma_wait3A_1852 = arith.constant 0 : i32
      %dma_wait3A_1853 = arith.constant 0 : i32
      %dma_wait3A_1854 = tpu.memref_slice %arg2[%dma_wait3A_1852, %dma_wait3A_1853] : memref<1000000x64xf32, #tpu.memory_space<hbm>> -> memref<1000000x64xf32, #tpu.memory_space<hbm>>
      tpu.wait_indirect_dma semaphore(%arg16 : memref<!tpu.dma_semaphore, #tpu.memory_space<semaphore_mem>>) src(%dma_wait3A_1854 : memref<1000000x64xf32, #tpu.memory_space<hbm>>) dst(%arg12 : memref<400x64xf32, #tpu.memory_space<vmem>>)
      %add3A_1855 = arith.constant 0 : i32
      %add3A_1856 = arith.addi %add3A_1851, %add3A_1855 : i32
      %dma_start3A_1857 = arith.constant 0 : i32
      %dma_start3A_1858 = arith.constant 0 : i32
      %dma_start3A_1859 = tpu.memref_slice %arg12[%dma_start3A_1857, %dma_start3A_1858] : memref<400x64xf32, #tpu.memory_space<vmem>> -> memref<50x64xf32, #tpu.memory_space<vmem>>
      %dma_start3A_1860 = arith.constant 0 : i32
      %dma_start3A_1861 = arith.constant 0 : i32
      %dma_start3A_1862 = tpu.memref_slice %arg4[%add3A_1856, %dma_start3A_1860, %dma_start3A_1861] : memref<16384x56x128xf32, #tpu.memory_space<hbm>> -> memref<1x50x64xf32, #tpu.memory_space<hbm>>
      %dma_start3A_1863 = tpu.memref_squeeze %dma_start3A_1862 : memref<1x50x64xf32, #tpu.memory_space<hbm>> -> memref<50x64xf32, #tpu.memory_space<hbm>>
      %dma_start3A_1864 = arith.constant 0 : i32
      %dma_start3A_1865 = arith.constant 0 : i32
      %dma_start3A_1866 = tpu.memref_slice %arg4[%add3A_1856, %dma_start3A_1864, %dma_start3A_1865] : memref<16384x56x128xf32, #tpu.memory_space<hbm>> -> memref<1x50x64xf32, #tpu.memory_space<hbm>>
      %dma_start3A_1867 = tpu.memref_squeeze %dma_start3A_1866 : memref<1x50x64xf32, #tpu.memory_space<hbm>> -> memref<50x64xf32, #tpu.memory_space<hbm>>
      %dma_start3A_1868 = arith.constant 0 : i32
      %dma_start3A_1869 = arith.constant 0 : i32
      %dma_start3A_1870 = tpu.memref_slice %arg12[%dma_start3A_1868, %dma_start3A_1869] : memref<400x64xf32, #tpu.memory_space<vmem>> -> memref<50x64xf32, #tpu.memory_space<vmem>>
      tpu.enqueue_dma source(%dma_start3A_1870 : memref<50x64xf32, #tpu.memory_space<vmem>>) target(%dma_start3A_1867 : memref<50x64xf32, #tpu.memory_space<hbm>>) target_semaphore(%arg20 : memref<!tpu.dma_semaphore, #tpu.memory_space<semaphore_mem>>)
      %add3A_1871 = arith.constant 1 : i32
      %add3A_1872 = arith.addi %add3A_1851, %add3A_1871 : i32
      %dma_start3A_1873 = arith.constant 50 : i32
      %dma_start3A_1874 = arith.constant 0 : i32
      %dma_start3A_1875 = tpu.memref_slice %arg12[%dma_start3A_1873, %dma_start3A_1874] : memref<400x64xf32, #tpu.memory_space<vmem>> -> memref<50x64xf32, #tpu.memory_space<vmem>>
      %dma_start3A_1876 = arith.constant 0 : i32
      %dma_start3A_1877 = arith.constant 0 : i32
      %dma_start3A_1878 = tpu.memref_slice %arg4[%add3A_1872, %dma_start3A_1876, %dma_start3A_1877] : memref<16384x56x128xf32, #tpu.memory_space<hbm>> -> memref<1x50x64xf32, #tpu.memory_space<hbm>>
      %dma_start3A_1879 = tpu.memref_squeeze %dma_start3A_1878 : memref<1x50x64xf32, #tpu.memory_space<hbm>> -> memref<50x64xf32, #tpu.memory_space<hbm>>
      %dma_start3A_1880 = arith.constant 0 : i32
      %dma_start3A_1881 = arith.constant 0 : i32
      %dma_start3A_1882 = tpu.memref_slice %arg4[%add3A_1872, %dma_start3A_1880, %dma_start3A_1881] : memref<16384x56x128xf32, #tpu.memory_space<hbm>> -> memref<1x50x64xf32, #tpu.memory_space<hbm>>
      %dma_start3A_1883 = tpu.memref_squeeze %dma_start3A_1882 : memref<1x50x64xf32, #tpu.memory_space<hbm>> -> memref<50x64xf32, #tpu.memory_space<hbm>>
      %dma_start3A_1884 = arith.constant 50 : i32
      %dma_start3A_1885 = arith.constant 0 : i32
      %dma_start3A_1886 = tpu.memref_slice %arg12[%dma_start3A_1884, %dma_start3A_1885] : memref<400x64xf32, #tpu.memory_space<vmem>> -> memref<50x64xf32, #tpu.memory_space<vmem>>
      tpu.enqueue_dma source(%dma_start3A_1886 : memref<50x64xf32, #tpu.memory_space<vmem>>) target(%dma_start3A_1883 : memref<50x64xf32, #tpu.memory_space<hbm>>) target_semaphore(%arg20 : memref<!tpu.dma_semaphore, #tpu.memory_space<semaphore_mem>>)
      %add3A_1887 = arith.constant 2 : i32
      %add3A_1888 = arith.addi %add3A_1851, %add3A_1887 : i32
      %dma_start3A_1889 = arith.constant 100 : i32
      %dma_start3A_1890 = arith.constant 0 : i32
      %dma_start3A_1891 = tpu.memref_slice %arg12[%dma_start3A_1889, %dma_start3A_1890] : memref<400x64xf32, #tpu.memory_space<vmem>> -> memref<50x64xf32, #tpu.memory_space<vmem>>
      %dma_start3A_1892 = arith.constant 0 : i32
      %dma_start3A_1893 = arith.constant 0 : i32
      %dma_start3A_1894 = tpu.memref_slice %arg4[%add3A_1888, %dma_start3A_1892, %dma_start3A_1893] : memref<16384x56x128xf32, #tpu.memory_space<hbm>> -> memref<1x50x64xf32, #tpu.memory_space<hbm>>
      %dma_start3A_1895 = tpu.memref_squeeze %dma_start3A_1894 : memref<1x50x64xf32, #tpu.memory_space<hbm>> -> memref<50x64xf32, #tpu.memory_space<hbm>>
      %dma_start3A_1896 = arith.constant 0 : i32
      %dma_start3A_1897 = arith.constant 0 : i32
      %dma_start3A_1898 = tpu.memref_slice %arg4[%add3A_1888, %dma_start3A_1896, %dma_start3A_1897] : memref<16384x56x128xf32, #tpu.memory_space<hbm>> -> memref<1x50x64xf32, #tpu.memory_space<hbm>>
      %dma_start3A_1899 = tpu.memref_squeeze %dma_start3A_1898 : memref<1x50x64xf32, #tpu.memory_space<hbm>> -> memref<50x64xf32, #tpu.memory_space<hbm>>
      %dma_start3A_1900 = arith.constant 100 : i32
      %dma_start3A_1901 = arith.constant 0 : i32
      %dma_start3A_1902 = tpu.memref_slice %arg12[%dma_start3A_1900, %dma_start3A_1901] : memref<400x64xf32, #tpu.memory_space<vmem>> -> memref<50x64xf32, #tpu.memory_space<vmem>>
      tpu.enqueue_dma source(%dma_start3A_1902 : memref<50x64xf32, #tpu.memory_space<vmem>>) target(%dma_start3A_1899 : memref<50x64xf32, #tpu.memory_space<hbm>>) target_semaphore(%arg20 : memref<!tpu.dma_semaphore, #tpu.memory_space<semaphore_mem>>)
      %add3A_1903 = arith.constant 3 : i32
      %add3A_1904 = arith.addi %add3A_1851, %add3A_1903 : i32
      %dma_start3A_1905 = arith.constant 150 : i32
      %dma_start3A_1906 = arith.constant 0 : i32
      %dma_start3A_1907 = tpu.memref_slice %arg12[%dma_start3A_1905, %dma_start3A_1906] : memref<400x64xf32, #tpu.memory_space<vmem>> -> memref<50x64xf32, #tpu.memory_space<vmem>>
      %dma_start3A_1908 = arith.constant 0 : i32
      %dma_start3A_1909 = arith.constant 0 : i32
      %dma_start3A_1910 = tpu.memref_slice %arg4[%add3A_1904, %dma_start3A_1908, %dma_start3A_1909] : memref<16384x56x128xf32, #tpu.memory_space<hbm>> -> memref<1x50x64xf32, #tpu.memory_space<hbm>>
      %dma_start3A_1911 = tpu.memref_squeeze %dma_start3A_1910 : memref<1x50x64xf32, #tpu.memory_space<hbm>> -> memref<50x64xf32, #tpu.memory_space<hbm>>
      %dma_start3A_1912 = arith.constant 0 : i32
      %dma_start3A_1913 = arith.constant 0 : i32
      %dma_start3A_1914 = tpu.memref_slice %arg4[%add3A_1904, %dma_start3A_1912, %dma_start3A_1913] : memref<16384x56x128xf32, #tpu.memory_space<hbm>> -> memref<1x50x64xf32, #tpu.memory_space<hbm>>
      %dma_start3A_1915 = tpu.memref_squeeze %dma_start3A_1914 : memref<1x50x64xf32, #tpu.memory_space<hbm>> -> memref<50x64xf32, #tpu.memory_space<hbm>>
      %dma_start3A_1916 = arith.constant 150 : i32
      %dma_start3A_1917 = arith.constant 0 : i32
      %dma_start3A_1918 = tpu.memref_slice %arg12[%dma_start3A_1916, %dma_start3A_1917] : memref<400x64xf32, #tpu.memory_space<vmem>> -> memref<50x64xf32, #tpu.memory_space<vmem>>
      tpu.enqueue_dma source(%dma_start3A_1918 : memref<50x64xf32, #tpu.memory_space<vmem>>) target(%dma_start3A_1915 : memref<50x64xf32, #tpu.memory_space<hbm>>) target_semaphore(%arg20 : memref<!tpu.dma_semaphore, #tpu.memory_space<semaphore_mem>>)
      %add3A_1919 = arith.constant 4 : i32
      %add3A_1920 = arith.addi %add3A_1851, %add3A_1919 : i32
      %dma_start3A_1921 = arith.constant 200 : i32
      %dma_start3A_1922 = arith.constant 0 : i32
      %dma_start3A_1923 = tpu.memref_slice %arg12[%dma_start3A_1921, %dma_start3A_1922] : memref<400x64xf32, #tpu.memory_space<vmem>> -> memref<50x64xf32, #tpu.memory_space<vmem>>
      %dma_start3A_1924 = arith.constant 0 : i32
      %dma_start3A_1925 = arith.constant 0 : i32
      %dma_start3A_1926 = tpu.memref_slice %arg4[%add3A_1920, %dma_start3A_1924, %dma_start3A_1925] : memref<16384x56x128xf32, #tpu.memory_space<hbm>> -> memref<1x50x64xf32, #tpu.memory_space<hbm>>
      %dma_start3A_1927 = tpu.memref_squeeze %dma_start3A_1926 : memref<1x50x64xf32, #tpu.memory_space<hbm>> -> memref<50x64xf32, #tpu.memory_space<hbm>>
      %dma_start3A_1928 = arith.constant 0 : i32
      %dma_start3A_1929 = arith.constant 0 : i32
      %dma_start3A_1930 = tpu.memref_slice %arg4[%add3A_1920, %dma_start3A_1928, %dma_start3A_1929] : memref<16384x56x128xf32, #tpu.memory_space<hbm>> -> memref<1x50x64xf32, #tpu.memory_space<hbm>>
      %dma_start3A_1931 = tpu.memref_squeeze %dma_start3A_1930 : memref<1x50x64xf32, #tpu.memory_space<hbm>> -> memref<50x64xf32, #tpu.memory_space<hbm>>
      %dma_start3A_1932 = arith.constant 200 : i32
      %dma_start3A_1933 = arith.constant 0 : i32
      %dma_start3A_1934 = tpu.memref_slice %arg12[%dma_start3A_1932, %dma_start3A_1933] : memref<400x64xf32, #tpu.memory_space<vmem>> -> memref<50x64xf32, #tpu.memory_space<vmem>>
      tpu.enqueue_dma source(%dma_start3A_1934 : memref<50x64xf32, #tpu.memory_space<vmem>>) target(%dma_start3A_1931 : memref<50x64xf32, #tpu.memory_space<hbm>>) target_semaphore(%arg20 : memref<!tpu.dma_semaphore, #tpu.memory_space<semaphore_mem>>)
      %add3A_1935 = arith.constant 5 : i32
      %add3A_1936 = arith.addi %add3A_1851, %add3A_1935 : i32
      %dma_start3A_1937 = arith.constant 250 : i32
      %dma_start3A_1938 = arith.constant 0 : i32
      %dma_start3A_1939 = tpu.memref_slice %arg12[%dma_start3A_1937, %dma_start3A_1938] : memref<400x64xf32, #tpu.memory_space<vmem>> -> memref<50x64xf32, #tpu.memory_space<vmem>>
      %dma_start3A_1940 = arith.constant 0 : i32
      %dma_start3A_1941 = arith.constant 0 : i32
      %dma_start3A_1942 = tpu.memref_slice %arg4[%add3A_1936, %dma_start3A_1940, %dma_start3A_1941] : memref<16384x56x128xf32, #tpu.memory_space<hbm>> -> memref<1x50x64xf32, #tpu.memory_space<hbm>>
      %dma_start3A_1943 = tpu.memref_squeeze %dma_start3A_1942 : memref<1x50x64xf32, #tpu.memory_space<hbm>> -> memref<50x64xf32, #tpu.memory_space<hbm>>
      %dma_start3A_1944 = arith.constant 0 : i32
      %dma_start3A_1945 = arith.constant 0 : i32
      %dma_start3A_1946 = tpu.memref_slice %arg4[%add3A_1936, %dma_start3A_1944, %dma_start3A_1945] : memref<16384x56x128xf32, #tpu.memory_space<hbm>> -> memref<1x50x64xf32, #tpu.memory_space<hbm>>
      %dma_start3A_1947 = tpu.memref_squeeze %dma_start3A_1946 : memref<1x50x64xf32, #tpu.memory_space<hbm>> -> memref<50x64xf32, #tpu.memory_space<hbm>>
      %dma_start3A_1948 = arith.constant 250 : i32
      %dma_start3A_1949 = arith.constant 0 : i32
      %dma_start3A_1950 = tpu.memref_slice %arg12[%dma_start3A_1948, %dma_start3A_1949] : memref<400x64xf32, #tpu.memory_space<vmem>> -> memref<50x64xf32, #tpu.memory_space<vmem>>
      tpu.enqueue_dma source(%dma_start3A_1950 : memref<50x64xf32, #tpu.memory_space<vmem>>) target(%dma_start3A_1947 : memref<50x64xf32, #tpu.memory_space<hbm>>) target_semaphore(%arg20 : memref<!tpu.dma_semaphore, #tpu.memory_space<semaphore_mem>>)
      %add3A_1951 = arith.constant 6 : i32
      %add3A_1952 = arith.addi %add3A_1851, %add3A_1951 : i32
      %dma_start3A_1953 = arith.constant 300 : i32
      %dma_start3A_1954 = arith.constant 0 : i32
      %dma_start3A_1955 = tpu.memref_slice %arg12[%dma_start3A_1953, %dma_start3A_1954] : memref<400x64xf32, #tpu.memory_space<vmem>> -> memref<50x64xf32, #tpu.memory_space<vmem>>
      %dma_start3A_1956 = arith.constant 0 : i32
      %dma_start3A_1957 = arith.constant 0 : i32
      %dma_start3A_1958 = tpu.memref_slice %arg4[%add3A_1952, %dma_start3A_1956, %dma_start3A_1957] : memref<16384x56x128xf32, #tpu.memory_space<hbm>> -> memref<1x50x64xf32, #tpu.memory_space<hbm>>
      %dma_start3A_1959 = tpu.memref_squeeze %dma_start3A_1958 : memref<1x50x64xf32, #tpu.memory_space<hbm>> -> memref<50x64xf32, #tpu.memory_space<hbm>>
      %dma_start3A_1960 = arith.constant 0 : i32
      %dma_start3A_1961 = arith.constant 0 : i32
      %dma_start3A_1962 = tpu.memref_slice %arg4[%add3A_1952, %dma_start3A_1960, %dma_start3A_1961] : memref<16384x56x128xf32, #tpu.memory_space<hbm>> -> memref<1x50x64xf32, #tpu.memory_space<hbm>>
      %dma_start3A_1963 = tpu.memref_squeeze %dma_start3A_1962 : memref<1x50x64xf32, #tpu.memory_space<hbm>> -> memref<50x64xf32, #tpu.memory_space<hbm>>
      %dma_start3A_1964 = arith.constant 300 : i32
      %dma_start3A_1965 = arith.constant 0 : i32
      %dma_start3A_1966 = tpu.memref_slice %arg12[%dma_start3A_1964, %dma_start3A_1965] : memref<400x64xf32, #tpu.memory_space<vmem>> -> memref<50x64xf32, #tpu.memory_space<vmem>>
      tpu.enqueue_dma source(%dma_start3A_1966 : memref<50x64xf32, #tpu.memory_space<vmem>>) target(%dma_start3A_1963 : memref<50x64xf32, #tpu.memory_space<hbm>>) target_semaphore(%arg20 : memref<!tpu.dma_semaphore, #tpu.memory_space<semaphore_mem>>)
      %add3A_1967 = arith.constant 7 : i32
      %add3A_1968 = arith.addi %add3A_1851, %add3A_1967 : i32
      %dma_start3A_1969 = arith.constant 350 : i32
      %dma_start3A_1970 = arith.constant 0 : i32
      %dma_start3A_1971 = tpu.memref_slice %arg12[%dma_start3A_1969, %dma_start3A_1970] : memref<400x64xf32, #tpu.memory_space<vmem>> -> memref<50x64xf32, #tpu.memory_space<vmem>>
      %dma_start3A_1972 = arith.constant 0 : i32
      %dma_start3A_1973 = arith.constant 0 : i32
      %dma_start3A_1974 = tpu.memref_slice %arg4[%add3A_1968, %dma_start3A_1972, %dma_start3A_1973] : memref<16384x56x128xf32, #tpu.memory_space<hbm>> -> memref<1x50x64xf32, #tpu.memory_space<hbm>>
      %dma_start3A_1975 = tpu.memref_squeeze %dma_start3A_1974 : memref<1x50x64xf32, #tpu.memory_space<hbm>> -> memref<50x64xf32, #tpu.memory_space<hbm>>
      %dma_start3A_1976 = arith.constant 0 : i32
      %dma_start3A_1977 = arith.constant 0 : i32
      %dma_start3A_1978 = tpu.memref_slice %arg4[%add3A_1968, %dma_start3A_1976, %dma_start3A_1977] : memref<16384x56x128xf32, #tpu.memory_space<hbm>> -> memref<1x50x64xf32, #tpu.memory_space<hbm>>
      %dma_start3A_1979 = tpu.memref_squeeze %dma_start3A_1978 : memref<1x50x64xf32, #tpu.memory_space<hbm>> -> memref<50x64xf32, #tpu.memory_space<hbm>>
      %dma_start3A_1980 = arith.constant 350 : i32
      %dma_start3A_1981 = arith.constant 0 : i32
      %dma_start3A_1982 = tpu.memref_slice %arg12[%dma_start3A_1980, %dma_start3A_1981] : memref<400x64xf32, #tpu.memory_space<vmem>> -> memref<50x64xf32, #tpu.memory_space<vmem>>
      tpu.enqueue_dma source(%dma_start3A_1982 : memref<50x64xf32, #tpu.memory_space<vmem>>) target(%dma_start3A_1979 : memref<50x64xf32, #tpu.memory_space<hbm>>) target_semaphore(%arg20 : memref<!tpu.dma_semaphore, #tpu.memory_space<semaphore_mem>>)
      %add3A_1983 = arith.constant 1600 : i32
      %add3A_1984 = arith.addi %add3A_1846, %add3A_1983 : i32
      "tpu.region"() ({
        %run_scoped3A = tpu.sem_alloc : memref<!tpu.dma_semaphore, #tpu.memory_space<semaphore_mem>>
        %dma_start3A_2108 = tpu.memref_slice %arg3[%add3A_1984] : memref<819200xi32, #tpu.memory_space<hbm>> -> memref<400xi32, #tpu.memory_space<hbm>>
        %dma_start3A_2109 = tpu.memref_slice %arg3[%add3A_1984] : memref<819200xi32, #tpu.memory_space<hbm>> -> memref<400xi32, #tpu.memory_space<hbm>>
        tpu.enqueue_dma source(%dma_start3A_2109 : memref<400xi32, #tpu.memory_space<hbm>>) target(%arg8 : memref<400xi32, #tpu.memory_space<vmem>>) target_semaphore(%run_scoped3A : memref<!tpu.dma_semaphore, #tpu.memory_space<semaphore_mem>>)
        %dma_wait3A_2110 = tpu.memref_slice %arg3[%add3A_1984] : memref<819200xi32, #tpu.memory_space<hbm>> -> memref<400xi32, #tpu.memory_space<hbm>>
        %dma_wait3A_2111 = tpu.memref_slice %arg3[%add3A_1984] : memref<819200xi32, #tpu.memory_space<hbm>> -> memref<400xi32, #tpu.memory_space<hbm>>
        tpu.wait_dma2 semaphore(%run_scoped3A : memref<!tpu.dma_semaphore, #tpu.memory_space<semaphore_mem>>) src(%dma_wait3A_2111 : memref<400xi32, #tpu.memory_space<hbm>>) dst(%arg8 : memref<400xi32, #tpu.memory_space<vmem>>)
        tpu.yield
      }) : () -> ()
      %dma_wait3A_1985 = arith.constant 0 : i32
      %dma_wait3A_1986 = arith.constant 0 : i32
      %dma_wait3A_1987 = arith.constant 0 : i32
      %dma_wait3A_1988 = tpu.memref_slice %arg12[%dma_wait3A_1986, %dma_wait3A_1987] : memref<400x64xf32, #tpu.memory_space<vmem>> -> memref<50x64xf32, #tpu.memory_space<vmem>>
      %dma_wait3A_1989 = arith.constant 0 : i32
      %dma_wait3A_1990 = arith.constant 0 : i32
      %dma_wait3A_1991 = tpu.memref_slice %arg4[%dma_wait3A_1985, %dma_wait3A_1989, %dma_wait3A_1990] : memref<16384x56x128xf32, #tpu.memory_space<hbm>> -> memref<1x50x64xf32, #tpu.memory_space<hbm>>
      %dma_wait3A_1992 = tpu.memref_squeeze %dma_wait3A_1991 : memref<1x50x64xf32, #tpu.memory_space<hbm>> -> memref<50x64xf32, #tpu.memory_space<hbm>>
      %dma_wait3A_1993 = arith.constant 0 : i32
      %dma_wait3A_1994 = arith.constant 0 : i32
      %dma_wait3A_1995 = tpu.memref_slice %arg4[%dma_wait3A_1985, %dma_wait3A_1993, %dma_wait3A_1994] : memref<16384x56x128xf32, #tpu.memory_space<hbm>> -> memref<1x50x64xf32, #tpu.memory_space<hbm>>
      %dma_wait3A_1996 = tpu.memref_squeeze %dma_wait3A_1995 : memref<1x50x64xf32, #tpu.memory_space<hbm>> -> memref<50x64xf32, #tpu.memory_space<hbm>>
      %dma_wait3A_1997 = arith.constant 0 : i32
      %dma_wait3A_1998 = arith.constant 0 : i32
      %dma_wait3A_1999 = tpu.memref_slice %arg12[%dma_wait3A_1997, %dma_wait3A_1998] : memref<400x64xf32, #tpu.memory_space<vmem>> -> memref<50x64xf32, #tpu.memory_space<vmem>>
      tpu.wait_dma2 semaphore(%arg20 : memref<!tpu.dma_semaphore, #tpu.memory_space<semaphore_mem>>) src(%dma_wait3A_1999 : memref<50x64xf32, #tpu.memory_space<vmem>>) dst(%dma_wait3A_1996 : memref<50x64xf32, #tpu.memory_space<hbm>>)
      %dma_wait3A_2000 = arith.constant 0 : i32
      %dma_wait3A_2001 = arith.constant 50 : i32
      %dma_wait3A_2002 = arith.constant 0 : i32
      %dma_wait3A_2003 = tpu.memref_slice %arg12[%dma_wait3A_2001, %dma_wait3A_2002] : memref<400x64xf32, #tpu.memory_space<vmem>> -> memref<50x64xf32, #tpu.memory_space<vmem>>
      %dma_wait3A_2004 = arith.constant 0 : i32
      %dma_wait3A_2005 = arith.constant 0 : i32
      %dma_wait3A_2006 = tpu.memref_slice %arg4[%dma_wait3A_2000, %dma_wait3A_2004, %dma_wait3A_2005] : memref<16384x56x128xf32, #tpu.memory_space<hbm>> -> memref<1x50x64xf32, #tpu.memory_space<hbm>>
      %dma_wait3A_2007 = tpu.memref_squeeze %dma_wait3A_2006 : memref<1x50x64xf32, #tpu.memory_space<hbm>> -> memref<50x64xf32, #tpu.memory_space<hbm>>
      %dma_wait3A_2008 = arith.constant 0 : i32
      %dma_wait3A_2009 = arith.constant 0 : i32
      %dma_wait3A_2010 = tpu.memref_slice %arg4[%dma_wait3A_2000, %dma_wait3A_2008, %dma_wait3A_2009] : memref<16384x56x128xf32, #tpu.memory_space<hbm>> -> memref<1x50x64xf32, #tpu.memory_space<hbm>>
      %dma_wait3A_2011 = tpu.memref_squeeze %dma_wait3A_2010 : memref<1x50x64xf32, #tpu.memory_space<hbm>> -> memref<50x64xf32, #tpu.memory_space<hbm>>
      %dma_wait3A_2012 = arith.constant 50 : i32
      %dma_wait3A_2013 = arith.constant 0 : i32
      %dma_wait3A_2014 = tpu.memref_slice %arg12[%dma_wait3A_2012, %dma_wait3A_2013] : memref<400x64xf32, #tpu.memory_space<vmem>> -> memref<50x64xf32, #tpu.memory_space<vmem>>
      tpu.wait_dma2 semaphore(%arg20 : memref<!tpu.dma_semaphore, #tpu.memory_space<semaphore_mem>>) src(%dma_wait3A_2014 : memref<50x64xf32, #tpu.memory_space<vmem>>) dst(%dma_wait3A_2011 : memref<50x64xf32, #tpu.memory_space<hbm>>)
      %dma_wait3A_2015 = arith.constant 0 : i32
      %dma_wait3A_2016 = arith.constant 100 : i32
      %dma_wait3A_2017 = arith.constant 0 : i32
      %dma_wait3A_2018 = tpu.memref_slice %arg12[%dma_wait3A_2016, %dma_wait3A_2017] : memref<400x64xf32, #tpu.memory_space<vmem>> -> memref<50x64xf32, #tpu.memory_space<vmem>>
      %dma_wait3A_2019 = arith.constant 0 : i32
      %dma_wait3A_2020 = arith.constant 0 : i32
      %dma_wait3A_2021 = tpu.memref_slice %arg4[%dma_wait3A_2015, %dma_wait3A_2019, %dma_wait3A_2020] : memref<16384x56x128xf32, #tpu.memory_space<hbm>> -> memref<1x50x64xf32, #tpu.memory_space<hbm>>
      %dma_wait3A_2022 = tpu.memref_squeeze %dma_wait3A_2021 : memref<1x50x64xf32, #tpu.memory_space<hbm>> -> memref<50x64xf32, #tpu.memory_space<hbm>>
      %dma_wait3A_2023 = arith.constant 0 : i32
      %dma_wait3A_2024 = arith.constant 0 : i32
      %dma_wait3A_2025 = tpu.memref_slice %arg4[%dma_wait3A_2015, %dma_wait3A_2023, %dma_wait3A_2024] : memref<16384x56x128xf32, #tpu.memory_space<hbm>> -> memref<1x50x64xf32, #tpu.memory_space<hbm>>
      %dma_wait3A_2026 = tpu.memref_squeeze %dma_wait3A_2025 : memref<1x50x64xf32, #tpu.memory_space<hbm>> -> memref<50x64xf32, #tpu.memory_space<hbm>>
      %dma_wait3A_2027 = arith.constant 100 : i32
      %dma_wait3A_2028 = arith.constant 0 : i32
      %dma_wait3A_2029 = tpu.memref_slice %arg12[%dma_wait3A_2027, %dma_wait3A_2028] : memref<400x64xf32, #tpu.memory_space<vmem>> -> memref<50x64xf32, #tpu.memory_space<vmem>>
      tpu.wait_dma2 semaphore(%arg20 : memref<!tpu.dma_semaphore, #tpu.memory_space<semaphore_mem>>) src(%dma_wait3A_2029 : memref<50x64xf32, #tpu.memory_space<vmem>>) dst(%dma_wait3A_2026 : memref<50x64xf32, #tpu.memory_space<hbm>>)
      %dma_wait3A_2030 = arith.constant 0 : i32
      %dma_wait3A_2031 = arith.constant 150 : i32
      %dma_wait3A_2032 = arith.constant 0 : i32
      %dma_wait3A_2033 = tpu.memref_slice %arg12[%dma_wait3A_2031, %dma_wait3A_2032] : memref<400x64xf32, #tpu.memory_space<vmem>> -> memref<50x64xf32, #tpu.memory_space<vmem>>
      %dma_wait3A_2034 = arith.constant 0 : i32
      %dma_wait3A_2035 = arith.constant 0 : i32
      %dma_wait3A_2036 = tpu.memref_slice %arg4[%dma_wait3A_2030, %dma_wait3A_2034, %dma_wait3A_2035] : memref<16384x56x128xf32, #tpu.memory_space<hbm>> -> memref<1x50x64xf32, #tpu.memory_space<hbm>>
      %dma_wait3A_2037 = tpu.memref_squeeze %dma_wait3A_2036 : memref<1x50x64xf32, #tpu.memory_space<hbm>> -> memref<50x64xf32, #tpu.memory_space<hbm>>
      %dma_wait3A_2038 = arith.constant 0 : i32
      %dma_wait3A_2039 = arith.constant 0 : i32
      %dma_wait3A_2040 = tpu.memref_slice %arg4[%dma_wait3A_2030, %dma_wait3A_2038, %dma_wait3A_2039] : memref<16384x56x128xf32, #tpu.memory_space<hbm>> -> memref<1x50x64xf32, #tpu.memory_space<hbm>>
      %dma_wait3A_2041 = tpu.memref_squeeze %dma_wait3A_2040 : memref<1x50x64xf32, #tpu.memory_space<hbm>> -> memref<50x64xf32, #tpu.memory_space<hbm>>
      %dma_wait3A_2042 = arith.constant 150 : i32
      %dma_wait3A_2043 = arith.constant 0 : i32
      %dma_wait3A_2044 = tpu.memref_slice %arg12[%dma_wait3A_2042, %dma_wait3A_2043] : memref<400x64xf32, #tpu.memory_space<vmem>> -> memref<50x64xf32, #tpu.memory_space<vmem>>
      tpu.wait_dma2 semaphore(%arg20 : memref<!tpu.dma_semaphore, #tpu.memory_space<semaphore_mem>>) src(%dma_wait3A_2044 : memref<50x64xf32, #tpu.memory_space<vmem>>) dst(%dma_wait3A_2041 : memref<50x64xf32, #tpu.memory_space<hbm>>)
      %dma_wait3A_2045 = arith.constant 0 : i32
      %dma_wait3A_2046 = arith.constant 200 : i32
      %dma_wait3A_2047 = arith.constant 0 : i32
      %dma_wait3A_2048 = tpu.memref_slice %arg12[%dma_wait3A_2046, %dma_wait3A_2047] : memref<400x64xf32, #tpu.memory_space<vmem>> -> memref<50x64xf32, #tpu.memory_space<vmem>>
      %dma_wait3A_2049 = arith.constant 0 : i32
      %dma_wait3A_2050 = arith.constant 0 : i32
      %dma_wait3A_2051 = tpu.memref_slice %arg4[%dma_wait3A_2045, %dma_wait3A_2049, %dma_wait3A_2050] : memref<16384x56x128xf32, #tpu.memory_space<hbm>> -> memref<1x50x64xf32, #tpu.memory_space<hbm>>
      %dma_wait3A_2052 = tpu.memref_squeeze %dma_wait3A_2051 : memref<1x50x64xf32, #tpu.memory_space<hbm>> -> memref<50x64xf32, #tpu.memory_space<hbm>>
      %dma_wait3A_2053 = arith.constant 0 : i32
      %dma_wait3A_2054 = arith.constant 0 : i32
      %dma_wait3A_2055 = tpu.memref_slice %arg4[%dma_wait3A_2045, %dma_wait3A_2053, %dma_wait3A_2054] : memref<16384x56x128xf32, #tpu.memory_space<hbm>> -> memref<1x50x64xf32, #tpu.memory_space<hbm>>
      %dma_wait3A_2056 = tpu.memref_squeeze %dma_wait3A_2055 : memref<1x50x64xf32, #tpu.memory_space<hbm>> -> memref<50x64xf32, #tpu.memory_space<hbm>>
      %dma_wait3A_2057 = arith.constant 200 : i32
      %dma_wait3A_2058 = arith.constant 0 : i32
      %dma_wait3A_2059 = tpu.memref_slice %arg12[%dma_wait3A_2057, %dma_wait3A_2058] : memref<400x64xf32, #tpu.memory_space<vmem>> -> memref<50x64xf32, #tpu.memory_space<vmem>>
      tpu.wait_dma2 semaphore(%arg20 : memref<!tpu.dma_semaphore, #tpu.memory_space<semaphore_mem>>) src(%dma_wait3A_2059 : memref<50x64xf32, #tpu.memory_space<vmem>>) dst(%dma_wait3A_2056 : memref<50x64xf32, #tpu.memory_space<hbm>>)
      %dma_wait3A_2060 = arith.constant 0 : i32
      %dma_wait3A_2061 = arith.constant 250 : i32
      %dma_wait3A_2062 = arith.constant 0 : i32
      %dma_wait3A_2063 = tpu.memref_slice %arg12[%dma_wait3A_2061, %dma_wait3A_2062] : memref<400x64xf32, #tpu.memory_space<vmem>> -> memref<50x64xf32, #tpu.memory_space<vmem>>
      %dma_wait3A_2064 = arith.constant 0 : i32
      %dma_wait3A_2065 = arith.constant 0 : i32
      %dma_wait3A_2066 = tpu.memref_slice %arg4[%dma_wait3A_2060, %dma_wait3A_2064, %dma_wait3A_2065] : memref<16384x56x128xf32, #tpu.memory_space<hbm>> -> memref<1x50x64xf32, #tpu.memory_space<hbm>>
      %dma_wait3A_2067 = tpu.memref_squeeze %dma_wait3A_2066 : memref<1x50x64xf32, #tpu.memory_space<hbm>> -> memref<50x64xf32, #tpu.memory_space<hbm>>
      %dma_wait3A_2068 = arith.constant 0 : i32
      %dma_wait3A_2069 = arith.constant 0 : i32
      %dma_wait3A_2070 = tpu.memref_slice %arg4[%dma_wait3A_2060, %dma_wait3A_2068, %dma_wait3A_2069] : memref<16384x56x128xf32, #tpu.memory_space<hbm>> -> memref<1x50x64xf32, #tpu.memory_space<hbm>>
      %dma_wait3A_2071 = tpu.memref_squeeze %dma_wait3A_2070 : memref<1x50x64xf32, #tpu.memory_space<hbm>> -> memref<50x64xf32, #tpu.memory_space<hbm>>
      %dma_wait3A_2072 = arith.constant 250 : i32
      %dma_wait3A_2073 = arith.constant 0 : i32
      %dma_wait3A_2074 = tpu.memref_slice %arg12[%dma_wait3A_2072, %dma_wait3A_2073] : memref<400x64xf32, #tpu.memory_space<vmem>> -> memref<50x64xf32, #tpu.memory_space<vmem>>
      tpu.wait_dma2 semaphore(%arg20 : memref<!tpu.dma_semaphore, #tpu.memory_space<semaphore_mem>>) src(%dma_wait3A_2074 : memref<50x64xf32, #tpu.memory_space<vmem>>) dst(%dma_wait3A_2071 : memref<50x64xf32, #tpu.memory_space<hbm>>)
      %dma_wait3A_2075 = arith.constant 0 : i32
      %dma_wait3A_2076 = arith.constant 300 : i32
      %dma_wait3A_2077 = arith.constant 0 : i32
      %dma_wait3A_2078 = tpu.memref_slice %arg12[%dma_wait3A_2076, %dma_wait3A_2077] : memref<400x64xf32, #tpu.memory_space<vmem>> -> memref<50x64xf32, #tpu.memory_space<vmem>>
      %dma_wait3A_2079 = arith.constant 0 : i32
      %dma_wait3A_2080 = arith.constant 0 : i32
      %dma_wait3A_2081 = tpu.memref_slice %arg4[%dma_wait3A_2075, %dma_wait3A_2079, %dma_wait3A_2080] : memref<16384x56x128xf32, #tpu.memory_space<hbm>> -> memref<1x50x64xf32, #tpu.memory_space<hbm>>
      %dma_wait3A_2082 = tpu.memref_squeeze %dma_wait3A_2081 : memref<1x50x64xf32, #tpu.memory_space<hbm>> -> memref<50x64xf32, #tpu.memory_space<hbm>>
      %dma_wait3A_2083 = arith.constant 0 : i32
      %dma_wait3A_2084 = arith.constant 0 : i32
      %dma_wait3A_2085 = tpu.memref_slice %arg4[%dma_wait3A_2075, %dma_wait3A_2083, %dma_wait3A_2084] : memref<16384x56x128xf32, #tpu.memory_space<hbm>> -> memref<1x50x64xf32, #tpu.memory_space<hbm>>
      %dma_wait3A_2086 = tpu.memref_squeeze %dma_wait3A_2085 : memref<1x50x64xf32, #tpu.memory_space<hbm>> -> memref<50x64xf32, #tpu.memory_space<hbm>>
      %dma_wait3A_2087 = arith.constant 300 : i32
      %dma_wait3A_2088 = arith.constant 0 : i32
      %dma_wait3A_2089 = tpu.memref_slice %arg12[%dma_wait3A_2087, %dma_wait3A_2088] : memref<400x64xf32, #tpu.memory_space<vmem>> -> memref<50x64xf32, #tpu.memory_space<vmem>>
      tpu.wait_dma2 semaphore(%arg20 : memref<!tpu.dma_semaphore, #tpu.memory_space<semaphore_mem>>) src(%dma_wait3A_2089 : memref<50x64xf32, #tpu.memory_space<vmem>>) dst(%dma_wait3A_2086 : memref<50x64xf32, #tpu.memory_space<hbm>>)
      %dma_wait3A_2090 = arith.constant 0 : i32
      %dma_wait3A_2091 = arith.constant 350 : i32
      %dma_wait3A_2092 = arith.constant 0 : i32
      %dma_wait3A_2093 = tpu.memref_slice %arg12[%dma_wait3A_2091, %dma_wait3A_2092] : memref<400x64xf32, #tpu.memory_space<vmem>> -> memref<50x64xf32, #tpu.memory_space<vmem>>
      %dma_wait3A_2094 = arith.constant 0 : i32
      %dma_wait3A_2095 = arith.constant 0 : i32
      %dma_wait3A_2096 = tpu.memref_slice %arg4[%dma_wait3A_2090, %dma_wait3A_2094, %dma_wait3A_2095] : memref<16384x56x128xf32, #tpu.memory_space<hbm>> -> memref<1x50x64xf32, #tpu.memory_space<hbm>>
      %dma_wait3A_2097 = tpu.memref_squeeze %dma_wait3A_2096 : memref<1x50x64xf32, #tpu.memory_space<hbm>> -> memref<50x64xf32, #tpu.memory_space<hbm>>
      %dma_wait3A_2098 = arith.constant 0 : i32
      %dma_wait3A_2099 = arith.constant 0 : i32
      %dma_wait3A_2100 = tpu.memref_slice %arg4[%dma_wait3A_2090, %dma_wait3A_2098, %dma_wait3A_2099] : memref<16384x56x128xf32, #tpu.memory_space<hbm>> -> memref<1x50x64xf32, #tpu.memory_space<hbm>>
      %dma_wait3A_2101 = tpu.memref_squeeze %dma_wait3A_2100 : memref<1x50x64xf32, #tpu.memory_space<hbm>> -> memref<50x64xf32, #tpu.memory_space<hbm>>
      %dma_wait3A_2102 = arith.constant 350 : i32
      %dma_wait3A_2103 = arith.constant 0 : i32
      %dma_wait3A_2104 = tpu.memref_slice %arg12[%dma_wait3A_2102, %dma_wait3A_2103] : memref<400x64xf32, #tpu.memory_space<vmem>> -> memref<50x64xf32, #tpu.memory_space<vmem>>
      tpu.wait_dma2 semaphore(%arg20 : memref<!tpu.dma_semaphore, #tpu.memory_space<semaphore_mem>>) src(%dma_wait3A_2104 : memref<50x64xf32, #tpu.memory_space<vmem>>) dst(%dma_wait3A_2101 : memref<50x64xf32, #tpu.memory_space<hbm>>)
      %dma_start3A_2105 = arith.constant 0 : i32
      %dma_start3A_2106 = arith.constant 0 : i32
      %dma_start3A_2107 = tpu.memref_slice %arg2[%dma_start3A_2105, %dma_start3A_2106] : memref<1000000x64xf32, #tpu.memory_space<hbm>> -> memref<1000000x64xf32, #tpu.memory_space<hbm>>
      tpu.enqueue_indirect_dma source(%dma_start3A_2107 : memref<1000000x64xf32, #tpu.memory_space<hbm>>) target(%arg12 : memref<400x64xf32, #tpu.memory_space<vmem>>) offsets(%arg8 : memref<400xi32, #tpu.memory_space<vmem>>) semaphore(%arg16 : memref<!tpu.dma_semaphore, #tpu.memory_space<semaphore_mem>>)
    }
    %scan3A_27 = arith.constant 15 : i32
    %add3A_28 = arith.constant 480 : i32
    %add3A_29 = arith.addi %mul3A_2, %add3A_28 : i32
    %dma_wait3A = arith.constant 0 : i32
    %dma_wait3A_30 = arith.constant 0 : i32
    %dma_wait3A_31 = tpu.memref_slice %arg2[%dma_wait3A, %dma_wait3A_30] : memref<1000000x64xf32, #tpu.memory_space<hbm>> -> memref<1000000x64xf32, #tpu.memory_space<hbm>>
    tpu.wait_indirect_dma semaphore(%arg13 : memref<!tpu.dma_semaphore, #tpu.memory_space<semaphore_mem>>) src(%dma_wait3A_31 : memref<1000000x64xf32, #tpu.memory_space<hbm>>) dst(%arg9 : memref<400x64xf32, #tpu.memory_space<vmem>>)
    %add3A_32 = arith.constant 0 : i32
    %add3A_33 = arith.addi %add3A_29, %add3A_32 : i32
    %dma_start3A_34 = arith.constant 0 : i32
    %dma_start3A_35 = arith.constant 0 : i32
    %dma_start3A_36 = tpu.memref_slice %arg9[%dma_start3A_34, %dma_start3A_35] : memref<400x64xf32, #tpu.memory_space<vmem>> -> memref<50x64xf32, #tpu.memory_space<vmem>>
    %dma_start3A_37 = arith.constant 0 : i32
    %dma_start3A_38 = arith.constant 0 : i32
    %dma_start3A_39 = tpu.memref_slice %arg4[%add3A_33, %dma_start3A_37, %dma_start3A_38] : memref<16384x56x128xf32, #tpu.memory_space<hbm>> -> memref<1x50x64xf32, #tpu.memory_space<hbm>>
    %dma_start3A_40 = tpu.memref_squeeze %dma_start3A_39 : memref<1x50x64xf32, #tpu.memory_space<hbm>> -> memref<50x64xf32, #tpu.memory_space<hbm>>
    %dma_start3A_41 = arith.constant 0 : i32
    %dma_start3A_42 = arith.constant 0 : i32
    %dma_start3A_43 = tpu.memref_slice %arg4[%add3A_33, %dma_start3A_41, %dma_start3A_42] : memref<16384x56x128xf32, #tpu.memory_space<hbm>> -> memref<1x50x64xf32, #tpu.memory_space<hbm>>
    %dma_start3A_44 = tpu.memref_squeeze %dma_start3A_43 : memref<1x50x64xf32, #tpu.memory_space<hbm>> -> memref<50x64xf32, #tpu.memory_space<hbm>>
    %dma_start3A_45 = arith.constant 0 : i32
    %dma_start3A_46 = arith.constant 0 : i32
    %dma_start3A_47 = tpu.memref_slice %arg9[%dma_start3A_45, %dma_start3A_46] : memref<400x64xf32, #tpu.memory_space<vmem>> -> memref<50x64xf32, #tpu.memory_space<vmem>>
    tpu.enqueue_dma source(%dma_start3A_47 : memref<50x64xf32, #tpu.memory_space<vmem>>) target(%dma_start3A_44 : memref<50x64xf32, #tpu.memory_space<hbm>>) target_semaphore(%arg17 : memref<!tpu.dma_semaphore, #tpu.memory_space<semaphore_mem>>)
    %add3A_48 = arith.constant 1 : i32
    %add3A_49 = arith.addi %add3A_29, %add3A_48 : i32
    %dma_start3A_50 = arith.constant 50 : i32
    %dma_start3A_51 = arith.constant 0 : i32
    %dma_start3A_52 = tpu.memref_slice %arg9[%dma_start3A_50, %dma_start3A_51] : memref<400x64xf32, #tpu.memory_space<vmem>> -> memref<50x64xf32, #tpu.memory_space<vmem>>
    %dma_start3A_53 = arith.constant 0 : i32
    %dma_start3A_54 = arith.constant 0 : i32
    %dma_start3A_55 = tpu.memref_slice %arg4[%add3A_49, %dma_start3A_53, %dma_start3A_54] : memref<16384x56x128xf32, #tpu.memory_space<hbm>> -> memref<1x50x64xf32, #tpu.memory_space<hbm>>
    %dma_start3A_56 = tpu.memref_squeeze %dma_start3A_55 : memref<1x50x64xf32, #tpu.memory_space<hbm>> -> memref<50x64xf32, #tpu.memory_space<hbm>>
    %dma_start3A_57 = arith.constant 0 : i32
    %dma_start3A_58 = arith.constant 0 : i32
    %dma_start3A_59 = tpu.memref_slice %arg4[%add3A_49, %dma_start3A_57, %dma_start3A_58] : memref<16384x56x128xf32, #tpu.memory_space<hbm>> -> memref<1x50x64xf32, #tpu.memory_space<hbm>>
    %dma_start3A_60 = tpu.memref_squeeze %dma_start3A_59 : memref<1x50x64xf32, #tpu.memory_space<hbm>> -> memref<50x64xf32, #tpu.memory_space<hbm>>
    %dma_start3A_61 = arith.constant 50 : i32
    %dma_start3A_62 = arith.constant 0 : i32
    %dma_start3A_63 = tpu.memref_slice %arg9[%dma_start3A_61, %dma_start3A_62] : memref<400x64xf32, #tpu.memory_space<vmem>> -> memref<50x64xf32, #tpu.memory_space<vmem>>
    tpu.enqueue_dma source(%dma_start3A_63 : memref<50x64xf32, #tpu.memory_space<vmem>>) target(%dma_start3A_60 : memref<50x64xf32, #tpu.memory_space<hbm>>) target_semaphore(%arg17 : memref<!tpu.dma_semaphore, #tpu.memory_space<semaphore_mem>>)
    %add3A_64 = arith.constant 2 : i32
    %add3A_65 = arith.addi %add3A_29, %add3A_64 : i32
    %dma_start3A_66 = arith.constant 100 : i32
    %dma_start3A_67 = arith.constant 0 : i32
    %dma_start3A_68 = tpu.memref_slice %arg9[%dma_start3A_66, %dma_start3A_67] : memref<400x64xf32, #tpu.memory_space<vmem>> -> memref<50x64xf32, #tpu.memory_space<vmem>>
    %dma_start3A_69 = arith.constant 0 : i32
    %dma_start3A_70 = arith.constant 0 : i32
    %dma_start3A_71 = tpu.memref_slice %arg4[%add3A_65, %dma_start3A_69, %dma_start3A_70] : memref<16384x56x128xf32, #tpu.memory_space<hbm>> -> memref<1x50x64xf32, #tpu.memory_space<hbm>>
    %dma_start3A_72 = tpu.memref_squeeze %dma_start3A_71 : memref<1x50x64xf32, #tpu.memory_space<hbm>> -> memref<50x64xf32, #tpu.memory_space<hbm>>
    %dma_start3A_73 = arith.constant 0 : i32
    %dma_start3A_74 = arith.constant 0 : i32
    %dma_start3A_75 = tpu.memref_slice %arg4[%add3A_65, %dma_start3A_73, %dma_start3A_74] : memref<16384x56x128xf32, #tpu.memory_space<hbm>> -> memref<1x50x64xf32, #tpu.memory_space<hbm>>
    %dma_start3A_76 = tpu.memref_squeeze %dma_start3A_75 : memref<1x50x64xf32, #tpu.memory_space<hbm>> -> memref<50x64xf32, #tpu.memory_space<hbm>>
    %dma_start3A_77 = arith.constant 100 : i32
    %dma_start3A_78 = arith.constant 0 : i32
    %dma_start3A_79 = tpu.memref_slice %arg9[%dma_start3A_77, %dma_start3A_78] : memref<400x64xf32, #tpu.memory_space<vmem>> -> memref<50x64xf32, #tpu.memory_space<vmem>>
    tpu.enqueue_dma source(%dma_start3A_79 : memref<50x64xf32, #tpu.memory_space<vmem>>) target(%dma_start3A_76 : memref<50x64xf32, #tpu.memory_space<hbm>>) target_semaphore(%arg17 : memref<!tpu.dma_semaphore, #tpu.memory_space<semaphore_mem>>)
    %add3A_80 = arith.constant 3 : i32
    %add3A_81 = arith.addi %add3A_29, %add3A_80 : i32
    %dma_start3A_82 = arith.constant 150 : i32
    %dma_start3A_83 = arith.constant 0 : i32
    %dma_start3A_84 = tpu.memref_slice %arg9[%dma_start3A_82, %dma_start3A_83] : memref<400x64xf32, #tpu.memory_space<vmem>> -> memref<50x64xf32, #tpu.memory_space<vmem>>
    %dma_start3A_85 = arith.constant 0 : i32
    %dma_start3A_86 = arith.constant 0 : i32
    %dma_start3A_87 = tpu.memref_slice %arg4[%add3A_81, %dma_start3A_85, %dma_start3A_86] : memref<16384x56x128xf32, #tpu.memory_space<hbm>> -> memref<1x50x64xf32, #tpu.memory_space<hbm>>
    %dma_start3A_88 = tpu.memref_squeeze %dma_start3A_87 : memref<1x50x64xf32, #tpu.memory_space<hbm>> -> memref<50x64xf32, #tpu.memory_space<hbm>>
    %dma_start3A_89 = arith.constant 0 : i32
    %dma_start3A_90 = arith.constant 0 : i32
    %dma_start3A_91 = tpu.memref_slice %arg4[%add3A_81, %dma_start3A_89, %dma_start3A_90] : memref<16384x56x128xf32, #tpu.memory_space<hbm>> -> memref<1x50x64xf32, #tpu.memory_space<hbm>>
    %dma_start3A_92 = tpu.memref_squeeze %dma_start3A_91 : memref<1x50x64xf32, #tpu.memory_space<hbm>> -> memref<50x64xf32, #tpu.memory_space<hbm>>
    %dma_start3A_93 = arith.constant 150 : i32
    %dma_start3A_94 = arith.constant 0 : i32
    %dma_start3A_95 = tpu.memref_slice %arg9[%dma_start3A_93, %dma_start3A_94] : memref<400x64xf32, #tpu.memory_space<vmem>> -> memref<50x64xf32, #tpu.memory_space<vmem>>
    tpu.enqueue_dma source(%dma_start3A_95 : memref<50x64xf32, #tpu.memory_space<vmem>>) target(%dma_start3A_92 : memref<50x64xf32, #tpu.memory_space<hbm>>) target_semaphore(%arg17 : memref<!tpu.dma_semaphore, #tpu.memory_space<semaphore_mem>>)
    %add3A_96 = arith.constant 4 : i32
    %add3A_97 = arith.addi %add3A_29, %add3A_96 : i32
    %dma_start3A_98 = arith.constant 200 : i32
    %dma_start3A_99 = arith.constant 0 : i32
    %dma_start3A_100 = tpu.memref_slice %arg9[%dma_start3A_98, %dma_start3A_99] : memref<400x64xf32, #tpu.memory_space<vmem>> -> memref<50x64xf32, #tpu.memory_space<vmem>>
    %dma_start3A_101 = arith.constant 0 : i32
    %dma_start3A_102 = arith.constant 0 : i32
    %dma_start3A_103 = tpu.memref_slice %arg4[%add3A_97, %dma_start3A_101, %dma_start3A_102] : memref<16384x56x128xf32, #tpu.memory_space<hbm>> -> memref<1x50x64xf32, #tpu.memory_space<hbm>>
    %dma_start3A_104 = tpu.memref_squeeze %dma_start3A_103 : memref<1x50x64xf32, #tpu.memory_space<hbm>> -> memref<50x64xf32, #tpu.memory_space<hbm>>
    %dma_start3A_105 = arith.constant 0 : i32
    %dma_start3A_106 = arith.constant 0 : i32
    %dma_start3A_107 = tpu.memref_slice %arg4[%add3A_97, %dma_start3A_105, %dma_start3A_106] : memref<16384x56x128xf32, #tpu.memory_space<hbm>> -> memref<1x50x64xf32, #tpu.memory_space<hbm>>
    %dma_start3A_108 = tpu.memref_squeeze %dma_start3A_107 : memref<1x50x64xf32, #tpu.memory_space<hbm>> -> memref<50x64xf32, #tpu.memory_space<hbm>>
    %dma_start3A_109 = arith.constant 200 : i32
    %dma_start3A_110 = arith.constant 0 : i32
    %dma_start3A_111 = tpu.memref_slice %arg9[%dma_start3A_109, %dma_start3A_110] : memref<400x64xf32, #tpu.memory_space<vmem>> -> memref<50x64xf32, #tpu.memory_space<vmem>>
    tpu.enqueue_dma source(%dma_start3A_111 : memref<50x64xf32, #tpu.memory_space<vmem>>) target(%dma_start3A_108 : memref<50x64xf32, #tpu.memory_space<hbm>>) target_semaphore(%arg17 : memref<!tpu.dma_semaphore, #tpu.memory_space<semaphore_mem>>)
    %add3A_112 = arith.constant 5 : i32
    %add3A_113 = arith.addi %add3A_29, %add3A_112 : i32
    %dma_start3A_114 = arith.constant 250 : i32
    %dma_start3A_115 = arith.constant 0 : i32
    %dma_start3A_116 = tpu.memref_slice %arg9[%dma_start3A_114, %dma_start3A_115] : memref<400x64xf32, #tpu.memory_space<vmem>> -> memref<50x64xf32, #tpu.memory_space<vmem>>
    %dma_start3A_117 = arith.constant 0 : i32
    %dma_start3A_118 = arith.constant 0 : i32
    %dma_start3A_119 = tpu.memref_slice %arg4[%add3A_113, %dma_start3A_117, %dma_start3A_118] : memref<16384x56x128xf32, #tpu.memory_space<hbm>> -> memref<1x50x64xf32, #tpu.memory_space<hbm>>
    %dma_start3A_120 = tpu.memref_squeeze %dma_start3A_119 : memref<1x50x64xf32, #tpu.memory_space<hbm>> -> memref<50x64xf32, #tpu.memory_space<hbm>>
    %dma_start3A_121 = arith.constant 0 : i32
    %dma_start3A_122 = arith.constant 0 : i32
    %dma_start3A_123 = tpu.memref_slice %arg4[%add3A_113, %dma_start3A_121, %dma_start3A_122] : memref<16384x56x128xf32, #tpu.memory_space<hbm>> -> memref<1x50x64xf32, #tpu.memory_space<hbm>>
    %dma_start3A_124 = tpu.memref_squeeze %dma_start3A_123 : memref<1x50x64xf32, #tpu.memory_space<hbm>> -> memref<50x64xf32, #tpu.memory_space<hbm>>
    %dma_start3A_125 = arith.constant 250 : i32
    %dma_start3A_126 = arith.constant 0 : i32
    %dma_start3A_127 = tpu.memref_slice %arg9[%dma_start3A_125, %dma_start3A_126] : memref<400x64xf32, #tpu.memory_space<vmem>> -> memref<50x64xf32, #tpu.memory_space<vmem>>
    tpu.enqueue_dma source(%dma_start3A_127 : memref<50x64xf32, #tpu.memory_space<vmem>>) target(%dma_start3A_124 : memref<50x64xf32, #tpu.memory_space<hbm>>) target_semaphore(%arg17 : memref<!tpu.dma_semaphore, #tpu.memory_space<semaphore_mem>>)
    %add3A_128 = arith.constant 6 : i32
    %add3A_129 = arith.addi %add3A_29, %add3A_128 : i32
    %dma_start3A_130 = arith.constant 300 : i32
    %dma_start3A_131 = arith.constant 0 : i32
    %dma_start3A_132 = tpu.memref_slice %arg9[%dma_start3A_130, %dma_start3A_131] : memref<400x64xf32, #tpu.memory_space<vmem>> -> memref<50x64xf32, #tpu.memory_space<vmem>>
    %dma_start3A_133 = arith.constant 0 : i32
    %dma_start3A_134 = arith.constant 0 : i32
    %dma_start3A_135 = tpu.memref_slice %arg4[%add3A_129, %dma_start3A_133, %dma_start3A_134] : memref<16384x56x128xf32, #tpu.memory_space<hbm>> -> memref<1x50x64xf32, #tpu.memory_space<hbm>>
    %dma_start3A_136 = tpu.memref_squeeze %dma_start3A_135 : memref<1x50x64xf32, #tpu.memory_space<hbm>> -> memref<50x64xf32, #tpu.memory_space<hbm>>
    %dma_start3A_137 = arith.constant 0 : i32
    %dma_start3A_138 = arith.constant 0 : i32
    %dma_start3A_139 = tpu.memref_slice %arg4[%add3A_129, %dma_start3A_137, %dma_start3A_138] : memref<16384x56x128xf32, #tpu.memory_space<hbm>> -> memref<1x50x64xf32, #tpu.memory_space<hbm>>
    %dma_start3A_140 = tpu.memref_squeeze %dma_start3A_139 : memref<1x50x64xf32, #tpu.memory_space<hbm>> -> memref<50x64xf32, #tpu.memory_space<hbm>>
    %dma_start3A_141 = arith.constant 300 : i32
    %dma_start3A_142 = arith.constant 0 : i32
    %dma_start3A_143 = tpu.memref_slice %arg9[%dma_start3A_141, %dma_start3A_142] : memref<400x64xf32, #tpu.memory_space<vmem>> -> memref<50x64xf32, #tpu.memory_space<vmem>>
    tpu.enqueue_dma source(%dma_start3A_143 : memref<50x64xf32, #tpu.memory_space<vmem>>) target(%dma_start3A_140 : memref<50x64xf32, #tpu.memory_space<hbm>>) target_semaphore(%arg17 : memref<!tpu.dma_semaphore, #tpu.memory_space<semaphore_mem>>)
    %add3A_144 = arith.constant 7 : i32
    %add3A_145 = arith.addi %add3A_29, %add3A_144 : i32
    %dma_start3A_146 = arith.constant 350 : i32
    %dma_start3A_147 = arith.constant 0 : i32
    %dma_start3A_148 = tpu.memref_slice %arg9[%dma_start3A_146, %dma_start3A_147] : memref<400x64xf32, #tpu.memory_space<vmem>> -> memref<50x64xf32, #tpu.memory_space<vmem>>
    %dma_start3A_149 = arith.constant 0 : i32
    %dma_start3A_150 = arith.constant 0 : i32
    %dma_start3A_151 = tpu.memref_slice %arg4[%add3A_145, %dma_start3A_149, %dma_start3A_150] : memref<16384x56x128xf32, #tpu.memory_space<hbm>> -> memref<1x50x64xf32, #tpu.memory_space<hbm>>
    %dma_start3A_152 = tpu.memref_squeeze %dma_start3A_151 : memref<1x50x64xf32, #tpu.memory_space<hbm>> -> memref<50x64xf32, #tpu.memory_space<hbm>>
    %dma_start3A_153 = arith.constant 0 : i32
    %dma_start3A_154 = arith.constant 0 : i32
    %dma_start3A_155 = tpu.memref_slice %arg4[%add3A_145, %dma_start3A_153, %dma_start3A_154] : memref<16384x56x128xf32, #tpu.memory_space<hbm>> -> memref<1x50x64xf32, #tpu.memory_space<hbm>>
    %dma_start3A_156 = tpu.memref_squeeze %dma_start3A_155 : memref<1x50x64xf32, #tpu.memory_space<hbm>> -> memref<50x64xf32, #tpu.memory_space<hbm>>
    %dma_start3A_157 = arith.constant 350 : i32
    %dma_start3A_158 = arith.constant 0 : i32
    %dma_start3A_159 = tpu.memref_slice %arg9[%dma_start3A_157, %dma_start3A_158] : memref<400x64xf32, #tpu.memory_space<vmem>> -> memref<50x64xf32, #tpu.memory_space<vmem>>
    tpu.enqueue_dma source(%dma_start3A_159 : memref<50x64xf32, #tpu.memory_space<vmem>>) target(%dma_start3A_156 : memref<50x64xf32, #tpu.memory_space<hbm>>) target_semaphore(%arg17 : memref<!tpu.dma_semaphore, #tpu.memory_space<semaphore_mem>>)
    %add3A_160 = arith.constant 488 : i32
    %add3A_161 = arith.addi %mul3A_2, %add3A_160 : i32
    %dma_wait3A_162 = arith.constant 0 : i32
    %dma_wait3A_163 = arith.constant 0 : i32
    %dma_wait3A_164 = tpu.memref_slice %arg2[%dma_wait3A_162, %dma_wait3A_163] : memref<1000000x64xf32, #tpu.memory_space<hbm>> -> memref<1000000x64xf32, #tpu.memory_space<hbm>>
    tpu.wait_indirect_dma semaphore(%arg14 : memref<!tpu.dma_semaphore, #tpu.memory_space<semaphore_mem>>) src(%dma_wait3A_164 : memref<1000000x64xf32, #tpu.memory_space<hbm>>) dst(%arg10 : memref<400x64xf32, #tpu.memory_space<vmem>>)
    %add3A_165 = arith.constant 0 : i32
    %add3A_166 = arith.addi %add3A_161, %add3A_165 : i32
    %dma_start3A_167 = arith.constant 0 : i32
    %dma_start3A_168 = arith.constant 0 : i32
    %dma_start3A_169 = tpu.memref_slice %arg10[%dma_start3A_167, %dma_start3A_168] : memref<400x64xf32, #tpu.memory_space<vmem>> -> memref<50x64xf32, #tpu.memory_space<vmem>>
    %dma_start3A_170 = arith.constant 0 : i32
    %dma_start3A_171 = arith.constant 0 : i32
    %dma_start3A_172 = tpu.memref_slice %arg4[%add3A_166, %dma_start3A_170, %dma_start3A_171] : memref<16384x56x128xf32, #tpu.memory_space<hbm>> -> memref<1x50x64xf32, #tpu.memory_space<hbm>>
    %dma_start3A_173 = tpu.memref_squeeze %dma_start3A_172 : memref<1x50x64xf32, #tpu.memory_space<hbm>> -> memref<50x64xf32, #tpu.memory_space<hbm>>
    %dma_start3A_174 = arith.constant 0 : i32
    %dma_start3A_175 = arith.constant 0 : i32
    %dma_start3A_176 = tpu.memref_slice %arg4[%add3A_166, %dma_start3A_174, %dma_start3A_175] : memref<16384x56x128xf32, #tpu.memory_space<hbm>> -> memref<1x50x64xf32, #tpu.memory_space<hbm>>
    %dma_start3A_177 = tpu.memref_squeeze %dma_start3A_176 : memref<1x50x64xf32, #tpu.memory_space<hbm>> -> memref<50x64xf32, #tpu.memory_space<hbm>>
    %dma_start3A_178 = arith.constant 0 : i32
    %dma_start3A_179 = arith.constant 0 : i32
    %dma_start3A_180 = tpu.memref_slice %arg10[%dma_start3A_178, %dma_start3A_179] : memref<400x64xf32, #tpu.memory_space<vmem>> -> memref<50x64xf32, #tpu.memory_space<vmem>>
    tpu.enqueue_dma source(%dma_start3A_180 : memref<50x64xf32, #tpu.memory_space<vmem>>) target(%dma_start3A_177 : memref<50x64xf32, #tpu.memory_space<hbm>>) target_semaphore(%arg18 : memref<!tpu.dma_semaphore, #tpu.memory_space<semaphore_mem>>)
    %add3A_181 = arith.constant 1 : i32
    %add3A_182 = arith.addi %add3A_161, %add3A_181 : i32
    %dma_start3A_183 = arith.constant 50 : i32
    %dma_start3A_184 = arith.constant 0 : i32
    %dma_start3A_185 = tpu.memref_slice %arg10[%dma_start3A_183, %dma_start3A_184] : memref<400x64xf32, #tpu.memory_space<vmem>> -> memref<50x64xf32, #tpu.memory_space<vmem>>
    %dma_start3A_186 = arith.constant 0 : i32
    %dma_start3A_187 = arith.constant 0 : i32
    %dma_start3A_188 = tpu.memref_slice %arg4[%add3A_182, %dma_start3A_186, %dma_start3A_187] : memref<16384x56x128xf32, #tpu.memory_space<hbm>> -> memref<1x50x64xf32, #tpu.memory_space<hbm>>
    %dma_start3A_189 = tpu.memref_squeeze %dma_start3A_188 : memref<1x50x64xf32, #tpu.memory_space<hbm>> -> memref<50x64xf32, #tpu.memory_space<hbm>>
    %dma_start3A_190 = arith.constant 0 : i32
    %dma_start3A_191 = arith.constant 0 : i32
    %dma_start3A_192 = tpu.memref_slice %arg4[%add3A_182, %dma_start3A_190, %dma_start3A_191] : memref<16384x56x128xf32, #tpu.memory_space<hbm>> -> memref<1x50x64xf32, #tpu.memory_space<hbm>>
    %dma_start3A_193 = tpu.memref_squeeze %dma_start3A_192 : memref<1x50x64xf32, #tpu.memory_space<hbm>> -> memref<50x64xf32, #tpu.memory_space<hbm>>
    %dma_start3A_194 = arith.constant 50 : i32
    %dma_start3A_195 = arith.constant 0 : i32
    %dma_start3A_196 = tpu.memref_slice %arg10[%dma_start3A_194, %dma_start3A_195] : memref<400x64xf32, #tpu.memory_space<vmem>> -> memref<50x64xf32, #tpu.memory_space<vmem>>
    tpu.enqueue_dma source(%dma_start3A_196 : memref<50x64xf32, #tpu.memory_space<vmem>>) target(%dma_start3A_193 : memref<50x64xf32, #tpu.memory_space<hbm>>) target_semaphore(%arg18 : memref<!tpu.dma_semaphore, #tpu.memory_space<semaphore_mem>>)
    %add3A_197 = arith.constant 2 : i32
    %add3A_198 = arith.addi %add3A_161, %add3A_197 : i32
    %dma_start3A_199 = arith.constant 100 : i32
    %dma_start3A_200 = arith.constant 0 : i32
    %dma_start3A_201 = tpu.memref_slice %arg10[%dma_start3A_199, %dma_start3A_200] : memref<400x64xf32, #tpu.memory_space<vmem>> -> memref<50x64xf32, #tpu.memory_space<vmem>>
    %dma_start3A_202 = arith.constant 0 : i32
    %dma_start3A_203 = arith.constant 0 : i32
    %dma_start3A_204 = tpu.memref_slice %arg4[%add3A_198, %dma_start3A_202, %dma_start3A_203] : memref<16384x56x128xf32, #tpu.memory_space<hbm>> -> memref<1x50x64xf32, #tpu.memory_space<hbm>>
    %dma_start3A_205 = tpu.memref_squeeze %dma_start3A_204 : memref<1x50x64xf32, #tpu.memory_space<hbm>> -> memref<50x64xf32, #tpu.memory_space<hbm>>
    %dma_start3A_206 = arith.constant 0 : i32
    %dma_start3A_207 = arith.constant 0 : i32
    %dma_start3A_208 = tpu.memref_slice %arg4[%add3A_198, %dma_start3A_206, %dma_start3A_207] : memref<16384x56x128xf32, #tpu.memory_space<hbm>> -> memref<1x50x64xf32, #tpu.memory_space<hbm>>
    %dma_start3A_209 = tpu.memref_squeeze %dma_start3A_208 : memref<1x50x64xf32, #tpu.memory_space<hbm>> -> memref<50x64xf32, #tpu.memory_space<hbm>>
    %dma_start3A_210 = arith.constant 100 : i32
    %dma_start3A_211 = arith.constant 0 : i32
    %dma_start3A_212 = tpu.memref_slice %arg10[%dma_start3A_210, %dma_start3A_211] : memref<400x64xf32, #tpu.memory_space<vmem>> -> memref<50x64xf32, #tpu.memory_space<vmem>>
    tpu.enqueue_dma source(%dma_start3A_212 : memref<50x64xf32, #tpu.memory_space<vmem>>) target(%dma_start3A_209 : memref<50x64xf32, #tpu.memory_space<hbm>>) target_semaphore(%arg18 : memref<!tpu.dma_semaphore, #tpu.memory_space<semaphore_mem>>)
    %add3A_213 = arith.constant 3 : i32
    %add3A_214 = arith.addi %add3A_161, %add3A_213 : i32
    %dma_start3A_215 = arith.constant 150 : i32
    %dma_start3A_216 = arith.constant 0 : i32
    %dma_start3A_217 = tpu.memref_slice %arg10[%dma_start3A_215, %dma_start3A_216] : memref<400x64xf32, #tpu.memory_space<vmem>> -> memref<50x64xf32, #tpu.memory_space<vmem>>
    %dma_start3A_218 = arith.constant 0 : i32
    %dma_start3A_219 = arith.constant 0 : i32
    %dma_start3A_220 = tpu.memref_slice %arg4[%add3A_214, %dma_start3A_218, %dma_start3A_219] : memref<16384x56x128xf32, #tpu.memory_space<hbm>> -> memref<1x50x64xf32, #tpu.memory_space<hbm>>
    %dma_start3A_221 = tpu.memref_squeeze %dma_start3A_220 : memref<1x50x64xf32, #tpu.memory_space<hbm>> -> memref<50x64xf32, #tpu.memory_space<hbm>>
    %dma_start3A_222 = arith.constant 0 : i32
    %dma_start3A_223 = arith.constant 0 : i32
    %dma_start3A_224 = tpu.memref_slice %arg4[%add3A_214, %dma_start3A_222, %dma_start3A_223] : memref<16384x56x128xf32, #tpu.memory_space<hbm>> -> memref<1x50x64xf32, #tpu.memory_space<hbm>>
    %dma_start3A_225 = tpu.memref_squeeze %dma_start3A_224 : memref<1x50x64xf32, #tpu.memory_space<hbm>> -> memref<50x64xf32, #tpu.memory_space<hbm>>
    %dma_start3A_226 = arith.constant 150 : i32
    %dma_start3A_227 = arith.constant 0 : i32
    %dma_start3A_228 = tpu.memref_slice %arg10[%dma_start3A_226, %dma_start3A_227] : memref<400x64xf32, #tpu.memory_space<vmem>> -> memref<50x64xf32, #tpu.memory_space<vmem>>
    tpu.enqueue_dma source(%dma_start3A_228 : memref<50x64xf32, #tpu.memory_space<vmem>>) target(%dma_start3A_225 : memref<50x64xf32, #tpu.memory_space<hbm>>) target_semaphore(%arg18 : memref<!tpu.dma_semaphore, #tpu.memory_space<semaphore_mem>>)
    %add3A_229 = arith.constant 4 : i32
    %add3A_230 = arith.addi %add3A_161, %add3A_229 : i32
    %dma_start3A_231 = arith.constant 200 : i32
    %dma_start3A_232 = arith.constant 0 : i32
    %dma_start3A_233 = tpu.memref_slice %arg10[%dma_start3A_231, %dma_start3A_232] : memref<400x64xf32, #tpu.memory_space<vmem>> -> memref<50x64xf32, #tpu.memory_space<vmem>>
    %dma_start3A_234 = arith.constant 0 : i32
    %dma_start3A_235 = arith.constant 0 : i32
    %dma_start3A_236 = tpu.memref_slice %arg4[%add3A_230, %dma_start3A_234, %dma_start3A_235] : memref<16384x56x128xf32, #tpu.memory_space<hbm>> -> memref<1x50x64xf32, #tpu.memory_space<hbm>>
    %dma_start3A_237 = tpu.memref_squeeze %dma_start3A_236 : memref<1x50x64xf32, #tpu.memory_space<hbm>> -> memref<50x64xf32, #tpu.memory_space<hbm>>
    %dma_start3A_238 = arith.constant 0 : i32
    %dma_start3A_239 = arith.constant 0 : i32
    %dma_start3A_240 = tpu.memref_slice %arg4[%add3A_230, %dma_start3A_238, %dma_start3A_239] : memref<16384x56x128xf32, #tpu.memory_space<hbm>> -> memref<1x50x64xf32, #tpu.memory_space<hbm>>
    %dma_start3A_241 = tpu.memref_squeeze %dma_start3A_240 : memref<1x50x64xf32, #tpu.memory_space<hbm>> -> memref<50x64xf32, #tpu.memory_space<hbm>>
    %dma_start3A_242 = arith.constant 200 : i32
    %dma_start3A_243 = arith.constant 0 : i32
    %dma_start3A_244 = tpu.memref_slice %arg10[%dma_start3A_242, %dma_start3A_243] : memref<400x64xf32, #tpu.memory_space<vmem>> -> memref<50x64xf32, #tpu.memory_space<vmem>>
    tpu.enqueue_dma source(%dma_start3A_244 : memref<50x64xf32, #tpu.memory_space<vmem>>) target(%dma_start3A_241 : memref<50x64xf32, #tpu.memory_space<hbm>>) target_semaphore(%arg18 : memref<!tpu.dma_semaphore, #tpu.memory_space<semaphore_mem>>)
    %add3A_245 = arith.constant 5 : i32
    %add3A_246 = arith.addi %add3A_161, %add3A_245 : i32
    %dma_start3A_247 = arith.constant 250 : i32
    %dma_start3A_248 = arith.constant 0 : i32
    %dma_start3A_249 = tpu.memref_slice %arg10[%dma_start3A_247, %dma_start3A_248] : memref<400x64xf32, #tpu.memory_space<vmem>> -> memref<50x64xf32, #tpu.memory_space<vmem>>
    %dma_start3A_250 = arith.constant 0 : i32
    %dma_start3A_251 = arith.constant 0 : i32
    %dma_start3A_252 = tpu.memref_slice %arg4[%add3A_246, %dma_start3A_250, %dma_start3A_251] : memref<16384x56x128xf32, #tpu.memory_space<hbm>> -> memref<1x50x64xf32, #tpu.memory_space<hbm>>
    %dma_start3A_253 = tpu.memref_squeeze %dma_start3A_252 : memref<1x50x64xf32, #tpu.memory_space<hbm>> -> memref<50x64xf32, #tpu.memory_space<hbm>>
    %dma_start3A_254 = arith.constant 0 : i32
    %dma_start3A_255 = arith.constant 0 : i32
    %dma_start3A_256 = tpu.memref_slice %arg4[%add3A_246, %dma_start3A_254, %dma_start3A_255] : memref<16384x56x128xf32, #tpu.memory_space<hbm>> -> memref<1x50x64xf32, #tpu.memory_space<hbm>>
    %dma_start3A_257 = tpu.memref_squeeze %dma_start3A_256 : memref<1x50x64xf32, #tpu.memory_space<hbm>> -> memref<50x64xf32, #tpu.memory_space<hbm>>
    %dma_start3A_258 = arith.constant 250 : i32
    %dma_start3A_259 = arith.constant 0 : i32
    %dma_start3A_260 = tpu.memref_slice %arg10[%dma_start3A_258, %dma_start3A_259] : memref<400x64xf32, #tpu.memory_space<vmem>> -> memref<50x64xf32, #tpu.memory_space<vmem>>
    tpu.enqueue_dma source(%dma_start3A_260 : memref<50x64xf32, #tpu.memory_space<vmem>>) target(%dma_start3A_257 : memref<50x64xf32, #tpu.memory_space<hbm>>) target_semaphore(%arg18 : memref<!tpu.dma_semaphore, #tpu.memory_space<semaphore_mem>>)
    %add3A_261 = arith.constant 6 : i32
    %add3A_262 = arith.addi %add3A_161, %add3A_261 : i32
    %dma_start3A_263 = arith.constant 300 : i32
    %dma_start3A_264 = arith.constant 0 : i32
    %dma_start3A_265 = tpu.memref_slice %arg10[%dma_start3A_263, %dma_start3A_264] : memref<400x64xf32, #tpu.memory_space<vmem>> -> memref<50x64xf32, #tpu.memory_space<vmem>>
    %dma_start3A_266 = arith.constant 0 : i32
    %dma_start3A_267 = arith.constant 0 : i32
    %dma_start3A_268 = tpu.memref_slice %arg4[%add3A_262, %dma_start3A_266, %dma_start3A_267] : memref<16384x56x128xf32, #tpu.memory_space<hbm>> -> memref<1x50x64xf32, #tpu.memory_space<hbm>>
    %dma_start3A_269 = tpu.memref_squeeze %dma_start3A_268 : memref<1x50x64xf32, #tpu.memory_space<hbm>> -> memref<50x64xf32, #tpu.memory_space<hbm>>
    %dma_start3A_270 = arith.constant 0 : i32
    %dma_start3A_271 = arith.constant 0 : i32
    %dma_start3A_272 = tpu.memref_slice %arg4[%add3A_262, %dma_start3A_270, %dma_start3A_271] : memref<16384x56x128xf32, #tpu.memory_space<hbm>> -> memref<1x50x64xf32, #tpu.memory_space<hbm>>
    %dma_start3A_273 = tpu.memref_squeeze %dma_start3A_272 : memref<1x50x64xf32, #tpu.memory_space<hbm>> -> memref<50x64xf32, #tpu.memory_space<hbm>>
    %dma_start3A_274 = arith.constant 300 : i32
    %dma_start3A_275 = arith.constant 0 : i32
    %dma_start3A_276 = tpu.memref_slice %arg10[%dma_start3A_274, %dma_start3A_275] : memref<400x64xf32, #tpu.memory_space<vmem>> -> memref<50x64xf32, #tpu.memory_space<vmem>>
    tpu.enqueue_dma source(%dma_start3A_276 : memref<50x64xf32, #tpu.memory_space<vmem>>) target(%dma_start3A_273 : memref<50x64xf32, #tpu.memory_space<hbm>>) target_semaphore(%arg18 : memref<!tpu.dma_semaphore, #tpu.memory_space<semaphore_mem>>)
    %add3A_277 = arith.constant 7 : i32
    %add3A_278 = arith.addi %add3A_161, %add3A_277 : i32
    %dma_start3A_279 = arith.constant 350 : i32
    %dma_start3A_280 = arith.constant 0 : i32
    %dma_start3A_281 = tpu.memref_slice %arg10[%dma_start3A_279, %dma_start3A_280] : memref<400x64xf32, #tpu.memory_space<vmem>> -> memref<50x64xf32, #tpu.memory_space<vmem>>
    %dma_start3A_282 = arith.constant 0 : i32
    %dma_start3A_283 = arith.constant 0 : i32
    %dma_start3A_284 = tpu.memref_slice %arg4[%add3A_278, %dma_start3A_282, %dma_start3A_283] : memref<16384x56x128xf32, #tpu.memory_space<hbm>> -> memref<1x50x64xf32, #tpu.memory_space<hbm>>
    %dma_start3A_285 = tpu.memref_squeeze %dma_start3A_284 : memref<1x50x64xf32, #tpu.memory_space<hbm>> -> memref<50x64xf32, #tpu.memory_space<hbm>>
    %dma_start3A_286 = arith.constant 0 : i32
    %dma_start3A_287 = arith.constant 0 : i32
    %dma_start3A_288 = tpu.memref_slice %arg4[%add3A_278, %dma_start3A_286, %dma_start3A_287] : memref<16384x56x128xf32, #tpu.memory_space<hbm>> -> memref<1x50x64xf32, #tpu.memory_space<hbm>>
    %dma_start3A_289 = tpu.memref_squeeze %dma_start3A_288 : memref<1x50x64xf32, #tpu.memory_space<hbm>> -> memref<50x64xf32, #tpu.memory_space<hbm>>
    %dma_start3A_290 = arith.constant 350 : i32
    %dma_start3A_291 = arith.constant 0 : i32
    %dma_start3A_292 = tpu.memref_slice %arg10[%dma_start3A_290, %dma_start3A_291] : memref<400x64xf32, #tpu.memory_space<vmem>> -> memref<50x64xf32, #tpu.memory_space<vmem>>
    tpu.enqueue_dma source(%dma_start3A_292 : memref<50x64xf32, #tpu.memory_space<vmem>>) target(%dma_start3A_289 : memref<50x64xf32, #tpu.memory_space<hbm>>) target_semaphore(%arg18 : memref<!tpu.dma_semaphore, #tpu.memory_space<semaphore_mem>>)
    %add3A_293 = arith.constant 496 : i32
    %add3A_294 = arith.addi %mul3A_2, %add3A_293 : i32
    %dma_wait3A_295 = arith.constant 0 : i32
    %dma_wait3A_296 = arith.constant 0 : i32
    %dma_wait3A_297 = tpu.memref_slice %arg2[%dma_wait3A_295, %dma_wait3A_296] : memref<1000000x64xf32, #tpu.memory_space<hbm>> -> memref<1000000x64xf32, #tpu.memory_space<hbm>>
    tpu.wait_indirect_dma semaphore(%arg15 : memref<!tpu.dma_semaphore, #tpu.memory_space<semaphore_mem>>) src(%dma_wait3A_297 : memref<1000000x64xf32, #tpu.memory_space<hbm>>) dst(%arg11 : memref<400x64xf32, #tpu.memory_space<vmem>>)
    %add3A_298 = arith.constant 0 : i32
    %add3A_299 = arith.addi %add3A_294, %add3A_298 : i32
    %dma_start3A_300 = arith.constant 0 : i32
    %dma_start3A_301 = arith.constant 0 : i32
    %dma_start3A_302 = tpu.memref_slice %arg11[%dma_start3A_300, %dma_start3A_301] : memref<400x64xf32, #tpu.memory_space<vmem>> -> memref<50x64xf32, #tpu.memory_space<vmem>>
    %dma_start3A_303 = arith.constant 0 : i32
    %dma_start3A_304 = arith.constant 0 : i32
    %dma_start3A_305 = tpu.memref_slice %arg4[%add3A_299, %dma_start3A_303, %dma_start3A_304] : memref<16384x56x128xf32, #tpu.memory_space<hbm>> -> memref<1x50x64xf32, #tpu.memory_space<hbm>>
    %dma_start3A_306 = tpu.memref_squeeze %dma_start3A_305 : memref<1x50x64xf32, #tpu.memory_space<hbm>> -> memref<50x64xf32, #tpu.memory_space<hbm>>
    %dma_start3A_307 = arith.constant 0 : i32
    %dma_start3A_308 = arith.constant 0 : i32
    %dma_start3A_309 = tpu.memref_slice %arg4[%add3A_299, %dma_start3A_307, %dma_start3A_308] : memref<16384x56x128xf32, #tpu.memory_space<hbm>> -> memref<1x50x64xf32, #tpu.memory_space<hbm>>
    %dma_start3A_310 = tpu.memref_squeeze %dma_start3A_309 : memref<1x50x64xf32, #tpu.memory_space<hbm>> -> memref<50x64xf32, #tpu.memory_space<hbm>>
    %dma_start3A_311 = arith.constant 0 : i32
    %dma_start3A_312 = arith.constant 0 : i32
    %dma_start3A_313 = tpu.memref_slice %arg11[%dma_start3A_311, %dma_start3A_312] : memref<400x64xf32, #tpu.memory_space<vmem>> -> memref<50x64xf32, #tpu.memory_space<vmem>>
    tpu.enqueue_dma source(%dma_start3A_313 : memref<50x64xf32, #tpu.memory_space<vmem>>) target(%dma_start3A_310 : memref<50x64xf32, #tpu.memory_space<hbm>>) target_semaphore(%arg19 : memref<!tpu.dma_semaphore, #tpu.memory_space<semaphore_mem>>)
    %add3A_314 = arith.constant 1 : i32
    %add3A_315 = arith.addi %add3A_294, %add3A_314 : i32
    %dma_start3A_316 = arith.constant 50 : i32
    %dma_start3A_317 = arith.constant 0 : i32
    %dma_start3A_318 = tpu.memref_slice %arg11[%dma_start3A_316, %dma_start3A_317] : memref<400x64xf32, #tpu.memory_space<vmem>> -> memref<50x64xf32, #tpu.memory_space<vmem>>
    %dma_start3A_319 = arith.constant 0 : i32
    %dma_start3A_320 = arith.constant 0 : i32
    %dma_start3A_321 = tpu.memref_slice %arg4[%add3A_315, %dma_start3A_319, %dma_start3A_320] : memref<16384x56x128xf32, #tpu.memory_space<hbm>> -> memref<1x50x64xf32, #tpu.memory_space<hbm>>
    %dma_start3A_322 = tpu.memref_squeeze %dma_start3A_321 : memref<1x50x64xf32, #tpu.memory_space<hbm>> -> memref<50x64xf32, #tpu.memory_space<hbm>>
    %dma_start3A_323 = arith.constant 0 : i32
    %dma_start3A_324 = arith.constant 0 : i32
    %dma_start3A_325 = tpu.memref_slice %arg4[%add3A_315, %dma_start3A_323, %dma_start3A_324] : memref<16384x56x128xf32, #tpu.memory_space<hbm>> -> memref<1x50x64xf32, #tpu.memory_space<hbm>>
    %dma_start3A_326 = tpu.memref_squeeze %dma_start3A_325 : memref<1x50x64xf32, #tpu.memory_space<hbm>> -> memref<50x64xf32, #tpu.memory_space<hbm>>
    %dma_start3A_327 = arith.constant 50 : i32
    %dma_start3A_328 = arith.constant 0 : i32
    %dma_start3A_329 = tpu.memref_slice %arg11[%dma_start3A_327, %dma_start3A_328] : memref<400x64xf32, #tpu.memory_space<vmem>> -> memref<50x64xf32, #tpu.memory_space<vmem>>
    tpu.enqueue_dma source(%dma_start3A_329 : memref<50x64xf32, #tpu.memory_space<vmem>>) target(%dma_start3A_326 : memref<50x64xf32, #tpu.memory_space<hbm>>) target_semaphore(%arg19 : memref<!tpu.dma_semaphore, #tpu.memory_space<semaphore_mem>>)
    %add3A_330 = arith.constant 2 : i32
    %add3A_331 = arith.addi %add3A_294, %add3A_330 : i32
    %dma_start3A_332 = arith.constant 100 : i32
    %dma_start3A_333 = arith.constant 0 : i32
    %dma_start3A_334 = tpu.memref_slice %arg11[%dma_start3A_332, %dma_start3A_333] : memref<400x64xf32, #tpu.memory_space<vmem>> -> memref<50x64xf32, #tpu.memory_space<vmem>>
    %dma_start3A_335 = arith.constant 0 : i32
    %dma_start3A_336 = arith.constant 0 : i32
    %dma_start3A_337 = tpu.memref_slice %arg4[%add3A_331, %dma_start3A_335, %dma_start3A_336] : memref<16384x56x128xf32, #tpu.memory_space<hbm>> -> memref<1x50x64xf32, #tpu.memory_space<hbm>>
    %dma_start3A_338 = tpu.memref_squeeze %dma_start3A_337 : memref<1x50x64xf32, #tpu.memory_space<hbm>> -> memref<50x64xf32, #tpu.memory_space<hbm>>
    %dma_start3A_339 = arith.constant 0 : i32
    %dma_start3A_340 = arith.constant 0 : i32
    %dma_start3A_341 = tpu.memref_slice %arg4[%add3A_331, %dma_start3A_339, %dma_start3A_340] : memref<16384x56x128xf32, #tpu.memory_space<hbm>> -> memref<1x50x64xf32, #tpu.memory_space<hbm>>
    %dma_start3A_342 = tpu.memref_squeeze %dma_start3A_341 : memref<1x50x64xf32, #tpu.memory_space<hbm>> -> memref<50x64xf32, #tpu.memory_space<hbm>>
    %dma_start3A_343 = arith.constant 100 : i32
    %dma_start3A_344 = arith.constant 0 : i32
    %dma_start3A_345 = tpu.memref_slice %arg11[%dma_start3A_343, %dma_start3A_344] : memref<400x64xf32, #tpu.memory_space<vmem>> -> memref<50x64xf32, #tpu.memory_space<vmem>>
    tpu.enqueue_dma source(%dma_start3A_345 : memref<50x64xf32, #tpu.memory_space<vmem>>) target(%dma_start3A_342 : memref<50x64xf32, #tpu.memory_space<hbm>>) target_semaphore(%arg19 : memref<!tpu.dma_semaphore, #tpu.memory_space<semaphore_mem>>)
    %add3A_346 = arith.constant 3 : i32
    %add3A_347 = arith.addi %add3A_294, %add3A_346 : i32
    %dma_start3A_348 = arith.constant 150 : i32
    %dma_start3A_349 = arith.constant 0 : i32
    %dma_start3A_350 = tpu.memref_slice %arg11[%dma_start3A_348, %dma_start3A_349] : memref<400x64xf32, #tpu.memory_space<vmem>> -> memref<50x64xf32, #tpu.memory_space<vmem>>
    %dma_start3A_351 = arith.constant 0 : i32
    %dma_start3A_352 = arith.constant 0 : i32
    %dma_start3A_353 = tpu.memref_slice %arg4[%add3A_347, %dma_start3A_351, %dma_start3A_352] : memref<16384x56x128xf32, #tpu.memory_space<hbm>> -> memref<1x50x64xf32, #tpu.memory_space<hbm>>
    %dma_start3A_354 = tpu.memref_squeeze %dma_start3A_353 : memref<1x50x64xf32, #tpu.memory_space<hbm>> -> memref<50x64xf32, #tpu.memory_space<hbm>>
    %dma_start3A_355 = arith.constant 0 : i32
    %dma_start3A_356 = arith.constant 0 : i32
    %dma_start3A_357 = tpu.memref_slice %arg4[%add3A_347, %dma_start3A_355, %dma_start3A_356] : memref<16384x56x128xf32, #tpu.memory_space<hbm>> -> memref<1x50x64xf32, #tpu.memory_space<hbm>>
    %dma_start3A_358 = tpu.memref_squeeze %dma_start3A_357 : memref<1x50x64xf32, #tpu.memory_space<hbm>> -> memref<50x64xf32, #tpu.memory_space<hbm>>
    %dma_start3A_359 = arith.constant 150 : i32
    %dma_start3A_360 = arith.constant 0 : i32
    %dma_start3A_361 = tpu.memref_slice %arg11[%dma_start3A_359, %dma_start3A_360] : memref<400x64xf32, #tpu.memory_space<vmem>> -> memref<50x64xf32, #tpu.memory_space<vmem>>
    tpu.enqueue_dma source(%dma_start3A_361 : memref<50x64xf32, #tpu.memory_space<vmem>>) target(%dma_start3A_358 : memref<50x64xf32, #tpu.memory_space<hbm>>) target_semaphore(%arg19 : memref<!tpu.dma_semaphore, #tpu.memory_space<semaphore_mem>>)
    %add3A_362 = arith.constant 4 : i32
    %add3A_363 = arith.addi %add3A_294, %add3A_362 : i32
    %dma_start3A_364 = arith.constant 200 : i32
    %dma_start3A_365 = arith.constant 0 : i32
    %dma_start3A_366 = tpu.memref_slice %arg11[%dma_start3A_364, %dma_start3A_365] : memref<400x64xf32, #tpu.memory_space<vmem>> -> memref<50x64xf32, #tpu.memory_space<vmem>>
    %dma_start3A_367 = arith.constant 0 : i32
    %dma_start3A_368 = arith.constant 0 : i32
    %dma_start3A_369 = tpu.memref_slice %arg4[%add3A_363, %dma_start3A_367, %dma_start3A_368] : memref<16384x56x128xf32, #tpu.memory_space<hbm>> -> memref<1x50x64xf32, #tpu.memory_space<hbm>>
    %dma_start3A_370 = tpu.memref_squeeze %dma_start3A_369 : memref<1x50x64xf32, #tpu.memory_space<hbm>> -> memref<50x64xf32, #tpu.memory_space<hbm>>
    %dma_start3A_371 = arith.constant 0 : i32
    %dma_start3A_372 = arith.constant 0 : i32
    %dma_start3A_373 = tpu.memref_slice %arg4[%add3A_363, %dma_start3A_371, %dma_start3A_372] : memref<16384x56x128xf32, #tpu.memory_space<hbm>> -> memref<1x50x64xf32, #tpu.memory_space<hbm>>
    %dma_start3A_374 = tpu.memref_squeeze %dma_start3A_373 : memref<1x50x64xf32, #tpu.memory_space<hbm>> -> memref<50x64xf32, #tpu.memory_space<hbm>>
    %dma_start3A_375 = arith.constant 200 : i32
    %dma_start3A_376 = arith.constant 0 : i32
    %dma_start3A_377 = tpu.memref_slice %arg11[%dma_start3A_375, %dma_start3A_376] : memref<400x64xf32, #tpu.memory_space<vmem>> -> memref<50x64xf32, #tpu.memory_space<vmem>>
    tpu.enqueue_dma source(%dma_start3A_377 : memref<50x64xf32, #tpu.memory_space<vmem>>) target(%dma_start3A_374 : memref<50x64xf32, #tpu.memory_space<hbm>>) target_semaphore(%arg19 : memref<!tpu.dma_semaphore, #tpu.memory_space<semaphore_mem>>)
    %add3A_378 = arith.constant 5 : i32
    %add3A_379 = arith.addi %add3A_294, %add3A_378 : i32
    %dma_start3A_380 = arith.constant 250 : i32
    %dma_start3A_381 = arith.constant 0 : i32
    %dma_start3A_382 = tpu.memref_slice %arg11[%dma_start3A_380, %dma_start3A_381] : memref<400x64xf32, #tpu.memory_space<vmem>> -> memref<50x64xf32, #tpu.memory_space<vmem>>
    %dma_start3A_383 = arith.constant 0 : i32
    %dma_start3A_384 = arith.constant 0 : i32
    %dma_start3A_385 = tpu.memref_slice %arg4[%add3A_379, %dma_start3A_383, %dma_start3A_384] : memref<16384x56x128xf32, #tpu.memory_space<hbm>> -> memref<1x50x64xf32, #tpu.memory_space<hbm>>
    %dma_start3A_386 = tpu.memref_squeeze %dma_start3A_385 : memref<1x50x64xf32, #tpu.memory_space<hbm>> -> memref<50x64xf32, #tpu.memory_space<hbm>>
    %dma_start3A_387 = arith.constant 0 : i32
    %dma_start3A_388 = arith.constant 0 : i32
    %dma_start3A_389 = tpu.memref_slice %arg4[%add3A_379, %dma_start3A_387, %dma_start3A_388] : memref<16384x56x128xf32, #tpu.memory_space<hbm>> -> memref<1x50x64xf32, #tpu.memory_space<hbm>>
    %dma_start3A_390 = tpu.memref_squeeze %dma_start3A_389 : memref<1x50x64xf32, #tpu.memory_space<hbm>> -> memref<50x64xf32, #tpu.memory_space<hbm>>
    %dma_start3A_391 = arith.constant 250 : i32
    %dma_start3A_392 = arith.constant 0 : i32
    %dma_start3A_393 = tpu.memref_slice %arg11[%dma_start3A_391, %dma_start3A_392] : memref<400x64xf32, #tpu.memory_space<vmem>> -> memref<50x64xf32, #tpu.memory_space<vmem>>
    tpu.enqueue_dma source(%dma_start3A_393 : memref<50x64xf32, #tpu.memory_space<vmem>>) target(%dma_start3A_390 : memref<50x64xf32, #tpu.memory_space<hbm>>) target_semaphore(%arg19 : memref<!tpu.dma_semaphore, #tpu.memory_space<semaphore_mem>>)
    %add3A_394 = arith.constant 6 : i32
    %add3A_395 = arith.addi %add3A_294, %add3A_394 : i32
    %dma_start3A_396 = arith.constant 300 : i32
    %dma_start3A_397 = arith.constant 0 : i32
    %dma_start3A_398 = tpu.memref_slice %arg11[%dma_start3A_396, %dma_start3A_397] : memref<400x64xf32, #tpu.memory_space<vmem>> -> memref<50x64xf32, #tpu.memory_space<vmem>>
    %dma_start3A_399 = arith.constant 0 : i32
    %dma_start3A_400 = arith.constant 0 : i32
    %dma_start3A_401 = tpu.memref_slice %arg4[%add3A_395, %dma_start3A_399, %dma_start3A_400] : memref<16384x56x128xf32, #tpu.memory_space<hbm>> -> memref<1x50x64xf32, #tpu.memory_space<hbm>>
    %dma_start3A_402 = tpu.memref_squeeze %dma_start3A_401 : memref<1x50x64xf32, #tpu.memory_space<hbm>> -> memref<50x64xf32, #tpu.memory_space<hbm>>
    %dma_start3A_403 = arith.constant 0 : i32
    %dma_start3A_404 = arith.constant 0 : i32
    %dma_start3A_405 = tpu.memref_slice %arg4[%add3A_395, %dma_start3A_403, %dma_start3A_404] : memref<16384x56x128xf32, #tpu.memory_space<hbm>> -> memref<1x50x64xf32, #tpu.memory_space<hbm>>
    %dma_start3A_406 = tpu.memref_squeeze %dma_start3A_405 : memref<1x50x64xf32, #tpu.memory_space<hbm>> -> memref<50x64xf32, #tpu.memory_space<hbm>>
    %dma_start3A_407 = arith.constant 300 : i32
    %dma_start3A_408 = arith.constant 0 : i32
    %dma_start3A_409 = tpu.memref_slice %arg11[%dma_start3A_407, %dma_start3A_408] : memref<400x64xf32, #tpu.memory_space<vmem>> -> memref<50x64xf32, #tpu.memory_space<vmem>>
    tpu.enqueue_dma source(%dma_start3A_409 : memref<50x64xf32, #tpu.memory_space<vmem>>) target(%dma_start3A_406 : memref<50x64xf32, #tpu.memory_space<hbm>>) target_semaphore(%arg19 : memref<!tpu.dma_semaphore, #tpu.memory_space<semaphore_mem>>)
    %add3A_410 = arith.constant 7 : i32
    %add3A_411 = arith.addi %add3A_294, %add3A_410 : i32
    %dma_start3A_412 = arith.constant 350 : i32
    %dma_start3A_413 = arith.constant 0 : i32
    %dma_start3A_414 = tpu.memref_slice %arg11[%dma_start3A_412, %dma_start3A_413] : memref<400x64xf32, #tpu.memory_space<vmem>> -> memref<50x64xf32, #tpu.memory_space<vmem>>
    %dma_start3A_415 = arith.constant 0 : i32
    %dma_start3A_416 = arith.constant 0 : i32
    %dma_start3A_417 = tpu.memref_slice %arg4[%add3A_411, %dma_start3A_415, %dma_start3A_416] : memref<16384x56x128xf32, #tpu.memory_space<hbm>> -> memref<1x50x64xf32, #tpu.memory_space<hbm>>
    %dma_start3A_418 = tpu.memref_squeeze %dma_start3A_417 : memref<1x50x64xf32, #tpu.memory_space<hbm>> -> memref<50x64xf32, #tpu.memory_space<hbm>>
    %dma_start3A_419 = arith.constant 0 : i32
    %dma_start3A_420 = arith.constant 0 : i32
    %dma_start3A_421 = tpu.memref_slice %arg4[%add3A_411, %dma_start3A_419, %dma_start3A_420] : memref<16384x56x128xf32, #tpu.memory_space<hbm>> -> memref<1x50x64xf32, #tpu.memory_space<hbm>>
    %dma_start3A_422 = tpu.memref_squeeze %dma_start3A_421 : memref<1x50x64xf32, #tpu.memory_space<hbm>> -> memref<50x64xf32, #tpu.memory_space<hbm>>
    %dma_start3A_423 = arith.constant 350 : i32
    %dma_start3A_424 = arith.constant 0 : i32
    %dma_start3A_425 = tpu.memref_slice %arg11[%dma_start3A_423, %dma_start3A_424] : memref<400x64xf32, #tpu.memory_space<vmem>> -> memref<50x64xf32, #tpu.memory_space<vmem>>
    tpu.enqueue_dma source(%dma_start3A_425 : memref<50x64xf32, #tpu.memory_space<vmem>>) target(%dma_start3A_422 : memref<50x64xf32, #tpu.memory_space<hbm>>) target_semaphore(%arg19 : memref<!tpu.dma_semaphore, #tpu.memory_space<semaphore_mem>>)
    %add3A_426 = arith.constant 504 : i32
    %add3A_427 = arith.addi %mul3A_2, %add3A_426 : i32
    %dma_wait3A_428 = arith.constant 0 : i32
    %dma_wait3A_429 = arith.constant 0 : i32
    %dma_wait3A_430 = tpu.memref_slice %arg2[%dma_wait3A_428, %dma_wait3A_429] : memref<1000000x64xf32, #tpu.memory_space<hbm>> -> memref<1000000x64xf32, #tpu.memory_space<hbm>>
    tpu.wait_indirect_dma semaphore(%arg16 : memref<!tpu.dma_semaphore, #tpu.memory_space<semaphore_mem>>) src(%dma_wait3A_430 : memref<1000000x64xf32, #tpu.memory_space<hbm>>) dst(%arg12 : memref<400x64xf32, #tpu.memory_space<vmem>>)
    %add3A_431 = arith.constant 0 : i32
    %add3A_432 = arith.addi %add3A_427, %add3A_431 : i32
    %dma_start3A_433 = arith.constant 0 : i32
    %dma_start3A_434 = arith.constant 0 : i32
    %dma_start3A_435 = tpu.memref_slice %arg12[%dma_start3A_433, %dma_start3A_434] : memref<400x64xf32, #tpu.memory_space<vmem>> -> memref<50x64xf32, #tpu.memory_space<vmem>>
    %dma_start3A_436 = arith.constant 0 : i32
    %dma_start3A_437 = arith.constant 0 : i32
    %dma_start3A_438 = tpu.memref_slice %arg4[%add3A_432, %dma_start3A_436, %dma_start3A_437] : memref<16384x56x128xf32, #tpu.memory_space<hbm>> -> memref<1x50x64xf32, #tpu.memory_space<hbm>>
    %dma_start3A_439 = tpu.memref_squeeze %dma_start3A_438 : memref<1x50x64xf32, #tpu.memory_space<hbm>> -> memref<50x64xf32, #tpu.memory_space<hbm>>
    %dma_start3A_440 = arith.constant 0 : i32
    %dma_start3A_441 = arith.constant 0 : i32
    %dma_start3A_442 = tpu.memref_slice %arg4[%add3A_432, %dma_start3A_440, %dma_start3A_441] : memref<16384x56x128xf32, #tpu.memory_space<hbm>> -> memref<1x50x64xf32, #tpu.memory_space<hbm>>
    %dma_start3A_443 = tpu.memref_squeeze %dma_start3A_442 : memref<1x50x64xf32, #tpu.memory_space<hbm>> -> memref<50x64xf32, #tpu.memory_space<hbm>>
    %dma_start3A_444 = arith.constant 0 : i32
    %dma_start3A_445 = arith.constant 0 : i32
    %dma_start3A_446 = tpu.memref_slice %arg12[%dma_start3A_444, %dma_start3A_445] : memref<400x64xf32, #tpu.memory_space<vmem>> -> memref<50x64xf32, #tpu.memory_space<vmem>>
    tpu.enqueue_dma source(%dma_start3A_446 : memref<50x64xf32, #tpu.memory_space<vmem>>) target(%dma_start3A_443 : memref<50x64xf32, #tpu.memory_space<hbm>>) target_semaphore(%arg20 : memref<!tpu.dma_semaphore, #tpu.memory_space<semaphore_mem>>)
    %add3A_447 = arith.constant 1 : i32
    %add3A_448 = arith.addi %add3A_427, %add3A_447 : i32
    %dma_start3A_449 = arith.constant 50 : i32
    %dma_start3A_450 = arith.constant 0 : i32
    %dma_start3A_451 = tpu.memref_slice %arg12[%dma_start3A_449, %dma_start3A_450] : memref<400x64xf32, #tpu.memory_space<vmem>> -> memref<50x64xf32, #tpu.memory_space<vmem>>
    %dma_start3A_452 = arith.constant 0 : i32
    %dma_start3A_453 = arith.constant 0 : i32
    %dma_start3A_454 = tpu.memref_slice %arg4[%add3A_448, %dma_start3A_452, %dma_start3A_453] : memref<16384x56x128xf32, #tpu.memory_space<hbm>> -> memref<1x50x64xf32, #tpu.memory_space<hbm>>
    %dma_start3A_455 = tpu.memref_squeeze %dma_start3A_454 : memref<1x50x64xf32, #tpu.memory_space<hbm>> -> memref<50x64xf32, #tpu.memory_space<hbm>>
    %dma_start3A_456 = arith.constant 0 : i32
    %dma_start3A_457 = arith.constant 0 : i32
    %dma_start3A_458 = tpu.memref_slice %arg4[%add3A_448, %dma_start3A_456, %dma_start3A_457] : memref<16384x56x128xf32, #tpu.memory_space<hbm>> -> memref<1x50x64xf32, #tpu.memory_space<hbm>>
    %dma_start3A_459 = tpu.memref_squeeze %dma_start3A_458 : memref<1x50x64xf32, #tpu.memory_space<hbm>> -> memref<50x64xf32, #tpu.memory_space<hbm>>
    %dma_start3A_460 = arith.constant 50 : i32
    %dma_start3A_461 = arith.constant 0 : i32
    %dma_start3A_462 = tpu.memref_slice %arg12[%dma_start3A_460, %dma_start3A_461] : memref<400x64xf32, #tpu.memory_space<vmem>> -> memref<50x64xf32, #tpu.memory_space<vmem>>
    tpu.enqueue_dma source(%dma_start3A_462 : memref<50x64xf32, #tpu.memory_space<vmem>>) target(%dma_start3A_459 : memref<50x64xf32, #tpu.memory_space<hbm>>) target_semaphore(%arg20 : memref<!tpu.dma_semaphore, #tpu.memory_space<semaphore_mem>>)
    %add3A_463 = arith.constant 2 : i32
    %add3A_464 = arith.addi %add3A_427, %add3A_463 : i32
    %dma_start3A_465 = arith.constant 100 : i32
    %dma_start3A_466 = arith.constant 0 : i32
    %dma_start3A_467 = tpu.memref_slice %arg12[%dma_start3A_465, %dma_start3A_466] : memref<400x64xf32, #tpu.memory_space<vmem>> -> memref<50x64xf32, #tpu.memory_space<vmem>>
    %dma_start3A_468 = arith.constant 0 : i32
    %dma_start3A_469 = arith.constant 0 : i32
    %dma_start3A_470 = tpu.memref_slice %arg4[%add3A_464, %dma_start3A_468, %dma_start3A_469] : memref<16384x56x128xf32, #tpu.memory_space<hbm>> -> memref<1x50x64xf32, #tpu.memory_space<hbm>>
    %dma_start3A_471 = tpu.memref_squeeze %dma_start3A_470 : memref<1x50x64xf32, #tpu.memory_space<hbm>> -> memref<50x64xf32, #tpu.memory_space<hbm>>
    %dma_start3A_472 = arith.constant 0 : i32
    %dma_start3A_473 = arith.constant 0 : i32
    %dma_start3A_474 = tpu.memref_slice %arg4[%add3A_464, %dma_start3A_472, %dma_start3A_473] : memref<16384x56x128xf32, #tpu.memory_space<hbm>> -> memref<1x50x64xf32, #tpu.memory_space<hbm>>
    %dma_start3A_475 = tpu.memref_squeeze %dma_start3A_474 : memref<1x50x64xf32, #tpu.memory_space<hbm>> -> memref<50x64xf32, #tpu.memory_space<hbm>>
    %dma_start3A_476 = arith.constant 100 : i32
    %dma_start3A_477 = arith.constant 0 : i32
    %dma_start3A_478 = tpu.memref_slice %arg12[%dma_start3A_476, %dma_start3A_477] : memref<400x64xf32, #tpu.memory_space<vmem>> -> memref<50x64xf32, #tpu.memory_space<vmem>>
    tpu.enqueue_dma source(%dma_start3A_478 : memref<50x64xf32, #tpu.memory_space<vmem>>) target(%dma_start3A_475 : memref<50x64xf32, #tpu.memory_space<hbm>>) target_semaphore(%arg20 : memref<!tpu.dma_semaphore, #tpu.memory_space<semaphore_mem>>)
    %add3A_479 = arith.constant 3 : i32
    %add3A_480 = arith.addi %add3A_427, %add3A_479 : i32
    %dma_start3A_481 = arith.constant 150 : i32
    %dma_start3A_482 = arith.constant 0 : i32
    %dma_start3A_483 = tpu.memref_slice %arg12[%dma_start3A_481, %dma_start3A_482] : memref<400x64xf32, #tpu.memory_space<vmem>> -> memref<50x64xf32, #tpu.memory_space<vmem>>
    %dma_start3A_484 = arith.constant 0 : i32
    %dma_start3A_485 = arith.constant 0 : i32
    %dma_start3A_486 = tpu.memref_slice %arg4[%add3A_480, %dma_start3A_484, %dma_start3A_485] : memref<16384x56x128xf32, #tpu.memory_space<hbm>> -> memref<1x50x64xf32, #tpu.memory_space<hbm>>
    %dma_start3A_487 = tpu.memref_squeeze %dma_start3A_486 : memref<1x50x64xf32, #tpu.memory_space<hbm>> -> memref<50x64xf32, #tpu.memory_space<hbm>>
    %dma_start3A_488 = arith.constant 0 : i32
    %dma_start3A_489 = arith.constant 0 : i32
    %dma_start3A_490 = tpu.memref_slice %arg4[%add3A_480, %dma_start3A_488, %dma_start3A_489] : memref<16384x56x128xf32, #tpu.memory_space<hbm>> -> memref<1x50x64xf32, #tpu.memory_space<hbm>>
    %dma_start3A_491 = tpu.memref_squeeze %dma_start3A_490 : memref<1x50x64xf32, #tpu.memory_space<hbm>> -> memref<50x64xf32, #tpu.memory_space<hbm>>
    %dma_start3A_492 = arith.constant 150 : i32
    %dma_start3A_493 = arith.constant 0 : i32
    %dma_start3A_494 = tpu.memref_slice %arg12[%dma_start3A_492, %dma_start3A_493] : memref<400x64xf32, #tpu.memory_space<vmem>> -> memref<50x64xf32, #tpu.memory_space<vmem>>
    tpu.enqueue_dma source(%dma_start3A_494 : memref<50x64xf32, #tpu.memory_space<vmem>>) target(%dma_start3A_491 : memref<50x64xf32, #tpu.memory_space<hbm>>) target_semaphore(%arg20 : memref<!tpu.dma_semaphore, #tpu.memory_space<semaphore_mem>>)
    %add3A_495 = arith.constant 4 : i32
    %add3A_496 = arith.addi %add3A_427, %add3A_495 : i32
    %dma_start3A_497 = arith.constant 200 : i32
    %dma_start3A_498 = arith.constant 0 : i32
    %dma_start3A_499 = tpu.memref_slice %arg12[%dma_start3A_497, %dma_start3A_498] : memref<400x64xf32, #tpu.memory_space<vmem>> -> memref<50x64xf32, #tpu.memory_space<vmem>>
    %dma_start3A_500 = arith.constant 0 : i32
    %dma_start3A_501 = arith.constant 0 : i32
    %dma_start3A_502 = tpu.memref_slice %arg4[%add3A_496, %dma_start3A_500, %dma_start3A_501] : memref<16384x56x128xf32, #tpu.memory_space<hbm>> -> memref<1x50x64xf32, #tpu.memory_space<hbm>>
    %dma_start3A_503 = tpu.memref_squeeze %dma_start3A_502 : memref<1x50x64xf32, #tpu.memory_space<hbm>> -> memref<50x64xf32, #tpu.memory_space<hbm>>
    %dma_start3A_504 = arith.constant 0 : i32
    %dma_start3A_505 = arith.constant 0 : i32
    %dma_start3A_506 = tpu.memref_slice %arg4[%add3A_496, %dma_start3A_504, %dma_start3A_505] : memref<16384x56x128xf32, #tpu.memory_space<hbm>> -> memref<1x50x64xf32, #tpu.memory_space<hbm>>
    %dma_start3A_507 = tpu.memref_squeeze %dma_start3A_506 : memref<1x50x64xf32, #tpu.memory_space<hbm>> -> memref<50x64xf32, #tpu.memory_space<hbm>>
    %dma_start3A_508 = arith.constant 200 : i32
    %dma_start3A_509 = arith.constant 0 : i32
    %dma_start3A_510 = tpu.memref_slice %arg12[%dma_start3A_508, %dma_start3A_509] : memref<400x64xf32, #tpu.memory_space<vmem>> -> memref<50x64xf32, #tpu.memory_space<vmem>>
    tpu.enqueue_dma source(%dma_start3A_510 : memref<50x64xf32, #tpu.memory_space<vmem>>) target(%dma_start3A_507 : memref<50x64xf32, #tpu.memory_space<hbm>>) target_semaphore(%arg20 : memref<!tpu.dma_semaphore, #tpu.memory_space<semaphore_mem>>)
    %add3A_511 = arith.constant 5 : i32
    %add3A_512 = arith.addi %add3A_427, %add3A_511 : i32
    %dma_start3A_513 = arith.constant 250 : i32
    %dma_start3A_514 = arith.constant 0 : i32
    %dma_start3A_515 = tpu.memref_slice %arg12[%dma_start3A_513, %dma_start3A_514] : memref<400x64xf32, #tpu.memory_space<vmem>> -> memref<50x64xf32, #tpu.memory_space<vmem>>
    %dma_start3A_516 = arith.constant 0 : i32
    %dma_start3A_517 = arith.constant 0 : i32
    %dma_start3A_518 = tpu.memref_slice %arg4[%add3A_512, %dma_start3A_516, %dma_start3A_517] : memref<16384x56x128xf32, #tpu.memory_space<hbm>> -> memref<1x50x64xf32, #tpu.memory_space<hbm>>
    %dma_start3A_519 = tpu.memref_squeeze %dma_start3A_518 : memref<1x50x64xf32, #tpu.memory_space<hbm>> -> memref<50x64xf32, #tpu.memory_space<hbm>>
    %dma_start3A_520 = arith.constant 0 : i32
    %dma_start3A_521 = arith.constant 0 : i32
    %dma_start3A_522 = tpu.memref_slice %arg4[%add3A_512, %dma_start3A_520, %dma_start3A_521] : memref<16384x56x128xf32, #tpu.memory_space<hbm>> -> memref<1x50x64xf32, #tpu.memory_space<hbm>>
    %dma_start3A_523 = tpu.memref_squeeze %dma_start3A_522 : memref<1x50x64xf32, #tpu.memory_space<hbm>> -> memref<50x64xf32, #tpu.memory_space<hbm>>
    %dma_start3A_524 = arith.constant 250 : i32
    %dma_start3A_525 = arith.constant 0 : i32
    %dma_start3A_526 = tpu.memref_slice %arg12[%dma_start3A_524, %dma_start3A_525] : memref<400x64xf32, #tpu.memory_space<vmem>> -> memref<50x64xf32, #tpu.memory_space<vmem>>
    tpu.enqueue_dma source(%dma_start3A_526 : memref<50x64xf32, #tpu.memory_space<vmem>>) target(%dma_start3A_523 : memref<50x64xf32, #tpu.memory_space<hbm>>) target_semaphore(%arg20 : memref<!tpu.dma_semaphore, #tpu.memory_space<semaphore_mem>>)
    %add3A_527 = arith.constant 6 : i32
    %add3A_528 = arith.addi %add3A_427, %add3A_527 : i32
    %dma_start3A_529 = arith.constant 300 : i32
    %dma_start3A_530 = arith.constant 0 : i32
    %dma_start3A_531 = tpu.memref_slice %arg12[%dma_start3A_529, %dma_start3A_530] : memref<400x64xf32, #tpu.memory_space<vmem>> -> memref<50x64xf32, #tpu.memory_space<vmem>>
    %dma_start3A_532 = arith.constant 0 : i32
    %dma_start3A_533 = arith.constant 0 : i32
    %dma_start3A_534 = tpu.memref_slice %arg4[%add3A_528, %dma_start3A_532, %dma_start3A_533] : memref<16384x56x128xf32, #tpu.memory_space<hbm>> -> memref<1x50x64xf32, #tpu.memory_space<hbm>>
    %dma_start3A_535 = tpu.memref_squeeze %dma_start3A_534 : memref<1x50x64xf32, #tpu.memory_space<hbm>> -> memref<50x64xf32, #tpu.memory_space<hbm>>
    %dma_start3A_536 = arith.constant 0 : i32
    %dma_start3A_537 = arith.constant 0 : i32
    %dma_start3A_538 = tpu.memref_slice %arg4[%add3A_528, %dma_start3A_536, %dma_start3A_537] : memref<16384x56x128xf32, #tpu.memory_space<hbm>> -> memref<1x50x64xf32, #tpu.memory_space<hbm>>
    %dma_start3A_539 = tpu.memref_squeeze %dma_start3A_538 : memref<1x50x64xf32, #tpu.memory_space<hbm>> -> memref<50x64xf32, #tpu.memory_space<hbm>>
    %dma_start3A_540 = arith.constant 300 : i32
    %dma_start3A_541 = arith.constant 0 : i32
    %dma_start3A_542 = tpu.memref_slice %arg12[%dma_start3A_540, %dma_start3A_541] : memref<400x64xf32, #tpu.memory_space<vmem>> -> memref<50x64xf32, #tpu.memory_space<vmem>>
    tpu.enqueue_dma source(%dma_start3A_542 : memref<50x64xf32, #tpu.memory_space<vmem>>) target(%dma_start3A_539 : memref<50x64xf32, #tpu.memory_space<hbm>>) target_semaphore(%arg20 : memref<!tpu.dma_semaphore, #tpu.memory_space<semaphore_mem>>)
    %add3A_543 = arith.constant 7 : i32
    %add3A_544 = arith.addi %add3A_427, %add3A_543 : i32
    %dma_start3A_545 = arith.constant 350 : i32
    %dma_start3A_546 = arith.constant 0 : i32
    %dma_start3A_547 = tpu.memref_slice %arg12[%dma_start3A_545, %dma_start3A_546] : memref<400x64xf32, #tpu.memory_space<vmem>> -> memref<50x64xf32, #tpu.memory_space<vmem>>
    %dma_start3A_548 = arith.constant 0 : i32
    %dma_start3A_549 = arith.constant 0 : i32
    %dma_start3A_550 = tpu.memref_slice %arg4[%add3A_544, %dma_start3A_548, %dma_start3A_549] : memref<16384x56x128xf32, #tpu.memory_space<hbm>> -> memref<1x50x64xf32, #tpu.memory_space<hbm>>
    %dma_start3A_551 = tpu.memref_squeeze %dma_start3A_550 : memref<1x50x64xf32, #tpu.memory_space<hbm>> -> memref<50x64xf32, #tpu.memory_space<hbm>>
    %dma_start3A_552 = arith.constant 0 : i32
    %dma_start3A_553 = arith.constant 0 : i32
    %dma_start3A_554 = tpu.memref_slice %arg4[%add3A_544, %dma_start3A_552, %dma_start3A_553] : memref<16384x56x128xf32, #tpu.memory_space<hbm>> -> memref<1x50x64xf32, #tpu.memory_space<hbm>>
    %dma_start3A_555 = tpu.memref_squeeze %dma_start3A_554 : memref<1x50x64xf32, #tpu.memory_space<hbm>> -> memref<50x64xf32, #tpu.memory_space<hbm>>
    %dma_start3A_556 = arith.constant 350 : i32
    %dma_start3A_557 = arith.constant 0 : i32
    %dma_start3A_558 = tpu.memref_slice %arg12[%dma_start3A_556, %dma_start3A_557] : memref<400x64xf32, #tpu.memory_space<vmem>> -> memref<50x64xf32, #tpu.memory_space<vmem>>
    tpu.enqueue_dma source(%dma_start3A_558 : memref<50x64xf32, #tpu.memory_space<vmem>>) target(%dma_start3A_555 : memref<50x64xf32, #tpu.memory_space<hbm>>) target_semaphore(%arg20 : memref<!tpu.dma_semaphore, #tpu.memory_space<semaphore_mem>>)
    %dma_wait3A_559 = arith.constant 0 : i32
    %dma_wait3A_560 = arith.constant 0 : i32
    %dma_wait3A_561 = arith.constant 0 : i32
    %dma_wait3A_562 = tpu.memref_slice %arg9[%dma_wait3A_560, %dma_wait3A_561] : memref<400x64xf32, #tpu.memory_space<vmem>> -> memref<50x64xf32, #tpu.memory_space<vmem>>
    %dma_wait3A_563 = arith.constant 0 : i32
    %dma_wait3A_564 = arith.constant 0 : i32
    %dma_wait3A_565 = tpu.memref_slice %arg4[%dma_wait3A_559, %dma_wait3A_563, %dma_wait3A_564] : memref<16384x56x128xf32, #tpu.memory_space<hbm>> -> memref<1x50x64xf32, #tpu.memory_space<hbm>>
    %dma_wait3A_566 = tpu.memref_squeeze %dma_wait3A_565 : memref<1x50x64xf32, #tpu.memory_space<hbm>> -> memref<50x64xf32, #tpu.memory_space<hbm>>
    %dma_wait3A_567 = arith.constant 0 : i32
    %dma_wait3A_568 = arith.constant 0 : i32
    %dma_wait3A_569 = tpu.memref_slice %arg4[%dma_wait3A_559, %dma_wait3A_567, %dma_wait3A_568] : memref<16384x56x128xf32, #tpu.memory_space<hbm>> -> memref<1x50x64xf32, #tpu.memory_space<hbm>>
    %dma_wait3A_570 = tpu.memref_squeeze %dma_wait3A_569 : memref<1x50x64xf32, #tpu.memory_space<hbm>> -> memref<50x64xf32, #tpu.memory_space<hbm>>
    %dma_wait3A_571 = arith.constant 0 : i32
    %dma_wait3A_572 = arith.constant 0 : i32
    %dma_wait3A_573 = tpu.memref_slice %arg9[%dma_wait3A_571, %dma_wait3A_572] : memref<400x64xf32, #tpu.memory_space<vmem>> -> memref<50x64xf32, #tpu.memory_space<vmem>>
    tpu.wait_dma2 semaphore(%arg17 : memref<!tpu.dma_semaphore, #tpu.memory_space<semaphore_mem>>) src(%dma_wait3A_573 : memref<50x64xf32, #tpu.memory_space<vmem>>) dst(%dma_wait3A_570 : memref<50x64xf32, #tpu.memory_space<hbm>>)
    %dma_wait3A_574 = arith.constant 0 : i32
    %dma_wait3A_575 = arith.constant 50 : i32
    %dma_wait3A_576 = arith.constant 0 : i32
    %dma_wait3A_577 = tpu.memref_slice %arg9[%dma_wait3A_575, %dma_wait3A_576] : memref<400x64xf32, #tpu.memory_space<vmem>> -> memref<50x64xf32, #tpu.memory_space<vmem>>
    %dma_wait3A_578 = arith.constant 0 : i32
    %dma_wait3A_579 = arith.constant 0 : i32
    %dma_wait3A_580 = tpu.memref_slice %arg4[%dma_wait3A_574, %dma_wait3A_578, %dma_wait3A_579] : memref<16384x56x128xf32, #tpu.memory_space<hbm>> -> memref<1x50x64xf32, #tpu.memory_space<hbm>>
    %dma_wait3A_581 = tpu.memref_squeeze %dma_wait3A_580 : memref<1x50x64xf32, #tpu.memory_space<hbm>> -> memref<50x64xf32, #tpu.memory_space<hbm>>
    %dma_wait3A_582 = arith.constant 0 : i32
    %dma_wait3A_583 = arith.constant 0 : i32
    %dma_wait3A_584 = tpu.memref_slice %arg4[%dma_wait3A_574, %dma_wait3A_582, %dma_wait3A_583] : memref<16384x56x128xf32, #tpu.memory_space<hbm>> -> memref<1x50x64xf32, #tpu.memory_space<hbm>>
    %dma_wait3A_585 = tpu.memref_squeeze %dma_wait3A_584 : memref<1x50x64xf32, #tpu.memory_space<hbm>> -> memref<50x64xf32, #tpu.memory_space<hbm>>
    %dma_wait3A_586 = arith.constant 50 : i32
    %dma_wait3A_587 = arith.constant 0 : i32
    %dma_wait3A_588 = tpu.memref_slice %arg9[%dma_wait3A_586, %dma_wait3A_587] : memref<400x64xf32, #tpu.memory_space<vmem>> -> memref<50x64xf32, #tpu.memory_space<vmem>>
    tpu.wait_dma2 semaphore(%arg17 : memref<!tpu.dma_semaphore, #tpu.memory_space<semaphore_mem>>) src(%dma_wait3A_588 : memref<50x64xf32, #tpu.memory_space<vmem>>) dst(%dma_wait3A_585 : memref<50x64xf32, #tpu.memory_space<hbm>>)
    %dma_wait3A_589 = arith.constant 0 : i32
    %dma_wait3A_590 = arith.constant 100 : i32
    %dma_wait3A_591 = arith.constant 0 : i32
    %dma_wait3A_592 = tpu.memref_slice %arg9[%dma_wait3A_590, %dma_wait3A_591] : memref<400x64xf32, #tpu.memory_space<vmem>> -> memref<50x64xf32, #tpu.memory_space<vmem>>
    %dma_wait3A_593 = arith.constant 0 : i32
    %dma_wait3A_594 = arith.constant 0 : i32
    %dma_wait3A_595 = tpu.memref_slice %arg4[%dma_wait3A_589, %dma_wait3A_593, %dma_wait3A_594] : memref<16384x56x128xf32, #tpu.memory_space<hbm>> -> memref<1x50x64xf32, #tpu.memory_space<hbm>>
    %dma_wait3A_596 = tpu.memref_squeeze %dma_wait3A_595 : memref<1x50x64xf32, #tpu.memory_space<hbm>> -> memref<50x64xf32, #tpu.memory_space<hbm>>
    %dma_wait3A_597 = arith.constant 0 : i32
    %dma_wait3A_598 = arith.constant 0 : i32
    %dma_wait3A_599 = tpu.memref_slice %arg4[%dma_wait3A_589, %dma_wait3A_597, %dma_wait3A_598] : memref<16384x56x128xf32, #tpu.memory_space<hbm>> -> memref<1x50x64xf32, #tpu.memory_space<hbm>>
    %dma_wait3A_600 = tpu.memref_squeeze %dma_wait3A_599 : memref<1x50x64xf32, #tpu.memory_space<hbm>> -> memref<50x64xf32, #tpu.memory_space<hbm>>
    %dma_wait3A_601 = arith.constant 100 : i32
    %dma_wait3A_602 = arith.constant 0 : i32
    %dma_wait3A_603 = tpu.memref_slice %arg9[%dma_wait3A_601, %dma_wait3A_602] : memref<400x64xf32, #tpu.memory_space<vmem>> -> memref<50x64xf32, #tpu.memory_space<vmem>>
    tpu.wait_dma2 semaphore(%arg17 : memref<!tpu.dma_semaphore, #tpu.memory_space<semaphore_mem>>) src(%dma_wait3A_603 : memref<50x64xf32, #tpu.memory_space<vmem>>) dst(%dma_wait3A_600 : memref<50x64xf32, #tpu.memory_space<hbm>>)
    %dma_wait3A_604 = arith.constant 0 : i32
    %dma_wait3A_605 = arith.constant 150 : i32
    %dma_wait3A_606 = arith.constant 0 : i32
    %dma_wait3A_607 = tpu.memref_slice %arg9[%dma_wait3A_605, %dma_wait3A_606] : memref<400x64xf32, #tpu.memory_space<vmem>> -> memref<50x64xf32, #tpu.memory_space<vmem>>
    %dma_wait3A_608 = arith.constant 0 : i32
    %dma_wait3A_609 = arith.constant 0 : i32
    %dma_wait3A_610 = tpu.memref_slice %arg4[%dma_wait3A_604, %dma_wait3A_608, %dma_wait3A_609] : memref<16384x56x128xf32, #tpu.memory_space<hbm>> -> memref<1x50x64xf32, #tpu.memory_space<hbm>>
    %dma_wait3A_611 = tpu.memref_squeeze %dma_wait3A_610 : memref<1x50x64xf32, #tpu.memory_space<hbm>> -> memref<50x64xf32, #tpu.memory_space<hbm>>
    %dma_wait3A_612 = arith.constant 0 : i32
    %dma_wait3A_613 = arith.constant 0 : i32
    %dma_wait3A_614 = tpu.memref_slice %arg4[%dma_wait3A_604, %dma_wait3A_612, %dma_wait3A_613] : memref<16384x56x128xf32, #tpu.memory_space<hbm>> -> memref<1x50x64xf32, #tpu.memory_space<hbm>>
    %dma_wait3A_615 = tpu.memref_squeeze %dma_wait3A_614 : memref<1x50x64xf32, #tpu.memory_space<hbm>> -> memref<50x64xf32, #tpu.memory_space<hbm>>
    %dma_wait3A_616 = arith.constant 150 : i32
    %dma_wait3A_617 = arith.constant 0 : i32
    %dma_wait3A_618 = tpu.memref_slice %arg9[%dma_wait3A_616, %dma_wait3A_617] : memref<400x64xf32, #tpu.memory_space<vmem>> -> memref<50x64xf32, #tpu.memory_space<vmem>>
    tpu.wait_dma2 semaphore(%arg17 : memref<!tpu.dma_semaphore, #tpu.memory_space<semaphore_mem>>) src(%dma_wait3A_618 : memref<50x64xf32, #tpu.memory_space<vmem>>) dst(%dma_wait3A_615 : memref<50x64xf32, #tpu.memory_space<hbm>>)
    %dma_wait3A_619 = arith.constant 0 : i32
    %dma_wait3A_620 = arith.constant 200 : i32
    %dma_wait3A_621 = arith.constant 0 : i32
    %dma_wait3A_622 = tpu.memref_slice %arg9[%dma_wait3A_620, %dma_wait3A_621] : memref<400x64xf32, #tpu.memory_space<vmem>> -> memref<50x64xf32, #tpu.memory_space<vmem>>
    %dma_wait3A_623 = arith.constant 0 : i32
    %dma_wait3A_624 = arith.constant 0 : i32
    %dma_wait3A_625 = tpu.memref_slice %arg4[%dma_wait3A_619, %dma_wait3A_623, %dma_wait3A_624] : memref<16384x56x128xf32, #tpu.memory_space<hbm>> -> memref<1x50x64xf32, #tpu.memory_space<hbm>>
    %dma_wait3A_626 = tpu.memref_squeeze %dma_wait3A_625 : memref<1x50x64xf32, #tpu.memory_space<hbm>> -> memref<50x64xf32, #tpu.memory_space<hbm>>
    %dma_wait3A_627 = arith.constant 0 : i32
    %dma_wait3A_628 = arith.constant 0 : i32
    %dma_wait3A_629 = tpu.memref_slice %arg4[%dma_wait3A_619, %dma_wait3A_627, %dma_wait3A_628] : memref<16384x56x128xf32, #tpu.memory_space<hbm>> -> memref<1x50x64xf32, #tpu.memory_space<hbm>>
    %dma_wait3A_630 = tpu.memref_squeeze %dma_wait3A_629 : memref<1x50x64xf32, #tpu.memory_space<hbm>> -> memref<50x64xf32, #tpu.memory_space<hbm>>
    %dma_wait3A_631 = arith.constant 200 : i32
    %dma_wait3A_632 = arith.constant 0 : i32
    %dma_wait3A_633 = tpu.memref_slice %arg9[%dma_wait3A_631, %dma_wait3A_632] : memref<400x64xf32, #tpu.memory_space<vmem>> -> memref<50x64xf32, #tpu.memory_space<vmem>>
    tpu.wait_dma2 semaphore(%arg17 : memref<!tpu.dma_semaphore, #tpu.memory_space<semaphore_mem>>) src(%dma_wait3A_633 : memref<50x64xf32, #tpu.memory_space<vmem>>) dst(%dma_wait3A_630 : memref<50x64xf32, #tpu.memory_space<hbm>>)
    %dma_wait3A_634 = arith.constant 0 : i32
    %dma_wait3A_635 = arith.constant 250 : i32
    %dma_wait3A_636 = arith.constant 0 : i32
    %dma_wait3A_637 = tpu.memref_slice %arg9[%dma_wait3A_635, %dma_wait3A_636] : memref<400x64xf32, #tpu.memory_space<vmem>> -> memref<50x64xf32, #tpu.memory_space<vmem>>
    %dma_wait3A_638 = arith.constant 0 : i32
    %dma_wait3A_639 = arith.constant 0 : i32
    %dma_wait3A_640 = tpu.memref_slice %arg4[%dma_wait3A_634, %dma_wait3A_638, %dma_wait3A_639] : memref<16384x56x128xf32, #tpu.memory_space<hbm>> -> memref<1x50x64xf32, #tpu.memory_space<hbm>>
    %dma_wait3A_641 = tpu.memref_squeeze %dma_wait3A_640 : memref<1x50x64xf32, #tpu.memory_space<hbm>> -> memref<50x64xf32, #tpu.memory_space<hbm>>
    %dma_wait3A_642 = arith.constant 0 : i32
    %dma_wait3A_643 = arith.constant 0 : i32
    %dma_wait3A_644 = tpu.memref_slice %arg4[%dma_wait3A_634, %dma_wait3A_642, %dma_wait3A_643] : memref<16384x56x128xf32, #tpu.memory_space<hbm>> -> memref<1x50x64xf32, #tpu.memory_space<hbm>>
    %dma_wait3A_645 = tpu.memref_squeeze %dma_wait3A_644 : memref<1x50x64xf32, #tpu.memory_space<hbm>> -> memref<50x64xf32, #tpu.memory_space<hbm>>
    %dma_wait3A_646 = arith.constant 250 : i32
    %dma_wait3A_647 = arith.constant 0 : i32
    %dma_wait3A_648 = tpu.memref_slice %arg9[%dma_wait3A_646, %dma_wait3A_647] : memref<400x64xf32, #tpu.memory_space<vmem>> -> memref<50x64xf32, #tpu.memory_space<vmem>>
    tpu.wait_dma2 semaphore(%arg17 : memref<!tpu.dma_semaphore, #tpu.memory_space<semaphore_mem>>) src(%dma_wait3A_648 : memref<50x64xf32, #tpu.memory_space<vmem>>) dst(%dma_wait3A_645 : memref<50x64xf32, #tpu.memory_space<hbm>>)
    %dma_wait3A_649 = arith.constant 0 : i32
    %dma_wait3A_650 = arith.constant 300 : i32
    %dma_wait3A_651 = arith.constant 0 : i32
    %dma_wait3A_652 = tpu.memref_slice %arg9[%dma_wait3A_650, %dma_wait3A_651] : memref<400x64xf32, #tpu.memory_space<vmem>> -> memref<50x64xf32, #tpu.memory_space<vmem>>
    %dma_wait3A_653 = arith.constant 0 : i32
    %dma_wait3A_654 = arith.constant 0 : i32
    %dma_wait3A_655 = tpu.memref_slice %arg4[%dma_wait3A_649, %dma_wait3A_653, %dma_wait3A_654] : memref<16384x56x128xf32, #tpu.memory_space<hbm>> -> memref<1x50x64xf32, #tpu.memory_space<hbm>>
    %dma_wait3A_656 = tpu.memref_squeeze %dma_wait3A_655 : memref<1x50x64xf32, #tpu.memory_space<hbm>> -> memref<50x64xf32, #tpu.memory_space<hbm>>
    %dma_wait3A_657 = arith.constant 0 : i32
    %dma_wait3A_658 = arith.constant 0 : i32
    %dma_wait3A_659 = tpu.memref_slice %arg4[%dma_wait3A_649, %dma_wait3A_657, %dma_wait3A_658] : memref<16384x56x128xf32, #tpu.memory_space<hbm>> -> memref<1x50x64xf32, #tpu.memory_space<hbm>>
    %dma_wait3A_660 = tpu.memref_squeeze %dma_wait3A_659 : memref<1x50x64xf32, #tpu.memory_space<hbm>> -> memref<50x64xf32, #tpu.memory_space<hbm>>
    %dma_wait3A_661 = arith.constant 300 : i32
    %dma_wait3A_662 = arith.constant 0 : i32
    %dma_wait3A_663 = tpu.memref_slice %arg9[%dma_wait3A_661, %dma_wait3A_662] : memref<400x64xf32, #tpu.memory_space<vmem>> -> memref<50x64xf32, #tpu.memory_space<vmem>>
    tpu.wait_dma2 semaphore(%arg17 : memref<!tpu.dma_semaphore, #tpu.memory_space<semaphore_mem>>) src(%dma_wait3A_663 : memref<50x64xf32, #tpu.memory_space<vmem>>) dst(%dma_wait3A_660 : memref<50x64xf32, #tpu.memory_space<hbm>>)
    %dma_wait3A_664 = arith.constant 0 : i32
    %dma_wait3A_665 = arith.constant 350 : i32
    %dma_wait3A_666 = arith.constant 0 : i32
    %dma_wait3A_667 = tpu.memref_slice %arg9[%dma_wait3A_665, %dma_wait3A_666] : memref<400x64xf32, #tpu.memory_space<vmem>> -> memref<50x64xf32, #tpu.memory_space<vmem>>
    %dma_wait3A_668 = arith.constant 0 : i32
    %dma_wait3A_669 = arith.constant 0 : i32
    %dma_wait3A_670 = tpu.memref_slice %arg4[%dma_wait3A_664, %dma_wait3A_668, %dma_wait3A_669] : memref<16384x56x128xf32, #tpu.memory_space<hbm>> -> memref<1x50x64xf32, #tpu.memory_space<hbm>>
    %dma_wait3A_671 = tpu.memref_squeeze %dma_wait3A_670 : memref<1x50x64xf32, #tpu.memory_space<hbm>> -> memref<50x64xf32, #tpu.memory_space<hbm>>
    %dma_wait3A_672 = arith.constant 0 : i32
    %dma_wait3A_673 = arith.constant 0 : i32
    %dma_wait3A_674 = tpu.memref_slice %arg4[%dma_wait3A_664, %dma_wait3A_672, %dma_wait3A_673] : memref<16384x56x128xf32, #tpu.memory_space<hbm>> -> memref<1x50x64xf32, #tpu.memory_space<hbm>>
    %dma_wait3A_675 = tpu.memref_squeeze %dma_wait3A_674 : memref<1x50x64xf32, #tpu.memory_space<hbm>> -> memref<50x64xf32, #tpu.memory_space<hbm>>
    %dma_wait3A_676 = arith.constant 350 : i32
    %dma_wait3A_677 = arith.constant 0 : i32
    %dma_wait3A_678 = tpu.memref_slice %arg9[%dma_wait3A_676, %dma_wait3A_677] : memref<400x64xf32, #tpu.memory_space<vmem>> -> memref<50x64xf32, #tpu.memory_space<vmem>>
    tpu.wait_dma2 semaphore(%arg17 : memref<!tpu.dma_semaphore, #tpu.memory_space<semaphore_mem>>) src(%dma_wait3A_678 : memref<50x64xf32, #tpu.memory_space<vmem>>) dst(%dma_wait3A_675 : memref<50x64xf32, #tpu.memory_space<hbm>>)
    %dma_wait3A_679 = arith.constant 0 : i32
    %dma_wait3A_680 = arith.constant 0 : i32
    %dma_wait3A_681 = arith.constant 0 : i32
    %dma_wait3A_682 = tpu.memref_slice %arg10[%dma_wait3A_680, %dma_wait3A_681] : memref<400x64xf32, #tpu.memory_space<vmem>> -> memref<50x64xf32, #tpu.memory_space<vmem>>
    %dma_wait3A_683 = arith.constant 0 : i32
    %dma_wait3A_684 = arith.constant 0 : i32
    %dma_wait3A_685 = tpu.memref_slice %arg4[%dma_wait3A_679, %dma_wait3A_683, %dma_wait3A_684] : memref<16384x56x128xf32, #tpu.memory_space<hbm>> -> memref<1x50x64xf32, #tpu.memory_space<hbm>>
    %dma_wait3A_686 = tpu.memref_squeeze %dma_wait3A_685 : memref<1x50x64xf32, #tpu.memory_space<hbm>> -> memref<50x64xf32, #tpu.memory_space<hbm>>
    %dma_wait3A_687 = arith.constant 0 : i32
    %dma_wait3A_688 = arith.constant 0 : i32
    %dma_wait3A_689 = tpu.memref_slice %arg4[%dma_wait3A_679, %dma_wait3A_687, %dma_wait3A_688] : memref<16384x56x128xf32, #tpu.memory_space<hbm>> -> memref<1x50x64xf32, #tpu.memory_space<hbm>>
    %dma_wait3A_690 = tpu.memref_squeeze %dma_wait3A_689 : memref<1x50x64xf32, #tpu.memory_space<hbm>> -> memref<50x64xf32, #tpu.memory_space<hbm>>
    %dma_wait3A_691 = arith.constant 0 : i32
    %dma_wait3A_692 = arith.constant 0 : i32
    %dma_wait3A_693 = tpu.memref_slice %arg10[%dma_wait3A_691, %dma_wait3A_692] : memref<400x64xf32, #tpu.memory_space<vmem>> -> memref<50x64xf32, #tpu.memory_space<vmem>>
    tpu.wait_dma2 semaphore(%arg18 : memref<!tpu.dma_semaphore, #tpu.memory_space<semaphore_mem>>) src(%dma_wait3A_693 : memref<50x64xf32, #tpu.memory_space<vmem>>) dst(%dma_wait3A_690 : memref<50x64xf32, #tpu.memory_space<hbm>>)
    %dma_wait3A_694 = arith.constant 0 : i32
    %dma_wait3A_695 = arith.constant 50 : i32
    %dma_wait3A_696 = arith.constant 0 : i32
    %dma_wait3A_697 = tpu.memref_slice %arg10[%dma_wait3A_695, %dma_wait3A_696] : memref<400x64xf32, #tpu.memory_space<vmem>> -> memref<50x64xf32, #tpu.memory_space<vmem>>
    %dma_wait3A_698 = arith.constant 0 : i32
    %dma_wait3A_699 = arith.constant 0 : i32
    %dma_wait3A_700 = tpu.memref_slice %arg4[%dma_wait3A_694, %dma_wait3A_698, %dma_wait3A_699] : memref<16384x56x128xf32, #tpu.memory_space<hbm>> -> memref<1x50x64xf32, #tpu.memory_space<hbm>>
    %dma_wait3A_701 = tpu.memref_squeeze %dma_wait3A_700 : memref<1x50x64xf32, #tpu.memory_space<hbm>> -> memref<50x64xf32, #tpu.memory_space<hbm>>
    %dma_wait3A_702 = arith.constant 0 : i32
    %dma_wait3A_703 = arith.constant 0 : i32
    %dma_wait3A_704 = tpu.memref_slice %arg4[%dma_wait3A_694, %dma_wait3A_702, %dma_wait3A_703] : memref<16384x56x128xf32, #tpu.memory_space<hbm>> -> memref<1x50x64xf32, #tpu.memory_space<hbm>>
    %dma_wait3A_705 = tpu.memref_squeeze %dma_wait3A_704 : memref<1x50x64xf32, #tpu.memory_space<hbm>> -> memref<50x64xf32, #tpu.memory_space<hbm>>
    %dma_wait3A_706 = arith.constant 50 : i32
    %dma_wait3A_707 = arith.constant 0 : i32
    %dma_wait3A_708 = tpu.memref_slice %arg10[%dma_wait3A_706, %dma_wait3A_707] : memref<400x64xf32, #tpu.memory_space<vmem>> -> memref<50x64xf32, #tpu.memory_space<vmem>>
    tpu.wait_dma2 semaphore(%arg18 : memref<!tpu.dma_semaphore, #tpu.memory_space<semaphore_mem>>) src(%dma_wait3A_708 : memref<50x64xf32, #tpu.memory_space<vmem>>) dst(%dma_wait3A_705 : memref<50x64xf32, #tpu.memory_space<hbm>>)
    %dma_wait3A_709 = arith.constant 0 : i32
    %dma_wait3A_710 = arith.constant 100 : i32
    %dma_wait3A_711 = arith.constant 0 : i32
    %dma_wait3A_712 = tpu.memref_slice %arg10[%dma_wait3A_710, %dma_wait3A_711] : memref<400x64xf32, #tpu.memory_space<vmem>> -> memref<50x64xf32, #tpu.memory_space<vmem>>
    %dma_wait3A_713 = arith.constant 0 : i32
    %dma_wait3A_714 = arith.constant 0 : i32
    %dma_wait3A_715 = tpu.memref_slice %arg4[%dma_wait3A_709, %dma_wait3A_713, %dma_wait3A_714] : memref<16384x56x128xf32, #tpu.memory_space<hbm>> -> memref<1x50x64xf32, #tpu.memory_space<hbm>>
    %dma_wait3A_716 = tpu.memref_squeeze %dma_wait3A_715 : memref<1x50x64xf32, #tpu.memory_space<hbm>> -> memref<50x64xf32, #tpu.memory_space<hbm>>
    %dma_wait3A_717 = arith.constant 0 : i32
    %dma_wait3A_718 = arith.constant 0 : i32
    %dma_wait3A_719 = tpu.memref_slice %arg4[%dma_wait3A_709, %dma_wait3A_717, %dma_wait3A_718] : memref<16384x56x128xf32, #tpu.memory_space<hbm>> -> memref<1x50x64xf32, #tpu.memory_space<hbm>>
    %dma_wait3A_720 = tpu.memref_squeeze %dma_wait3A_719 : memref<1x50x64xf32, #tpu.memory_space<hbm>> -> memref<50x64xf32, #tpu.memory_space<hbm>>
    %dma_wait3A_721 = arith.constant 100 : i32
    %dma_wait3A_722 = arith.constant 0 : i32
    %dma_wait3A_723 = tpu.memref_slice %arg10[%dma_wait3A_721, %dma_wait3A_722] : memref<400x64xf32, #tpu.memory_space<vmem>> -> memref<50x64xf32, #tpu.memory_space<vmem>>
    tpu.wait_dma2 semaphore(%arg18 : memref<!tpu.dma_semaphore, #tpu.memory_space<semaphore_mem>>) src(%dma_wait3A_723 : memref<50x64xf32, #tpu.memory_space<vmem>>) dst(%dma_wait3A_720 : memref<50x64xf32, #tpu.memory_space<hbm>>)
    %dma_wait3A_724 = arith.constant 0 : i32
    %dma_wait3A_725 = arith.constant 150 : i32
    %dma_wait3A_726 = arith.constant 0 : i32
    %dma_wait3A_727 = tpu.memref_slice %arg10[%dma_wait3A_725, %dma_wait3A_726] : memref<400x64xf32, #tpu.memory_space<vmem>> -> memref<50x64xf32, #tpu.memory_space<vmem>>
    %dma_wait3A_728 = arith.constant 0 : i32
    %dma_wait3A_729 = arith.constant 0 : i32
    %dma_wait3A_730 = tpu.memref_slice %arg4[%dma_wait3A_724, %dma_wait3A_728, %dma_wait3A_729] : memref<16384x56x128xf32, #tpu.memory_space<hbm>> -> memref<1x50x64xf32, #tpu.memory_space<hbm>>
    %dma_wait3A_731 = tpu.memref_squeeze %dma_wait3A_730 : memref<1x50x64xf32, #tpu.memory_space<hbm>> -> memref<50x64xf32, #tpu.memory_space<hbm>>
    %dma_wait3A_732 = arith.constant 0 : i32
    %dma_wait3A_733 = arith.constant 0 : i32
    %dma_wait3A_734 = tpu.memref_slice %arg4[%dma_wait3A_724, %dma_wait3A_732, %dma_wait3A_733] : memref<16384x56x128xf32, #tpu.memory_space<hbm>> -> memref<1x50x64xf32, #tpu.memory_space<hbm>>
    %dma_wait3A_735 = tpu.memref_squeeze %dma_wait3A_734 : memref<1x50x64xf32, #tpu.memory_space<hbm>> -> memref<50x64xf32, #tpu.memory_space<hbm>>
    %dma_wait3A_736 = arith.constant 150 : i32
    %dma_wait3A_737 = arith.constant 0 : i32
    %dma_wait3A_738 = tpu.memref_slice %arg10[%dma_wait3A_736, %dma_wait3A_737] : memref<400x64xf32, #tpu.memory_space<vmem>> -> memref<50x64xf32, #tpu.memory_space<vmem>>
    tpu.wait_dma2 semaphore(%arg18 : memref<!tpu.dma_semaphore, #tpu.memory_space<semaphore_mem>>) src(%dma_wait3A_738 : memref<50x64xf32, #tpu.memory_space<vmem>>) dst(%dma_wait3A_735 : memref<50x64xf32, #tpu.memory_space<hbm>>)
    %dma_wait3A_739 = arith.constant 0 : i32
    %dma_wait3A_740 = arith.constant 200 : i32
    %dma_wait3A_741 = arith.constant 0 : i32
    %dma_wait3A_742 = tpu.memref_slice %arg10[%dma_wait3A_740, %dma_wait3A_741] : memref<400x64xf32, #tpu.memory_space<vmem>> -> memref<50x64xf32, #tpu.memory_space<vmem>>
    %dma_wait3A_743 = arith.constant 0 : i32
    %dma_wait3A_744 = arith.constant 0 : i32
    %dma_wait3A_745 = tpu.memref_slice %arg4[%dma_wait3A_739, %dma_wait3A_743, %dma_wait3A_744] : memref<16384x56x128xf32, #tpu.memory_space<hbm>> -> memref<1x50x64xf32, #tpu.memory_space<hbm>>
    %dma_wait3A_746 = tpu.memref_squeeze %dma_wait3A_745 : memref<1x50x64xf32, #tpu.memory_space<hbm>> -> memref<50x64xf32, #tpu.memory_space<hbm>>
    %dma_wait3A_747 = arith.constant 0 : i32
    %dma_wait3A_748 = arith.constant 0 : i32
    %dma_wait3A_749 = tpu.memref_slice %arg4[%dma_wait3A_739, %dma_wait3A_747, %dma_wait3A_748] : memref<16384x56x128xf32, #tpu.memory_space<hbm>> -> memref<1x50x64xf32, #tpu.memory_space<hbm>>
    %dma_wait3A_750 = tpu.memref_squeeze %dma_wait3A_749 : memref<1x50x64xf32, #tpu.memory_space<hbm>> -> memref<50x64xf32, #tpu.memory_space<hbm>>
    %dma_wait3A_751 = arith.constant 200 : i32
    %dma_wait3A_752 = arith.constant 0 : i32
    %dma_wait3A_753 = tpu.memref_slice %arg10[%dma_wait3A_751, %dma_wait3A_752] : memref<400x64xf32, #tpu.memory_space<vmem>> -> memref<50x64xf32, #tpu.memory_space<vmem>>
    tpu.wait_dma2 semaphore(%arg18 : memref<!tpu.dma_semaphore, #tpu.memory_space<semaphore_mem>>) src(%dma_wait3A_753 : memref<50x64xf32, #tpu.memory_space<vmem>>) dst(%dma_wait3A_750 : memref<50x64xf32, #tpu.memory_space<hbm>>)
    %dma_wait3A_754 = arith.constant 0 : i32
    %dma_wait3A_755 = arith.constant 250 : i32
    %dma_wait3A_756 = arith.constant 0 : i32
    %dma_wait3A_757 = tpu.memref_slice %arg10[%dma_wait3A_755, %dma_wait3A_756] : memref<400x64xf32, #tpu.memory_space<vmem>> -> memref<50x64xf32, #tpu.memory_space<vmem>>
    %dma_wait3A_758 = arith.constant 0 : i32
    %dma_wait3A_759 = arith.constant 0 : i32
    %dma_wait3A_760 = tpu.memref_slice %arg4[%dma_wait3A_754, %dma_wait3A_758, %dma_wait3A_759] : memref<16384x56x128xf32, #tpu.memory_space<hbm>> -> memref<1x50x64xf32, #tpu.memory_space<hbm>>
    %dma_wait3A_761 = tpu.memref_squeeze %dma_wait3A_760 : memref<1x50x64xf32, #tpu.memory_space<hbm>> -> memref<50x64xf32, #tpu.memory_space<hbm>>
    %dma_wait3A_762 = arith.constant 0 : i32
    %dma_wait3A_763 = arith.constant 0 : i32
    %dma_wait3A_764 = tpu.memref_slice %arg4[%dma_wait3A_754, %dma_wait3A_762, %dma_wait3A_763] : memref<16384x56x128xf32, #tpu.memory_space<hbm>> -> memref<1x50x64xf32, #tpu.memory_space<hbm>>
    %dma_wait3A_765 = tpu.memref_squeeze %dma_wait3A_764 : memref<1x50x64xf32, #tpu.memory_space<hbm>> -> memref<50x64xf32, #tpu.memory_space<hbm>>
    %dma_wait3A_766 = arith.constant 250 : i32
    %dma_wait3A_767 = arith.constant 0 : i32
    %dma_wait3A_768 = tpu.memref_slice %arg10[%dma_wait3A_766, %dma_wait3A_767] : memref<400x64xf32, #tpu.memory_space<vmem>> -> memref<50x64xf32, #tpu.memory_space<vmem>>
    tpu.wait_dma2 semaphore(%arg18 : memref<!tpu.dma_semaphore, #tpu.memory_space<semaphore_mem>>) src(%dma_wait3A_768 : memref<50x64xf32, #tpu.memory_space<vmem>>) dst(%dma_wait3A_765 : memref<50x64xf32, #tpu.memory_space<hbm>>)
    %dma_wait3A_769 = arith.constant 0 : i32
    %dma_wait3A_770 = arith.constant 300 : i32
    %dma_wait3A_771 = arith.constant 0 : i32
    %dma_wait3A_772 = tpu.memref_slice %arg10[%dma_wait3A_770, %dma_wait3A_771] : memref<400x64xf32, #tpu.memory_space<vmem>> -> memref<50x64xf32, #tpu.memory_space<vmem>>
    %dma_wait3A_773 = arith.constant 0 : i32
    %dma_wait3A_774 = arith.constant 0 : i32
    %dma_wait3A_775 = tpu.memref_slice %arg4[%dma_wait3A_769, %dma_wait3A_773, %dma_wait3A_774] : memref<16384x56x128xf32, #tpu.memory_space<hbm>> -> memref<1x50x64xf32, #tpu.memory_space<hbm>>
    %dma_wait3A_776 = tpu.memref_squeeze %dma_wait3A_775 : memref<1x50x64xf32, #tpu.memory_space<hbm>> -> memref<50x64xf32, #tpu.memory_space<hbm>>
    %dma_wait3A_777 = arith.constant 0 : i32
    %dma_wait3A_778 = arith.constant 0 : i32
    %dma_wait3A_779 = tpu.memref_slice %arg4[%dma_wait3A_769, %dma_wait3A_777, %dma_wait3A_778] : memref<16384x56x128xf32, #tpu.memory_space<hbm>> -> memref<1x50x64xf32, #tpu.memory_space<hbm>>
    %dma_wait3A_780 = tpu.memref_squeeze %dma_wait3A_779 : memref<1x50x64xf32, #tpu.memory_space<hbm>> -> memref<50x64xf32, #tpu.memory_space<hbm>>
    %dma_wait3A_781 = arith.constant 300 : i32
    %dma_wait3A_782 = arith.constant 0 : i32
    %dma_wait3A_783 = tpu.memref_slice %arg10[%dma_wait3A_781, %dma_wait3A_782] : memref<400x64xf32, #tpu.memory_space<vmem>> -> memref<50x64xf32, #tpu.memory_space<vmem>>
    tpu.wait_dma2 semaphore(%arg18 : memref<!tpu.dma_semaphore, #tpu.memory_space<semaphore_mem>>) src(%dma_wait3A_783 : memref<50x64xf32, #tpu.memory_space<vmem>>) dst(%dma_wait3A_780 : memref<50x64xf32, #tpu.memory_space<hbm>>)
    %dma_wait3A_784 = arith.constant 0 : i32
    %dma_wait3A_785 = arith.constant 350 : i32
    %dma_wait3A_786 = arith.constant 0 : i32
    %dma_wait3A_787 = tpu.memref_slice %arg10[%dma_wait3A_785, %dma_wait3A_786] : memref<400x64xf32, #tpu.memory_space<vmem>> -> memref<50x64xf32, #tpu.memory_space<vmem>>
    %dma_wait3A_788 = arith.constant 0 : i32
    %dma_wait3A_789 = arith.constant 0 : i32
    %dma_wait3A_790 = tpu.memref_slice %arg4[%dma_wait3A_784, %dma_wait3A_788, %dma_wait3A_789] : memref<16384x56x128xf32, #tpu.memory_space<hbm>> -> memref<1x50x64xf32, #tpu.memory_space<hbm>>
    %dma_wait3A_791 = tpu.memref_squeeze %dma_wait3A_790 : memref<1x50x64xf32, #tpu.memory_space<hbm>> -> memref<50x64xf32, #tpu.memory_space<hbm>>
    %dma_wait3A_792 = arith.constant 0 : i32
    %dma_wait3A_793 = arith.constant 0 : i32
    %dma_wait3A_794 = tpu.memref_slice %arg4[%dma_wait3A_784, %dma_wait3A_792, %dma_wait3A_793] : memref<16384x56x128xf32, #tpu.memory_space<hbm>> -> memref<1x50x64xf32, #tpu.memory_space<hbm>>
    %dma_wait3A_795 = tpu.memref_squeeze %dma_wait3A_794 : memref<1x50x64xf32, #tpu.memory_space<hbm>> -> memref<50x64xf32, #tpu.memory_space<hbm>>
    %dma_wait3A_796 = arith.constant 350 : i32
    %dma_wait3A_797 = arith.constant 0 : i32
    %dma_wait3A_798 = tpu.memref_slice %arg10[%dma_wait3A_796, %dma_wait3A_797] : memref<400x64xf32, #tpu.memory_space<vmem>> -> memref<50x64xf32, #tpu.memory_space<vmem>>
    tpu.wait_dma2 semaphore(%arg18 : memref<!tpu.dma_semaphore, #tpu.memory_space<semaphore_mem>>) src(%dma_wait3A_798 : memref<50x64xf32, #tpu.memory_space<vmem>>) dst(%dma_wait3A_795 : memref<50x64xf32, #tpu.memory_space<hbm>>)
    %dma_wait3A_799 = arith.constant 0 : i32
    %dma_wait3A_800 = arith.constant 0 : i32
    %dma_wait3A_801 = arith.constant 0 : i32
    %dma_wait3A_802 = tpu.memref_slice %arg11[%dma_wait3A_800, %dma_wait3A_801] : memref<400x64xf32, #tpu.memory_space<vmem>> -> memref<50x64xf32, #tpu.memory_space<vmem>>
    %dma_wait3A_803 = arith.constant 0 : i32
    %dma_wait3A_804 = arith.constant 0 : i32
    %dma_wait3A_805 = tpu.memref_slice %arg4[%dma_wait3A_799, %dma_wait3A_803, %dma_wait3A_804] : memref<16384x56x128xf32, #tpu.memory_space<hbm>> -> memref<1x50x64xf32, #tpu.memory_space<hbm>>
    %dma_wait3A_806 = tpu.memref_squeeze %dma_wait3A_805 : memref<1x50x64xf32, #tpu.memory_space<hbm>> -> memref<50x64xf32, #tpu.memory_space<hbm>>
    %dma_wait3A_807 = arith.constant 0 : i32
    %dma_wait3A_808 = arith.constant 0 : i32
    %dma_wait3A_809 = tpu.memref_slice %arg4[%dma_wait3A_799, %dma_wait3A_807, %dma_wait3A_808] : memref<16384x56x128xf32, #tpu.memory_space<hbm>> -> memref<1x50x64xf32, #tpu.memory_space<hbm>>
    %dma_wait3A_810 = tpu.memref_squeeze %dma_wait3A_809 : memref<1x50x64xf32, #tpu.memory_space<hbm>> -> memref<50x64xf32, #tpu.memory_space<hbm>>
    %dma_wait3A_811 = arith.constant 0 : i32
    %dma_wait3A_812 = arith.constant 0 : i32
    %dma_wait3A_813 = tpu.memref_slice %arg11[%dma_wait3A_811, %dma_wait3A_812] : memref<400x64xf32, #tpu.memory_space<vmem>> -> memref<50x64xf32, #tpu.memory_space<vmem>>
    tpu.wait_dma2 semaphore(%arg19 : memref<!tpu.dma_semaphore, #tpu.memory_space<semaphore_mem>>) src(%dma_wait3A_813 : memref<50x64xf32, #tpu.memory_space<vmem>>) dst(%dma_wait3A_810 : memref<50x64xf32, #tpu.memory_space<hbm>>)
    %dma_wait3A_814 = arith.constant 0 : i32
    %dma_wait3A_815 = arith.constant 50 : i32
    %dma_wait3A_816 = arith.constant 0 : i32
    %dma_wait3A_817 = tpu.memref_slice %arg11[%dma_wait3A_815, %dma_wait3A_816] : memref<400x64xf32, #tpu.memory_space<vmem>> -> memref<50x64xf32, #tpu.memory_space<vmem>>
    %dma_wait3A_818 = arith.constant 0 : i32
    %dma_wait3A_819 = arith.constant 0 : i32
    %dma_wait3A_820 = tpu.memref_slice %arg4[%dma_wait3A_814, %dma_wait3A_818, %dma_wait3A_819] : memref<16384x56x128xf32, #tpu.memory_space<hbm>> -> memref<1x50x64xf32, #tpu.memory_space<hbm>>
    %dma_wait3A_821 = tpu.memref_squeeze %dma_wait3A_820 : memref<1x50x64xf32, #tpu.memory_space<hbm>> -> memref<50x64xf32, #tpu.memory_space<hbm>>
    %dma_wait3A_822 = arith.constant 0 : i32
    %dma_wait3A_823 = arith.constant 0 : i32
    %dma_wait3A_824 = tpu.memref_slice %arg4[%dma_wait3A_814, %dma_wait3A_822, %dma_wait3A_823] : memref<16384x56x128xf32, #tpu.memory_space<hbm>> -> memref<1x50x64xf32, #tpu.memory_space<hbm>>
    %dma_wait3A_825 = tpu.memref_squeeze %dma_wait3A_824 : memref<1x50x64xf32, #tpu.memory_space<hbm>> -> memref<50x64xf32, #tpu.memory_space<hbm>>
    %dma_wait3A_826 = arith.constant 50 : i32
    %dma_wait3A_827 = arith.constant 0 : i32
    %dma_wait3A_828 = tpu.memref_slice %arg11[%dma_wait3A_826, %dma_wait3A_827] : memref<400x64xf32, #tpu.memory_space<vmem>> -> memref<50x64xf32, #tpu.memory_space<vmem>>
    tpu.wait_dma2 semaphore(%arg19 : memref<!tpu.dma_semaphore, #tpu.memory_space<semaphore_mem>>) src(%dma_wait3A_828 : memref<50x64xf32, #tpu.memory_space<vmem>>) dst(%dma_wait3A_825 : memref<50x64xf32, #tpu.memory_space<hbm>>)
    %dma_wait3A_829 = arith.constant 0 : i32
    %dma_wait3A_830 = arith.constant 100 : i32
    %dma_wait3A_831 = arith.constant 0 : i32
    %dma_wait3A_832 = tpu.memref_slice %arg11[%dma_wait3A_830, %dma_wait3A_831] : memref<400x64xf32, #tpu.memory_space<vmem>> -> memref<50x64xf32, #tpu.memory_space<vmem>>
    %dma_wait3A_833 = arith.constant 0 : i32
    %dma_wait3A_834 = arith.constant 0 : i32
    %dma_wait3A_835 = tpu.memref_slice %arg4[%dma_wait3A_829, %dma_wait3A_833, %dma_wait3A_834] : memref<16384x56x128xf32, #tpu.memory_space<hbm>> -> memref<1x50x64xf32, #tpu.memory_space<hbm>>
    %dma_wait3A_836 = tpu.memref_squeeze %dma_wait3A_835 : memref<1x50x64xf32, #tpu.memory_space<hbm>> -> memref<50x64xf32, #tpu.memory_space<hbm>>
    %dma_wait3A_837 = arith.constant 0 : i32
    %dma_wait3A_838 = arith.constant 0 : i32
    %dma_wait3A_839 = tpu.memref_slice %arg4[%dma_wait3A_829, %dma_wait3A_837, %dma_wait3A_838] : memref<16384x56x128xf32, #tpu.memory_space<hbm>> -> memref<1x50x64xf32, #tpu.memory_space<hbm>>
    %dma_wait3A_840 = tpu.memref_squeeze %dma_wait3A_839 : memref<1x50x64xf32, #tpu.memory_space<hbm>> -> memref<50x64xf32, #tpu.memory_space<hbm>>
    %dma_wait3A_841 = arith.constant 100 : i32
    %dma_wait3A_842 = arith.constant 0 : i32
    %dma_wait3A_843 = tpu.memref_slice %arg11[%dma_wait3A_841, %dma_wait3A_842] : memref<400x64xf32, #tpu.memory_space<vmem>> -> memref<50x64xf32, #tpu.memory_space<vmem>>
    tpu.wait_dma2 semaphore(%arg19 : memref<!tpu.dma_semaphore, #tpu.memory_space<semaphore_mem>>) src(%dma_wait3A_843 : memref<50x64xf32, #tpu.memory_space<vmem>>) dst(%dma_wait3A_840 : memref<50x64xf32, #tpu.memory_space<hbm>>)
    %dma_wait3A_844 = arith.constant 0 : i32
    %dma_wait3A_845 = arith.constant 150 : i32
    %dma_wait3A_846 = arith.constant 0 : i32
    %dma_wait3A_847 = tpu.memref_slice %arg11[%dma_wait3A_845, %dma_wait3A_846] : memref<400x64xf32, #tpu.memory_space<vmem>> -> memref<50x64xf32, #tpu.memory_space<vmem>>
    %dma_wait3A_848 = arith.constant 0 : i32
    %dma_wait3A_849 = arith.constant 0 : i32
    %dma_wait3A_850 = tpu.memref_slice %arg4[%dma_wait3A_844, %dma_wait3A_848, %dma_wait3A_849] : memref<16384x56x128xf32, #tpu.memory_space<hbm>> -> memref<1x50x64xf32, #tpu.memory_space<hbm>>
    %dma_wait3A_851 = tpu.memref_squeeze %dma_wait3A_850 : memref<1x50x64xf32, #tpu.memory_space<hbm>> -> memref<50x64xf32, #tpu.memory_space<hbm>>
    %dma_wait3A_852 = arith.constant 0 : i32
    %dma_wait3A_853 = arith.constant 0 : i32
    %dma_wait3A_854 = tpu.memref_slice %arg4[%dma_wait3A_844, %dma_wait3A_852, %dma_wait3A_853] : memref<16384x56x128xf32, #tpu.memory_space<hbm>> -> memref<1x50x64xf32, #tpu.memory_space<hbm>>
    %dma_wait3A_855 = tpu.memref_squeeze %dma_wait3A_854 : memref<1x50x64xf32, #tpu.memory_space<hbm>> -> memref<50x64xf32, #tpu.memory_space<hbm>>
    %dma_wait3A_856 = arith.constant 150 : i32
    %dma_wait3A_857 = arith.constant 0 : i32
    %dma_wait3A_858 = tpu.memref_slice %arg11[%dma_wait3A_856, %dma_wait3A_857] : memref<400x64xf32, #tpu.memory_space<vmem>> -> memref<50x64xf32, #tpu.memory_space<vmem>>
    tpu.wait_dma2 semaphore(%arg19 : memref<!tpu.dma_semaphore, #tpu.memory_space<semaphore_mem>>) src(%dma_wait3A_858 : memref<50x64xf32, #tpu.memory_space<vmem>>) dst(%dma_wait3A_855 : memref<50x64xf32, #tpu.memory_space<hbm>>)
    %dma_wait3A_859 = arith.constant 0 : i32
    %dma_wait3A_860 = arith.constant 200 : i32
    %dma_wait3A_861 = arith.constant 0 : i32
    %dma_wait3A_862 = tpu.memref_slice %arg11[%dma_wait3A_860, %dma_wait3A_861] : memref<400x64xf32, #tpu.memory_space<vmem>> -> memref<50x64xf32, #tpu.memory_space<vmem>>
    %dma_wait3A_863 = arith.constant 0 : i32
    %dma_wait3A_864 = arith.constant 0 : i32
    %dma_wait3A_865 = tpu.memref_slice %arg4[%dma_wait3A_859, %dma_wait3A_863, %dma_wait3A_864] : memref<16384x56x128xf32, #tpu.memory_space<hbm>> -> memref<1x50x64xf32, #tpu.memory_space<hbm>>
    %dma_wait3A_866 = tpu.memref_squeeze %dma_wait3A_865 : memref<1x50x64xf32, #tpu.memory_space<hbm>> -> memref<50x64xf32, #tpu.memory_space<hbm>>
    %dma_wait3A_867 = arith.constant 0 : i32
    %dma_wait3A_868 = arith.constant 0 : i32
    %dma_wait3A_869 = tpu.memref_slice %arg4[%dma_wait3A_859, %dma_wait3A_867, %dma_wait3A_868] : memref<16384x56x128xf32, #tpu.memory_space<hbm>> -> memref<1x50x64xf32, #tpu.memory_space<hbm>>
    %dma_wait3A_870 = tpu.memref_squeeze %dma_wait3A_869 : memref<1x50x64xf32, #tpu.memory_space<hbm>> -> memref<50x64xf32, #tpu.memory_space<hbm>>
    %dma_wait3A_871 = arith.constant 200 : i32
    %dma_wait3A_872 = arith.constant 0 : i32
    %dma_wait3A_873 = tpu.memref_slice %arg11[%dma_wait3A_871, %dma_wait3A_872] : memref<400x64xf32, #tpu.memory_space<vmem>> -> memref<50x64xf32, #tpu.memory_space<vmem>>
    tpu.wait_dma2 semaphore(%arg19 : memref<!tpu.dma_semaphore, #tpu.memory_space<semaphore_mem>>) src(%dma_wait3A_873 : memref<50x64xf32, #tpu.memory_space<vmem>>) dst(%dma_wait3A_870 : memref<50x64xf32, #tpu.memory_space<hbm>>)
    %dma_wait3A_874 = arith.constant 0 : i32
    %dma_wait3A_875 = arith.constant 250 : i32
    %dma_wait3A_876 = arith.constant 0 : i32
    %dma_wait3A_877 = tpu.memref_slice %arg11[%dma_wait3A_875, %dma_wait3A_876] : memref<400x64xf32, #tpu.memory_space<vmem>> -> memref<50x64xf32, #tpu.memory_space<vmem>>
    %dma_wait3A_878 = arith.constant 0 : i32
    %dma_wait3A_879 = arith.constant 0 : i32
    %dma_wait3A_880 = tpu.memref_slice %arg4[%dma_wait3A_874, %dma_wait3A_878, %dma_wait3A_879] : memref<16384x56x128xf32, #tpu.memory_space<hbm>> -> memref<1x50x64xf32, #tpu.memory_space<hbm>>
    %dma_wait3A_881 = tpu.memref_squeeze %dma_wait3A_880 : memref<1x50x64xf32, #tpu.memory_space<hbm>> -> memref<50x64xf32, #tpu.memory_space<hbm>>
    %dma_wait3A_882 = arith.constant 0 : i32
    %dma_wait3A_883 = arith.constant 0 : i32
    %dma_wait3A_884 = tpu.memref_slice %arg4[%dma_wait3A_874, %dma_wait3A_882, %dma_wait3A_883] : memref<16384x56x128xf32, #tpu.memory_space<hbm>> -> memref<1x50x64xf32, #tpu.memory_space<hbm>>
    %dma_wait3A_885 = tpu.memref_squeeze %dma_wait3A_884 : memref<1x50x64xf32, #tpu.memory_space<hbm>> -> memref<50x64xf32, #tpu.memory_space<hbm>>
    %dma_wait3A_886 = arith.constant 250 : i32
    %dma_wait3A_887 = arith.constant 0 : i32
    %dma_wait3A_888 = tpu.memref_slice %arg11[%dma_wait3A_886, %dma_wait3A_887] : memref<400x64xf32, #tpu.memory_space<vmem>> -> memref<50x64xf32, #tpu.memory_space<vmem>>
    tpu.wait_dma2 semaphore(%arg19 : memref<!tpu.dma_semaphore, #tpu.memory_space<semaphore_mem>>) src(%dma_wait3A_888 : memref<50x64xf32, #tpu.memory_space<vmem>>) dst(%dma_wait3A_885 : memref<50x64xf32, #tpu.memory_space<hbm>>)
    %dma_wait3A_889 = arith.constant 0 : i32
    %dma_wait3A_890 = arith.constant 300 : i32
    %dma_wait3A_891 = arith.constant 0 : i32
    %dma_wait3A_892 = tpu.memref_slice %arg11[%dma_wait3A_890, %dma_wait3A_891] : memref<400x64xf32, #tpu.memory_space<vmem>> -> memref<50x64xf32, #tpu.memory_space<vmem>>
    %dma_wait3A_893 = arith.constant 0 : i32
    %dma_wait3A_894 = arith.constant 0 : i32
    %dma_wait3A_895 = tpu.memref_slice %arg4[%dma_wait3A_889, %dma_wait3A_893, %dma_wait3A_894] : memref<16384x56x128xf32, #tpu.memory_space<hbm>> -> memref<1x50x64xf32, #tpu.memory_space<hbm>>
    %dma_wait3A_896 = tpu.memref_squeeze %dma_wait3A_895 : memref<1x50x64xf32, #tpu.memory_space<hbm>> -> memref<50x64xf32, #tpu.memory_space<hbm>>
    %dma_wait3A_897 = arith.constant 0 : i32
    %dma_wait3A_898 = arith.constant 0 : i32
    %dma_wait3A_899 = tpu.memref_slice %arg4[%dma_wait3A_889, %dma_wait3A_897, %dma_wait3A_898] : memref<16384x56x128xf32, #tpu.memory_space<hbm>> -> memref<1x50x64xf32, #tpu.memory_space<hbm>>
    %dma_wait3A_900 = tpu.memref_squeeze %dma_wait3A_899 : memref<1x50x64xf32, #tpu.memory_space<hbm>> -> memref<50x64xf32, #tpu.memory_space<hbm>>
    %dma_wait3A_901 = arith.constant 300 : i32
    %dma_wait3A_902 = arith.constant 0 : i32
    %dma_wait3A_903 = tpu.memref_slice %arg11[%dma_wait3A_901, %dma_wait3A_902] : memref<400x64xf32, #tpu.memory_space<vmem>> -> memref<50x64xf32, #tpu.memory_space<vmem>>
    tpu.wait_dma2 semaphore(%arg19 : memref<!tpu.dma_semaphore, #tpu.memory_space<semaphore_mem>>) src(%dma_wait3A_903 : memref<50x64xf32, #tpu.memory_space<vmem>>) dst(%dma_wait3A_900 : memref<50x64xf32, #tpu.memory_space<hbm>>)
    %dma_wait3A_904 = arith.constant 0 : i32
    %dma_wait3A_905 = arith.constant 350 : i32
    %dma_wait3A_906 = arith.constant 0 : i32
    %dma_wait3A_907 = tpu.memref_slice %arg11[%dma_wait3A_905, %dma_wait3A_906] : memref<400x64xf32, #tpu.memory_space<vmem>> -> memref<50x64xf32, #tpu.memory_space<vmem>>
    %dma_wait3A_908 = arith.constant 0 : i32
    %dma_wait3A_909 = arith.constant 0 : i32
    %dma_wait3A_910 = tpu.memref_slice %arg4[%dma_wait3A_904, %dma_wait3A_908, %dma_wait3A_909] : memref<16384x56x128xf32, #tpu.memory_space<hbm>> -> memref<1x50x64xf32, #tpu.memory_space<hbm>>
    %dma_wait3A_911 = tpu.memref_squeeze %dma_wait3A_910 : memref<1x50x64xf32, #tpu.memory_space<hbm>> -> memref<50x64xf32, #tpu.memory_space<hbm>>
    %dma_wait3A_912 = arith.constant 0 : i32
    %dma_wait3A_913 = arith.constant 0 : i32
    %dma_wait3A_914 = tpu.memref_slice %arg4[%dma_wait3A_904, %dma_wait3A_912, %dma_wait3A_913] : memref<16384x56x128xf32, #tpu.memory_space<hbm>> -> memref<1x50x64xf32, #tpu.memory_space<hbm>>
    %dma_wait3A_915 = tpu.memref_squeeze %dma_wait3A_914 : memref<1x50x64xf32, #tpu.memory_space<hbm>> -> memref<50x64xf32, #tpu.memory_space<hbm>>
    %dma_wait3A_916 = arith.constant 350 : i32
    %dma_wait3A_917 = arith.constant 0 : i32
    %dma_wait3A_918 = tpu.memref_slice %arg11[%dma_wait3A_916, %dma_wait3A_917] : memref<400x64xf32, #tpu.memory_space<vmem>> -> memref<50x64xf32, #tpu.memory_space<vmem>>
    tpu.wait_dma2 semaphore(%arg19 : memref<!tpu.dma_semaphore, #tpu.memory_space<semaphore_mem>>) src(%dma_wait3A_918 : memref<50x64xf32, #tpu.memory_space<vmem>>) dst(%dma_wait3A_915 : memref<50x64xf32, #tpu.memory_space<hbm>>)
    %dma_wait3A_919 = arith.constant 0 : i32
    %dma_wait3A_920 = arith.constant 0 : i32
    %dma_wait3A_921 = arith.constant 0 : i32
    %dma_wait3A_922 = tpu.memref_slice %arg12[%dma_wait3A_920, %dma_wait3A_921] : memref<400x64xf32, #tpu.memory_space<vmem>> -> memref<50x64xf32, #tpu.memory_space<vmem>>
    %dma_wait3A_923 = arith.constant 0 : i32
    %dma_wait3A_924 = arith.constant 0 : i32
    %dma_wait3A_925 = tpu.memref_slice %arg4[%dma_wait3A_919, %dma_wait3A_923, %dma_wait3A_924] : memref<16384x56x128xf32, #tpu.memory_space<hbm>> -> memref<1x50x64xf32, #tpu.memory_space<hbm>>
    %dma_wait3A_926 = tpu.memref_squeeze %dma_wait3A_925 : memref<1x50x64xf32, #tpu.memory_space<hbm>> -> memref<50x64xf32, #tpu.memory_space<hbm>>
    %dma_wait3A_927 = arith.constant 0 : i32
    %dma_wait3A_928 = arith.constant 0 : i32
    %dma_wait3A_929 = tpu.memref_slice %arg4[%dma_wait3A_919, %dma_wait3A_927, %dma_wait3A_928] : memref<16384x56x128xf32, #tpu.memory_space<hbm>> -> memref<1x50x64xf32, #tpu.memory_space<hbm>>
    %dma_wait3A_930 = tpu.memref_squeeze %dma_wait3A_929 : memref<1x50x64xf32, #tpu.memory_space<hbm>> -> memref<50x64xf32, #tpu.memory_space<hbm>>
    %dma_wait3A_931 = arith.constant 0 : i32
    %dma_wait3A_932 = arith.constant 0 : i32
    %dma_wait3A_933 = tpu.memref_slice %arg12[%dma_wait3A_931, %dma_wait3A_932] : memref<400x64xf32, #tpu.memory_space<vmem>> -> memref<50x64xf32, #tpu.memory_space<vmem>>
    tpu.wait_dma2 semaphore(%arg20 : memref<!tpu.dma_semaphore, #tpu.memory_space<semaphore_mem>>) src(%dma_wait3A_933 : memref<50x64xf32, #tpu.memory_space<vmem>>) dst(%dma_wait3A_930 : memref<50x64xf32, #tpu.memory_space<hbm>>)
    %dma_wait3A_934 = arith.constant 0 : i32
    %dma_wait3A_935 = arith.constant 50 : i32
    %dma_wait3A_936 = arith.constant 0 : i32
    %dma_wait3A_937 = tpu.memref_slice %arg12[%dma_wait3A_935, %dma_wait3A_936] : memref<400x64xf32, #tpu.memory_space<vmem>> -> memref<50x64xf32, #tpu.memory_space<vmem>>
    %dma_wait3A_938 = arith.constant 0 : i32
    %dma_wait3A_939 = arith.constant 0 : i32
    %dma_wait3A_940 = tpu.memref_slice %arg4[%dma_wait3A_934, %dma_wait3A_938, %dma_wait3A_939] : memref<16384x56x128xf32, #tpu.memory_space<hbm>> -> memref<1x50x64xf32, #tpu.memory_space<hbm>>
    %dma_wait3A_941 = tpu.memref_squeeze %dma_wait3A_940 : memref<1x50x64xf32, #tpu.memory_space<hbm>> -> memref<50x64xf32, #tpu.memory_space<hbm>>
    %dma_wait3A_942 = arith.constant 0 : i32
    %dma_wait3A_943 = arith.constant 0 : i32
    %dma_wait3A_944 = tpu.memref_slice %arg4[%dma_wait3A_934, %dma_wait3A_942, %dma_wait3A_943] : memref<16384x56x128xf32, #tpu.memory_space<hbm>> -> memref<1x50x64xf32, #tpu.memory_space<hbm>>
    %dma_wait3A_945 = tpu.memref_squeeze %dma_wait3A_944 : memref<1x50x64xf32, #tpu.memory_space<hbm>> -> memref<50x64xf32, #tpu.memory_space<hbm>>
    %dma_wait3A_946 = arith.constant 50 : i32
    %dma_wait3A_947 = arith.constant 0 : i32
    %dma_wait3A_948 = tpu.memref_slice %arg12[%dma_wait3A_946, %dma_wait3A_947] : memref<400x64xf32, #tpu.memory_space<vmem>> -> memref<50x64xf32, #tpu.memory_space<vmem>>
    tpu.wait_dma2 semaphore(%arg20 : memref<!tpu.dma_semaphore, #tpu.memory_space<semaphore_mem>>) src(%dma_wait3A_948 : memref<50x64xf32, #tpu.memory_space<vmem>>) dst(%dma_wait3A_945 : memref<50x64xf32, #tpu.memory_space<hbm>>)
    %dma_wait3A_949 = arith.constant 0 : i32
    %dma_wait3A_950 = arith.constant 100 : i32
    %dma_wait3A_951 = arith.constant 0 : i32
    %dma_wait3A_952 = tpu.memref_slice %arg12[%dma_wait3A_950, %dma_wait3A_951] : memref<400x64xf32, #tpu.memory_space<vmem>> -> memref<50x64xf32, #tpu.memory_space<vmem>>
    %dma_wait3A_953 = arith.constant 0 : i32
    %dma_wait3A_954 = arith.constant 0 : i32
    %dma_wait3A_955 = tpu.memref_slice %arg4[%dma_wait3A_949, %dma_wait3A_953, %dma_wait3A_954] : memref<16384x56x128xf32, #tpu.memory_space<hbm>> -> memref<1x50x64xf32, #tpu.memory_space<hbm>>
    %dma_wait3A_956 = tpu.memref_squeeze %dma_wait3A_955 : memref<1x50x64xf32, #tpu.memory_space<hbm>> -> memref<50x64xf32, #tpu.memory_space<hbm>>
    %dma_wait3A_957 = arith.constant 0 : i32
    %dma_wait3A_958 = arith.constant 0 : i32
    %dma_wait3A_959 = tpu.memref_slice %arg4[%dma_wait3A_949, %dma_wait3A_957, %dma_wait3A_958] : memref<16384x56x128xf32, #tpu.memory_space<hbm>> -> memref<1x50x64xf32, #tpu.memory_space<hbm>>
    %dma_wait3A_960 = tpu.memref_squeeze %dma_wait3A_959 : memref<1x50x64xf32, #tpu.memory_space<hbm>> -> memref<50x64xf32, #tpu.memory_space<hbm>>
    %dma_wait3A_961 = arith.constant 100 : i32
    %dma_wait3A_962 = arith.constant 0 : i32
    %dma_wait3A_963 = tpu.memref_slice %arg12[%dma_wait3A_961, %dma_wait3A_962] : memref<400x64xf32, #tpu.memory_space<vmem>> -> memref<50x64xf32, #tpu.memory_space<vmem>>
    tpu.wait_dma2 semaphore(%arg20 : memref<!tpu.dma_semaphore, #tpu.memory_space<semaphore_mem>>) src(%dma_wait3A_963 : memref<50x64xf32, #tpu.memory_space<vmem>>) dst(%dma_wait3A_960 : memref<50x64xf32, #tpu.memory_space<hbm>>)
    %dma_wait3A_964 = arith.constant 0 : i32
    %dma_wait3A_965 = arith.constant 150 : i32
    %dma_wait3A_966 = arith.constant 0 : i32
    %dma_wait3A_967 = tpu.memref_slice %arg12[%dma_wait3A_965, %dma_wait3A_966] : memref<400x64xf32, #tpu.memory_space<vmem>> -> memref<50x64xf32, #tpu.memory_space<vmem>>
    %dma_wait3A_968 = arith.constant 0 : i32
    %dma_wait3A_969 = arith.constant 0 : i32
    %dma_wait3A_970 = tpu.memref_slice %arg4[%dma_wait3A_964, %dma_wait3A_968, %dma_wait3A_969] : memref<16384x56x128xf32, #tpu.memory_space<hbm>> -> memref<1x50x64xf32, #tpu.memory_space<hbm>>
    %dma_wait3A_971 = tpu.memref_squeeze %dma_wait3A_970 : memref<1x50x64xf32, #tpu.memory_space<hbm>> -> memref<50x64xf32, #tpu.memory_space<hbm>>
    %dma_wait3A_972 = arith.constant 0 : i32
    %dma_wait3A_973 = arith.constant 0 : i32
    %dma_wait3A_974 = tpu.memref_slice %arg4[%dma_wait3A_964, %dma_wait3A_972, %dma_wait3A_973] : memref<16384x56x128xf32, #tpu.memory_space<hbm>> -> memref<1x50x64xf32, #tpu.memory_space<hbm>>
    %dma_wait3A_975 = tpu.memref_squeeze %dma_wait3A_974 : memref<1x50x64xf32, #tpu.memory_space<hbm>> -> memref<50x64xf32, #tpu.memory_space<hbm>>
    %dma_wait3A_976 = arith.constant 150 : i32
    %dma_wait3A_977 = arith.constant 0 : i32
    %dma_wait3A_978 = tpu.memref_slice %arg12[%dma_wait3A_976, %dma_wait3A_977] : memref<400x64xf32, #tpu.memory_space<vmem>> -> memref<50x64xf32, #tpu.memory_space<vmem>>
    tpu.wait_dma2 semaphore(%arg20 : memref<!tpu.dma_semaphore, #tpu.memory_space<semaphore_mem>>) src(%dma_wait3A_978 : memref<50x64xf32, #tpu.memory_space<vmem>>) dst(%dma_wait3A_975 : memref<50x64xf32, #tpu.memory_space<hbm>>)
    %dma_wait3A_979 = arith.constant 0 : i32
    %dma_wait3A_980 = arith.constant 200 : i32
    %dma_wait3A_981 = arith.constant 0 : i32
    %dma_wait3A_982 = tpu.memref_slice %arg12[%dma_wait3A_980, %dma_wait3A_981] : memref<400x64xf32, #tpu.memory_space<vmem>> -> memref<50x64xf32, #tpu.memory_space<vmem>>
    %dma_wait3A_983 = arith.constant 0 : i32
    %dma_wait3A_984 = arith.constant 0 : i32
    %dma_wait3A_985 = tpu.memref_slice %arg4[%dma_wait3A_979, %dma_wait3A_983, %dma_wait3A_984] : memref<16384x56x128xf32, #tpu.memory_space<hbm>> -> memref<1x50x64xf32, #tpu.memory_space<hbm>>
    %dma_wait3A_986 = tpu.memref_squeeze %dma_wait3A_985 : memref<1x50x64xf32, #tpu.memory_space<hbm>> -> memref<50x64xf32, #tpu.memory_space<hbm>>
    %dma_wait3A_987 = arith.constant 0 : i32
    %dma_wait3A_988 = arith.constant 0 : i32
    %dma_wait3A_989 = tpu.memref_slice %arg4[%dma_wait3A_979, %dma_wait3A_987, %dma_wait3A_988] : memref<16384x56x128xf32, #tpu.memory_space<hbm>> -> memref<1x50x64xf32, #tpu.memory_space<hbm>>
    %dma_wait3A_990 = tpu.memref_squeeze %dma_wait3A_989 : memref<1x50x64xf32, #tpu.memory_space<hbm>> -> memref<50x64xf32, #tpu.memory_space<hbm>>
    %dma_wait3A_991 = arith.constant 200 : i32
    %dma_wait3A_992 = arith.constant 0 : i32
    %dma_wait3A_993 = tpu.memref_slice %arg12[%dma_wait3A_991, %dma_wait3A_992] : memref<400x64xf32, #tpu.memory_space<vmem>> -> memref<50x64xf32, #tpu.memory_space<vmem>>
    tpu.wait_dma2 semaphore(%arg20 : memref<!tpu.dma_semaphore, #tpu.memory_space<semaphore_mem>>) src(%dma_wait3A_993 : memref<50x64xf32, #tpu.memory_space<vmem>>) dst(%dma_wait3A_990 : memref<50x64xf32, #tpu.memory_space<hbm>>)
    %dma_wait3A_994 = arith.constant 0 : i32
    %dma_wait3A_995 = arith.constant 250 : i32
    %dma_wait3A_996 = arith.constant 0 : i32
    %dma_wait3A_997 = tpu.memref_slice %arg12[%dma_wait3A_995, %dma_wait3A_996] : memref<400x64xf32, #tpu.memory_space<vmem>> -> memref<50x64xf32, #tpu.memory_space<vmem>>
    %dma_wait3A_998 = arith.constant 0 : i32
    %dma_wait3A_999 = arith.constant 0 : i32
    %dma_wait3A_1000 = tpu.memref_slice %arg4[%dma_wait3A_994, %dma_wait3A_998, %dma_wait3A_999] : memref<16384x56x128xf32, #tpu.memory_space<hbm>> -> memref<1x50x64xf32, #tpu.memory_space<hbm>>
    %dma_wait3A_1001 = tpu.memref_squeeze %dma_wait3A_1000 : memref<1x50x64xf32, #tpu.memory_space<hbm>> -> memref<50x64xf32, #tpu.memory_space<hbm>>
    %dma_wait3A_1002 = arith.constant 0 : i32
    %dma_wait3A_1003 = arith.constant 0 : i32
    %dma_wait3A_1004 = tpu.memref_slice %arg4[%dma_wait3A_994, %dma_wait3A_1002, %dma_wait3A_1003] : memref<16384x56x128xf32, #tpu.memory_space<hbm>> -> memref<1x50x64xf32, #tpu.memory_space<hbm>>
    %dma_wait3A_1005 = tpu.memref_squeeze %dma_wait3A_1004 : memref<1x50x64xf32, #tpu.memory_space<hbm>> -> memref<50x64xf32, #tpu.memory_space<hbm>>
    %dma_wait3A_1006 = arith.constant 250 : i32
    %dma_wait3A_1007 = arith.constant 0 : i32
    %dma_wait3A_1008 = tpu.memref_slice %arg12[%dma_wait3A_1006, %dma_wait3A_1007] : memref<400x64xf32, #tpu.memory_space<vmem>> -> memref<50x64xf32, #tpu.memory_space<vmem>>
    tpu.wait_dma2 semaphore(%arg20 : memref<!tpu.dma_semaphore, #tpu.memory_space<semaphore_mem>>) src(%dma_wait3A_1008 : memref<50x64xf32, #tpu.memory_space<vmem>>) dst(%dma_wait3A_1005 : memref<50x64xf32, #tpu.memory_space<hbm>>)
    %dma_wait3A_1009 = arith.constant 0 : i32
    %dma_wait3A_1010 = arith.constant 300 : i32
    %dma_wait3A_1011 = arith.constant 0 : i32
    %dma_wait3A_1012 = tpu.memref_slice %arg12[%dma_wait3A_1010, %dma_wait3A_1011] : memref<400x64xf32, #tpu.memory_space<vmem>> -> memref<50x64xf32, #tpu.memory_space<vmem>>
    %dma_wait3A_1013 = arith.constant 0 : i32
    %dma_wait3A_1014 = arith.constant 0 : i32
    %dma_wait3A_1015 = tpu.memref_slice %arg4[%dma_wait3A_1009, %dma_wait3A_1013, %dma_wait3A_1014] : memref<16384x56x128xf32, #tpu.memory_space<hbm>> -> memref<1x50x64xf32, #tpu.memory_space<hbm>>
    %dma_wait3A_1016 = tpu.memref_squeeze %dma_wait3A_1015 : memref<1x50x64xf32, #tpu.memory_space<hbm>> -> memref<50x64xf32, #tpu.memory_space<hbm>>
    %dma_wait3A_1017 = arith.constant 0 : i32
    %dma_wait3A_1018 = arith.constant 0 : i32
    %dma_wait3A_1019 = tpu.memref_slice %arg4[%dma_wait3A_1009, %dma_wait3A_1017, %dma_wait3A_1018] : memref<16384x56x128xf32, #tpu.memory_space<hbm>> -> memref<1x50x64xf32, #tpu.memory_space<hbm>>
    %dma_wait3A_1020 = tpu.memref_squeeze %dma_wait3A_1019 : memref<1x50x64xf32, #tpu.memory_space<hbm>> -> memref<50x64xf32, #tpu.memory_space<hbm>>
    %dma_wait3A_1021 = arith.constant 300 : i32
    %dma_wait3A_1022 = arith.constant 0 : i32
    %dma_wait3A_1023 = tpu.memref_slice %arg12[%dma_wait3A_1021, %dma_wait3A_1022] : memref<400x64xf32, #tpu.memory_space<vmem>> -> memref<50x64xf32, #tpu.memory_space<vmem>>
    tpu.wait_dma2 semaphore(%arg20 : memref<!tpu.dma_semaphore, #tpu.memory_space<semaphore_mem>>) src(%dma_wait3A_1023 : memref<50x64xf32, #tpu.memory_space<vmem>>) dst(%dma_wait3A_1020 : memref<50x64xf32, #tpu.memory_space<hbm>>)
    %dma_wait3A_1024 = arith.constant 0 : i32
    %dma_wait3A_1025 = arith.constant 350 : i32
    %dma_wait3A_1026 = arith.constant 0 : i32
    %dma_wait3A_1027 = tpu.memref_slice %arg12[%dma_wait3A_1025, %dma_wait3A_1026] : memref<400x64xf32, #tpu.memory_space<vmem>> -> memref<50x64xf32, #tpu.memory_space<vmem>>
    %dma_wait3A_1028 = arith.constant 0 : i32
    %dma_wait3A_1029 = arith.constant 0 : i32
    %dma_wait3A_1030 = tpu.memref_slice %arg4[%dma_wait3A_1024, %dma_wait3A_1028, %dma_wait3A_1029] : memref<16384x56x128xf32, #tpu.memory_space<hbm>> -> memref<1x50x64xf32, #tpu.memory_space<hbm>>
    %dma_wait3A_1031 = tpu.memref_squeeze %dma_wait3A_1030 : memref<1x50x64xf32, #tpu.memory_space<hbm>> -> memref<50x64xf32, #tpu.memory_space<hbm>>
    %dma_wait3A_1032 = arith.constant 0 : i32
    %dma_wait3A_1033 = arith.constant 0 : i32
    %dma_wait3A_1034 = tpu.memref_slice %arg4[%dma_wait3A_1024, %dma_wait3A_1032, %dma_wait3A_1033] : memref<16384x56x128xf32, #tpu.memory_space<hbm>> -> memref<1x50x64xf32, #tpu.memory_space<hbm>>
    %dma_wait3A_1035 = tpu.memref_squeeze %dma_wait3A_1034 : memref<1x50x64xf32, #tpu.memory_space<hbm>> -> memref<50x64xf32, #tpu.memory_space<hbm>>
    %dma_wait3A_1036 = arith.constant 350 : i32
    %dma_wait3A_1037 = arith.constant 0 : i32
    %dma_wait3A_1038 = tpu.memref_slice %arg12[%dma_wait3A_1036, %dma_wait3A_1037] : memref<400x64xf32, #tpu.memory_space<vmem>> -> memref<50x64xf32, #tpu.memory_space<vmem>>
    tpu.wait_dma2 semaphore(%arg20 : memref<!tpu.dma_semaphore, #tpu.memory_space<semaphore_mem>>) src(%dma_wait3A_1038 : memref<50x64xf32, #tpu.memory_space<vmem>>) dst(%dma_wait3A_1035 : memref<50x64xf32, #tpu.memory_space<hbm>>)
    return
  }
}

</mosaic_0001>

<sc_bundles>
// kernel: kernel.3.cloned.1.call-start
scs
__scs_entry_jumppad:
0x0: {  	(pc) =	sbr.rel $0x88, $3  }
0x1: {  	(tag) =	ssettag $0x0;
	lr =	simm.s32 $0x1  }
0x2: {  	[smem:$0x3F9F] =	sst lr;
	_ =	strace $0xD0000000  }
0x3: {  	_ = 	snop  }
0x4: {  	_ = 	snop  }
0x5: {  	_ = 	snop  }
0x6: {  	_ = 	snop  }
0x7: {  	_ = 	snop  }
__scs_overlays_trampoline_lowered:
0x8: {  	[smem:$0x3FAE] =	sst s0  }
0x9: {  	[smem:$0x3FAF] =	sst s1  }
0xa: {  	[smem:$0x3FB0] =	sst s2  }
0xb: {  	[smem:$0x3FB1] =	sst s3  }
0xc: {  	[smem:$0x3FB2] =	sst s4  }
0xd: {  	[smem:$0x3FB3] =	sst s5  }
0xe: {  	[smem:$0x3FB4] =	sst s6  }
0xf: {  	[smem:$0x3FB5] =	sst s7  }
0x10: {  	[smem:$0x3FB6] =	sst s8  }
0x11: {  	[smem:$0x3FB7] =	sst s9;
	s0 =	simm.s32 @!p0 $0x0  }
0x12: {  	s1 =	sld [smem:$0x3F9D];
	s0 =	simm.s32 @p0 $0x1  }
0x13: {  	[smem:$0x3FB8] =	sst s0;
	s0 =	simm.s32 @!p1 $0x0  }
0x14: {  	s2 =	sld [smem:$0x3F9C];
	s0 =	simm.s32 @p1 $0x1  }
0x15: {  	[smem:$0x3FB9] =	sst s0;
	s0 =	simm.s32 @!p2 $0x0  }
0x16: {  	s3 =	sld [smem:$0x3FDB];
	s0 =	simm.s32 @p2 $0x1  }
0x17: {  	s4 =	simm.s32 $0x1BF5;
	[smem:$0x3FBB] =	sst s0  }
0x18: {  	s0 =	sld [smem:$0x3F9E];
	_ =	swait.ge [sflag:s4], $0x0  }
0x19: {  	s7 =	sld [smem:$0x3F9F]  }
0x1a: {  	s8 =	sadd.s32 $0xFFFFE003, lr  }
0x1b: {  	s9 =	sadd.s32 $0xFFFFFEF7, lr;
	s5 =	simm.s32 $0xFFFFFFFF;
	p2 =	slt.u32 s8, $0xFFFFF086  }
0x1c: {  	p1 =	slt.u32 s9, $0xF7A;
	s5 =	simm.s32 @!p2 $0x0  }
0x1d: {  	s5 =	simm.s32 @p1 $0x1;
	p0 =	seq.s32 s7, s2  }
0x1e: {  	s7 =	smul.u32 @!p0 $0xF7A, s2;
	p2 =	seq.s32 @!p0 s5, $0x0  }
0x1f: {  	s9 =	smul.u32 $0xF7A, s1;
	s8 =	simm.s32 @!p0 $0x1BF5;
	p2 =	por !p2, p0  }
0x20: {  	[sflag:s8] =	ssyncset.s32 @!p0 $0xFFFFF086;
	s6 =	sadd.s32 @!p0 s3, s7;
	s7 =	simm.s32 @!p0 $0x108  }
0x21: {  	s3 =	sadd.s32 s3, s9;
	s6 =	sadd.s32 @!p0 $0x88, s6;
	s7 =	simm.s32 @p2 $0x1082  }
0x22: {  	[simem:s7], [sflag:s8] =	dma.local @!p0 [hbm:s6], $0xF7A  }
0x23: {  	s9 =	sor.u32 $0xD0000000, s2;
	s6 =	simm.s32 $0x108;
	_ =	swait.ge @!p0 [sflag:s8], $0x0  }
0x24: {  	s3 =	sadd.s32 $0x88, s3;
	s6 =	simm.s32 @!p1 $0x1082;
	[sflag:s4] =	ssyncset.s32 $0xFFFFF086  }
0x25: {  	[simem:s6], [sflag:s4] =	dma.local [hbm:s3], $0xF7A  }
0x26: {  	[smem:$0x3F9F] =	sst s1;
	(tag) =	ssettag s2;
	_ =	strace s9  }
0x27: {  	s1 =	sld [smem:$0x3FAF]  }
0x28: {  	s2 =	sld [smem:$0x3FB0]  }
0x29: {  	s4 =	sld [smem:$0x3FB2]  }
0x2a: {  	p0 =	seq.s32 s5, $0x0;
	s5 =	sld [smem:$0x3FB3]  }
0x2b: {  	s6 =	sld [smem:$0x3FB4]  }
0x2c: {  	s7 =	sld [smem:$0x3FB5]  }
0x2d: {  	s3 =	simm.s32 $0x108;
	s8 =	sld [smem:$0x3FB6]  }
0x2e: {  	s3 =	simm.s32 @!p0 $0x1082;
	s9 =	sld [smem:$0x3FB7]  }
0x2f: {  	lr =	sadd.s32 s0, s3;
	s0 =	sld [smem:$0x3FAE]  }
0x30: {  	s3 =	sld [smem:$0x3FB1]  }
0x31: {  	[smem:$0x3FBA] =	sst s10  }
0x32: {  	s10 =	sld [smem:$0x3FB8];
	_ =	sdelay $0x3  }
0x33: {  	p0 =	seq.s32 s10, $0x1;
	s10 =	sld [smem:$0x3FBA];
	_ =	sdelay $0x3  }
0x34: {  	[smem:$0x3FBA] =	sst s10  }
0x35: {  	s10 =	sld [smem:$0x3FB9];
	_ =	sdelay $0x3  }
0x36: {  	p1 =	seq.s32 s10, $0x1;
	s10 =	sld [smem:$0x3FBA];
	_ =	sdelay $0x3  }
0x37: {  	[smem:$0x3FBA] =	sst s10  }
0x38: {  	s10 =	sld [smem:$0x3FBB]  }
0x39: {  	_ = 	snop;
	(pc) =	sbr.ind lr, $3  }
0x3a: {  	_ = 	snop  }
0x3b: {  	_ = 	snop  }
0x3c: {  	p2 =	seq.s32 s10, $0x1;
	s10 =	sld [smem:$0x3FBA]  }
0x3d: {  	_ =	shalt  }
0x3e: {  	_ =	shalt  }
0x3f: {  	_ =	shalt  }
0x40: {  	_ =	shalt  }
0x41: {  	_ =	shalt  }
0x42: {  	_ =	shalt  }
0x43: {  	_ =	shalt  }
0x44: {  	_ =	shalt  }
0x45: {  	_ =	shalt  }
0x46: {  	_ =	shalt  }
0x47: {  	_ =	shalt  }
0x48: {  	_ =	shalt  }
0x49: {  	_ =	shalt  }
0x4a: {  	_ =	shalt  }
0x4b: {  	_ =	shalt  }
0x4c: {  	_ =	shalt  }
0x4d: {  	_ =	shalt  }
0x4e: {  	_ =	shalt  }
0x4f: {  	_ =	shalt  }
0x50: {  	_ =	shalt  }
0x51: {  	_ =	shalt  }
0x52: {  	_ =	shalt  }
0x53: {  	_ =	shalt  }
0x54: {  	_ =	shalt  }
0x55: {  	_ =	shalt  }
0x56: {  	_ =	shalt  }
0x57: {  	_ =	shalt  }
0x58: {  	_ =	shalt  }
0x59: {  	_ =	shalt  }
0x5a: {  	_ =	shalt  }
0x5b: {  	_ =	shalt  }
0x5c: {  	_ =	shalt  }
0x5d: {  	_ =	shalt  }
0x5e: {  	_ =	shalt  }
0x5f: {  	_ =	shalt  }
0x60: {  	_ =	shalt  }
0x61: {  	_ =	shalt  }
0x62: {  	_ =	shalt  }
0x63: {  	_ =	shalt  }
0x64: {  	_ =	shalt  }
0x65: {  	_ =	shalt  }
0x66: {  	_ =	shalt  }
0x67: {  	_ =	shalt  }
0x68: {  	_ =	shalt  }
0x69: {  	_ =	shalt  }
0x6a: {  	_ =	shalt  }
0x6b: {  	_ =	shalt  }
0x6c: {  	_ =	shalt  }
0x6d: {  	_ =	shalt  }
0x6e: {  	_ =	shalt  }
0x6f: {  	_ =	shalt  }
0x70: {  	_ =	shalt  }
0x71: {  	_ =	shalt  }
0x72: {  	_ =	shalt  }
0x73: {  	_ =	shalt  }
0x74: {  	_ =	shalt  }
0x75: {  	_ =	shalt  }
0x76: {  	_ =	shalt  }
0x77: {  	_ =	shalt  }
0x78: {  	_ =	shalt  }
0x79: {  	_ =	shalt  }
0x7a: {  	_ =	shalt  }
0x7b: {  	_ =	shalt  }
0x7c: {  	_ =	shalt  }
0x7d: {  	_ =	shalt  }
0x7e: {  	_ =	shalt  }
0x7f: {  	_ =	shalt  }
0x80: {  	_ =	shalt  }
0x81: {  	_ =	shalt  }
0x82: {  	_ =	shalt  }
0x83: {  	_ =	shalt  }
0x84: {  	_ =	shalt  }
0x85: {  	_ =	shalt  }
0x86: {  	_ =	shalt  }
0x87: {  	_ =	shalt  }
.Lfunc_end0:
.L_simem_size_0:
called_computation.1_lowered:
.L_overlay_start_0:
0x88: {  	s2 =	sld [smem:$0x3FD9]  }
0x89: {  	s3 =	sld [smem:$0x3FFE];
	_ =	sdelay $0x1  }
0x8a: {  	s1 =	srdreg.scid  }
0x8b: {  	s0 =	sand.u32 $0x1, s1  }
0x8c: {  	s17 =	sshll.u32 s0, $0xA;
	s2 =	sadd.s32 s3, s2  }
0x8d: {  	s2 =	sadd.s32 s2, s17  }
0x8e: {  	[smem:$0x3FC6] =	sst s2  }
0x8f: {  	_ = 	snop  }
0x90: {  	s2 =	sld [smem:$0x3FD0];
	(tm) =	ssettm $0x1  }
0x91: {  	s18 =	sld [smem:$0x3FFB];
	_ =	sdelay $0x3  }
0x92: {  	_ =	strace s18  }
0x93: {  	s3 =	sld [smem:$0x3FFC];
	_ =	sdelay $0x3  }
0x94: {  	_ =	strace s3  }
0x95: {  	s3 =	sld [smem:$0x3FFD];
	_ =	sdelay $0x3  }
0x96: {  	_ =	strace s3  }
0x97: {  	_ =	strace $0x8FFFFFFF  }
0x98: {  	s19 =	sld [smem:$0x3FDB];
	_ =	sdelay $0x1  }
0x99: {  	s4 =	simm.s32 $_scs_section_size  }
0x9a: {  	s5 =	simm.s32 $_size__tile_overlayer_lowered;
	s6 =	simm.s32 $_tile_overlayer_lowered  }
0x9b: {  	s22 =	simm.s32 $0x1BFF;
	s21 =	sshll.u32 s6, $0x1;
	s3 =	sadd.s32 s4, s19  }
0x9c: {  	s7 =	simm.s32 $0x0;
	s20 =	sshll.u32 s5, $0x1;
	s5 =	sadd.s32 s21, s3  }
0x9d: {  	[timem:s7], [sflag:s22] =	dma.local [hbm:s5], s20  }
0x9e: {  	_ =	swait.ge [sflag:s22], s20  }
0x9f: {  	s4 =	ssub.s32 $0x0, s20;
	[sflag:s22] =	ssyncset.done $0x0  }
0xa0: {  	[sflag:s22] =	ssyncadd.s32 s4;
	_ =	sdelay $0x1  }
0xa1: {  	s23 =	simm.s32 $0x1B8B  }
0xa2: {  	_ =	swait.ge [sflag:s23], $0x1  }
0xa3: {  	[sflag:s23] =	ssyncset.done $0x0  }
0xa4: {  	s25 =	simm.s32 $0x1B8E;
	s24 =	sld [smem:$0x3FFE];
	[sflag:s23] =	ssyncadd.s32 $0xFFFFFFFF  }
0xa5: {  	s26 =	simm.s32 $execute0_lowered;
	[smem:$0x3FD2] =	sst s25  }
0xa6: {  	s5 =	sshll.u32 s26, $0x1;
	_ =	strace $0x80000046;
	[dreg:$0x1] =	wrdreg $0xFFFFFFFF  }
0xa7: {  	s28 =	simm.s32 $_size_execute0_lowered;
	s3 =	sadd.s32 s3, s5;
	[dreg:$0x0] =	wrdreg $0x0  }
0xa8: {  	s5 =	sshll.u32 s28, $0x1;
	[dreg:$0x2] =	wrdreg s3  }
0xa9: {  	[dreg:$0x3] =	wrdreg s5  }
0xaa: {  	[dreg:$0x4] =	wrdreg $0xC0  }
0xab: {  	_ =	task [dreg:s7], $0x5FFFF  }
0xac: {  	[dreg:$0x1] =	wrdreg $0xFFFFFFFF  }
0xad: {  	[dreg:$0x0] =	wrdreg $0x60  }
0xae: {  	[dreg:$0x2] =	wrdreg s24  }
0xaf: {  	[dreg:$0x3] =	wrdreg s2  }
0xb0: {  	[dreg:$0x4] =	wrdreg $0x9  }
0xb1: {  	_ =	task.clear_ibuf [dreg:s7], $0x5FFFF;
	_ =	strace $0x90000046  }
0xb2: {  	s29 =	simm.s32 $0x9;
	_ =	strace $0x80000048  }
0xb3: {  	_ =	swait.ge [sflag:s29], $0x1  }
0xb4: {  	[sflag:s29] =	ssyncadd.s32 $0xFFFFFFFF  }
0xb5: {  	_ =	strace $0x90000048  }
0xb6: {  	_ =	sfence  }
0xb7: {  	s30 =	sld [smem:$0x0];
	_ =	sdelay $0x2  }
0xb8: {  	s31 =	sshll.u32 s1, $0xD;
	s1 =	sshrl.u32 s1, $0x2  }
0xb9: {  	s3 =	sand.u32 $0x4000, s31;
	s1 =	sadd.s32 s1, s30  }
0xba: {  	s0 =	sor.u32 s3, s0;
	s1 =	sshll.u32 s1, $0x11  }
0xbb: {  	s0 =	sor.u32 s1, s0  }
0xbc: {  	s0 =	sadd.s32 $0x8F2B, s0  }
0xbd: {  	[sflag:s0] =	ssyncadd.remote.s32 $0x1  }
0xbe: {  	_ =	sfence.sel $0xFFFF  }
0xbf: {  	[dreg:$0x0] =	wrdreg $0xFFFFFFFF;
	(pc) =	sbr.abs _section_cstart, $3  }
0xc0: {  	[dreg:$0x1] =	wrdreg $0xFFFFFFFF  }
0xc1: {  	_ =	task.clear_ibuf [dreg:s7], $0x2FFFF;
	_ =	strace $0x9FFFFFFF  }
0xc2: {  	(tm) =	ssettm $0x7FFFFFFF  }
0xc3: {  	_ =	shalt  }
tec
execute0_lowered:
.L_overlay_start_1:
0x0: {  	(tag) =	ssettag $0x1  }
0x1: {  	s0 =	rddreg [dreg:$0x0]  }
0x2: {  	s20 =	rddreg [dreg:$0x1]  }
0x3: {  	s1 =	srdreg.scid;
	s10 =	stileid.u32  }
0x4: {  	s3 =	simm.s32 $0x0;
	s5 =	sand.u32 $0x1, s1;
	s8 =	sshll.u32 s10, $0x1  }
0x5: {  	[smem:$0x7FF] =	sst s3;
	s1 =	sor.u32 s5, s8  }
0x6: {  	s4 =	sadd.s32 $0xF42E00, s0;
	s6 =	ssub.s32 $0x2, s5;
	s7 =	smul.u32 $0x380000, s1  }
0x7: {  	s2 =	sadd.s32 $0xA00, s0;
	s8 =	sshrl.u32 s6, $0x1;
	s1 =	smul.u32 $0x6400, s1  }
0x8: {  	s12 =	smul.u32 $0x700000, s10;
	_ =	strace $0x80000047;
	s0 =	ssub.s32 s6, s8  }
0x9: {  	s9 =	sshrl.u32 s7, $0x3;
	s11 =	sshrl.u32 s1, $0x3;
	s0 =	smax.u32 s0, $0x1  }
0xa: {  	s1 =	sadd.s32 s2, s9;
	s11 =	sadd.s32 s20, s11;
	[smem:$0x7F6] =	sst s0  }
0xb: {  	s14 =	smul.u32 $0x380000, s5;
	s13 =	sadd.s32 $0x69000, s1;
	[dreg:$0x17] =	wrdreg s11  }
0xc: {  	s15 =	sadd.s32 $0x69380, s1;
	[dreg:$0x18] =	wrdreg s13  }
0xd: {  	s6 =	sadd.s32 s14, s12;
	s16 =	sadd.s32 $0x69700, s1;
	[dreg:$0x19] =	wrdreg s15  }
0xe: {  	s23 =	sor.u32 $0xC400, s6;
	s17 =	sadd.s32 $0x69A80, s1;
	[dreg:$0x1a] =	wrdreg s16  }
0xf: {  	s30 =	sor.u32 $0xA800, s6;
	s18 =	sadd.s32 $0x69E00, s1;
	[dreg:$0x1b] =	wrdreg s17  }
0x10: {  	s7 =	sshrl.u32 s23, $0x3;
	s19 =	sadd.s32 $0x6A180, s1;
	[dreg:$0x1c] =	wrdreg s18  }
0x11: {  	s8 =	sshrl.u32 s30, $0x3;
	s21 =	sadd.s32 $0x6A500, s1;
	[dreg:$0x1d] =	wrdreg s19  }
0x12: {  	s9 =	sor.u32 $0x8C00, s6;
	s22 =	sadd.s32 $0x6A880, s1;
	[dreg:$0x1e] =	wrdreg s21  }
0x13: {  	s23 =	sor.u32 $0x31000, s6;
	s7 =	sadd.s32 s7, s2;
	[dreg:$0x1f] =	wrdreg s22  }
0x14: {  	s30 =	sor.u32 $0x2D800, s6;
	s24 =	sadd.s32 $0x6AC00, s1;
	[dreg:$0x3] =	wrdreg s7  }
0x15: {  	s7 =	sadd.s32 s8, s2;
	s8 =	sshrl.u32 s9, $0x3;
	s9 =	smul.u32 $0xE0000, s10  }
0x16: {  	s25 =	sadd.s32 $0x6AF80, s1;
	[smem:$0x7DE] =	sst s24;
	s13 =	smul.u32 $0x70000, s5  }
0x17: {  	s26 =	sadd.s32 $0x6B300, s1;
	[smem:$0x7DF] =	sst s25;
	s15 =	smul.u32 $0xC800, s10  }
0x18: {  	[smem:$0x7E0] =	sst s26;
	s5 =	smul.u32 $0x6400, s5;
	s16 =	sor.u32 $0x36400, s6  }
0x19: {  	s17 =	sadd.s32 $0x6B680, s1;
	s19 =	sor.u32 $0x34800, s6;
	s22 =	sor.u32 $0x32C00, s6  }
0x1a: {  	s25 =	sshrl.u32 s23, $0x3;
	s10 =	sor.u32 $0x28400, s6;
	[dreg:$0x4] =	wrdreg s7  }
0x1b: {  	s12 =	sadd.s32 s8, s2;
	[smem:$0x7E1] =	sst s17;
	s18 =	sshrl.u32 s16, $0x3  }
0x1c: {  	s21 =	sshrl.u32 s19, $0x3;
	s8 =	sshrl.u32 s22, $0x3;
	s26 =	sadd.s32 s25, s2  }
0x1d: {  	s19 =	sor.u32 $0x21400, s6;
	[dreg:$0x5] =	wrdreg s12;
	s14 =	sadd.s32 s9, s2  }
0x1e: {  	s24 =	sadd.s32 s8, s2;
	[dreg:$0xa] =	wrdreg s26;
	s9 =	sshrl.u32 s30, $0x3  }
0x1f: {  	s22 =	sshrl.u32 s19, $0x3;
	s19 =	sadd.s32 $0x6BD80, s1;
	[dreg:$0x9] =	wrdreg s24  }
0x20: {  	s8 =	sshrl.u32 s10, $0x3;
	s7 =	sadd.s32 s13, s14;
	[smem:$0x7E3] =	sst s19  }
0x21: {  	s12 =	sor.u32 $0x26800, s6;
	s13 =	sadd.s32 s8, s2;
	[dreg:$0x6] =	wrdreg s7  }
0x22: {  	s30 =	sor.u32 $0x16C00, s6;
	s23 =	sadd.s32 s22, s2;
	[dreg:$0xc] =	wrdreg s13  }
0x23: {  	s14 =	sshrl.u32 s12, $0x3;
	s22 =	sadd.s32 $0x6C480, s1;
	[dreg:$0x10] =	wrdreg s23  }
0x24: {  	s12 =	sshrl.u32 s30, $0x3;
	s30 =	sadd.s32 $0x6D600, s1;
	[smem:$0x7E5] =	sst s22  }
0x25: {  	s7 =	sadd.s32 s18, s2;
	[smem:$0x7EA] =	sst s30  }
0x26: {  	s5 =	sadd.s32 s5, s15;
	s15 =	sadd.s32 s14, s2;
	[dreg:$0x7] =	wrdreg s7  }
0x27: {  	s31 =	simm.s32 $0x1;
	s13 =	sadd.s32 s12, s2;
	[dreg:$0xd] =	wrdreg s15  }
0x28: {  	s24 =	sor.u32 $0x1A400, s6;
	s23 =	sadd.s32 $0x6C800, s1;
	[dreg:$0x13] =	wrdreg s13  }
0x29: {  	s25 =	sshrl.u32 s24, $0x3;
	s24 =	sadd.s32 $0x6CB80, s1;
	[smem:$0x7E6] =	sst s23  }
0x2a: {  	s28 =	simm.s32 $0x40;
	s12 =	sadd.s32 $0x6EB00, s1;
	[smem:$0x7E7] =	sst s24  }
0x2b: {  	s16 =	sor.u32 $0x24C00, s6;
	s30 =	sadd.s32 $0x96, s11;
	[smem:$0x7F0] =	sst s12  }
0x2c: {  	s18 =	sor.u32 $0x23000, s6;
	s7 =	sadd.s32 s21, s2;
	[smem:$0x7FD] =	sst s30  }
0x2d: {  	s14 =	sor.u32 $0x15000, s6;
	s13 =	sadd.s32 $0x6EE80, s1;
	[dreg:$0x8] =	wrdreg s7  }
0x2e: {  	s15 =	sshrl.u32 s14, $0x3;
	s14 =	sadd.s32 $0x6F200, s1;
	[smem:$0x7F1] =	sst s13  }
0x2f: {  	s8 =	sshrl.u32 s18, $0x3;
	s7 =	sadd.s32 s9, s2;
	[smem:$0x7F2] =	sst s14  }
0x30: {  	s26 =	sor.u32 $0x18800, s6;
	s21 =	sadd.s32 s8, s2;
	[dreg:$0xb] =	wrdreg s7  }
0x31: {  	s8 =	sshrl.u32 s26, $0x3;
	s26 =	sadd.s32 $0x6D280, s1;
	[dreg:$0xf] =	wrdreg s21  }
0x32: {  	s17 =	sshrl.u32 s16, $0x3;
	s9 =	sadd.s32 $0x6E400, s1;
	[smem:$0x7E9] =	sst s26  }
0x33: {  	s29 =	simm.s32 $0x80;
	s7 =	sadd.s32 s17, s2;
	[smem:$0x7EE] =	sst s9  }
0x34: {  	s16 =	sor.u32 $0x13400, s6;
	s10 =	sadd.s32 s8, s2;
	[dreg:$0xe] =	wrdreg s7  }
0x35: {  	s19 =	sadd.s32 $0x960, s5;
	s17 =	sadd.s32 $0x6BA00, s1;
	[dreg:$0x12] =	wrdreg s10  }
0x36: {  	s6 =	sor.u32 $0x11800, s6;
	s21 =	sadd.s32 $0x6C100, s1;
	[smem:$0x7E2] =	sst s17  }
0x37: {  	s8 =	sshrl.u32 s16, $0x3;
	s16 =	sadd.s32 $0x6F900, s1;
	[smem:$0x7E4] =	sst s21  }
0x38: {  	s22 =	sadd.s32 $0x7D0, s5;
	s26 =	sadd.s32 $0x64, s11;
	[smem:$0x7F4] =	sst s16  }
0x39: {  	s6 =	sshrl.u32 s6, $0x3;
	s7 =	sadd.s32 s25, s2;
	[smem:$0x7FC] =	sst s26  }
0x3a: {  	s24 =	sshrl.u32 s22, $0x3;
	s18 =	sadd.s32 s8, s2;
	[dreg:$0x11] =	wrdreg s7  }
0x3b: {  	s22 =	simm.s32 $0x320;
	s25 =	sadd.s32 $0x6CF00, s1;
	[dreg:$0x15] =	wrdreg s18  }
0x3c: {  	s9 =	simm.s32 $0x5;
	s8 =	sadd.s32 $0x6E080, s1;
	[smem:$0x7E8] =	sst s25  }
0x3d: {  	s10 =	sadd.s32 $0x6E780, s1;
	s17 =	sadd.s32 $0xAF0, s5;
	[smem:$0x7ED] =	sst s8  }
0x3e: {  	s21 =	sadd.s32 $0x640, s5;
	s16 =	simm.s32 $0x4;
	[smem:$0x7EF] =	sst s10  }
0x3f: {  	s5 =	simm.s32 $0x0;
	s7 =	sadd.s32 s15, s2;
	[smem:$0x7F7] =	sst s21  }
0x40: {  	s26 =	simm.s32 $0x13240;
	s2 =	sadd.s32 s6, s2;
	[dreg:$0x14] =	wrdreg s7  }
0x41: {  	s6 =	sadd.s32 $0x6D980, s1;
	s15 =	sadd.s32 $0x6F580, s1;
	[dreg:$0x16] =	wrdreg s2  }
0x42: {  	s18 =	sshrl.u32 s17, $0x3;
	s25 =	sadd.s32 $0x32, s11;
	[smem:$0x7EB] =	sst s6  }
0x43: {  	s10 =	simm.s32 $0x2;
	s11 =	simm.s32 $0x7;
	[smem:$0x7F3] =	sst s15  }
0x44: {  	s7 =	sadd.s32 $0x6DD00, s1;
	s1 =	sadd.s32 $0x6FC80, s1;
	[smem:$0x7FB] =	sst s25  }
0x45: {  	s0 =	sadd.s32 s18, s20;
	s18 =	simm.s32 $0x9;
	[smem:$0x7EC] =	sst s7  }
0x46: {  	s15 =	simm.s32 $0x6;
	s2 =	simm.s32 $0x3;
	[smem:$0x7F5] =	sst s1  }
0x47: {  	s1 =	sshrl.u32 s19, $0x3;
	[smem:$0x7F8] =	sst s0;
	s0 =	sadd.s32 s24, s20  }
0x48: {  	s25 =	simm.s32 $0x4B0;
	s23 =	sadd.s32 s1, s20;
	[smem:$0x7FA] =	sst s0  }
0x49: {  	s19 =	simm.s32 $0x190;
	s0 =	simm.s32 $0x8;
	[smem:$0x7F9] =	sst s23  }
.LBB2_1:
0x4a: {  	[smem:$0x7DD] =	sst s5  }
0x4b: {  	s1 =	rddreg [dreg:$0x17]  }
0x4c: {  	[tilespmem:s3], [sflag:$0x9] =	stream.linear.gather [hbm4b:s1+s3], $0x190, $0x38;
	[tilespmem:$0x19640] =	vst v63  }
0x4d: {  	_ =	swait.ge [sflag:s18], $0x190  }
0x4e: {  	[sflag:s18] =	ssyncset.done $0x0  }
0x4f: {  	s12 =	simm.s32 $0x640;
	s17 =	sld [smem:$0x7FB];
	[sflag:s18] =	ssyncadd.s32 $0xFFFFFE70  }
0x50: {  	[tilespmem:s12], [sflag:$0x1] =	stream.indirect.gather [hbm4b:s4+s19], $0x40, s3, s19, $0xb8;
	[tilespmem:$0x19640] =	vst v63  }
0x51: {  	_ = 	snop  }
0x52: {  	[tilespmem:s19], [sflag:$0x9] =	stream.linear.gather [hbm4b:s17+s3], $0x190, $0x38;
	[tilespmem:$0x19640] =	vst v63  }
0x53: {  	_ =	swait.ge [sflag:s18], $0x190  }
0x54: {  	[sflag:s18] =	ssyncset.done $0x0  }
0x55: {  	s13 =	simm.s32 $0x6A40;
	s21 =	sld [smem:$0x7FC];
	[sflag:s18] =	ssyncadd.s32 $0xFFFFFE70  }
0x56: {  	[tilespmem:s13], [sflag:$0x2] =	stream.indirect.gather [hbm4b:s4+s19], $0x40, s19, s19, $0xb8;
	[tilespmem:$0x19640] =	vst v63  }
0x57: {  	_ = 	snop  }
0x58: {  	[tilespmem:s22], [sflag:$0x9] =	stream.linear.gather [hbm4b:s21+s3], $0x190, $0x38;
	[tilespmem:$0x19640] =	vst v63  }
0x59: {  	_ =	swait.ge [sflag:s18], $0x190  }
0x5a: {  	[sflag:s18] =	ssyncset.done $0x0  }
0x5b: {  	s14 =	simm.s32 $0xCE40;
	s23 =	sld [smem:$0x7FD];
	[sflag:s18] =	ssyncadd.s32 $0xFFFFFE70  }
0x5c: {  	[tilespmem:s14], [sflag:$0x3] =	stream.indirect.gather [hbm4b:s4+s19], $0x40, s22, s19, $0xb8;
	[tilespmem:$0x19640] =	vst v63  }
0x5d: {  	s17 =	simm.s32 $0x4B0  }
0x5e: {  	[tilespmem:s17], [sflag:$0x9] =	stream.linear.gather [hbm4b:s23+s3], $0x190, $0x38;
	[tilespmem:$0x19640] =	vst v63  }
0x5f: {  	_ =	swait.ge [sflag:s18], $0x190  }
0x60: {  	[sflag:s18] =	ssyncset.done $0x0  }
0x61: {  	s21 =	simm.s32 $0x13240;
	[sflag:s18] =	ssyncadd.s32 $0xFFFFFE70  }
0x62: {  	[tilespmem:s21], [sflag:$0x4] =	stream.indirect.gather [hbm4b:s4+s19], $0x40, s17, s19, $0xb8;
	[tilespmem:$0x19640] =	vst v63  }
0x63: {  	_ =	swait.ge [sflag:s31], $0x6400  }
0x64: {  	s24 =	rddreg [dreg:$0x6];
	[sflag:s31] =	ssyncset.done $0x0  }
0x65: {  	[sflag:s31] =	ssyncadd.s32 $0xFFFF9C00;
	s1 =	sadd.s32 $0x0, s24  }
0x66: {  	[hbm4b:s1+s28] =	stream.strided.scatter [tilespmem:s12], [sflag:$0x5], $0xC80, s29, s28, $0x38;
	[tilespmem:$0x19640] =	vst v63  }
0x67: {  	s6 =	simm.s32 $0x12C0;
	s30 =	sadd.s32 $0x380, s1  }
0x68: {  	[hbm4b:s30+s28] =	stream.strided.scatter [tilespmem:s6], [sflag:$0x5], $0xC80, s29, s28, $0x38;
	[tilespmem:$0x19640] =	vst v63  }
0x69: {  	s8 =	simm.s32 $0x1F40;
	s7 =	sadd.s32 $0x700, s1  }
0x6a: {  	[hbm4b:s7+s28] =	stream.strided.scatter [tilespmem:s8], [sflag:$0x5], $0xC80, s29, s28, $0x38;
	[tilespmem:$0x19640] =	vst v63  }
0x6b: {  	s23 =	sadd.s32 $0xA80, s1;
	s7 =	simm.s32 $0x2BC0  }
0x6c: {  	[hbm4b:s23+s28] =	stream.strided.scatter [tilespmem:s7], [sflag:$0x5], $0xC80, s29, s28, $0x38;
	[tilespmem:$0x19640] =	vst v63  }
0x6d: {  	s24 =	rddreg [dreg:$0x5];
	s30 =	sadd.s32 $0xE00, s1;
	s8 =	simm.s32 $0x3840  }
0x6e: {  	[hbm4b:s30+s28] =	stream.strided.scatter [tilespmem:s8], [sflag:$0x5], $0xC80, s29, s28, $0x38;
	[tilespmem:$0x19640] =	vst v63  }
0x6f: {  	s7 =	rddreg [dreg:$0x4];
	s23 =	sadd.s32 $0x0, s24;
	s30 =	simm.s32 $0x44C0  }
0x70: {  	[hbm4b:s23+s28] =	stream.strided.scatter [tilespmem:s30], [sflag:$0x5], $0xC80, s29, s28, $0x38;
	[tilespmem:$0x19640] =	vst v63  }
0x71: {  	s24 =	rddreg [dreg:$0x3];
	s7 =	sadd.s32 $0x0, s7;
	s8 =	simm.s32 $0x5140  }
0x72: {  	[hbm4b:s7+s28] =	stream.strided.scatter [tilespmem:s8], [sflag:$0x5], $0xC80, s29, s28, $0x38;
	[tilespmem:$0x19640] =	vst v63  }
0x73: {  	s8 =	sld [smem:$0x7F7]  }
0x74: {  	s23 =	sadd.s32 $0x0, s24;
	s30 =	simm.s32 $0x5DC0  }
0x75: {  	[hbm4b:s23+s28] =	stream.strided.scatter [tilespmem:s30], [sflag:$0x5], $0xC80, s29, s28, $0x38;
	[tilespmem:$0x19640] =	vst v63  }
0x76: {  	s24 =	sshrl.u32 s8, $0x3  }
0x77: {  	s7 =	sadd.s32 s20, s24  }
0x78: {  	[tilespmem:s3], [sflag:$0x9] =	stream.linear.gather [hbm4b:s7+s3], $0x190, $0x38;
	[tilespmem:$0x19640] =	vst v63  }
0x79: {  	_ =	swait.ge [sflag:s18], $0x190  }
0x7a: {  	[sflag:s18] =	ssyncset.done $0x0  }
0x7b: {  	[sflag:s18] =	ssyncadd.s32 $0xFFFFFE70  }
0x7c: {  	_ =	swait.ge [sflag:s9], $0xC80  }
0x7d: {  	[sflag:s9] =	ssyncset.done $0x0  }
0x7e: {  	[sflag:s9] =	ssyncadd.s32 $0xFFFFF380  }
0x7f: {  	_ =	swait.ge [sflag:s9], $0xC80  }
0x80: {  	[sflag:s9] =	ssyncset.done $0x0  }
0x81: {  	[sflag:s9] =	ssyncadd.s32 $0xFFFFF380  }
0x82: {  	_ =	swait.ge [sflag:s9], $0xC80  }
0x83: {  	[sflag:s9] =	ssyncset.done $0x0  }
0x84: {  	[sflag:s9] =	ssyncadd.s32 $0xFFFFF380  }
0x85: {  	_ =	swait.ge [sflag:s9], $0xC80  }
0x86: {  	[sflag:s9] =	ssyncset.done $0x0  }
0x87: {  	[sflag:s9] =	ssyncadd.s32 $0xFFFFF380  }
0x88: {  	_ =	swait.ge [sflag:s9], $0xC80  }
0x89: {  	[sflag:s9] =	ssyncset.done $0x0  }
0x8a: {  	[sflag:s9] =	ssyncadd.s32 $0xFFFFF380  }
0x8b: {  	_ =	swait.ge [sflag:s9], $0xC80  }
0x8c: {  	[sflag:s9] =	ssyncset.done $0x0  }
0x8d: {  	[sflag:s9] =	ssyncadd.s32 $0xFFFFF380  }
0x8e: {  	_ =	swait.ge [sflag:s9], $0xC80  }
0x8f: {  	[sflag:s9] =	ssyncset.done $0x0  }
0x90: {  	[sflag:s9] =	ssyncadd.s32 $0xFFFFF380  }
0x91: {  	_ =	swait.ge [sflag:s9], $0xC80  }
0x92: {  	[sflag:s9] =	ssyncset.done $0x0  }
0x93: {  	[sflag:s9] =	ssyncadd.s32 $0xFFFFF380  }
0x94: {  	[tilespmem:s12], [sflag:$0x1] =	stream.indirect.gather [hbm4b:s4+s19], $0x40, s3, s19, $0xb8;
	[tilespmem:$0x19640] =	vst v63  }
0x95: {  	_ =	swait.ge [sflag:s10], $0x6400  }
0x96: {  	[sflag:s10] =	ssyncset.done $0x0  }
0x97: {  	s12 =	sadd.s32 $0x1C00, s1;
	[sflag:s10] =	ssyncadd.s32 $0xFFFF9C00  }
0x98: {  	[hbm4b:s12+s28] =	stream.strided.scatter [tilespmem:s13], [sflag:$0x6], $0xC80, s29, s28, $0x38;
	[tilespmem:$0x19640] =	vst v63  }
0x99: {  	s23 =	sadd.s32 $0x1F80, s1;
	s30 =	simm.s32 $0x76C0;
	s20 =	rddreg [dreg:$0x16]  }
0x9a: {  	[hbm4b:s23+s28] =	stream.strided.scatter [tilespmem:s30], [sflag:$0x6], $0xC80, s29, s28, $0x38;
	[tilespmem:$0x19640] =	vst v63  }
0x9b: {  	s24 =	rddreg [dreg:$0x15];
	s12 =	sadd.s32 $0x0, s20;
	s20 =	simm.s32 $0x8340  }
0x9c: {  	[hbm4b:s12+s28] =	stream.strided.scatter [tilespmem:s20], [sflag:$0x6], $0xC80, s29, s28, $0x38;
	[tilespmem:$0x19640] =	vst v63  }
0x9d: {  	s6 =	rddreg [dreg:$0x14];
	s23 =	sadd.s32 $0x0, s24;
	s30 =	simm.s32 $0x8FC0  }
0x9e: {  	[hbm4b:s23+s28] =	stream.strided.scatter [tilespmem:s30], [sflag:$0x6], $0xC80, s29, s28, $0x38;
	[tilespmem:$0x19640] =	vst v63  }
0x9f: {  	s24 =	rddreg [dreg:$0x13];
	s12 =	sadd.s32 $0x0, s6;
	s20 =	simm.s32 $0x9C40  }
0xa0: {  	[hbm4b:s12+s28] =	stream.strided.scatter [tilespmem:s20], [sflag:$0x6], $0xC80, s29, s28, $0x38;
	[tilespmem:$0x19640] =	vst v63  }
0xa1: {  	s6 =	rddreg [dreg:$0x12];
	s23 =	sadd.s32 $0x0, s24;
	s30 =	simm.s32 $0xA8C0  }
0xa2: {  	[hbm4b:s23+s28] =	stream.strided.scatter [tilespmem:s30], [sflag:$0x6], $0xC80, s29, s28, $0x38;
	[tilespmem:$0x19640] =	vst v63  }
0xa3: {  	s24 =	rddreg [dreg:$0x11];
	s20 =	sadd.s32 $0x0, s6;
	s23 =	simm.s32 $0xB540  }
0xa4: {  	[hbm4b:s20+s28] =	stream.strided.scatter [tilespmem:s23], [sflag:$0x6], $0xC80, s29, s28, $0x38;
	[tilespmem:$0x19640] =	vst v63  }
0xa5: {  	s24 =	sadd.s32 $0x0, s24;
	s12 =	sld [smem:$0x7FA];
	s30 =	simm.s32 $0xC1C0  }
0xa6: {  	[hbm4b:s24+s28] =	stream.strided.scatter [tilespmem:s30], [sflag:$0x6], $0xC80, s29, s28, $0x38;
	[tilespmem:$0x19640] =	vst v63  }
0xa7: {  	_ = 	snop  }
0xa8: {  	[tilespmem:s19], [sflag:$0x9] =	stream.linear.gather [hbm4b:s12+s3], $0x190, $0x38;
	[tilespmem:$0x19640] =	vst v63  }
0xa9: {  	_ =	swait.ge [sflag:s18], $0x190  }
0xaa: {  	[sflag:s18] =	ssyncset.done $0x0  }
0xab: {  	[sflag:s18] =	ssyncadd.s32 $0xFFFFFE70  }
0xac: {  	_ =	swait.ge [sflag:s15], $0xC80  }
0xad: {  	[sflag:s15] =	ssyncset.done $0x0  }
0xae: {  	[sflag:s15] =	ssyncadd.s32 $0xFFFFF380  }
0xaf: {  	_ =	swait.ge [sflag:s15], $0xC80  }
0xb0: {  	[sflag:s15] =	ssyncset.done $0x0  }
0xb1: {  	[sflag:s15] =	ssyncadd.s32 $0xFFFFF380  }
0xb2: {  	_ =	swait.ge [sflag:s15], $0xC80  }
0xb3: {  	[sflag:s15] =	ssyncset.done $0x0  }
0xb4: {  	[sflag:s15] =	ssyncadd.s32 $0xFFFFF380  }
0xb5: {  	_ =	swait.ge [sflag:s15], $0xC80  }
0xb6: {  	[sflag:s15] =	ssyncset.done $0x0  }
0xb7: {  	[sflag:s15] =	ssyncadd.s32 $0xFFFFF380  }
0xb8: {  	_ =	swait.ge [sflag:s15], $0xC80  }
0xb9: {  	[sflag:s15] =	ssyncset.done $0x0  }
0xba: {  	[sflag:s15] =	ssyncadd.s32 $0xFFFFF380  }
0xbb: {  	_ =	swait.ge [sflag:s15], $0xC80  }
0xbc: {  	[sflag:s15] =	ssyncset.done $0x0  }
0xbd: {  	[sflag:s15] =	ssyncadd.s32 $0xFFFFF380  }
0xbe: {  	_ =	swait.ge [sflag:s15], $0xC80  }
0xbf: {  	[sflag:s15] =	ssyncset.done $0x0  }
0xc0: {  	[sflag:s15] =	ssyncadd.s32 $0xFFFFF380  }
0xc1: {  	_ =	swait.ge [sflag:s15], $0xC80  }
0xc2: {  	[sflag:s15] =	ssyncset.done $0x0  }
0xc3: {  	[sflag:s15] =	ssyncadd.s32 $0xFFFFF380  }
0xc4: {  	[tilespmem:s13], [sflag:$0x2] =	stream.indirect.gather [hbm4b:s4+s19], $0x40, s19, s19, $0xb8;
	[tilespmem:$0x19640] =	vst v63  }
0xc5: {  	_ =	swait.ge [sflag:s2], $0x6400  }
0xc6: {  	[sflag:s2] =	ssyncset.done $0x0  }
0xc7: {  	s7 =	sadd.s32 $0x3800, s1;
	[sflag:s2] =	ssyncadd.s32 $0xFFFF9C00  }
0xc8: {  	[hbm4b:s7+s28] =	stream.strided.scatter [tilespmem:s14], [sflag:$0x7], $0xC80, s29, s28, $0x38;
	[tilespmem:$0x19640] =	vst v63  }
0xc9: {  	s20 =	simm.s32 $0xDAC0;
	s13 =	sadd.s32 $0x3B80, s1  }
0xca: {  	[hbm4b:s13+s28] =	stream.strided.scatter [tilespmem:s20], [sflag:$0x7], $0xC80, s29, s28, $0x38;
	[tilespmem:$0x19640] =	vst v63  }
0xcb: {  	s23 =	sadd.s32 $0x3F00, s1;
	s30 =	simm.s32 $0xE740;
	s6 =	rddreg [dreg:$0x10]  }
0xcc: {  	[hbm4b:s23+s28] =	stream.strided.scatter [tilespmem:s30], [sflag:$0x7], $0xC80, s29, s28, $0x38;
	[tilespmem:$0x19640] =	vst v63  }
0xcd: {  	s24 =	rddreg [dreg:$0xf];
	s13 =	sadd.s32 $0x0, s6;
	s20 =	simm.s32 $0xF3C0  }
0xce: {  	[hbm4b:s13+s28] =	stream.strided.scatter [tilespmem:s20], [sflag:$0x7], $0xC80, s29, s28, $0x38;
	[tilespmem:$0x19640] =	vst v63  }
0xcf: {  	s6 =	rddreg [dreg:$0xe];
	s23 =	sadd.s32 $0x0, s24;
	s30 =	simm.s32 $0x10040  }
0xd0: {  	[hbm4b:s23+s28] =	stream.strided.scatter [tilespmem:s30], [sflag:$0x7], $0xC80, s29, s28, $0x38;
	[tilespmem:$0x19640] =	vst v63  }
0xd1: {  	s24 =	rddreg [dreg:$0xd];
	s13 =	sadd.s32 $0x0, s6;
	s23 =	simm.s32 $0x10CC0  }
0xd2: {  	[hbm4b:s13+s28] =	stream.strided.scatter [tilespmem:s23], [sflag:$0x7], $0xC80, s29, s28, $0x38;
	[tilespmem:$0x19640] =	vst v63  }
0xd3: {  	s24 =	sadd.s32 $0x0, s24;
	s20 =	rddreg [dreg:$0xc];
	s30 =	simm.s32 $0x11940  }
0xd4: {  	[hbm4b:s24+s28] =	stream.strided.scatter [tilespmem:s30], [sflag:$0x7], $0xC80, s29, s28, $0x38;
	[tilespmem:$0x19640] =	vst v63  }
0xd5: {  	s7 =	sld [smem:$0x7F9];
	s13 =	sadd.s32 $0x0, s20;
	s20 =	simm.s32 $0x125C0  }
0xd6: {  	[hbm4b:s13+s28] =	stream.strided.scatter [tilespmem:s20], [sflag:$0x7], $0xC80, s29, s28, $0x38;
	[tilespmem:$0x19640] =	vst v63  }
0xd7: {  	_ = 	snop  }
0xd8: {  	[tilespmem:s22], [sflag:$0x9] =	stream.linear.gather [hbm4b:s7+s3], $0x190, $0x38;
	[tilespmem:$0x19640] =	vst v63  }
0xd9: {  	_ =	swait.ge [sflag:s18], $0x190  }
0xda: {  	[sflag:s18] =	ssyncset.done $0x0  }
0xdb: {  	[sflag:s18] =	ssyncadd.s32 $0xFFFFFE70  }
0xdc: {  	_ =	swait.ge [sflag:s11], $0xC80  }
0xdd: {  	[sflag:s11] =	ssyncset.done $0x0  }
0xde: {  	[sflag:s11] =	ssyncadd.s32 $0xFFFFF380  }
0xdf: {  	_ =	swait.ge [sflag:s11], $0xC80  }
0xe0: {  	[sflag:s11] =	ssyncset.done $0x0  }
0xe1: {  	[sflag:s11] =	ssyncadd.s32 $0xFFFFF380  }
0xe2: {  	_ =	swait.ge [sflag:s11], $0xC80  }
0xe3: {  	[sflag:s11] =	ssyncset.done $0x0  }
0xe4: {  	[sflag:s11] =	ssyncadd.s32 $0xFFFFF380  }
0xe5: {  	_ =	swait.ge [sflag:s11], $0xC80  }
0xe6: {  	[sflag:s11] =	ssyncset.done $0x0  }
0xe7: {  	[sflag:s11] =	ssyncadd.s32 $0xFFFFF380  }
0xe8: {  	_ =	swait.ge [sflag:s11], $0xC80  }
0xe9: {  	[sflag:s11] =	ssyncset.done $0x0  }
0xea: {  	[sflag:s11] =	ssyncadd.s32 $0xFFFFF380  }
0xeb: {  	_ =	swait.ge [sflag:s11], $0xC80  }
0xec: {  	[sflag:s11] =	ssyncset.done $0x0  }
0xed: {  	[sflag:s11] =	ssyncadd.s32 $0xFFFFF380  }
0xee: {  	_ =	swait.ge [sflag:s11], $0xC80  }
0xef: {  	[sflag:s11] =	ssyncset.done $0x0  }
0xf0: {  	[sflag:s11] =	ssyncadd.s32 $0xFFFFF380  }
0xf1: {  	_ =	swait.ge [sflag:s11], $0xC80  }
0xf2: {  	[sflag:s11] =	ssyncset.done $0x0  }
0xf3: {  	[sflag:s11] =	ssyncadd.s32 $0xFFFFF380  }
0xf4: {  	[tilespmem:s14], [sflag:$0x3] =	stream.indirect.gather [hbm4b:s4+s19], $0x40, s22, s19, $0xb8;
	[tilespmem:$0x19640] =	vst v63  }
0xf5: {  	_ =	swait.ge [sflag:s16], $0x6400  }
0xf6: {  	[sflag:s16] =	ssyncset.done $0x0  }
0xf7: {  	s22 =	sadd.s32 $0x5400, s1;
	[sflag:s16] =	ssyncadd.s32 $0xFFFF9C00  }
0xf8: {  	[hbm4b:s22+s28] =	stream.strided.scatter [tilespmem:s21], [sflag:$0x8], $0xC80, s29, s28, $0x38;
	[tilespmem:$0x19640] =	vst v63  }
0xf9: {  	s24 =	sadd.s32 $0x5780, s1;
	s30 =	simm.s32 $0x13EC0;
	s23 =	rddreg [dreg:$0xb]  }
0xfa: {  	[hbm4b:s24+s28] =	stream.strided.scatter [tilespmem:s30], [sflag:$0x8], $0xC80, s29, s28, $0x38;
	[tilespmem:$0x19640] =	vst v63  }
0xfb: {  	s20 =	simm.s32 $0x14B40;
	s13 =	sadd.s32 $0x0, s23  }
0xfc: {  	[hbm4b:s13+s28] =	stream.strided.scatter [tilespmem:s20], [sflag:$0x8], $0xC80, s29, s28, $0x38;
	[tilespmem:$0x19640] =	vst v63  }
0xfd: {  	s1 =	sadd.s32 $0x5E80, s1;
	s14 =	rddreg [dreg:$0xa];
	s22 =	simm.s32 $0x157C0  }
0xfe: {  	[hbm4b:s1+s28] =	stream.strided.scatter [tilespmem:s22], [sflag:$0x8], $0xC80, s29, s28, $0x38;
	[tilespmem:$0x19640] =	vst v63  }
0xff: {  	s23 =	sadd.s32 $0x0, s14;
	s21 =	rddreg [dreg:$0x9];
	s30 =	simm.s32 $0x16440  }
0x100: {  	[hbm4b:s23+s28] =	stream.strided.scatter [tilespmem:s30], [sflag:$0x8], $0xC80, s29, s28, $0x38;
	[tilespmem:$0x19640] =	vst v63  }
0x101: {  	s24 =	rddreg [dreg:$0x8];
	s13 =	sadd.s32 $0x0, s21;
	s20 =	simm.s32 $0x170C0  }
0x102: {  	[hbm4b:s13+s28] =	stream.strided.scatter [tilespmem:s20], [sflag:$0x8], $0xC80, s29, s28, $0x38;
	[tilespmem:$0x19640] =	vst v63  }
0x103: {  	s14 =	rddreg [dreg:$0x7];
	s21 =	sadd.s32 $0x0, s24;
	s22 =	simm.s32 $0x17D40  }
0x104: {  	[hbm4b:s21+s28] =	stream.strided.scatter [tilespmem:s22], [sflag:$0x8], $0xC80, s29, s28, $0x38;
	[tilespmem:$0x19640] =	vst v63  }
0x105: {  	s24 =	simm.s32 $0x189C0;
	s23 =	sadd.s32 $0x0, s14;
	s30 =	sld [smem:$0x7F8]  }
0x106: {  	[hbm4b:s23+s28] =	stream.strided.scatter [tilespmem:s24], [sflag:$0x8], $0xC80, s29, s28, $0x38;
	[tilespmem:$0x19640] =	vst v63  }
0x107: {  	_ = 	snop  }
0x108: {  	[tilespmem:s17], [sflag:$0x9] =	stream.linear.gather [hbm4b:s30+s3], $0x190, $0x38;
	[tilespmem:$0x19640] =	vst v63  }
0x109: {  	_ =	swait.ge [sflag:s18], $0x190  }
0x10a: {  	[sflag:s18] =	ssyncset.done $0x0  }
0x10b: {  	[sflag:s18] =	ssyncadd.s32 $0xFFFFFE70  }
0x10c: {  	_ =	swait.ge [sflag:s0], $0xC80  }
0x10d: {  	[sflag:s0] =	ssyncset.done $0x0  }
0x10e: {  	[sflag:s0] =	ssyncadd.s32 $0xFFFFF380  }
0x10f: {  	_ =	swait.ge [sflag:s0], $0xC80  }
0x110: {  	[sflag:s0] =	ssyncset.done $0x0  }
0x111: {  	[sflag:s0] =	ssyncadd.s32 $0xFFFFF380  }
0x112: {  	_ =	swait.ge [sflag:s0], $0xC80  }
0x113: {  	[sflag:s0] =	ssyncset.done $0x0  }
0x114: {  	[sflag:s0] =	ssyncadd.s32 $0xFFFFF380  }
0x115: {  	_ =	swait.ge [sflag:s0], $0xC80  }
0x116: {  	[sflag:s0] =	ssyncset.done $0x0  }
0x117: {  	[sflag:s0] =	ssyncadd.s32 $0xFFFFF380  }
0x118: {  	_ =	swait.ge [sflag:s0], $0xC80  }
0x119: {  	[sflag:s0] =	ssyncset.done $0x0  }
0x11a: {  	[sflag:s0] =	ssyncadd.s32 $0xFFFFF380  }
0x11b: {  	_ =	swait.ge [sflag:s0], $0xC80  }
0x11c: {  	[sflag:s0] =	ssyncset.done $0x0  }
0x11d: {  	[sflag:s0] =	ssyncadd.s32 $0xFFFFF380  }
0x11e: {  	_ =	swait.ge [sflag:s0], $0xC80  }
0x11f: {  	[sflag:s0] =	ssyncset.done $0x0  }
0x120: {  	[sflag:s0] =	ssyncadd.s32 $0xFFFFF380  }
0x121: {  	s8 =	sadd.s32 $0x640, s8;
	_ =	swait.ge [sflag:s0], $0xC80  }
0x122: {  	s6 =	sadd.s32 $0xC8, s7;
	s7 =	sadd.s32 $0xC8, s12;
	[sflag:s0] =	ssyncset.done $0x0  }
0x123: {  	s1 =	simm.s32 $0x7000;
	s17 =	sadd.s32 $0xC8, s30;
	[sflag:s0] =	ssyncadd.s32 $0xFFFFF380  }
.LBB2_2:
0x124: {  	[tilespmem:s26], [sflag:$0x4] =	stream.indirect.gather [hbm4b:s4+s19], $0x40, s25, s19, $0xb8;
	[tilespmem:$0x19640] =	vst v63  }
0x125: {  	_ =	swait.ge [sflag:s31], $0x6400  }
0x126: {  	s5 =	smov.u32 s1;
	s12 =	rddreg [dreg:$0x6];
	[sflag:s31] =	ssyncset.done $0x0  }
0x127: {  	s21 =	simm.s32 $0x640;
	[sflag:s31] =	ssyncadd.s32 $0xFFFF9C00;
	s12 =	sadd.s32 s5, s12  }
0x128: {  	[hbm4b:s12+s28] =	stream.strided.scatter [tilespmem:s21], [sflag:$0x5], $0xC80, s29, s28, $0x38;
	[tilespmem:$0x19640] =	vst v63  }
0x129: {  	s14 =	simm.s32 $0x12C0;
	s13 =	sadd.s32 $0x380, s12  }
0x12a: {  	[hbm4b:s13+s28] =	stream.strided.scatter [tilespmem:s14], [sflag:$0x5], $0xC80, s29, s28, $0x38;
	[tilespmem:$0x19640] =	vst v63  }
0x12b: {  	s20 =	simm.s32 $0x1F40;
	s14 =	sadd.s32 $0x700, s12  }
0x12c: {  	[hbm4b:s14+s28] =	stream.strided.scatter [tilespmem:s20], [sflag:$0x5], $0xC80, s29, s28, $0x38;
	[tilespmem:$0x19640] =	vst v63  }
0x12d: {  	s30 =	simm.s32 $0x2BC0;
	s23 =	rddreg [dreg:$0x5];
	s22 =	sadd.s32 $0xA80, s12  }
0x12e: {  	[hbm4b:s22+s28] =	stream.strided.scatter [tilespmem:s30], [sflag:$0x5], $0xC80, s29, s28, $0x38;
	[tilespmem:$0x19640] =	vst v63  }
0x12f: {  	s24 =	sadd.s32 $0xE00, s12;
	s20 =	simm.s32 $0x3840;
	s30 =	rddreg [dreg:$0x4]  }
0x130: {  	[hbm4b:s24+s28] =	stream.strided.scatter [tilespmem:s20], [sflag:$0x5], $0xC80, s29, s28, $0x38;
	[tilespmem:$0x19640] =	vst v63  }
0x131: {  	s22 =	sadd.s32 s5, s23;
	s23 =	rddreg [dreg:$0x3];
	s24 =	simm.s32 $0x44C0  }
0x132: {  	[hbm4b:s22+s28] =	stream.strided.scatter [tilespmem:s24], [sflag:$0x5], $0xC80, s29, s28, $0x38;
	[tilespmem:$0x19640] =	vst v63  }
0x133: {  	s23 =	sadd.s32 s5, s23;
	s20 =	sadd.s32 s5, s30;
	s22 =	simm.s32 $0x5140  }
0x134: {  	[hbm4b:s20+s28] =	stream.strided.scatter [tilespmem:s22], [sflag:$0x5], $0xC80, s29, s28, $0x38;
	[tilespmem:$0x19640] =	vst v63  }
0x135: {  	s30 =	simm.s32 $0x5DC0;
	s24 =	sshrl.u32 s8, $0x3;
	s20 =	rddreg [dreg:$0x1]  }
0x136: {  	[hbm4b:s23+s28] =	stream.strided.scatter [tilespmem:s30], [sflag:$0x5], $0xC80, s29, s28, $0x38;
	[tilespmem:$0x19640] =	vst v63  }
0x137: {  	s13 =	sadd.s32 s20, s24  }
0x138: {  	[tilespmem:s3], [sflag:$0x9] =	stream.linear.gather [hbm4b:s13+s3], $0x190, $0x38;
	[tilespmem:$0x19640] =	vst v63  }
0x139: {  	_ =	swait.ge [sflag:s18], $0x190  }
0x13a: {  	[sflag:s18] =	ssyncset.done $0x0  }
0x13b: {  	[sflag:s18] =	ssyncadd.s32 $0xFFFFFE70  }
0x13c: {  	_ =	swait.ge [sflag:s9], $0xC80  }
0x13d: {  	[sflag:s9] =	ssyncset.done $0x0  }
0x13e: {  	[sflag:s9] =	ssyncadd.s32 $0xFFFFF380  }
0x13f: {  	_ =	swait.ge [sflag:s9], $0xC80  }
0x140: {  	[sflag:s9] =	ssyncset.done $0x0  }
0x141: {  	[sflag:s9] =	ssyncadd.s32 $0xFFFFF380  }
0x142: {  	_ =	swait.ge [sflag:s9], $0xC80  }
0x143: {  	[sflag:s9] =	ssyncset.done $0x0  }
0x144: {  	[sflag:s9] =	ssyncadd.s32 $0xFFFFF380  }
0x145: {  	_ =	swait.ge [sflag:s9], $0xC80  }
0x146: {  	[sflag:s9] =	ssyncset.done $0x0  }
0x147: {  	[sflag:s9] =	ssyncadd.s32 $0xFFFFF380  }
0x148: {  	_ =	swait.ge [sflag:s9], $0xC80  }
0x149: {  	[sflag:s9] =	ssyncset.done $0x0  }
0x14a: {  	[sflag:s9] =	ssyncadd.s32 $0xFFFFF380  }
0x14b: {  	_ =	swait.ge [sflag:s9], $0xC80  }
0x14c: {  	[sflag:s9] =	ssyncset.done $0x0  }
0x14d: {  	[sflag:s9] =	ssyncadd.s32 $0xFFFFF380  }
0x14e: {  	_ =	swait.ge [sflag:s9], $0xC80  }
0x14f: {  	[sflag:s9] =	ssyncset.done $0x0  }
0x150: {  	[sflag:s9] =	ssyncadd.s32 $0xFFFFF380  }
0x151: {  	_ =	swait.ge [sflag:s9], $0xC80  }
0x152: {  	[sflag:s9] =	ssyncset.done $0x0  }
0x153: {  	[sflag:s9] =	ssyncadd.s32 $0xFFFFF380  }
0x154: {  	[tilespmem:s21], [sflag:$0x1] =	stream.indirect.gather [hbm4b:s4+s19], $0x40, s3, s19, $0xb8;
	[tilespmem:$0x19640] =	vst v63  }
0x155: {  	_ =	swait.ge [sflag:s10], $0x6400  }
0x156: {  	[sflag:s10] =	ssyncset.done $0x0  }
0x157: {  	s22 =	simm.s32 $0x6A40;
	s21 =	sadd.s32 $0x1C00, s12;
	[sflag:s10] =	ssyncadd.s32 $0xFFFF9C00  }
0x158: {  	[hbm4b:s21+s28] =	stream.strided.scatter [tilespmem:s22], [sflag:$0x6], $0xC80, s29, s28, $0x38;
	[tilespmem:$0x19640] =	vst v63  }
0x159: {  	s24 =	simm.s32 $0x76C0;
	s23 =	sadd.s32 $0x1F80, s12;
	s14 =	rddreg [dreg:$0x16]  }
0x15a: {  	[hbm4b:s23+s28] =	stream.strided.scatter [tilespmem:s24], [sflag:$0x6], $0xC80, s29, s28, $0x38;
	[tilespmem:$0x19640] =	vst v63  }
0x15b: {  	s30 =	rddreg [dreg:$0x15];
	s23 =	sadd.s32 s5, s14;
	s24 =	simm.s32 $0x8340  }
0x15c: {  	[hbm4b:s23+s28] =	stream.strided.scatter [tilespmem:s24], [sflag:$0x6], $0xC80, s29, s28, $0x38;
	[tilespmem:$0x19640] =	vst v63  }
0x15d: {  	s14 =	rddreg [dreg:$0x14];
	s23 =	sadd.s32 s5, s30;
	s24 =	simm.s32 $0x8FC0  }
0x15e: {  	[hbm4b:s23+s28] =	stream.strided.scatter [tilespmem:s24], [sflag:$0x6], $0xC80, s29, s28, $0x38;
	[tilespmem:$0x19640] =	vst v63  }
0x15f: {  	s30 =	rddreg [dreg:$0x13];
	s23 =	sadd.s32 s5, s14;
	s24 =	simm.s32 $0x9C40  }
0x160: {  	[hbm4b:s23+s28] =	stream.strided.scatter [tilespmem:s24], [sflag:$0x6], $0xC80, s29, s28, $0x38;
	[tilespmem:$0x19640] =	vst v63  }
0x161: {  	s14 =	rddreg [dreg:$0x12];
	s23 =	sadd.s32 s5, s30;
	s24 =	simm.s32 $0xA8C0  }
0x162: {  	[hbm4b:s23+s28] =	stream.strided.scatter [tilespmem:s24], [sflag:$0x6], $0xC80, s29, s28, $0x38;
	[tilespmem:$0x19640] =	vst v63  }
0x163: {  	s21 =	sadd.s32 s5, s14;
	s30 =	rddreg [dreg:$0x11];
	s23 =	simm.s32 $0xB540  }
0x164: {  	[hbm4b:s21+s28] =	stream.strided.scatter [tilespmem:s23], [sflag:$0x6], $0xC80, s29, s28, $0x38;
	[tilespmem:$0x19640] =	vst v63  }
0x165: {  	s24 =	sadd.s32 s5, s30;
	s30 =	simm.s32 $0xC1C0  }
0x166: {  	[hbm4b:s24+s28] =	stream.strided.scatter [tilespmem:s30], [sflag:$0x6], $0xC80, s29, s28, $0x38;
	[tilespmem:$0x19640] =	vst v63  }
0x167: {  	_ = 	snop  }
0x168: {  	[tilespmem:s19], [sflag:$0x9] =	stream.linear.gather [hbm4b:s7+s3], $0x190, $0x38;
	[tilespmem:$0x19640] =	vst v63  }
0x169: {  	_ =	swait.ge [sflag:s18], $0x190  }
0x16a: {  	[sflag:s18] =	ssyncset.done $0x0  }
0x16b: {  	[sflag:s18] =	ssyncadd.s32 $0xFFFFFE70  }
0x16c: {  	_ =	swait.ge [sflag:s15], $0xC80  }
0x16d: {  	[sflag:s15] =	ssyncset.done $0x0  }
0x16e: {  	[sflag:s15] =	ssyncadd.s32 $0xFFFFF380  }
0x16f: {  	_ =	swait.ge [sflag:s15], $0xC80  }
0x170: {  	[sflag:s15] =	ssyncset.done $0x0  }
0x171: {  	[sflag:s15] =	ssyncadd.s32 $0xFFFFF380  }
0x172: {  	_ =	swait.ge [sflag:s15], $0xC80  }
0x173: {  	[sflag:s15] =	ssyncset.done $0x0  }
0x174: {  	[sflag:s15] =	ssyncadd.s32 $0xFFFFF380  }
0x175: {  	_ =	swait.ge [sflag:s15], $0xC80  }
0x176: {  	[sflag:s15] =	ssyncset.done $0x0  }
0x177: {  	[sflag:s15] =	ssyncadd.s32 $0xFFFFF380  }
0x178: {  	_ =	swait.ge [sflag:s15], $0xC80  }
0x179: {  	[sflag:s15] =	ssyncset.done $0x0  }
0x17a: {  	[sflag:s15] =	ssyncadd.s32 $0xFFFFF380  }
0x17b: {  	_ =	swait.ge [sflag:s15], $0xC80  }
0x17c: {  	[sflag:s15] =	ssyncset.done $0x0  }
0x17d: {  	[sflag:s15] =	ssyncadd.s32 $0xFFFFF380  }
0x17e: {  	_ =	swait.ge [sflag:s15], $0xC80  }
0x17f: {  	[sflag:s15] =	ssyncset.done $0x0  }
0x180: {  	[sflag:s15] =	ssyncadd.s32 $0xFFFFF380  }
0x181: {  	_ =	swait.ge [sflag:s15], $0xC80  }
0x182: {  	[sflag:s15] =	ssyncset.done $0x0  }
0x183: {  	[sflag:s15] =	ssyncadd.s32 $0xFFFFF380  }
0x184: {  	[tilespmem:s22], [sflag:$0x2] =	stream.indirect.gather [hbm4b:s4+s19], $0x40, s19, s19, $0xb8;
	[tilespmem:$0x19640] =	vst v63  }
0x185: {  	_ =	swait.ge [sflag:s2], $0x6400  }
0x186: {  	[sflag:s2] =	ssyncset.done $0x0  }
0x187: {  	s14 =	sadd.s32 $0x3800, s12;
	s24 =	simm.s32 $0xCE40;
	[sflag:s2] =	ssyncadd.s32 $0xFFFF9C00  }
0x188: {  	[hbm4b:s14+s28] =	stream.strided.scatter [tilespmem:s24], [sflag:$0x7], $0xC80, s29, s28, $0x38;
	[tilespmem:$0x19640] =	vst v63  }
0x189: {  	s13 =	sadd.s32 $0x3B80, s12;
	s23 =	simm.s32 $0xDAC0  }
0x18a: {  	[hbm4b:s13+s28] =	stream.strided.scatter [tilespmem:s23], [sflag:$0x7], $0xC80, s29, s28, $0x38;
	[tilespmem:$0x19640] =	vst v63  }
0x18b: {  	s14 =	rddreg [dreg:$0x10];
	s13 =	sadd.s32 $0x3F00, s12;
	s23 =	simm.s32 $0xE740  }
0x18c: {  	[hbm4b:s13+s28] =	stream.strided.scatter [tilespmem:s23], [sflag:$0x7], $0xC80, s29, s28, $0x38;
	[tilespmem:$0x19640] =	vst v63  }
0x18d: {  	s30 =	rddreg [dreg:$0xf];
	s13 =	sadd.s32 s5, s14;
	s23 =	simm.s32 $0xF3C0  }
0x18e: {  	[hbm4b:s13+s28] =	stream.strided.scatter [tilespmem:s23], [sflag:$0x7], $0xC80, s29, s28, $0x38;
	[tilespmem:$0x19640] =	vst v63  }
0x18f: {  	s14 =	rddreg [dreg:$0xe];
	s13 =	sadd.s32 s5, s30;
	s23 =	simm.s32 $0x10040  }
0x190: {  	[hbm4b:s13+s28] =	stream.strided.scatter [tilespmem:s23], [sflag:$0x7], $0xC80, s29, s28, $0x38;
	[tilespmem:$0x19640] =	vst v63  }
0x191: {  	s30 =	rddreg [dreg:$0xd];
	s13 =	sadd.s32 s5, s14;
	s23 =	simm.s32 $0x10CC0  }
0x192: {  	[hbm4b:s13+s28] =	stream.strided.scatter [tilespmem:s23], [sflag:$0x7], $0xC80, s29, s28, $0x38;
	[tilespmem:$0x19640] =	vst v63  }
0x193: {  	s14 =	rddreg [dreg:$0xc];
	s23 =	sadd.s32 s5, s30;
	s30 =	simm.s32 $0x11940  }
0x194: {  	[hbm4b:s23+s28] =	stream.strided.scatter [tilespmem:s30], [sflag:$0x7], $0xC80, s29, s28, $0x38;
	[tilespmem:$0x19640] =	vst v63  }
0x195: {  	s14 =	sadd.s32 s5, s14;
	s23 =	simm.s32 $0x125C0  }
0x196: {  	[hbm4b:s14+s28] =	stream.strided.scatter [tilespmem:s23], [sflag:$0x7], $0xC80, s29, s28, $0x38;
	[tilespmem:$0x19640] =	vst v63  }
0x197: {  	s22 =	simm.s32 $0x320  }
0x198: {  	[tilespmem:s22], [sflag:$0x9] =	stream.linear.gather [hbm4b:s6+s3], $0x190, $0x38;
	[tilespmem:$0x19640] =	vst v63  }
0x199: {  	_ =	swait.ge [sflag:s18], $0x190  }
0x19a: {  	[sflag:s18] =	ssyncset.done $0x0  }
0x19b: {  	[sflag:s18] =	ssyncadd.s32 $0xFFFFFE70  }
0x19c: {  	_ =	swait.ge [sflag:s11], $0xC80  }
0x19d: {  	[sflag:s11] =	ssyncset.done $0x0  }
0x19e: {  	[sflag:s11] =	ssyncadd.s32 $0xFFFFF380  }
0x19f: {  	_ =	swait.ge [sflag:s11], $0xC80  }
0x1a0: {  	[sflag:s11] =	ssyncset.done $0x0  }
0x1a1: {  	[sflag:s11] =	ssyncadd.s32 $0xFFFFF380  }
0x1a2: {  	_ =	swait.ge [sflag:s11], $0xC80  }
0x1a3: {  	[sflag:s11] =	ssyncset.done $0x0  }
0x1a4: {  	[sflag:s11] =	ssyncadd.s32 $0xFFFFF380  }
0x1a5: {  	_ =	swait.ge [sflag:s11], $0xC80  }
0x1a6: {  	[sflag:s11] =	ssyncset.done $0x0  }
0x1a7: {  	[sflag:s11] =	ssyncadd.s32 $0xFFFFF380  }
0x1a8: {  	_ =	swait.ge [sflag:s11], $0xC80  }
0x1a9: {  	[sflag:s11] =	ssyncset.done $0x0  }
0x1aa: {  	[sflag:s11] =	ssyncadd.s32 $0xFFFFF380  }
0x1ab: {  	_ =	swait.ge [sflag:s11], $0xC80  }
0x1ac: {  	[sflag:s11] =	ssyncset.done $0x0  }
0x1ad: {  	[sflag:s11] =	ssyncadd.s32 $0xFFFFF380  }
0x1ae: {  	_ =	swait.ge [sflag:s11], $0xC80  }
0x1af: {  	[sflag:s11] =	ssyncset.done $0x0  }
0x1b0: {  	[sflag:s11] =	ssyncadd.s32 $0xFFFFF380  }
0x1b1: {  	_ =	swait.ge [sflag:s11], $0xC80  }
0x1b2: {  	[sflag:s11] =	ssyncset.done $0x0  }
0x1b3: {  	[sflag:s11] =	ssyncadd.s32 $0xFFFFF380  }
0x1b4: {  	[tilespmem:s24], [sflag:$0x3] =	stream.indirect.gather [hbm4b:s4+s19], $0x40, s22, s19, $0xb8;
	[tilespmem:$0x19640] =	vst v63  }
0x1b5: {  	_ =	swait.ge [sflag:s16], $0x6400  }
0x1b6: {  	[sflag:s16] =	ssyncset.done $0x0  }
0x1b7: {  	s30 =	sadd.s32 $0x5400, s12;
	[sflag:s16] =	ssyncadd.s32 $0xFFFF9C00  }
0x1b8: {  	[hbm4b:s30+s28] =	stream.strided.scatter [tilespmem:s26], [sflag:$0x8], $0xC80, s29, s28, $0x38;
	[tilespmem:$0x19640] =	vst v63  }
0x1b9: {  	s24 =	sadd.s32 $0x5780, s12;
	s14 =	rddreg [dreg:$0xb];
	s30 =	simm.s32 $0x13EC0  }
0x1ba: {  	[hbm4b:s24+s28] =	stream.strided.scatter [tilespmem:s30], [sflag:$0x8], $0xC80, s29, s28, $0x38;
	[tilespmem:$0x19640] =	vst v63  }
0x1bb: {  	s24 =	sadd.s32 s5, s14;
	s30 =	simm.s32 $0x14B40  }
0x1bc: {  	[hbm4b:s24+s28] =	stream.strided.scatter [tilespmem:s30], [sflag:$0x8], $0xC80, s29, s28, $0x38;
	[tilespmem:$0x19640] =	vst v63  }
0x1bd: {  	s12 =	sadd.s32 $0x5E80, s12;
	s14 =	rddreg [dreg:$0xa];
	s30 =	simm.s32 $0x157C0  }
0x1be: {  	[hbm4b:s12+s28] =	stream.strided.scatter [tilespmem:s30], [sflag:$0x8], $0xC80, s29, s28, $0x38;
	[tilespmem:$0x19640] =	vst v63  }
0x1bf: {  	s13 =	rddreg [dreg:$0x9];
	s24 =	sadd.s32 s5, s14;
	s30 =	simm.s32 $0x16440  }
0x1c0: {  	[hbm4b:s24+s28] =	stream.strided.scatter [tilespmem:s30], [sflag:$0x8], $0xC80, s29, s28, $0x38;
	[tilespmem:$0x19640] =	vst v63  }
0x1c1: {  	s14 =	rddreg [dreg:$0x8];
	s24 =	sadd.s32 s5, s13;
	s30 =	simm.s32 $0x170C0  }
0x1c2: {  	[hbm4b:s24+s28] =	stream.strided.scatter [tilespmem:s30], [sflag:$0x8], $0xC80, s29, s28, $0x38;
	[tilespmem:$0x19640] =	vst v63  }
0x1c3: {  	s14 =	sadd.s32 s5, s14;
	s13 =	rddreg [dreg:$0x7];
	s24 =	simm.s32 $0x17D40  }
0x1c4: {  	[hbm4b:s14+s28] =	stream.strided.scatter [tilespmem:s24], [sflag:$0x8], $0xC80, s29, s28, $0x38;
	[tilespmem:$0x19640] =	vst v63  }
0x1c5: {  	s5 =	sadd.s32 s5, s13;
	s30 =	simm.s32 $0x189C0  }
0x1c6: {  	[hbm4b:s5+s28] =	stream.strided.scatter [tilespmem:s30], [sflag:$0x8], $0xC80, s29, s28, $0x38;
	[tilespmem:$0x19640] =	vst v63  }
0x1c7: {  	_ = 	snop  }
0x1c8: {  	[tilespmem:s25], [sflag:$0x9] =	stream.linear.gather [hbm4b:s17+s3], $0x190, $0x38;
	[tilespmem:$0x19640] =	vst v63  }
0x1c9: {  	_ =	swait.ge [sflag:s18], $0x190  }
0x1ca: {  	[sflag:s18] =	ssyncset.done $0x0  }
0x1cb: {  	[sflag:s18] =	ssyncadd.s32 $0xFFFFFE70  }
0x1cc: {  	_ =	swait.ge [sflag:s0], $0xC80  }
0x1cd: {  	[sflag:s0] =	ssyncset.done $0x0  }
0x1ce: {  	[sflag:s0] =	ssyncadd.s32 $0xFFFFF380  }
0x1cf: {  	_ =	swait.ge [sflag:s0], $0xC80  }
0x1d0: {  	[sflag:s0] =	ssyncset.done $0x0  }
0x1d1: {  	[sflag:s0] =	ssyncadd.s32 $0xFFFFF380  }
0x1d2: {  	_ =	swait.ge [sflag:s0], $0xC80  }
0x1d3: {  	[sflag:s0] =	ssyncset.done $0x0  }
0x1d4: {  	[sflag:s0] =	ssyncadd.s32 $0xFFFFF380  }
0x1d5: {  	_ =	swait.ge [sflag:s0], $0xC80  }
0x1d6: {  	[sflag:s0] =	ssyncset.done $0x0  }
0x1d7: {  	[sflag:s0] =	ssyncadd.s32 $0xFFFFF380  }
0x1d8: {  	_ =	swait.ge [sflag:s0], $0xC80  }
0x1d9: {  	[sflag:s0] =	ssyncset.done $0x0  }
0x1da: {  	[sflag:s0] =	ssyncadd.s32 $0xFFFFF380  }
0x1db: {  	_ =	swait.ge [sflag:s0], $0xC80  }
0x1dc: {  	[sflag:s0] =	ssyncset.done $0x0  }
0x1dd: {  	[sflag:s0] =	ssyncadd.s32 $0xFFFFF380  }
0x1de: {  	p0 =	sne.s32 s1, $0x62000;
	_ =	swait.ge [sflag:s0], $0xC80  }
.Ltmp0:
0x1df: {  	s1 =	sadd.s32 $0x7000, s1;
	[sflag:s0] =	ssyncset.done $0x0;
	(pc) =	sbr.rel @p0 .LBB2_2-.Ltmp0, $4  }
0x1e0: {  	s8 =	sadd.s32 $0x640, s8;
	s20 =	simm.s32 $0x640;
	[sflag:s0] =	ssyncadd.s32 $0xFFFFF380  }
0x1e1: {  	s21 =	simm.s32 $0x6A40;
	s7 =	sadd.s32 $0xC8, s7;
	_ =	swait.ge [sflag:s0], $0xC80  }
0x1e2: {  	s23 =	simm.s32 $0xCE40;
	s6 =	sadd.s32 $0xC8, s6;
	[sflag:s0] =	ssyncset.done $0x0  }
0x1e3: {  	s5 =	simm.s32 $0x4B0;
	s17 =	sadd.s32 $0xC8, s17;
	[sflag:s0] =	ssyncadd.s32 $0xFFFFF380  }
0x1e4: {  	s6 =	simm.s32 $0x13240  }
0x1e5: {  	[tilespmem:s6], [sflag:$0x4] =	stream.indirect.gather [hbm4b:s4+s19], $0x40, s5, s19, $0xb8;
	[tilespmem:$0x19640] =	vst v63  }
0x1e6: {  	_ =	swait.ge [sflag:s31], $0x6400  }
0x1e7: {  	[sflag:s31] =	ssyncset.done $0x0  }
0x1e8: {  	s1 =	rddreg [dreg:$0x18];
	[sflag:s31] =	ssyncadd.s32 $0xFFFF9C00  }
0x1e9: {  	[hbm4b:s1+s28] =	stream.strided.scatter [tilespmem:s20], [sflag:$0x5], $0xC80, s29, s28, $0x38;
	[tilespmem:$0x19640] =	vst v63  }
0x1ea: {  	s12 =	simm.s32 $0x12C0;
	s8 =	rddreg [dreg:$0x19]  }
0x1eb: {  	[hbm4b:s8+s28] =	stream.strided.scatter [tilespmem:s12], [sflag:$0x5], $0xC80, s29, s28, $0x38;
	[tilespmem:$0x19640] =	vst v63  }
0x1ec: {  	s14 =	simm.s32 $0x1F40;
	s13 =	rddreg [dreg:$0x1a]  }
0x1ed: {  	[hbm4b:s13+s28] =	stream.strided.scatter [tilespmem:s14], [sflag:$0x5], $0xC80, s29, s28, $0x38;
	[tilespmem:$0x19640] =	vst v63  }
0x1ee: {  	s17 =	rddreg [dreg:$0x1b];
	s20 =	simm.s32 $0x2BC0  }
0x1ef: {  	[hbm4b:s17+s28] =	stream.strided.scatter [tilespmem:s20], [sflag:$0x5], $0xC80, s29, s28, $0x38;
	[tilespmem:$0x19640] =	vst v63  }
0x1f0: {  	s30 =	simm.s32 $0x3840;
	s24 =	rddreg [dreg:$0x1c]  }
0x1f1: {  	[hbm4b:s24+s28] =	stream.strided.scatter [tilespmem:s30], [sflag:$0x5], $0xC80, s29, s28, $0x38;
	[tilespmem:$0x19640] =	vst v63  }
0x1f2: {  	s7 =	rddreg [dreg:$0x1d];
	s8 =	simm.s32 $0x44C0  }
0x1f3: {  	[hbm4b:s7+s28] =	stream.strided.scatter [tilespmem:s8], [sflag:$0x5], $0xC80, s29, s28, $0x38;
	[tilespmem:$0x19640] =	vst v63  }
0x1f4: {  	s12 =	rddreg [dreg:$0x1e];
	s13 =	simm.s32 $0x5140  }
0x1f5: {  	[hbm4b:s12+s28] =	stream.strided.scatter [tilespmem:s13], [sflag:$0x5], $0xC80, s29, s28, $0x38;
	[tilespmem:$0x19640] =	vst v63  }
0x1f6: {  	s14 =	rddreg [dreg:$0x1f];
	s17 =	simm.s32 $0x5DC0  }
0x1f7: {  	[hbm4b:s14+s28] =	stream.strided.scatter [tilespmem:s17], [sflag:$0x5], $0xC80, s29, s28, $0x38;
	[tilespmem:$0x19640] =	vst v63  }
0x1f8: {  	_ =	swait.ge [sflag:s10], $0x6400  }
0x1f9: {  	s20 =	sld [smem:$0x7DE]  }
0x1fa: {  	[sflag:s10] =	ssyncset.done $0x0  }
0x1fb: {  	s24 =	sld [smem:$0x7DF];
	[sflag:s10] =	ssyncadd.s32 $0xFFFF9C00  }
0x1fc: {  	[hbm4b:s20+s28] =	stream.strided.scatter [tilespmem:s21], [sflag:$0x6], $0xC80, s29, s28, $0x38;
	[tilespmem:$0x19640] =	vst v63  }
0x1fd: {  	s30 =	simm.s32 $0x76C0;
	s7 =	sld [smem:$0x7E0]  }
0x1fe: {  	[hbm4b:s24+s28] =	stream.strided.scatter [tilespmem:s30], [sflag:$0x6], $0xC80, s29, s28, $0x38;
	[tilespmem:$0x19640] =	vst v63  }
0x1ff: {  	s8 =	simm.s32 $0x8340;
	s12 =	sld [smem:$0x7E1]  }
0x200: {  	[hbm4b:s7+s28] =	stream.strided.scatter [tilespmem:s8], [sflag:$0x6], $0xC80, s29, s28, $0x38;
	[tilespmem:$0x19640] =	vst v63  }
0x201: {  	s13 =	simm.s32 $0x8FC0;
	s14 =	sld [smem:$0x7E2]  }
0x202: {  	[hbm4b:s12+s28] =	stream.strided.scatter [tilespmem:s13], [sflag:$0x6], $0xC80, s29, s28, $0x38;
	[tilespmem:$0x19640] =	vst v63  }
0x203: {  	s17 =	simm.s32 $0x9C40;
	s20 =	sld [smem:$0x7E3]  }
0x204: {  	[hbm4b:s14+s28] =	stream.strided.scatter [tilespmem:s17], [sflag:$0x6], $0xC80, s29, s28, $0x38;
	[tilespmem:$0x19640] =	vst v63  }
0x205: {  	s21 =	simm.s32 $0xA8C0;
	s24 =	sld [smem:$0x7E4]  }
0x206: {  	[hbm4b:s20+s28] =	stream.strided.scatter [tilespmem:s21], [sflag:$0x6], $0xC80, s29, s28, $0x38;
	[tilespmem:$0x19640] =	vst v63  }
0x207: {  	s30 =	simm.s32 $0xB540;
	s7 =	sld [smem:$0x7E5]  }
0x208: {  	[hbm4b:s24+s28] =	stream.strided.scatter [tilespmem:s30], [sflag:$0x6], $0xC80, s29, s28, $0x38;
	[tilespmem:$0x19640] =	vst v63  }
0x209: {  	s8 =	simm.s32 $0xC1C0  }
0x20a: {  	[hbm4b:s7+s28] =	stream.strided.scatter [tilespmem:s8], [sflag:$0x6], $0xC80, s29, s28, $0x38;
	[tilespmem:$0x19640] =	vst v63  }
0x20b: {  	_ =	swait.ge [sflag:s2], $0x6400  }
0x20c: {  	s12 =	sld [smem:$0x7E6]  }
0x20d: {  	[sflag:s2] =	ssyncset.done $0x0  }
0x20e: {  	s13 =	sld [smem:$0x7E7];
	[sflag:s2] =	ssyncadd.s32 $0xFFFF9C00  }
0x20f: {  	[hbm4b:s12+s28] =	stream.strided.scatter [tilespmem:s23], [sflag:$0x7], $0xC80, s29, s28, $0x38;
	[tilespmem:$0x19640] =	vst v63  }
0x210: {  	s14 =	simm.s32 $0xDAC0;
	s17 =	sld [smem:$0x7E8]  }
0x211: {  	[hbm4b:s13+s28] =	stream.strided.scatter [tilespmem:s14], [sflag:$0x7], $0xC80, s29, s28, $0x38;
	[tilespmem:$0x19640] =	vst v63  }
0x212: {  	s20 =	simm.s32 $0xE740;
	s21 =	sld [smem:$0x7E9]  }
0x213: {  	[hbm4b:s17+s28] =	stream.strided.scatter [tilespmem:s20], [sflag:$0x7], $0xC80, s29, s28, $0x38;
	[tilespmem:$0x19640] =	vst v63  }
0x214: {  	s24 =	sld [smem:$0x7EA];
	s23 =	simm.s32 $0xF3C0  }
0x215: {  	[hbm4b:s21+s28] =	stream.strided.scatter [tilespmem:s23], [sflag:$0x7], $0xC80, s29, s28, $0x38;
	[tilespmem:$0x19640] =	vst v63  }
0x216: {  	s30 =	simm.s32 $0x10040;
	s7 =	sld [smem:$0x7EB]  }
0x217: {  	[hbm4b:s24+s28] =	stream.strided.scatter [tilespmem:s30], [sflag:$0x7], $0xC80, s29, s28, $0x38;
	[tilespmem:$0x19640] =	vst v63  }
0x218: {  	s8 =	simm.s32 $0x10CC0;
	s12 =	sld [smem:$0x7EC]  }
0x219: {  	[hbm4b:s7+s28] =	stream.strided.scatter [tilespmem:s8], [sflag:$0x7], $0xC80, s29, s28, $0x38;
	[tilespmem:$0x19640] =	vst v63  }
0x21a: {  	s13 =	simm.s32 $0x11940;
	s14 =	sld [smem:$0x7ED]  }
0x21b: {  	[hbm4b:s12+s28] =	stream.strided.scatter [tilespmem:s13], [sflag:$0x7], $0xC80, s29, s28, $0x38;
	[tilespmem:$0x19640] =	vst v63  }
0x21c: {  	s17 =	simm.s32 $0x125C0  }
0x21d: {  	[hbm4b:s14+s28] =	stream.strided.scatter [tilespmem:s17], [sflag:$0x7], $0xC80, s29, s28, $0x38;
	[tilespmem:$0x19640] =	vst v63  }
0x21e: {  	_ =	swait.ge [sflag:s16], $0x6400  }
0x21f: {  	s20 =	sld [smem:$0x7EE]  }
0x220: {  	[sflag:s16] =	ssyncset.done $0x0  }
0x221: {  	s21 =	sld [smem:$0x7EF];
	[sflag:s16] =	ssyncadd.s32 $0xFFFF9C00  }
0x222: {  	[hbm4b:s20+s28] =	stream.strided.scatter [tilespmem:s6], [sflag:$0x8], $0xC80, s29, s28, $0x38;
	[tilespmem:$0x19640] =	vst v63  }
0x223: {  	s23 =	simm.s32 $0x13EC0;
	s24 =	sld [smem:$0x7F0]  }
0x224: {  	[hbm4b:s21+s28] =	stream.strided.scatter [tilespmem:s23], [sflag:$0x8], $0xC80, s29, s28, $0x38;
	[tilespmem:$0x19640] =	vst v63  }
0x225: {  	s30 =	simm.s32 $0x14B40;
	s6 =	sld [smem:$0x7F1]  }
0x226: {  	[hbm4b:s24+s28] =	stream.strided.scatter [tilespmem:s30], [sflag:$0x8], $0xC80, s29, s28, $0x38;
	[tilespmem:$0x19640] =	vst v63  }
0x227: {  	s7 =	simm.s32 $0x157C0;
	s8 =	sld [smem:$0x7F2]  }
0x228: {  	[hbm4b:s6+s28] =	stream.strided.scatter [tilespmem:s7], [sflag:$0x8], $0xC80, s29, s28, $0x38;
	[tilespmem:$0x19640] =	vst v63  }
0x229: {  	s12 =	simm.s32 $0x16440;
	s13 =	sld [smem:$0x7F3]  }
0x22a: {  	[hbm4b:s8+s28] =	stream.strided.scatter [tilespmem:s12], [sflag:$0x8], $0xC80, s29, s28, $0x38;
	[tilespmem:$0x19640] =	vst v63  }
0x22b: {  	s14 =	simm.s32 $0x170C0;
	s17 =	sld [smem:$0x7F4]  }
0x22c: {  	[hbm4b:s13+s28] =	stream.strided.scatter [tilespmem:s14], [sflag:$0x8], $0xC80, s29, s28, $0x38;
	[tilespmem:$0x19640] =	vst v63  }
0x22d: {  	s20 =	simm.s32 $0x17D40;
	s21 =	sld [smem:$0x7F5]  }
0x22e: {  	[hbm4b:s17+s28] =	stream.strided.scatter [tilespmem:s20], [sflag:$0x8], $0xC80, s29, s28, $0x38;
	[tilespmem:$0x19640] =	vst v63  }
0x22f: {  	s23 =	simm.s32 $0x189C0  }
0x230: {  	[hbm4b:s21+s28] =	stream.strided.scatter [tilespmem:s23], [sflag:$0x8], $0xC80, s29, s28, $0x38;
	[tilespmem:$0x19640] =	vst v63  }
0x231: {  	_ =	swait.ge [sflag:s9], $0xC80  }
0x232: {  	[sflag:s9] =	ssyncset.done $0x0  }
0x233: {  	[sflag:s9] =	ssyncadd.s32 $0xFFFFF380  }
0x234: {  	_ =	swait.ge [sflag:s9], $0xC80  }
0x235: {  	[sflag:s9] =	ssyncset.done $0x0  }
0x236: {  	[sflag:s9] =	ssyncadd.s32 $0xFFFFF380  }
0x237: {  	_ =	swait.ge [sflag:s9], $0xC80  }
0x238: {  	[sflag:s9] =	ssyncset.done $0x0  }
0x239: {  	[sflag:s9] =	ssyncadd.s32 $0xFFFFF380  }
0x23a: {  	_ =	swait.ge [sflag:s9], $0xC80  }
0x23b: {  	[sflag:s9] =	ssyncset.done $0x0  }
0x23c: {  	[sflag:s9] =	ssyncadd.s32 $0xFFFFF380  }
0x23d: {  	_ =	swait.ge [sflag:s9], $0xC80  }
0x23e: {  	[sflag:s9] =	ssyncset.done $0x0  }
0x23f: {  	[sflag:s9] =	ssyncadd.s32 $0xFFFFF380  }
0x240: {  	_ =	swait.ge [sflag:s9], $0xC80  }
0x241: {  	[sflag:s9] =	ssyncset.done $0x0  }
0x242: {  	[sflag:s9] =	ssyncadd.s32 $0xFFFFF380  }
0x243: {  	_ =	swait.ge [sflag:s9], $0xC80  }
0x244: {  	[sflag:s9] =	ssyncset.done $0x0  }
0x245: {  	[sflag:s9] =	ssyncadd.s32 $0xFFFFF380  }
0x246: {  	_ =	swait.ge [sflag:s9], $0xC80  }
0x247: {  	[sflag:s9] =	ssyncset.done $0x0  }
0x248: {  	[sflag:s9] =	ssyncadd.s32 $0xFFFFF380  }
0x249: {  	_ =	swait.ge [sflag:s15], $0xC80  }
0x24a: {  	[sflag:s15] =	ssyncset.done $0x0  }
0x24b: {  	[sflag:s15] =	ssyncadd.s32 $0xFFFFF380  }
0x24c: {  	_ =	swait.ge [sflag:s15], $0xC80  }
0x24d: {  	[sflag:s15] =	ssyncset.done $0x0  }
0x24e: {  	[sflag:s15] =	ssyncadd.s32 $0xFFFFF380  }
0x24f: {  	_ =	swait.ge [sflag:s15], $0xC80  }
0x250: {  	[sflag:s15] =	ssyncset.done $0x0  }
0x251: {  	[sflag:s15] =	ssyncadd.s32 $0xFFFFF380  }
0x252: {  	_ =	swait.ge [sflag:s15], $0xC80  }
0x253: {  	[sflag:s15] =	ssyncset.done $0x0  }
0x254: {  	[sflag:s15] =	ssyncadd.s32 $0xFFFFF380  }
0x255: {  	_ =	swait.ge [sflag:s15], $0xC80  }
0x256: {  	[sflag:s15] =	ssyncset.done $0x0  }
0x257: {  	[sflag:s15] =	ssyncadd.s32 $0xFFFFF380  }
0x258: {  	_ =	swait.ge [sflag:s15], $0xC80  }
0x259: {  	[sflag:s15] =	ssyncset.done $0x0  }
0x25a: {  	[sflag:s15] =	ssyncadd.s32 $0xFFFFF380  }
0x25b: {  	_ =	swait.ge [sflag:s15], $0xC80  }
0x25c: {  	[sflag:s15] =	ssyncset.done $0x0  }
0x25d: {  	[sflag:s15] =	ssyncadd.s32 $0xFFFFF380  }
0x25e: {  	_ =	swait.ge [sflag:s15], $0xC80  }
0x25f: {  	[sflag:s15] =	ssyncset.done $0x0  }
0x260: {  	[sflag:s15] =	ssyncadd.s32 $0xFFFFF380  }
0x261: {  	_ =	swait.ge [sflag:s11], $0xC80  }
0x262: {  	[sflag:s11] =	ssyncset.done $0x0  }
0x263: {  	[sflag:s11] =	ssyncadd.s32 $0xFFFFF380  }
0x264: {  	_ =	swait.ge [sflag:s11], $0xC80  }
0x265: {  	[sflag:s11] =	ssyncset.done $0x0  }
0x266: {  	[sflag:s11] =	ssyncadd.s32 $0xFFFFF380  }
0x267: {  	_ =	swait.ge [sflag:s11], $0xC80  }
0x268: {  	[sflag:s11] =	ssyncset.done $0x0  }
0x269: {  	[sflag:s11] =	ssyncadd.s32 $0xFFFFF380  }
0x26a: {  	_ =	swait.ge [sflag:s11], $0xC80  }
0x26b: {  	[sflag:s11] =	ssyncset.done $0x0  }
0x26c: {  	[sflag:s11] =	ssyncadd.s32 $0xFFFFF380  }
0x26d: {  	_ =	swait.ge [sflag:s11], $0xC80  }
0x26e: {  	[sflag:s11] =	ssyncset.done $0x0  }
0x26f: {  	[sflag:s11] =	ssyncadd.s32 $0xFFFFF380  }
0x270: {  	_ =	swait.ge [sflag:s11], $0xC80  }
0x271: {  	[sflag:s11] =	ssyncset.done $0x0  }
0x272: {  	[sflag:s11] =	ssyncadd.s32 $0xFFFFF380  }
0x273: {  	_ =	swait.ge [sflag:s11], $0xC80  }
0x274: {  	[sflag:s11] =	ssyncset.done $0x0  }
0x275: {  	[sflag:s11] =	ssyncadd.s32 $0xFFFFF380  }
0x276: {  	_ =	swait.ge [sflag:s11], $0xC80  }
0x277: {  	[sflag:s11] =	ssyncset.done $0x0  }
0x278: {  	[sflag:s11] =	ssyncadd.s32 $0xFFFFF380  }
0x279: {  	_ =	swait.ge [sflag:s0], $0xC80  }
0x27a: {  	[sflag:s0] =	ssyncset.done $0x0  }
0x27b: {  	[sflag:s0] =	ssyncadd.s32 $0xFFFFF380  }
0x27c: {  	_ =	swait.ge [sflag:s0], $0xC80  }
0x27d: {  	[sflag:s0] =	ssyncset.done $0x0  }
0x27e: {  	[sflag:s0] =	ssyncadd.s32 $0xFFFFF380  }
0x27f: {  	_ =	swait.ge [sflag:s0], $0xC80  }
0x280: {  	[sflag:s0] =	ssyncset.done $0x0  }
0x281: {  	[sflag:s0] =	ssyncadd.s32 $0xFFFFF380  }
0x282: {  	_ =	swait.ge [sflag:s0], $0xC80  }
0x283: {  	[sflag:s0] =	ssyncset.done $0x0  }
0x284: {  	[sflag:s0] =	ssyncadd.s32 $0xFFFFF380  }
0x285: {  	_ =	swait.ge [sflag:s0], $0xC80  }
0x286: {  	[sflag:s0] =	ssyncset.done $0x0  }
0x287: {  	[sflag:s0] =	ssyncadd.s32 $0xFFFFF380  }
0x288: {  	_ =	swait.ge [sflag:s0], $0xC80  }
0x289: {  	[sflag:s0] =	ssyncset.done $0x0  }
0x28a: {  	[sflag:s0] =	ssyncadd.s32 $0xFFFFF380  }
0x28b: {  	_ =	swait.ge [sflag:s0], $0xC80  }
0x28c: {  	[sflag:s0] =	ssyncset.done $0x0  }
0x28d: {  	[sflag:s0] =	ssyncadd.s32 $0xFFFFF380  }
0x28e: {  	_ =	swait.ge [sflag:s0], $0xC80  }
0x28f: {  	s24 =	sld [smem:$0x7DD]  }
0x290: {  	s30 =	sld [smem:$0x7F6];
	_ =	sdelay $0x1  }
0x291: {  	s5 =	sadd.s32 $0x1, s24  }
0x292: {  	p0 =	sne.s32 s5, s30  }
.Ltmp1:
0x293: {  	_ = 	snop;
	(pc) =	sbr.rel @p0 .LBB2_1-.Ltmp1, $4  }
0x294: {  	_ = 	snop  }
0x295: {  	[sflag:s0] =	ssyncset.done $0x0  }
0x296: {  	[sflag:s0] =	ssyncadd.s32 $0xFFFFF380  }
0x297: {  	s20 =	rddreg [dreg:$0x1]  }
0x298: {  	_ =	sfence.sel $0x180000  }
0x299: {  	[bflag:$0x0] =	sbarrier.arrive $0xFFFF  }
0x29a: {  	_ =	strace $0x90000047  }
0x29b: {  	s0 =	stileid.u32;
	[bflag:$0x2] =	sbarrier.arrive $0xFFFF  }
0x29c: {  	p0 =	sne.s32 s0, $0x0;
	s0 =	rddreg [dreg:$0x2]  }
0x29d: {  	s0 =	sadd.s32 @!p0 $0x100000, s0  }
0x29e: {  	[sflag:s0] =	ssyncadd.tile.s32 @!p0 $0x1;
	_ =	shalt  }
.Lfunc_end2:
_tile_overlayer_lowered:
.L_overlay_start_2:
0x29f: {  	(tag) =	ssettag $0x2  }
0x2a0: {  	s0 =	rddreg [dreg:$0x0];
	s2 =	stileid.u32  }
0x2a1: {  	s1 =	rddreg [dreg:$0x1];
	p0 =	sne.s32 s2, $0x0  }
0x2a2: {  	s3 =	rddreg [dreg:$0x2];
	[bflag:$0x3] =	sbarrier.arrive $0xFFFF;
	s2 =	simm.s32 @!p0 $0x1C09  }
0x2a3: {  	[timem:s3], [sflag:s2] =	dma.local @!p0 [hbm:s0], s1  }
0x2a4: {  	s0 =	simm.s32 @!p0 $0x9  }
0x2a5: {  	_ =	swait.ge @!p0 [sflag:s0], s1  }
0x2a6: {  	s1 =	ssub.s32 @!p0 $0x0, s1;
	[sflag:s0] =	ssyncset.done @!p0 $0x0  }
0x2a7: {  	[sflag:s0] =	ssyncadd.s32 @!p0 s1  }
0x2a8: {  	[bflag:$0x3] =	sbarrier.arrive $0xFFFF  }
0x2a9: {  	_ =	shalt  }

// kernel: sparse-core-data-format-call.cloned.1.call-start
scs
called_computation_lowered:
.L_overlay_start_0:
0x0: {  	s2 =	sld [smem:$0x3FD9]  }
0x1: {  	s3 =	sld [smem:$0x3FFE];
	_ =	sdelay $0x1  }
0x2: {  	s1 =	srdreg.scid  }
0x3: {  	s0 =	sand.u32 $0x1, s1  }
0x4: {  	s18 =	sshll.u32 s0, $0xA;
	s2 =	sadd.s32 s3, s2  }
0x5: {  	s2 =	sadd.s32 s2, s18  }
0x6: {  	[smem:$0x3FC6] =	sst s2  }
0x7: {  	_ = 	snop  }
0x8: {  	s2 =	sld [smem:$0x3FD0];
	(tm) =	ssettm $0x1  }
0x9: {  	s19 =	sld [smem:$0x3FFB];
	_ =	sdelay $0x3  }
0xa: {  	_ =	strace s19  }
0xb: {  	s3 =	sld [smem:$0x3FFC];
	_ =	sdelay $0x3  }
0xc: {  	_ =	strace s3  }
0xd: {  	s3 =	sld [smem:$0x3FFD];
	_ =	sdelay $0x3  }
0xe: {  	_ =	strace s3  }
0xf: {  	_ =	strace $0x8FFFFFFF  }
0x10: {  	s20 =	sld [smem:$0x3FDB];
	_ =	sdelay $0x1  }
0x11: {  	s4 =	simm.s32 $_scs_section_size  }
0x12: {  	s5 =	simm.s32 $_size__tile_overlayer_lowered;
	s6 =	simm.s32 $_tile_overlayer_lowered  }
0x13: {  	s23 =	simm.s32 $0x1BFF;
	s22 =	sshll.u32 s6, $0x1;
	s3 =	sadd.s32 s4, s20  }
0x14: {  	s7 =	simm.s32 $0x0;
	s21 =	sshll.u32 s5, $0x1;
	s5 =	sadd.s32 s22, s3  }
0x15: {  	[timem:s7], [sflag:s23] =	dma.local [hbm:s5], s21  }
0x16: {  	_ =	swait.ge [sflag:s23], s21  }
0x17: {  	s4 =	ssub.s32 $0x0, s21;
	[sflag:s23] =	ssyncset.done $0x0  }
0x18: {  	[sflag:s23] =	ssyncadd.s32 s4;
	_ =	sdelay $0x1  }
0x19: {  	s24 =	simm.s32 $0x1B8B  }
0x1a: {  	_ =	swait.ge [sflag:s24], $0x1  }
0x1b: {  	[sflag:s24] =	ssyncset.done $0x0  }
0x1c: {  	s26 =	simm.s32 $0x1B8E;
	s25 =	sld [smem:$0x3FFE];
	[sflag:s24] =	ssyncadd.s32 $0xFFFFFFFF  }
0x1d: {  	s27 =	simm.s32 $execute0_lowered;
	[smem:$0x3FD2] =	sst s26  }
0x1e: {  	s5 =	sshll.u32 s27, $0x1;
	_ =	strace $0x80000049;
	[dreg:$0x1] =	wrdreg $0xFFFFFFFF  }
0x1f: {  	s28 =	simm.s32 $_size_execute0_lowered;
	s3 =	sadd.s32 s3, s5;
	[dreg:$0x0] =	wrdreg $0x0  }
0x20: {  	s5 =	sshll.u32 s28, $0x1;
	[dreg:$0x2] =	wrdreg s3  }
0x21: {  	[dreg:$0x3] =	wrdreg s5  }
0x22: {  	[dreg:$0x4] =	wrdreg $0xC0  }
0x23: {  	_ =	task [dreg:s7], $0x5FFFF  }
0x24: {  	[dreg:$0x1] =	wrdreg $0xFFFFFFFF  }
0x25: {  	[dreg:$0x0] =	wrdreg $0x60  }
0x26: {  	[dreg:$0x2] =	wrdreg s25  }
0x27: {  	[dreg:$0x3] =	wrdreg s2  }
0x28: {  	[dreg:$0x4] =	wrdreg $0x9  }
0x29: {  	_ =	task.clear_ibuf [dreg:s7], $0x5FFFF;
	_ =	strace $0x90000049  }
0x2a: {  	s29 =	simm.s32 $0x9;
	_ =	strace $0x8000004B  }
0x2b: {  	_ =	swait.ge [sflag:s29], $0x1  }
0x2c: {  	[sflag:s29] =	ssyncadd.s32 $0xFFFFFFFF  }
0x2d: {  	_ =	strace $0x9000004B  }
0x2e: {  	_ =	sfence  }
0x2f: {  	s30 =	sld [smem:$0x0];
	_ =	sdelay $0x2  }
0x30: {  	s31 =	sshll.u32 s1, $0xD;
	s1 =	sshrl.u32 s1, $0x2  }
0x31: {  	s3 =	sand.u32 $0x4000, s31;
	s1 =	sadd.s32 s1, s30  }
0x32: {  	s0 =	sor.u32 s3, s0;
	s1 =	sshll.u32 s1, $0x11  }
0x33: {  	s0 =	sor.u32 s1, s0  }
0x34: {  	s0 =	sadd.s32 $0x8F2B, s0  }
0x35: {  	[sflag:s0] =	ssyncadd.remote.s32 $0x1  }
0x36: {  	_ =	sfence.sel $0xFFFF  }
0x37: {  	[dreg:$0x0] =	wrdreg $0xFFFFFFFF;
	(pc) =	sbr.abs _section_cstart, $3  }
0x38: {  	[dreg:$0x1] =	wrdreg $0xFFFFFFFF  }
0x39: {  	_ =	task.clear_ibuf [dreg:s7], $0x2FFFF;
	_ =	strace $0x9FFFFFFF  }
0x3a: {  	(tm) =	ssettm $0x7FFFFFFF  }
0x3b: {  	_ =	shalt  }
tec
execute0_lowered:
.L_overlay_start_1:
0x0: {  	(tag) =	ssettag $0x1  }
0x1: {  	s0 =	srdreg.scid  }
0x2: {  	s1 =	sshll.u32 s0, $0x4  }
0x3: {  	s0 =	stileid.u32;
	s1 =	sand.u32 $0x10, s1  }
0x4: {  	s1 =	sor.u32 s0, s1  }
0x5: {  	s6 =	rddreg [dreg:$0x0];
	s4 =	simm.s32 $0x1;
	s2 =	sshll.u32 s1, $0x7  }
0x6: {  	s7 =	simm.s32 $0x2;
	s12 =	simm.s32 $0x0;
	s1 =	ssub.s32 $0x4000, s2  }
0x7: {  	s8 =	simm.s32 $0x20000;
	s13 =	simm.s32 $0x0;
	s3 =	sand.u32 $0xF80, s1  }
0x8: {  	s9 =	simm.s32 $0x0;
	s5 =	sshrl.u32 s1, $0xC;
	p0 =	sne.s32 s3, $0x0  }
.Ltmp0:
0x9: {  	s1 =	rddreg [dreg:$0x2];
	s4 =	simm.s32 @!p0 $0x0;
	(pc) =	sbr.rel .LBB1_1-.Ltmp0, $4  }
0xa: {  	s11 =	simm.s32 $0x0;
	s3 =	rddreg [dreg:$0x1];
	s5 =	sadd.s32 s4, s5  }
0xb: {  	_ =	strace $0x8000004A;
	s4 =	simm.s32 $0x1;
	s5 =	smul.u32 $0x32, s5  }
0xc: {  	s6 =	sadd.s32 $0xA00, s6;
	s10 =	smov.u32 s2;
	[sflag:s4] =	ssyncpa.u1 $0x0  }
0xd: {  	p0 =	por $0x0, $0x0;
	[sflag:s7] =	ssyncpa.u1 $0x0;
	s7 =	sor.u32 $0x1, s5  }
.LBB1_4:
0xe: {  	s16 =	sshll.u32 s13, $0x3;
	s17 =	sand.u32 $0x78, s13  }
0xf: {  	s30 =	sand.u32 $0x1F800, s13;
	s12 =	sshll.u32 s12, $0x11;
	s16 =	sand.u32 $0x3C00, s16  }
0x10: {  	[tilespmem:s15+$0x810 ss:$0x81] =	vst.msk $0xffff, v2;
	s31 =	sand.u32 $0x7, s13;
	s16 =	sor.u32 s17, s16;
	s17 =	sadd.s32 s3, s30  }
0x11: {  	[tilespmem:s15+$0x1020 ss:$0x81] =	vst.msk $0xffff, v0;
	s13 =	sshll.u32 s31, $0x12;
	s12 =	sadd.s32 s12, s17;
	s16 =	sshrl.u32 s16, $0x3  }
0x12: {  	[tilespmem:s15+$0x0 ss:$0x81] =	vst.msk $0xffff, v1;
	s13 =	sor.u32 $0x400, s13;
	s12 =	sadd.s32 s16, s12  }
0x13: {  	[hbm4b:s12+s13] =	stream.strided.scatter [tilespmem:s14], [sflag:$0x2], $0x2000, s8, s13, $0x20;
	[tilespmem:$0x8080] =	vst v63  }
.LBB1_5:
0x14: {  	s14 =	sadd.s32 $0x1, s9  }
0x15: {  	s12 =	sadd.s32 $0x1000, s10;
	s16 =	smov.u32 s10;
	p2 =	sgt.s32 s14, $0x31  }
0x16: {  	s16 =	smov.u32 @p2 s12  }
0x17: {  	s14 =	simm.s32 @p2 $0x0;
	p2 =	sgt.s32 s16, $0x3FFF  }
0x18: {  	s16 =	smov.u32 @p2 s2;
	p2 =	sne.s32 s11, s7  }
.Ltmp1:
0x19: {  	p1 =	slt.u32 s11, $0x2;
	(pc) =	sbr.rel @!p2 .LBB1_6-.Ltmp1, $4  }
0x1a: {  	s15 =	simm.s32 @!p1 $0x2  }
0x1b: {  	s13 =	smov.u32 s10;
	p0 =	por !p0, !p0;
	_ =	swait.ge @!p1 [sflag:s15], $0x2000  }
0x1c: {  	s12 =	smov.u32 s9;
	[sflag:s15] =	ssyncset.done @!p1 $0x0;
	s9 =	smov.u32 s14  }
0x1d: {  	s11 =	sadd.s32 $0x1, s11;
	[sflag:s15] =	ssyncadd.s32 @!p1 $0xFFFFE000;
	s10 =	smov.u32 s16  }
.LBB1_1:
0x1e: {  	p1 =	sge.u32 s11, s5  }
0x1f: {  	s14 =	sand.u32 @!p1 $0x1FFFFFF, s9  }
0x20: {  	s15 =	smulhi.u32 @!p1 $0x4924925, s14;
	_ =	sdelay $0x1  }
0x21: {  	s15 =	smul.u32 @!p1 $0x38, s15  }
0x22: {  	s16 =	sxor.u32 @!p1 $0xFFFFFFFF, s11;
	s17 =	smul.u32 @!p1 $0x380, s10  }
0x23: {  	s31 =	sadd.s32 $0xFFFFFFFF, s11;
	s16 =	sshll.u32 @!p1 s16, $0xD;
	s14 =	ssub.s32 @!p1 s14, s15  }
0x24: {  	s15 =	sand.u32 @!p1 $0x2000, s16;
	s16 =	sadd.s32 @!p1 s6, s17;
	s14 =	sshll.u32 @!p1 s14, $0x4  }
0x25: {  	s17 =	simm.s32 @!p1 $0x1C00;
	s14 =	sadd.s32 @!p1 s14, s16;
	s16 =	simm.s32 @!p1 $0x40  }
0x26: {  	[tilespmem:s15], [sflag:$0x1] =	stream.strided.gather @!p1 [hbm4b:s14+s16], $0x2000, s17, s16, $0x38;
	[tilespmem:$0x8080] =	vst v63  }
0x27: {  	p1 =	sge.u32 s31, s5  }
.Ltmp2:
0x28: {  	_ = 	snop;
	(pc) =	sbr.rel @p1 .LBB1_5-.Ltmp2, $1  }
0x29: {  	_ =	sdelay $0x3  }
0x2a: {  	s14 =	simm.s32 $0x1  }
0x2b: {  	_ =	swait.ge [sflag:s4], $0x2000;
	s14 =	simm.s32 @!p0 $0x0  }
0x2c: {  	[sflag:s4] =	ssyncset.done $0x0;
	s15 =	sshll.u32 s14, $0xD  }
0x2d: {  	[sflag:s4] =	ssyncadd.s32 $0xFFFFE000;
	s18 =	sor.u32 $0x20, s15  }
0x2e: {  	s14 =	smul.u32 $0x8100, s14;
	v3 =	vld [tilespmem:s18+$0x10]  }
0x2f: {  	s30 =	sand.u32 $0x1, s11;
	v2 =	vld [tilespmem:s18+$0xFFFFFFF0]  }
0x30: {  	s15 =	smul.u32 $0x8100, s30;
	s14 =	sshrl.u32 s14, $0x2;
	v0 =	vld [tilespmem:s18+$0x0]  }
0x31: {  	v1 =	vld [tilespmem:s18+$0xFFFFFFE0];
	s16 =	sor.u32 $0x4000, s14  }
0x32: {  	s31 =	sshrl.u32 s15, $0x2;
	s15 =	sadd.s32 $0x0, s16  }
0x33: {  	s17 =	simm.s32 $0x4;
	s18 =	sadd.s32 $0x40, s18;
	s14 =	sor.u32 $0x4000, s31;
	[tilespmem:s15+$0x1830 ss:$0x81] =	vst.msk $0xffff, v3  }
.LBB1_3:
0x34: {  	v3 =	vld [tilespmem:s18+$0x10];
	p1 =	sne.s32 s17, $0x1FC;
	[tilespmem:s15+$0x810 ss:$0x81] =	vst.msk $0xffff, v2;
	s19 =	smov.u32 s17;
	s17 =	sadd.s32 $0x4, s17  }
.Ltmp3:
0x35: {  	v2 =	vld [tilespmem:s18+$0xFFFFFFF0];
	[tilespmem:s15+$0x1020 ss:$0x81] =	vst.msk $0xffff, v0;
	(pc) =	sbr.rel @p1 .LBB1_3-.Ltmp3, $4  }
0x36: {  	v0 =	vld [tilespmem:s18+$0x0];
	[tilespmem:s15+$0x0 ss:$0x81] =	vst.msk $0xffff, v1  }
0x37: {  	s15 =	sshra.s32 s19, $0x2;
	v1 =	vld [tilespmem:s18+$0xFFFFFFE0]  }
0x38: {  	s15 =	sadd.s32 s15, s16  }
0x39: {  	s18 =	sadd.s32 $0x40, s18;
	[tilespmem:s15+$0x1830 ss:$0x81] =	vst.msk $0xffff, v3  }
.Ltmp4:
0x3a: {  	_ = 	snop;
	(pc) =	sbr.rel .LBB1_4-.Ltmp4, $1  }
0x3b: {  	_ =	sdelay $0x3  }
.LBB1_6:
0x3c: {  	_ =	sfence.sel $0x180000  }
0x3d: {  	s2 =	simm.s32 $0x1;
	[bflag:$0x0] =	sbarrier.arrive $0xFFFF  }
0x3e: {  	s31 =	simm.s32 $0x2;
	[sflag:s2] =	ssyncpa.u1 $0x1  }
0x3f: {  	[sflag:s31] =	ssyncpa.u1 $0x1  }
0x40: {  	p0 =	sne.s32 s0, $0x0;
	_ =	strace $0x9000004A  }
0x41: {  	s0 =	sadd.s32 @!p0 $0x100000, s1;
	[bflag:$0x2] =	sbarrier.arrive $0xFFFF  }
0x42: {  	[sflag:s0] =	ssyncadd.tile.s32 @!p0 $0x1;
	_ =	shalt  }
.Lfunc_end1:
_tile_overlayer_lowered:
.L_overlay_start_2:
0x43: {  	(tag) =	ssettag $0x2  }
0x44: {  	s0 =	rddreg [dreg:$0x0];
	s2 =	stileid.u32  }
0x45: {  	s1 =	rddreg [dreg:$0x1];
	p0 =	sne.s32 s2, $0x0  }
0x46: {  	s3 =	rddreg [dreg:$0x2];
	[bflag:$0x3] =	sbarrier.arrive $0xFFFF;
	s2 =	simm.s32 @!p0 $0x1C01  }
0x47: {  	[timem:s3], [sflag:s2] =	dma.local @!p0 [hbm:s0], s1  }
0x48: {  	s0 =	simm.s32 @!p0 $0x1  }
0x49: {  	_ =	swait.ge @!p0 [sflag:s0], s1  }
0x4a: {  	s1 =	ssub.s32 @!p0 $0x0, s1;
	[sflag:s0] =	ssyncset.done @!p0 $0x0  }
0x4b: {  	[sflag:s0] =	ssyncadd.s32 @!p0 s1  }
0x4c: {  	[bflag:$0x3] =	sbarrier.arrive $0xFFFF  }
0x4d: {  	_ =	shalt  }

</sc_bundles>
